<compile_context>
chip_gen: v7x
topology: tpu7x:2x2x1
jax: 0.10.2.dev20260603
libtpu: 0.0.44.dev20260713+nightly
codegen_flags: <defaults>
</compile_context>

<pallas_src>
import jax
import jax.numpy as jnp
from jax.experimental import pallas as pl

_N = 50000
_D = 4
_BLK = 6400


def _bmm_body(l_ref, r_ref, tt_ref, gl_ref, gr_ref):
    for i in range(4):
        for k in range(4):
            tl = l_ref[0 * 4 + i, :] * r_ref[0 * 4 + k, :]
            gl = l_ref[0 * 4 + i, :] * l_ref[0 * 4 + k, :]
            gr = r_ref[0 * 4 + i, :] * r_ref[0 * 4 + k, :]
            for j in range(1, 4):
                tl = tl + l_ref[j * 4 + i, :] * r_ref[j * 4 + k, :]
                gl = gl + l_ref[j * 4 + i, :] * l_ref[j * 4 + k, :]
                gr = gr + r_ref[j * 4 + i, :] * r_ref[j * 4 + k, :]
            tt_ref[i * 4 + k, :] = -tl
            gl_ref[i * 4 + k, :] = gl
            gr_ref[i * 4 + k, :] = gr


def _edge_products(mt, e):
    nb = e // _BLK
    return pl.pallas_call(
        _bmm_body,
        grid=(nb,),
        in_specs=[
            pl.BlockSpec((16, _BLK), lambda b: (0, b)),
            pl.BlockSpec((16, _BLK), lambda b, nb=nb: (0, b + nb)),
        ],
        out_specs=[
            pl.BlockSpec((16, _BLK), lambda b: (0, b)),
            pl.BlockSpec((16, _BLK), lambda b: (0, b)),
            pl.BlockSpec((16, _BLK), lambda b: (0, b)),
        ],
        out_shape=[
            jax.ShapeDtypeStruct((16, e), jnp.float32),
            jax.ShapeDtypeStruct((16, e), jnp.float32),
            jax.ShapeDtypeStruct((16, e), jnp.float32),
        ],
    )(mt, mt)


def kernel(maps, edge_row, tril_row, tril_col, left_idx, right_idx):
    e = tril_row.shape[0]
    mt = maps.reshape(2 * e, 16).T

    tt, gl, gr = _edge_products(mt, e)

    saved_tril_maps = tt.T.reshape(e, _D, _D)
    diag = jax.ops.segment_sum(gl.T, edge_row[:e], num_segments=_N)
    diag = diag + jax.ops.segment_sum(gr.T, edge_row[e:], num_segments=_N)

    tril_vals = tt.T.reshape(-1)
    diag_vals = diag.reshape(-1)

    ar = jnp.arange(_D, dtype=jnp.int32)
    tr = jnp.broadcast_to(
        tril_row[:, None, None] * _D + ar[None, :, None], (e, _D, _D)
    ).reshape(-1)
    tc = jnp.broadcast_to(
        tril_col[:, None, None] * _D + ar[None, None, :], (e, _D, _D)
    ).reshape(-1)
    nodes = jnp.arange(_N, dtype=jnp.int32)
    dr = jnp.broadcast_to(
        nodes[:, None, None] * _D + ar[None, :, None], (_N, _D, _D)
    ).reshape(-1)
    dc = jnp.broadcast_to(
        nodes[:, None, None] * _D + ar[None, None, :], (_N, _D, _D)
    ).reshape(-1)

    rows = jnp.concatenate([tr, tc, dr])
    cols = jnp.concatenate([tc, tr, dc])
    vals = jnp.concatenate([tril_vals, tril_vals, diag_vals])
    sort_key = rows * (_N * _D) + cols
    order = jnp.argsort(sort_key)
    out_index = jnp.stack([jnp.take(rows, order), jnp.take(cols, order)])
    out_weights = jnp.take(vals, order)
    return (out_index, out_weights), saved_tril_maps

# --- scband reference (transcript-rebuilt; emitter-appended) ---
"""Pipeline reference for scband-general-laplacian-builder-18459769438526 (READ-ONLY COPY).

The authoritative reference and input builder live on the scoring server;
editing this copy changes nothing except your own understanding.
"""

import jax, jax.numpy as jnp
import numpy as np

N = 50000
D = 4
E_UND = 800000

def _build_graph():
    rng = np.random.default_rng(0)
    src = rng.integers(0, N, E_UND * 2)
    dst = rng.integers(0, N, E_UND * 2)
    m = src != dst
    src, dst = src[m], dst[m]
    lo = np.minimum(src, dst).astype(np.int64)
    hi = np.maximum(src, dst).astype(np.int64)
    key = lo * N + hi
    _, first = np.unique(key, return_index=True)
    first = first[:E_UND]
    lo, hi = lo[first], hi[first]
    assert lo.shape[0] == E_UND
    # edge_index = [[lo, hi], [hi, lo]] : every undirected edge stored in both directions
    row = np.concatenate([lo, hi])
    col = np.concatenate([hi, lo])
    e = lo.shape[0]
    # for each undirected edge with source<target: left = index of (lo->hi), right = index of (hi->lo)
    left_idx = np.arange(e, dtype=np.int64)
    right_idx = left_idx + e
    return row, col, lo, hi, left_idx, right_idx

def setup_inputs(seed: int = 0) -> dict:
    row, col, lo, hi, left_idx, right_idx = _build_graph()
    key = jax.random.key(seed)
    maps = jax.random.normal(key, (row.shape[0], D, D), dtype=jnp.float32)
    return {
        "maps": maps,
        "edge_row": jnp.asarray(row),
        "tril_row": jnp.asarray(lo),
        "tril_col": jnp.asarray(hi),
        "left_idx": jnp.asarray(left_idx),
        "right_idx": jnp.asarray(right_idx),
    }

def _block_indices(r, c):
    # flattened (block, i, j) order matching torch .view(-1) on [B, D, D]
    ar = jnp.arange(D, dtype=jnp.int64)
    b = r.shape[0]
    rows = jnp.broadcast_to(r[:, None, None] * D + ar[None, :, None], (b, D, D)).reshape(-1)
    cols = jnp.broadcast_to(c[:, None, None] * D + ar[None, None, :], (b, D, D)).reshape(-1)
    return rows, cols

def reference(maps, edge_row, tril_row, tril_col, left_idx, right_idx):
    # gather restriction maps for each side of every undirected edge
    left_maps = jnp.take(maps, left_idx, axis=0)
    right_maps = jnp.take(maps, right_idx, axis=0)
    # tril block: -F_left^T @ F_right
    tril_maps = -jnp.einsum('eji,ejk->eik', left_maps, right_maps)
    saved_tril_maps = tril_maps  # detached copy in torch
    # diag block: sum over incident edges of F^T F (scatter_add over source node)
    diag_maps = jnp.einsum('eji,ejk->eik', maps, maps)
    diag_maps = jax.ops.segment_sum(diag_maps, edge_row, num_segments=N)
    tril_vals = tril_maps.reshape(-1)
    diag_vals = diag_maps.reshape(-1)
    tr, tc = _block_indices(tril_row, tril_col)
    nodes = jnp.arange(N, dtype=jnp.int64)
    dr, dc = _block_indices(nodes, nodes)
    # mergesp(tril, triu) then mergesp(., diag) == coalesce of full concat (no duplicate coords)
    rows = jnp.concatenate([tr, tc, dr])
    cols = jnp.concatenate([tc, tr, dc])
    vals = jnp.concatenate([tril_vals, tril_vals, diag_vals])
    sort_key = rows * (N * D) + cols
    order = jnp.argsort(sort_key)
    out_index = jnp.stack([jnp.take(rows, order), jnp.take(cols, order)])
    out_weights = jnp.take(vals, order)
    return (out_index, out_weights), saved_tril_maps

if __name__ == "__main__":
    import jax
    _d = setup_inputs()
    print(jax.jit(kernel)(*tuple(_d.values())))

</pallas_src>

<mosaic_0001>
module attributes {stable_mosaic.version = 14 : i64} {
  func.func @_bmm_body(%arg0: i32, %arg1: memref<16x6400xf32, #tpu.memory_space<vmem>>, %arg2: memref<16x6400xf32, #tpu.memory_space<vmem>>, %arg3: memref<16x6400xf32, #tpu.memory_space<vmem>>, %arg4: memref<16x6400xf32, #tpu.memory_space<vmem>>, %arg5: memref<16x6400xf32, #tpu.memory_space<vmem>>) attributes {dimension_semantics = [#tpu.dimension_semantics<arbitrary>], iteration_bounds = array<i64: 125>, scalar_prefetch = 0 : i64, scratch_operands = 0 : i64, tpu.core_type = #tpu.core_type<tc>, window_params = [{transform_indices = @transform_0, window_bounds = array<i64: 16, 6400>}, {transform_indices = @transform_1, window_bounds = array<i64: 16, 6400>}, {transform_indices = @transform_2, window_bounds = array<i64: 16, 6400>}, {transform_indices = @transform_3, window_bounds = array<i64: 16, 6400>}, {transform_indices = @transform_4, window_bounds = array<i64: 16, 6400>}]} {
    %get3A = arith.constant 0 : index
    %get3A_0 = arith.constant 0 : index
    %get3A_1 = vector.load %arg1[%get3A, %get3A_0] : memref<16x6400xf32, #tpu.memory_space<vmem>>, vector<1x6400xf32>
    %get3A_2 = vector.shape_cast %get3A_1 : vector<1x6400xf32> to vector<6400xf32>
    %get3A_3 = arith.constant 0 : index
    %get3A_4 = arith.constant 0 : index
    %get3A_5 = vector.load %arg2[%get3A_3, %get3A_4] : memref<16x6400xf32, #tpu.memory_space<vmem>>, vector<1x6400xf32>
    %get3A_6 = vector.shape_cast %get3A_5 : vector<1x6400xf32> to vector<6400xf32>
    %mul3A = arith.mulf %get3A_2, %get3A_6 : vector<6400xf32>
    %get3A_7 = arith.constant 0 : index
    %get3A_8 = arith.constant 0 : index
    %get3A_9 = vector.load %arg1[%get3A_7, %get3A_8] : memref<16x6400xf32, #tpu.memory_space<vmem>>, vector<1x6400xf32>
    %get3A_10 = vector.shape_cast %get3A_9 : vector<1x6400xf32> to vector<6400xf32>
    %get3A_11 = arith.constant 0 : index
    %get3A_12 = arith.constant 0 : index
    %get3A_13 = vector.load %arg1[%get3A_11, %get3A_12] : memref<16x6400xf32, #tpu.memory_space<vmem>>, vector<1x6400xf32>
    %get3A_14 = vector.shape_cast %get3A_13 : vector<1x6400xf32> to vector<6400xf32>
    %mul3A_15 = arith.mulf %get3A_10, %get3A_14 : vector<6400xf32>
    %get3A_16 = arith.constant 0 : index
    %get3A_17 = arith.constant 0 : index
    %get3A_18 = vector.load %arg2[%get3A_16, %get3A_17] : memref<16x6400xf32, #tpu.memory_space<vmem>>, vector<1x6400xf32>
    %get3A_19 = vector.shape_cast %get3A_18 : vector<1x6400xf32> to vector<6400xf32>
    %get3A_20 = arith.constant 0 : index
    %get3A_21 = arith.constant 0 : index
    %get3A_22 = vector.load %arg2[%get3A_20, %get3A_21] : memref<16x6400xf32, #tpu.memory_space<vmem>>, vector<1x6400xf32>
    %get3A_23 = vector.shape_cast %get3A_22 : vector<1x6400xf32> to vector<6400xf32>
    %mul3A_24 = arith.mulf %get3A_19, %get3A_23 : vector<6400xf32>
    %get3A_25 = arith.constant 4 : index
    %get3A_26 = arith.constant 0 : index
    %get3A_27 = vector.load %arg1[%get3A_25, %get3A_26] : memref<16x6400xf32, #tpu.memory_space<vmem>>, vector<1x6400xf32>
    %get3A_28 = vector.shape_cast %get3A_27 : vector<1x6400xf32> to vector<6400xf32>
    %get3A_29 = arith.constant 4 : index
    %get3A_30 = arith.constant 0 : index
    %get3A_31 = vector.load %arg2[%get3A_29, %get3A_30] : memref<16x6400xf32, #tpu.memory_space<vmem>>, vector<1x6400xf32>
    %get3A_32 = vector.shape_cast %get3A_31 : vector<1x6400xf32> to vector<6400xf32>
    %mul3A_33 = arith.mulf %get3A_28, %get3A_32 : vector<6400xf32>
    %add3A = arith.addf %mul3A, %mul3A_33 : vector<6400xf32>
    %get3A_34 = arith.constant 4 : index
    %get3A_35 = arith.constant 0 : index
    %get3A_36 = vector.load %arg1[%get3A_34, %get3A_35] : memref<16x6400xf32, #tpu.memory_space<vmem>>, vector<1x6400xf32>
    %get3A_37 = vector.shape_cast %get3A_36 : vector<1x6400xf32> to vector<6400xf32>
    %get3A_38 = arith.constant 4 : index
    %get3A_39 = arith.constant 0 : index
    %get3A_40 = vector.load %arg1[%get3A_38, %get3A_39] : memref<16x6400xf32, #tpu.memory_space<vmem>>, vector<1x6400xf32>
    %get3A_41 = vector.shape_cast %get3A_40 : vector<1x6400xf32> to vector<6400xf32>
    %mul3A_42 = arith.mulf %get3A_37, %get3A_41 : vector<6400xf32>
    %add3A_43 = arith.addf %mul3A_15, %mul3A_42 : vector<6400xf32>
    %get3A_44 = arith.constant 4 : index
    %get3A_45 = arith.constant 0 : index
    %get3A_46 = vector.load %arg2[%get3A_44, %get3A_45] : memref<16x6400xf32, #tpu.memory_space<vmem>>, vector<1x6400xf32>
    %get3A_47 = vector.shape_cast %get3A_46 : vector<1x6400xf32> to vector<6400xf32>
    %get3A_48 = arith.constant 4 : index
    %get3A_49 = arith.constant 0 : index
    %get3A_50 = vector.load %arg2[%get3A_48, %get3A_49] : memref<16x6400xf32, #tpu.memory_space<vmem>>, vector<1x6400xf32>
    %get3A_51 = vector.shape_cast %get3A_50 : vector<1x6400xf32> to vector<6400xf32>
    %mul3A_52 = arith.mulf %get3A_47, %get3A_51 : vector<6400xf32>
    %add3A_53 = arith.addf %mul3A_24, %mul3A_52 : vector<6400xf32>
    %get3A_54 = arith.constant 8 : index
    %get3A_55 = arith.constant 0 : index
    %get3A_56 = vector.load %arg1[%get3A_54, %get3A_55] : memref<16x6400xf32, #tpu.memory_space<vmem>>, vector<1x6400xf32>
    %get3A_57 = vector.shape_cast %get3A_56 : vector<1x6400xf32> to vector<6400xf32>
    %get3A_58 = arith.constant 8 : index
    %get3A_59 = arith.constant 0 : index
    %get3A_60 = vector.load %arg2[%get3A_58, %get3A_59] : memref<16x6400xf32, #tpu.memory_space<vmem>>, vector<1x6400xf32>
    %get3A_61 = vector.shape_cast %get3A_60 : vector<1x6400xf32> to vector<6400xf32>
    %mul3A_62 = arith.mulf %get3A_57, %get3A_61 : vector<6400xf32>
    %add3A_63 = arith.addf %add3A, %mul3A_62 : vector<6400xf32>
    %get3A_64 = arith.constant 8 : index
    %get3A_65 = arith.constant 0 : index
    %get3A_66 = vector.load %arg1[%get3A_64, %get3A_65] : memref<16x6400xf32, #tpu.memory_space<vmem>>, vector<1x6400xf32>
    %get3A_67 = vector.shape_cast %get3A_66 : vector<1x6400xf32> to vector<6400xf32>
    %get3A_68 = arith.constant 8 : index
    %get3A_69 = arith.constant 0 : index
    %get3A_70 = vector.load %arg1[%get3A_68, %get3A_69] : memref<16x6400xf32, #tpu.memory_space<vmem>>, vector<1x6400xf32>
    %get3A_71 = vector.shape_cast %get3A_70 : vector<1x6400xf32> to vector<6400xf32>
    %mul3A_72 = arith.mulf %get3A_67, %get3A_71 : vector<6400xf32>
    %add3A_73 = arith.addf %add3A_43, %mul3A_72 : vector<6400xf32>
    %get3A_74 = arith.constant 8 : index
    %get3A_75 = arith.constant 0 : index
    %get3A_76 = vector.load %arg2[%get3A_74, %get3A_75] : memref<16x6400xf32, #tpu.memory_space<vmem>>, vector<1x6400xf32>
    %get3A_77 = vector.shape_cast %get3A_76 : vector<1x6400xf32> to vector<6400xf32>
    %get3A_78 = arith.constant 8 : index
    %get3A_79 = arith.constant 0 : index
    %get3A_80 = vector.load %arg2[%get3A_78, %get3A_79] : memref<16x6400xf32, #tpu.memory_space<vmem>>, vector<1x6400xf32>
    %get3A_81 = vector.shape_cast %get3A_80 : vector<1x6400xf32> to vector<6400xf32>
    %mul3A_82 = arith.mulf %get3A_77, %get3A_81 : vector<6400xf32>
    %add3A_83 = arith.addf %add3A_53, %mul3A_82 : vector<6400xf32>
    %get3A_84 = arith.constant 12 : index
    %get3A_85 = arith.constant 0 : index
    %get3A_86 = vector.load %arg1[%get3A_84, %get3A_85] : memref<16x6400xf32, #tpu.memory_space<vmem>>, vector<1x6400xf32>
    %get3A_87 = vector.shape_cast %get3A_86 : vector<1x6400xf32> to vector<6400xf32>
    %get3A_88 = arith.constant 12 : index
    %get3A_89 = arith.constant 0 : index
    %get3A_90 = vector.load %arg2[%get3A_88, %get3A_89] : memref<16x6400xf32, #tpu.memory_space<vmem>>, vector<1x6400xf32>
    %get3A_91 = vector.shape_cast %get3A_90 : vector<1x6400xf32> to vector<6400xf32>
    %mul3A_92 = arith.mulf %get3A_87, %get3A_91 : vector<6400xf32>
    %add3A_93 = arith.addf %add3A_63, %mul3A_92 : vector<6400xf32>
    %get3A_94 = arith.constant 12 : index
    %get3A_95 = arith.constant 0 : index
    %get3A_96 = vector.load %arg1[%get3A_94, %get3A_95] : memref<16x6400xf32, #tpu.memory_space<vmem>>, vector<1x6400xf32>
    %get3A_97 = vector.shape_cast %get3A_96 : vector<1x6400xf32> to vector<6400xf32>
    %get3A_98 = arith.constant 12 : index
    %get3A_99 = arith.constant 0 : index
    %get3A_100 = vector.load %arg1[%get3A_98, %get3A_99] : memref<16x6400xf32, #tpu.memory_space<vmem>>, vector<1x6400xf32>
    %get3A_101 = vector.shape_cast %get3A_100 : vector<1x6400xf32> to vector<6400xf32>
    %mul3A_102 = arith.mulf %get3A_97, %get3A_101 : vector<6400xf32>
    %add3A_103 = arith.addf %add3A_73, %mul3A_102 : vector<6400xf32>
    %get3A_104 = arith.constant 12 : index
    %get3A_105 = arith.constant 0 : index
    %get3A_106 = vector.load %arg2[%get3A_104, %get3A_105] : memref<16x6400xf32, #tpu.memory_space<vmem>>, vector<1x6400xf32>
    %get3A_107 = vector.shape_cast %get3A_106 : vector<1x6400xf32> to vector<6400xf32>
    %get3A_108 = arith.constant 12 : index
    %get3A_109 = arith.constant 0 : index
    %get3A_110 = vector.load %arg2[%get3A_108, %get3A_109] : memref<16x6400xf32, #tpu.memory_space<vmem>>, vector<1x6400xf32>
    %get3A_111 = vector.shape_cast %get3A_110 : vector<1x6400xf32> to vector<6400xf32>
    %mul3A_112 = arith.mulf %get3A_107, %get3A_111 : vector<6400xf32>
    %add3A_113 = arith.addf %add3A_83, %mul3A_112 : vector<6400xf32>
    %neg3A = arith.constant 0.000000e+00 : f32
    %neg3A_114 = vector.broadcast %neg3A : f32 to vector<6400xf32>
    %neg3A_115 = arith.subf %neg3A_114, %add3A_93 : vector<6400xf32>
    %swap3A = arith.constant 0 : index
    %swap3A_116 = arith.constant 0 : index
    %swap3A_117 = vector.load %arg3[%swap3A, %swap3A_116] : memref<16x6400xf32, #tpu.memory_space<vmem>>, vector<1x6400xf32>
    %swap3A_118 = vector.shape_cast %swap3A_117 : vector<1x6400xf32> to vector<6400xf32>
    %swap3A_119 = vector.shape_cast %neg3A_115 : vector<6400xf32> to vector<1x6400xf32>
    tpu.vector_store %arg3[%swap3A, %swap3A_116], %swap3A_119 {strides = array<i32>} : memref<16x6400xf32, #tpu.memory_space<vmem>>, vector<1x6400xf32>,
    %swap3A_120 = arith.constant 0 : index
    %swap3A_121 = arith.constant 0 : index
    %swap3A_122 = vector.load %arg4[%swap3A_120, %swap3A_121] : memref<16x6400xf32, #tpu.memory_space<vmem>>, vector<1x6400xf32>
    %swap3A_123 = vector.shape_cast %swap3A_122 : vector<1x6400xf32> to vector<6400xf32>
    %swap3A_124 = vector.shape_cast %add3A_103 : vector<6400xf32> to vector<1x6400xf32>
    tpu.vector_store %arg4[%swap3A_120, %swap3A_121], %swap3A_124 {strides = array<i32>} : memref<16x6400xf32, #tpu.memory_space<vmem>>, vector<1x6400xf32>,
    %swap3A_125 = arith.constant 0 : index
    %swap3A_126 = arith.constant 0 : index
    %swap3A_127 = vector.load %arg5[%swap3A_125, %swap3A_126] : memref<16x6400xf32, #tpu.memory_space<vmem>>, vector<1x6400xf32>
    %swap3A_128 = vector.shape_cast %swap3A_127 : vector<1x6400xf32> to vector<6400xf32>
    %swap3A_129 = vector.shape_cast %add3A_113 : vector<6400xf32> to vector<1x6400xf32>
    tpu.vector_store %arg5[%swap3A_125, %swap3A_126], %swap3A_129 {strides = array<i32>} : memref<16x6400xf32, #tpu.memory_space<vmem>>, vector<1x6400xf32>,
    %get3A_130 = arith.constant 0 : index
    %get3A_131 = arith.constant 0 : index
    %get3A_132 = vector.load %arg1[%get3A_130, %get3A_131] : memref<16x6400xf32, #tpu.memory_space<vmem>>, vector<1x6400xf32>
    %get3A_133 = vector.shape_cast %get3A_132 : vector<1x6400xf32> to vector<6400xf32>
    %get3A_134 = arith.constant 1 : index
    %get3A_135 = arith.constant 0 : index
    %get3A_136 = vector.load %arg2[%get3A_134, %get3A_135] : memref<16x6400xf32, #tpu.memory_space<vmem>>, vector<1x6400xf32>
    %get3A_137 = vector.shape_cast %get3A_136 : vector<1x6400xf32> to vector<6400xf32>
    %mul3A_138 = arith.mulf %get3A_133, %get3A_137 : vector<6400xf32>
    %get3A_139 = arith.constant 0 : index
    %get3A_140 = arith.constant 0 : index
    %get3A_141 = vector.load %arg1[%get3A_139, %get3A_140] : memref<16x6400xf32, #tpu.memory_space<vmem>>, vector<1x6400xf32>
    %get3A_142 = vector.shape_cast %get3A_141 : vector<1x6400xf32> to vector<6400xf32>
    %get3A_143 = arith.constant 1 : index
    %get3A_144 = arith.constant 0 : index
    %get3A_145 = vector.load %arg1[%get3A_143, %get3A_144] : memref<16x6400xf32, #tpu.memory_space<vmem>>, vector<1x6400xf32>
    %get3A_146 = vector.shape_cast %get3A_145 : vector<1x6400xf32> to vector<6400xf32>
    %mul3A_147 = arith.mulf %get3A_142, %get3A_146 : vector<6400xf32>
    %get3A_148 = arith.constant 0 : index
    %get3A_149 = arith.constant 0 : index
    %get3A_150 = vector.load %arg2[%get3A_148, %get3A_149] : memref<16x6400xf32, #tpu.memory_space<vmem>>, vector<1x6400xf32>
    %get3A_151 = vector.shape_cast %get3A_150 : vector<1x6400xf32> to vector<6400xf32>
    %get3A_152 = arith.constant 1 : index
    %get3A_153 = arith.constant 0 : index
    %get3A_154 = vector.load %arg2[%get3A_152, %get3A_153] : memref<16x6400xf32, #tpu.memory_space<vmem>>, vector<1x6400xf32>
    %get3A_155 = vector.shape_cast %get3A_154 : vector<1x6400xf32> to vector<6400xf32>
    %mul3A_156 = arith.mulf %get3A_151, %get3A_155 : vector<6400xf32>
    %get3A_157 = arith.constant 4 : index
    %get3A_158 = arith.constant 0 : index
    %get3A_159 = vector.load %arg1[%get3A_157, %get3A_158] : memref<16x6400xf32, #tpu.memory_space<vmem>>, vector<1x6400xf32>
    %get3A_160 = vector.shape_cast %get3A_159 : vector<1x6400xf32> to vector<6400xf32>
    %get3A_161 = arith.constant 5 : index
    %get3A_162 = arith.constant 0 : index
    %get3A_163 = vector.load %arg2[%get3A_161, %get3A_162] : memref<16x6400xf32, #tpu.memory_space<vmem>>, vector<1x6400xf32>
    %get3A_164 = vector.shape_cast %get3A_163 : vector<1x6400xf32> to vector<6400xf32>
    %mul3A_165 = arith.mulf %get3A_160, %get3A_164 : vector<6400xf32>
    %add3A_166 = arith.addf %mul3A_138, %mul3A_165 : vector<6400xf32>
    %get3A_167 = arith.constant 4 : index
    %get3A_168 = arith.constant 0 : index
    %get3A_169 = vector.load %arg1[%get3A_167, %get3A_168] : memref<16x6400xf32, #tpu.memory_space<vmem>>, vector<1x6400xf32>
    %get3A_170 = vector.shape_cast %get3A_169 : vector<1x6400xf32> to vector<6400xf32>
    %get3A_171 = arith.constant 5 : index
    %get3A_172 = arith.constant 0 : index
    %get3A_173 = vector.load %arg1[%get3A_171, %get3A_172] : memref<16x6400xf32, #tpu.memory_space<vmem>>, vector<1x6400xf32>
    %get3A_174 = vector.shape_cast %get3A_173 : vector<1x6400xf32> to vector<6400xf32>
    %mul3A_175 = arith.mulf %get3A_170, %get3A_174 : vector<6400xf32>
    %add3A_176 = arith.addf %mul3A_147, %mul3A_175 : vector<6400xf32>
    %get3A_177 = arith.constant 4 : index
    %get3A_178 = arith.constant 0 : index
    %get3A_179 = vector.load %arg2[%get3A_177, %get3A_178] : memref<16x6400xf32, #tpu.memory_space<vmem>>, vector<1x6400xf32>
    %get3A_180 = vector.shape_cast %get3A_179 : vector<1x6400xf32> to vector<6400xf32>
    %get3A_181 = arith.constant 5 : index
    %get3A_182 = arith.constant 0 : index
    %get3A_183 = vector.load %arg2[%get3A_181, %get3A_182] : memref<16x6400xf32, #tpu.memory_space<vmem>>, vector<1x6400xf32>
    %get3A_184 = vector.shape_cast %get3A_183 : vector<1x6400xf32> to vector<6400xf32>
    %mul3A_185 = arith.mulf %get3A_180, %get3A_184 : vector<6400xf32>
    %add3A_186 = arith.addf %mul3A_156, %mul3A_185 : vector<6400xf32>
    %get3A_187 = arith.constant 8 : index
    %get3A_188 = arith.constant 0 : index
    %get3A_189 = vector.load %arg1[%get3A_187, %get3A_188] : memref<16x6400xf32, #tpu.memory_space<vmem>>, vector<1x6400xf32>
    %get3A_190 = vector.shape_cast %get3A_189 : vector<1x6400xf32> to vector<6400xf32>
    %get3A_191 = arith.constant 9 : index
    %get3A_192 = arith.constant 0 : index
    %get3A_193 = vector.load %arg2[%get3A_191, %get3A_192] : memref<16x6400xf32, #tpu.memory_space<vmem>>, vector<1x6400xf32>
    %get3A_194 = vector.shape_cast %get3A_193 : vector<1x6400xf32> to vector<6400xf32>
    %mul3A_195 = arith.mulf %get3A_190, %get3A_194 : vector<6400xf32>
    %add3A_196 = arith.addf %add3A_166, %mul3A_195 : vector<6400xf32>
    %get3A_197 = arith.constant 8 : index
    %get3A_198 = arith.constant 0 : index
    %get3A_199 = vector.load %arg1[%get3A_197, %get3A_198] : memref<16x6400xf32, #tpu.memory_space<vmem>>, vector<1x6400xf32>
    %get3A_200 = vector.shape_cast %get3A_199 : vector<1x6400xf32> to vector<6400xf32>
    %get3A_201 = arith.constant 9 : index
    %get3A_202 = arith.constant 0 : index
    %get3A_203 = vector.load %arg1[%get3A_201, %get3A_202] : memref<16x6400xf32, #tpu.memory_space<vmem>>, vector<1x6400xf32>
    %get3A_204 = vector.shape_cast %get3A_203 : vector<1x6400xf32> to vector<6400xf32>
    %mul3A_205 = arith.mulf %get3A_200, %get3A_204 : vector<6400xf32>
    %add3A_206 = arith.addf %add3A_176, %mul3A_205 : vector<6400xf32>
    %get3A_207 = arith.constant 8 : index
    %get3A_208 = arith.constant 0 : index
    %get3A_209 = vector.load %arg2[%get3A_207, %get3A_208] : memref<16x6400xf32, #tpu.memory_space<vmem>>, vector<1x6400xf32>
    %get3A_210 = vector.shape_cast %get3A_209 : vector<1x6400xf32> to vector<6400xf32>
    %get3A_211 = arith.constant 9 : index
    %get3A_212 = arith.constant 0 : index
    %get3A_213 = vector.load %arg2[%get3A_211, %get3A_212] : memref<16x6400xf32, #tpu.memory_space<vmem>>, vector<1x6400xf32>
    %get3A_214 = vector.shape_cast %get3A_213 : vector<1x6400xf32> to vector<6400xf32>
    %mul3A_215 = arith.mulf %get3A_210, %get3A_214 : vector<6400xf32>
    %add3A_216 = arith.addf %add3A_186, %mul3A_215 : vector<6400xf32>
    %get3A_217 = arith.constant 12 : index
    %get3A_218 = arith.constant 0 : index
    %get3A_219 = vector.load %arg1[%get3A_217, %get3A_218] : memref<16x6400xf32, #tpu.memory_space<vmem>>, vector<1x6400xf32>
    %get3A_220 = vector.shape_cast %get3A_219 : vector<1x6400xf32> to vector<6400xf32>
    %get3A_221 = arith.constant 13 : index
    %get3A_222 = arith.constant 0 : index
    %get3A_223 = vector.load %arg2[%get3A_221, %get3A_222] : memref<16x6400xf32, #tpu.memory_space<vmem>>, vector<1x6400xf32>
    %get3A_224 = vector.shape_cast %get3A_223 : vector<1x6400xf32> to vector<6400xf32>
    %mul3A_225 = arith.mulf %get3A_220, %get3A_224 : vector<6400xf32>
    %add3A_226 = arith.addf %add3A_196, %mul3A_225 : vector<6400xf32>
    %get3A_227 = arith.constant 12 : index
    %get3A_228 = arith.constant 0 : index
    %get3A_229 = vector.load %arg1[%get3A_227, %get3A_228] : memref<16x6400xf32, #tpu.memory_space<vmem>>, vector<1x6400xf32>
    %get3A_230 = vector.shape_cast %get3A_229 : vector<1x6400xf32> to vector<6400xf32>
    %get3A_231 = arith.constant 13 : index
    %get3A_232 = arith.constant 0 : index
    %get3A_233 = vector.load %arg1[%get3A_231, %get3A_232] : memref<16x6400xf32, #tpu.memory_space<vmem>>, vector<1x6400xf32>
    %get3A_234 = vector.shape_cast %get3A_233 : vector<1x6400xf32> to vector<6400xf32>
    %mul3A_235 = arith.mulf %get3A_230, %get3A_234 : vector<6400xf32>
    %add3A_236 = arith.addf %add3A_206, %mul3A_235 : vector<6400xf32>
    %get3A_237 = arith.constant 12 : index
    %get3A_238 = arith.constant 0 : index
    %get3A_239 = vector.load %arg2[%get3A_237, %get3A_238] : memref<16x6400xf32, #tpu.memory_space<vmem>>, vector<1x6400xf32>
    %get3A_240 = vector.shape_cast %get3A_239 : vector<1x6400xf32> to vector<6400xf32>
    %get3A_241 = arith.constant 13 : index
    %get3A_242 = arith.constant 0 : index
    %get3A_243 = vector.load %arg2[%get3A_241, %get3A_242] : memref<16x6400xf32, #tpu.memory_space<vmem>>, vector<1x6400xf32>
    %get3A_244 = vector.shape_cast %get3A_243 : vector<1x6400xf32> to vector<6400xf32>
    %mul3A_245 = arith.mulf %get3A_240, %get3A_244 : vector<6400xf32>
    %add3A_246 = arith.addf %add3A_216, %mul3A_245 : vector<6400xf32>
    %neg3A_247 = arith.constant 0.000000e+00 : f32
    %neg3A_248 = vector.broadcast %neg3A_247 : f32 to vector<6400xf32>
    %neg3A_249 = arith.subf %neg3A_248, %add3A_226 : vector<6400xf32>
    %swap3A_250 = arith.constant 1 : index
    %swap3A_251 = arith.constant 0 : index
    %swap3A_252 = vector.load %arg3[%swap3A_250, %swap3A_251] : memref<16x6400xf32, #tpu.memory_space<vmem>>, vector<1x6400xf32>
    %swap3A_253 = vector.shape_cast %swap3A_252 : vector<1x6400xf32> to vector<6400xf32>
    %swap3A_254 = vector.shape_cast %neg3A_249 : vector<6400xf32> to vector<1x6400xf32>
    tpu.vector_store %arg3[%swap3A_250, %swap3A_251], %swap3A_254 {strides = array<i32>} : memref<16x6400xf32, #tpu.memory_space<vmem>>, vector<1x6400xf32>,
    %swap3A_255 = arith.constant 1 : index
    %swap3A_256 = arith.constant 0 : index
    %swap3A_257 = vector.load %arg4[%swap3A_255, %swap3A_256] : memref<16x6400xf32, #tpu.memory_space<vmem>>, vector<1x6400xf32>
    %swap3A_258 = vector.shape_cast %swap3A_257 : vector<1x6400xf32> to vector<6400xf32>
    %swap3A_259 = vector.shape_cast %add3A_236 : vector<6400xf32> to vector<1x6400xf32>
    tpu.vector_store %arg4[%swap3A_255, %swap3A_256], %swap3A_259 {strides = array<i32>} : memref<16x6400xf32, #tpu.memory_space<vmem>>, vector<1x6400xf32>,
    %swap3A_260 = arith.constant 1 : index
    %swap3A_261 = arith.constant 0 : index
    %swap3A_262 = vector.load %arg5[%swap3A_260, %swap3A_261] : memref<16x6400xf32, #tpu.memory_space<vmem>>, vector<1x6400xf32>
    %swap3A_263 = vector.shape_cast %swap3A_262 : vector<1x6400xf32> to vector<6400xf32>
    %swap3A_264 = vector.shape_cast %add3A_246 : vector<6400xf32> to vector<1x6400xf32>
    tpu.vector_store %arg5[%swap3A_260, %swap3A_261], %swap3A_264 {strides = array<i32>} : memref<16x6400xf32, #tpu.memory_space<vmem>>, vector<1x6400xf32>,
    %get3A_265 = arith.constant 0 : index
    %get3A_266 = arith.constant 0 : index
    %get3A_267 = vector.load %arg1[%get3A_265, %get3A_266] : memref<16x6400xf32, #tpu.memory_space<vmem>>, vector<1x6400xf32>
    %get3A_268 = vector.shape_cast %get3A_267 : vector<1x6400xf32> to vector<6400xf32>
    %get3A_269 = arith.constant 2 : index
    %get3A_270 = arith.constant 0 : index
    %get3A_271 = vector.load %arg2[%get3A_269, %get3A_270] : memref<16x6400xf32, #tpu.memory_space<vmem>>, vector<1x6400xf32>
    %get3A_272 = vector.shape_cast %get3A_271 : vector<1x6400xf32> to vector<6400xf32>
    %mul3A_273 = arith.mulf %get3A_268, %get3A_272 : vector<6400xf32>
    %get3A_274 = arith.constant 0 : index
    %get3A_275 = arith.constant 0 : index
    %get3A_276 = vector.load %arg1[%get3A_274, %get3A_275] : memref<16x6400xf32, #tpu.memory_space<vmem>>, vector<1x6400xf32>
    %get3A_277 = vector.shape_cast %get3A_276 : vector<1x6400xf32> to vector<6400xf32>
    %get3A_278 = arith.constant 2 : index
    %get3A_279 = arith.constant 0 : index
    %get3A_280 = vector.load %arg1[%get3A_278, %get3A_279] : memref<16x6400xf32, #tpu.memory_space<vmem>>, vector<1x6400xf32>
    %get3A_281 = vector.shape_cast %get3A_280 : vector<1x6400xf32> to vector<6400xf32>
    %mul3A_282 = arith.mulf %get3A_277, %get3A_281 : vector<6400xf32>
    %get3A_283 = arith.constant 0 : index
    %get3A_284 = arith.constant 0 : index
    %get3A_285 = vector.load %arg2[%get3A_283, %get3A_284] : memref<16x6400xf32, #tpu.memory_space<vmem>>, vector<1x6400xf32>
    %get3A_286 = vector.shape_cast %get3A_285 : vector<1x6400xf32> to vector<6400xf32>
    %get3A_287 = arith.constant 2 : index
    %get3A_288 = arith.constant 0 : index
    %get3A_289 = vector.load %arg2[%get3A_287, %get3A_288] : memref<16x6400xf32, #tpu.memory_space<vmem>>, vector<1x6400xf32>
    %get3A_290 = vector.shape_cast %get3A_289 : vector<1x6400xf32> to vector<6400xf32>
    %mul3A_291 = arith.mulf %get3A_286, %get3A_290 : vector<6400xf32>
    %get3A_292 = arith.constant 4 : index
    %get3A_293 = arith.constant 0 : index
    %get3A_294 = vector.load %arg1[%get3A_292, %get3A_293] : memref<16x6400xf32, #tpu.memory_space<vmem>>, vector<1x6400xf32>
    %get3A_295 = vector.shape_cast %get3A_294 : vector<1x6400xf32> to vector<6400xf32>
    %get3A_296 = arith.constant 6 : index
    %get3A_297 = arith.constant 0 : index
    %get3A_298 = vector.load %arg2[%get3A_296, %get3A_297] : memref<16x6400xf32, #tpu.memory_space<vmem>>, vector<1x6400xf32>
    %get3A_299 = vector.shape_cast %get3A_298 : vector<1x6400xf32> to vector<6400xf32>
    %mul3A_300 = arith.mulf %get3A_295, %get3A_299 : vector<6400xf32>
    %add3A_301 = arith.addf %mul3A_273, %mul3A_300 : vector<6400xf32>
    %get3A_302 = arith.constant 4 : index
    %get3A_303 = arith.constant 0 : index
    %get3A_304 = vector.load %arg1[%get3A_302, %get3A_303] : memref<16x6400xf32, #tpu.memory_space<vmem>>, vector<1x6400xf32>
    %get3A_305 = vector.shape_cast %get3A_304 : vector<1x6400xf32> to vector<6400xf32>
    %get3A_306 = arith.constant 6 : index
    %get3A_307 = arith.constant 0 : index
    %get3A_308 = vector.load %arg1[%get3A_306, %get3A_307] : memref<16x6400xf32, #tpu.memory_space<vmem>>, vector<1x6400xf32>
    %get3A_309 = vector.shape_cast %get3A_308 : vector<1x6400xf32> to vector<6400xf32>
    %mul3A_310 = arith.mulf %get3A_305, %get3A_309 : vector<6400xf32>
    %add3A_311 = arith.addf %mul3A_282, %mul3A_310 : vector<6400xf32>
    %get3A_312 = arith.constant 4 : index
    %get3A_313 = arith.constant 0 : index
    %get3A_314 = vector.load %arg2[%get3A_312, %get3A_313] : memref<16x6400xf32, #tpu.memory_space<vmem>>, vector<1x6400xf32>
    %get3A_315 = vector.shape_cast %get3A_314 : vector<1x6400xf32> to vector<6400xf32>
    %get3A_316 = arith.constant 6 : index
    %get3A_317 = arith.constant 0 : index
    %get3A_318 = vector.load %arg2[%get3A_316, %get3A_317] : memref<16x6400xf32, #tpu.memory_space<vmem>>, vector<1x6400xf32>
    %get3A_319 = vector.shape_cast %get3A_318 : vector<1x6400xf32> to vector<6400xf32>
    %mul3A_320 = arith.mulf %get3A_315, %get3A_319 : vector<6400xf32>
    %add3A_321 = arith.addf %mul3A_291, %mul3A_320 : vector<6400xf32>
    %get3A_322 = arith.constant 8 : index
    %get3A_323 = arith.constant 0 : index
    %get3A_324 = vector.load %arg1[%get3A_322, %get3A_323] : memref<16x6400xf32, #tpu.memory_space<vmem>>, vector<1x6400xf32>
    %get3A_325 = vector.shape_cast %get3A_324 : vector<1x6400xf32> to vector<6400xf32>
    %get3A_326 = arith.constant 10 : index
    %get3A_327 = arith.constant 0 : index
    %get3A_328 = vector.load %arg2[%get3A_326, %get3A_327] : memref<16x6400xf32, #tpu.memory_space<vmem>>, vector<1x6400xf32>
    %get3A_329 = vector.shape_cast %get3A_328 : vector<1x6400xf32> to vector<6400xf32>
    %mul3A_330 = arith.mulf %get3A_325, %get3A_329 : vector<6400xf32>
    %add3A_331 = arith.addf %add3A_301, %mul3A_330 : vector<6400xf32>
    %get3A_332 = arith.constant 8 : index
    %get3A_333 = arith.constant 0 : index
    %get3A_334 = vector.load %arg1[%get3A_332, %get3A_333] : memref<16x6400xf32, #tpu.memory_space<vmem>>, vector<1x6400xf32>
    %get3A_335 = vector.shape_cast %get3A_334 : vector<1x6400xf32> to vector<6400xf32>
    %get3A_336 = arith.constant 10 : index
    %get3A_337 = arith.constant 0 : index
    %get3A_338 = vector.load %arg1[%get3A_336, %get3A_337] : memref<16x6400xf32, #tpu.memory_space<vmem>>, vector<1x6400xf32>
    %get3A_339 = vector.shape_cast %get3A_338 : vector<1x6400xf32> to vector<6400xf32>
    %mul3A_340 = arith.mulf %get3A_335, %get3A_339 : vector<6400xf32>
    %add3A_341 = arith.addf %add3A_311, %mul3A_340 : vector<6400xf32>
    %get3A_342 = arith.constant 8 : index
    %get3A_343 = arith.constant 0 : index
    %get3A_344 = vector.load %arg2[%get3A_342, %get3A_343] : memref<16x6400xf32, #tpu.memory_space<vmem>>, vector<1x6400xf32>
    %get3A_345 = vector.shape_cast %get3A_344 : vector<1x6400xf32> to vector<6400xf32>
    %get3A_346 = arith.constant 10 : index
    %get3A_347 = arith.constant 0 : index
    %get3A_348 = vector.load %arg2[%get3A_346, %get3A_347] : memref<16x6400xf32, #tpu.memory_space<vmem>>, vector<1x6400xf32>
    %get3A_349 = vector.shape_cast %get3A_348 : vector<1x6400xf32> to vector<6400xf32>
    %mul3A_350 = arith.mulf %get3A_345, %get3A_349 : vector<6400xf32>
    %add3A_351 = arith.addf %add3A_321, %mul3A_350 : vector<6400xf32>
    %get3A_352 = arith.constant 12 : index
    %get3A_353 = arith.constant 0 : index
    %get3A_354 = vector.load %arg1[%get3A_352, %get3A_353] : memref<16x6400xf32, #tpu.memory_space<vmem>>, vector<1x6400xf32>
    %get3A_355 = vector.shape_cast %get3A_354 : vector<1x6400xf32> to vector<6400xf32>
    %get3A_356 = arith.constant 14 : index
    %get3A_357 = arith.constant 0 : index
    %get3A_358 = vector.load %arg2[%get3A_356, %get3A_357] : memref<16x6400xf32, #tpu.memory_space<vmem>>, vector<1x6400xf32>
    %get3A_359 = vector.shape_cast %get3A_358 : vector<1x6400xf32> to vector<6400xf32>
    %mul3A_360 = arith.mulf %get3A_355, %get3A_359 : vector<6400xf32>
    %add3A_361 = arith.addf %add3A_331, %mul3A_360 : vector<6400xf32>
    %get3A_362 = arith.constant 12 : index
    %get3A_363 = arith.constant 0 : index
    %get3A_364 = vector.load %arg1[%get3A_362, %get3A_363] : memref<16x6400xf32, #tpu.memory_space<vmem>>, vector<1x6400xf32>
    %get3A_365 = vector.shape_cast %get3A_364 : vector<1x6400xf32> to vector<6400xf32>
    %get3A_366 = arith.constant 14 : index
    %get3A_367 = arith.constant 0 : index
    %get3A_368 = vector.load %arg1[%get3A_366, %get3A_367] : memref<16x6400xf32, #tpu.memory_space<vmem>>, vector<1x6400xf32>
    %get3A_369 = vector.shape_cast %get3A_368 : vector<1x6400xf32> to vector<6400xf32>
    %mul3A_370 = arith.mulf %get3A_365, %get3A_369 : vector<6400xf32>
    %add3A_371 = arith.addf %add3A_341, %mul3A_370 : vector<6400xf32>
    %get3A_372 = arith.constant 12 : index
    %get3A_373 = arith.constant 0 : index
    %get3A_374 = vector.load %arg2[%get3A_372, %get3A_373] : memref<16x6400xf32, #tpu.memory_space<vmem>>, vector<1x6400xf32>
    %get3A_375 = vector.shape_cast %get3A_374 : vector<1x6400xf32> to vector<6400xf32>
    %get3A_376 = arith.constant 14 : index
    %get3A_377 = arith.constant 0 : index
    %get3A_378 = vector.load %arg2[%get3A_376, %get3A_377] : memref<16x6400xf32, #tpu.memory_space<vmem>>, vector<1x6400xf32>
    %get3A_379 = vector.shape_cast %get3A_378 : vector<1x6400xf32> to vector<6400xf32>
    %mul3A_380 = arith.mulf %get3A_375, %get3A_379 : vector<6400xf32>
    %add3A_381 = arith.addf %add3A_351, %mul3A_380 : vector<6400xf32>
    %neg3A_382 = arith.constant 0.000000e+00 : f32
    %neg3A_383 = vector.broadcast %neg3A_382 : f32 to vector<6400xf32>
    %neg3A_384 = arith.subf %neg3A_383, %add3A_361 : vector<6400xf32>
    %swap3A_385 = arith.constant 2 : index
    %swap3A_386 = arith.constant 0 : index
    %swap3A_387 = vector.load %arg3[%swap3A_385, %swap3A_386] : memref<16x6400xf32, #tpu.memory_space<vmem>>, vector<1x6400xf32>
    %swap3A_388 = vector.shape_cast %swap3A_387 : vector<1x6400xf32> to vector<6400xf32>
    %swap3A_389 = vector.shape_cast %neg3A_384 : vector<6400xf32> to vector<1x6400xf32>
    tpu.vector_store %arg3[%swap3A_385, %swap3A_386], %swap3A_389 {strides = array<i32>} : memref<16x6400xf32, #tpu.memory_space<vmem>>, vector<1x6400xf32>,
    %swap3A_390 = arith.constant 2 : index
    %swap3A_391 = arith.constant 0 : index
    %swap3A_392 = vector.load %arg4[%swap3A_390, %swap3A_391] : memref<16x6400xf32, #tpu.memory_space<vmem>>, vector<1x6400xf32>
    %swap3A_393 = vector.shape_cast %swap3A_392 : vector<1x6400xf32> to vector<6400xf32>
    %swap3A_394 = vector.shape_cast %add3A_371 : vector<6400xf32> to vector<1x6400xf32>
    tpu.vector_store %arg4[%swap3A_390, %swap3A_391], %swap3A_394 {strides = array<i32>} : memref<16x6400xf32, #tpu.memory_space<vmem>>, vector<1x6400xf32>,
    %swap3A_395 = arith.constant 2 : index
    %swap3A_396 = arith.constant 0 : index
    %swap3A_397 = vector.load %arg5[%swap3A_395, %swap3A_396] : memref<16x6400xf32, #tpu.memory_space<vmem>>, vector<1x6400xf32>
    %swap3A_398 = vector.shape_cast %swap3A_397 : vector<1x6400xf32> to vector<6400xf32>
    %swap3A_399 = vector.shape_cast %add3A_381 : vector<6400xf32> to vector<1x6400xf32>
    tpu.vector_store %arg5[%swap3A_395, %swap3A_396], %swap3A_399 {strides = array<i32>} : memref<16x6400xf32, #tpu.memory_space<vmem>>, vector<1x6400xf32>,
    %get3A_400 = arith.constant 0 : index
    %get3A_401 = arith.constant 0 : index
    %get3A_402 = vector.load %arg1[%get3A_400, %get3A_401] : memref<16x6400xf32, #tpu.memory_space<vmem>>, vector<1x6400xf32>
    %get3A_403 = vector.shape_cast %get3A_402 : vector<1x6400xf32> to vector<6400xf32>
    %get3A_404 = arith.constant 3 : index
    %get3A_405 = arith.constant 0 : index
    %get3A_406 = vector.load %arg2[%get3A_404, %get3A_405] : memref<16x6400xf32, #tpu.memory_space<vmem>>, vector<1x6400xf32>
    %get3A_407 = vector.shape_cast %get3A_406 : vector<1x6400xf32> to vector<6400xf32>
    %mul3A_408 = arith.mulf %get3A_403, %get3A_407 : vector<6400xf32>
    %get3A_409 = arith.constant 0 : index
    %get3A_410 = arith.constant 0 : index
    %get3A_411 = vector.load %arg1[%get3A_409, %get3A_410] : memref<16x6400xf32, #tpu.memory_space<vmem>>, vector<1x6400xf32>
    %get3A_412 = vector.shape_cast %get3A_411 : vector<1x6400xf32> to vector<6400xf32>
    %get3A_413 = arith.constant 3 : index
    %get3A_414 = arith.constant 0 : index
    %get3A_415 = vector.load %arg1[%get3A_413, %get3A_414] : memref<16x6400xf32, #tpu.memory_space<vmem>>, vector<1x6400xf32>
    %get3A_416 = vector.shape_cast %get3A_415 : vector<1x6400xf32> to vector<6400xf32>
    %mul3A_417 = arith.mulf %get3A_412, %get3A_416 : vector<6400xf32>
    %get3A_418 = arith.constant 0 : index
    %get3A_419 = arith.constant 0 : index
    %get3A_420 = vector.load %arg2[%get3A_418, %get3A_419] : memref<16x6400xf32, #tpu.memory_space<vmem>>, vector<1x6400xf32>
    %get3A_421 = vector.shape_cast %get3A_420 : vector<1x6400xf32> to vector<6400xf32>
    %get3A_422 = arith.constant 3 : index
    %get3A_423 = arith.constant 0 : index
    %get3A_424 = vector.load %arg2[%get3A_422, %get3A_423] : memref<16x6400xf32, #tpu.memory_space<vmem>>, vector<1x6400xf32>
    %get3A_425 = vector.shape_cast %get3A_424 : vector<1x6400xf32> to vector<6400xf32>
    %mul3A_426 = arith.mulf %get3A_421, %get3A_425 : vector<6400xf32>
    %get3A_427 = arith.constant 4 : index
    %get3A_428 = arith.constant 0 : index
    %get3A_429 = vector.load %arg1[%get3A_427, %get3A_428] : memref<16x6400xf32, #tpu.memory_space<vmem>>, vector<1x6400xf32>
    %get3A_430 = vector.shape_cast %get3A_429 : vector<1x6400xf32> to vector<6400xf32>
    %get3A_431 = arith.constant 7 : index
    %get3A_432 = arith.constant 0 : index
    %get3A_433 = vector.load %arg2[%get3A_431, %get3A_432] : memref<16x6400xf32, #tpu.memory_space<vmem>>, vector<1x6400xf32>
    %get3A_434 = vector.shape_cast %get3A_433 : vector<1x6400xf32> to vector<6400xf32>
    %mul3A_435 = arith.mulf %get3A_430, %get3A_434 : vector<6400xf32>
    %add3A_436 = arith.addf %mul3A_408, %mul3A_435 : vector<6400xf32>
    %get3A_437 = arith.constant 4 : index
    %get3A_438 = arith.constant 0 : index
    %get3A_439 = vector.load %arg1[%get3A_437, %get3A_438] : memref<16x6400xf32, #tpu.memory_space<vmem>>, vector<1x6400xf32>
    %get3A_440 = vector.shape_cast %get3A_439 : vector<1x6400xf32> to vector<6400xf32>
    %get3A_441 = arith.constant 7 : index
    %get3A_442 = arith.constant 0 : index
    %get3A_443 = vector.load %arg1[%get3A_441, %get3A_442] : memref<16x6400xf32, #tpu.memory_space<vmem>>, vector<1x6400xf32>
    %get3A_444 = vector.shape_cast %get3A_443 : vector<1x6400xf32> to vector<6400xf32>
    %mul3A_445 = arith.mulf %get3A_440, %get3A_444 : vector<6400xf32>
    %add3A_446 = arith.addf %mul3A_417, %mul3A_445 : vector<6400xf32>
    %get3A_447 = arith.constant 4 : index
    %get3A_448 = arith.constant 0 : index
    %get3A_449 = vector.load %arg2[%get3A_447, %get3A_448] : memref<16x6400xf32, #tpu.memory_space<vmem>>, vector<1x6400xf32>
    %get3A_450 = vector.shape_cast %get3A_449 : vector<1x6400xf32> to vector<6400xf32>
    %get3A_451 = arith.constant 7 : index
    %get3A_452 = arith.constant 0 : index
    %get3A_453 = vector.load %arg2[%get3A_451, %get3A_452] : memref<16x6400xf32, #tpu.memory_space<vmem>>, vector<1x6400xf32>
    %get3A_454 = vector.shape_cast %get3A_453 : vector<1x6400xf32> to vector<6400xf32>
    %mul3A_455 = arith.mulf %get3A_450, %get3A_454 : vector<6400xf32>
    %add3A_456 = arith.addf %mul3A_426, %mul3A_455 : vector<6400xf32>
    %get3A_457 = arith.constant 8 : index
    %get3A_458 = arith.constant 0 : index
    %get3A_459 = vector.load %arg1[%get3A_457, %get3A_458] : memref<16x6400xf32, #tpu.memory_space<vmem>>, vector<1x6400xf32>
    %get3A_460 = vector.shape_cast %get3A_459 : vector<1x6400xf32> to vector<6400xf32>
    %get3A_461 = arith.constant 11 : index
    %get3A_462 = arith.constant 0 : index
    %get3A_463 = vector.load %arg2[%get3A_461, %get3A_462] : memref<16x6400xf32, #tpu.memory_space<vmem>>, vector<1x6400xf32>
    %get3A_464 = vector.shape_cast %get3A_463 : vector<1x6400xf32> to vector<6400xf32>
    %mul3A_465 = arith.mulf %get3A_460, %get3A_464 : vector<6400xf32>
    %add3A_466 = arith.addf %add3A_436, %mul3A_465 : vector<6400xf32>
    %get3A_467 = arith.constant 8 : index
    %get3A_468 = arith.constant 0 : index
    %get3A_469 = vector.load %arg1[%get3A_467, %get3A_468] : memref<16x6400xf32, #tpu.memory_space<vmem>>, vector<1x6400xf32>
    %get3A_470 = vector.shape_cast %get3A_469 : vector<1x6400xf32> to vector<6400xf32>
    %get3A_471 = arith.constant 11 : index
    %get3A_472 = arith.constant 0 : index
    %get3A_473 = vector.load %arg1[%get3A_471, %get3A_472] : memref<16x6400xf32, #tpu.memory_space<vmem>>, vector<1x6400xf32>
    %get3A_474 = vector.shape_cast %get3A_473 : vector<1x6400xf32> to vector<6400xf32>
    %mul3A_475 = arith.mulf %get3A_470, %get3A_474 : vector<6400xf32>
    %add3A_476 = arith.addf %add3A_446, %mul3A_475 : vector<6400xf32>
    %get3A_477 = arith.constant 8 : index
    %get3A_478 = arith.constant 0 : index
    %get3A_479 = vector.load %arg2[%get3A_477, %get3A_478] : memref<16x6400xf32, #tpu.memory_space<vmem>>, vector<1x6400xf32>
    %get3A_480 = vector.shape_cast %get3A_479 : vector<1x6400xf32> to vector<6400xf32>
    %get3A_481 = arith.constant 11 : index
    %get3A_482 = arith.constant 0 : index
    %get3A_483 = vector.load %arg2[%get3A_481, %get3A_482] : memref<16x6400xf32, #tpu.memory_space<vmem>>, vector<1x6400xf32>
    %get3A_484 = vector.shape_cast %get3A_483 : vector<1x6400xf32> to vector<6400xf32>
    %mul3A_485 = arith.mulf %get3A_480, %get3A_484 : vector<6400xf32>
    %add3A_486 = arith.addf %add3A_456, %mul3A_485 : vector<6400xf32>
    %get3A_487 = arith.constant 12 : index
    %get3A_488 = arith.constant 0 : index
    %get3A_489 = vector.load %arg1[%get3A_487, %get3A_488] : memref<16x6400xf32, #tpu.memory_space<vmem>>, vector<1x6400xf32>
    %get3A_490 = vector.shape_cast %get3A_489 : vector<1x6400xf32> to vector<6400xf32>
    %get3A_491 = arith.constant 15 : index
    %get3A_492 = arith.constant 0 : index
    %get3A_493 = vector.load %arg2[%get3A_491, %get3A_492] : memref<16x6400xf32, #tpu.memory_space<vmem>>, vector<1x6400xf32>
    %get3A_494 = vector.shape_cast %get3A_493 : vector<1x6400xf32> to vector<6400xf32>
    %mul3A_495 = arith.mulf %get3A_490, %get3A_494 : vector<6400xf32>
    %add3A_496 = arith.addf %add3A_466, %mul3A_495 : vector<6400xf32>
    %get3A_497 = arith.constant 12 : index
    %get3A_498 = arith.constant 0 : index
    %get3A_499 = vector.load %arg1[%get3A_497, %get3A_498] : memref<16x6400xf32, #tpu.memory_space<vmem>>, vector<1x6400xf32>
    %get3A_500 = vector.shape_cast %get3A_499 : vector<1x6400xf32> to vector<6400xf32>
    %get3A_501 = arith.constant 15 : index
    %get3A_502 = arith.constant 0 : index
    %get3A_503 = vector.load %arg1[%get3A_501, %get3A_502] : memref<16x6400xf32, #tpu.memory_space<vmem>>, vector<1x6400xf32>
    %get3A_504 = vector.shape_cast %get3A_503 : vector<1x6400xf32> to vector<6400xf32>
    %mul3A_505 = arith.mulf %get3A_500, %get3A_504 : vector<6400xf32>
    %add3A_506 = arith.addf %add3A_476, %mul3A_505 : vector<6400xf32>
    %get3A_507 = arith.constant 12 : index
    %get3A_508 = arith.constant 0 : index
    %get3A_509 = vector.load %arg2[%get3A_507, %get3A_508] : memref<16x6400xf32, #tpu.memory_space<vmem>>, vector<1x6400xf32>
    %get3A_510 = vector.shape_cast %get3A_509 : vector<1x6400xf32> to vector<6400xf32>
    %get3A_511 = arith.constant 15 : index
    %get3A_512 = arith.constant 0 : index
    %get3A_513 = vector.load %arg2[%get3A_511, %get3A_512] : memref<16x6400xf32, #tpu.memory_space<vmem>>, vector<1x6400xf32>
    %get3A_514 = vector.shape_cast %get3A_513 : vector<1x6400xf32> to vector<6400xf32>
    %mul3A_515 = arith.mulf %get3A_510, %get3A_514 : vector<6400xf32>
    %add3A_516 = arith.addf %add3A_486, %mul3A_515 : vector<6400xf32>
    %neg3A_517 = arith.constant 0.000000e+00 : f32
    %neg3A_518 = vector.broadcast %neg3A_517 : f32 to vector<6400xf32>
    %neg3A_519 = arith.subf %neg3A_518, %add3A_496 : vector<6400xf32>
    %swap3A_520 = arith.constant 3 : index
    %swap3A_521 = arith.constant 0 : index
    %swap3A_522 = vector.load %arg3[%swap3A_520, %swap3A_521] : memref<16x6400xf32, #tpu.memory_space<vmem>>, vector<1x6400xf32>
    %swap3A_523 = vector.shape_cast %swap3A_522 : vector<1x6400xf32> to vector<6400xf32>
    %swap3A_524 = vector.shape_cast %neg3A_519 : vector<6400xf32> to vector<1x6400xf32>
    tpu.vector_store %arg3[%swap3A_520, %swap3A_521], %swap3A_524 {strides = array<i32>} : memref<16x6400xf32, #tpu.memory_space<vmem>>, vector<1x6400xf32>,
    %swap3A_525 = arith.constant 3 : index
    %swap3A_526 = arith.constant 0 : index
    %swap3A_527 = vector.load %arg4[%swap3A_525, %swap3A_526] : memref<16x6400xf32, #tpu.memory_space<vmem>>, vector<1x6400xf32>
    %swap3A_528 = vector.shape_cast %swap3A_527 : vector<1x6400xf32> to vector<6400xf32>
    %swap3A_529 = vector.shape_cast %add3A_506 : vector<6400xf32> to vector<1x6400xf32>
    tpu.vector_store %arg4[%swap3A_525, %swap3A_526], %swap3A_529 {strides = array<i32>} : memref<16x6400xf32, #tpu.memory_space<vmem>>, vector<1x6400xf32>,
    %swap3A_530 = arith.constant 3 : index
    %swap3A_531 = arith.constant 0 : index
    %swap3A_532 = vector.load %arg5[%swap3A_530, %swap3A_531] : memref<16x6400xf32, #tpu.memory_space<vmem>>, vector<1x6400xf32>
    %swap3A_533 = vector.shape_cast %swap3A_532 : vector<1x6400xf32> to vector<6400xf32>
    %swap3A_534 = vector.shape_cast %add3A_516 : vector<6400xf32> to vector<1x6400xf32>
    tpu.vector_store %arg5[%swap3A_530, %swap3A_531], %swap3A_534 {strides = array<i32>} : memref<16x6400xf32, #tpu.memory_space<vmem>>, vector<1x6400xf32>,
    %get3A_535 = arith.constant 1 : index
    %get3A_536 = arith.constant 0 : index
    %get3A_537 = vector.load %arg1[%get3A_535, %get3A_536] : memref<16x6400xf32, #tpu.memory_space<vmem>>, vector<1x6400xf32>
    %get3A_538 = vector.shape_cast %get3A_537 : vector<1x6400xf32> to vector<6400xf32>
    %get3A_539 = arith.constant 0 : index
    %get3A_540 = arith.constant 0 : index
    %get3A_541 = vector.load %arg2[%get3A_539, %get3A_540] : memref<16x6400xf32, #tpu.memory_space<vmem>>, vector<1x6400xf32>
    %get3A_542 = vector.shape_cast %get3A_541 : vector<1x6400xf32> to vector<6400xf32>
    %mul3A_543 = arith.mulf %get3A_538, %get3A_542 : vector<6400xf32>
    %get3A_544 = arith.constant 1 : index
    %get3A_545 = arith.constant 0 : index
    %get3A_546 = vector.load %arg1[%get3A_544, %get3A_545] : memref<16x6400xf32, #tpu.memory_space<vmem>>, vector<1x6400xf32>
    %get3A_547 = vector.shape_cast %get3A_546 : vector<1x6400xf32> to vector<6400xf32>
    %get3A_548 = arith.constant 0 : index
    %get3A_549 = arith.constant 0 : index
    %get3A_550 = vector.load %arg1[%get3A_548, %get3A_549] : memref<16x6400xf32, #tpu.memory_space<vmem>>, vector<1x6400xf32>
    %get3A_551 = vector.shape_cast %get3A_550 : vector<1x6400xf32> to vector<6400xf32>
    %mul3A_552 = arith.mulf %get3A_547, %get3A_551 : vector<6400xf32>
    %get3A_553 = arith.constant 1 : index
    %get3A_554 = arith.constant 0 : index
    %get3A_555 = vector.load %arg2[%get3A_553, %get3A_554] : memref<16x6400xf32, #tpu.memory_space<vmem>>, vector<1x6400xf32>
    %get3A_556 = vector.shape_cast %get3A_555 : vector<1x6400xf32> to vector<6400xf32>
    %get3A_557 = arith.constant 0 : index
    %get3A_558 = arith.constant 0 : index
    %get3A_559 = vector.load %arg2[%get3A_557, %get3A_558] : memref<16x6400xf32, #tpu.memory_space<vmem>>, vector<1x6400xf32>
    %get3A_560 = vector.shape_cast %get3A_559 : vector<1x6400xf32> to vector<6400xf32>
    %mul3A_561 = arith.mulf %get3A_556, %get3A_560 : vector<6400xf32>
    %get3A_562 = arith.constant 5 : index
    %get3A_563 = arith.constant 0 : index
    %get3A_564 = vector.load %arg1[%get3A_562, %get3A_563] : memref<16x6400xf32, #tpu.memory_space<vmem>>, vector<1x6400xf32>
    %get3A_565 = vector.shape_cast %get3A_564 : vector<1x6400xf32> to vector<6400xf32>
    %get3A_566 = arith.constant 4 : index
    %get3A_567 = arith.constant 0 : index
    %get3A_568 = vector.load %arg2[%get3A_566, %get3A_567] : memref<16x6400xf32, #tpu.memory_space<vmem>>, vector<1x6400xf32>
    %get3A_569 = vector.shape_cast %get3A_568 : vector<1x6400xf32> to vector<6400xf32>
    %mul3A_570 = arith.mulf %get3A_565, %get3A_569 : vector<6400xf32>
    %add3A_571 = arith.addf %mul3A_543, %mul3A_570 : vector<6400xf32>
    %get3A_572 = arith.constant 5 : index
    %get3A_573 = arith.constant 0 : index
    %get3A_574 = vector.load %arg1[%get3A_572, %get3A_573] : memref<16x6400xf32, #tpu.memory_space<vmem>>, vector<1x6400xf32>
    %get3A_575 = vector.shape_cast %get3A_574 : vector<1x6400xf32> to vector<6400xf32>
    %get3A_576 = arith.constant 4 : index
    %get3A_577 = arith.constant 0 : index
    %get3A_578 = vector.load %arg1[%get3A_576, %get3A_577] : memref<16x6400xf32, #tpu.memory_space<vmem>>, vector<1x6400xf32>
    %get3A_579 = vector.shape_cast %get3A_578 : vector<1x6400xf32> to vector<6400xf32>
    %mul3A_580 = arith.mulf %get3A_575, %get3A_579 : vector<6400xf32>
    %add3A_581 = arith.addf %mul3A_552, %mul3A_580 : vector<6400xf32>
    %get3A_582 = arith.constant 5 : index
    %get3A_583 = arith.constant 0 : index
    %get3A_584 = vector.load %arg2[%get3A_582, %get3A_583] : memref<16x6400xf32, #tpu.memory_space<vmem>>, vector<1x6400xf32>
    %get3A_585 = vector.shape_cast %get3A_584 : vector<1x6400xf32> to vector<6400xf32>
    %get3A_586 = arith.constant 4 : index
    %get3A_587 = arith.constant 0 : index
    %get3A_588 = vector.load %arg2[%get3A_586, %get3A_587] : memref<16x6400xf32, #tpu.memory_space<vmem>>, vector<1x6400xf32>
    %get3A_589 = vector.shape_cast %get3A_588 : vector<1x6400xf32> to vector<6400xf32>
    %mul3A_590 = arith.mulf %get3A_585, %get3A_589 : vector<6400xf32>
    %add3A_591 = arith.addf %mul3A_561, %mul3A_590 : vector<6400xf32>
    %get3A_592 = arith.constant 9 : index
    %get3A_593 = arith.constant 0 : index
    %get3A_594 = vector.load %arg1[%get3A_592, %get3A_593] : memref<16x6400xf32, #tpu.memory_space<vmem>>, vector<1x6400xf32>
    %get3A_595 = vector.shape_cast %get3A_594 : vector<1x6400xf32> to vector<6400xf32>
    %get3A_596 = arith.constant 8 : index
    %get3A_597 = arith.constant 0 : index
    %get3A_598 = vector.load %arg2[%get3A_596, %get3A_597] : memref<16x6400xf32, #tpu.memory_space<vmem>>, vector<1x6400xf32>
    %get3A_599 = vector.shape_cast %get3A_598 : vector<1x6400xf32> to vector<6400xf32>
    %mul3A_600 = arith.mulf %get3A_595, %get3A_599 : vector<6400xf32>
    %add3A_601 = arith.addf %add3A_571, %mul3A_600 : vector<6400xf32>
    %get3A_602 = arith.constant 9 : index
    %get3A_603 = arith.constant 0 : index
    %get3A_604 = vector.load %arg1[%get3A_602, %get3A_603] : memref<16x6400xf32, #tpu.memory_space<vmem>>, vector<1x6400xf32>
    %get3A_605 = vector.shape_cast %get3A_604 : vector<1x6400xf32> to vector<6400xf32>
    %get3A_606 = arith.constant 8 : index
    %get3A_607 = arith.constant 0 : index
    %get3A_608 = vector.load %arg1[%get3A_606, %get3A_607] : memref<16x6400xf32, #tpu.memory_space<vmem>>, vector<1x6400xf32>
    %get3A_609 = vector.shape_cast %get3A_608 : vector<1x6400xf32> to vector<6400xf32>
    %mul3A_610 = arith.mulf %get3A_605, %get3A_609 : vector<6400xf32>
    %add3A_611 = arith.addf %add3A_581, %mul3A_610 : vector<6400xf32>
    %get3A_612 = arith.constant 9 : index
    %get3A_613 = arith.constant 0 : index
    %get3A_614 = vector.load %arg2[%get3A_612, %get3A_613] : memref<16x6400xf32, #tpu.memory_space<vmem>>, vector<1x6400xf32>
    %get3A_615 = vector.shape_cast %get3A_614 : vector<1x6400xf32> to vector<6400xf32>
    %get3A_616 = arith.constant 8 : index
    %get3A_617 = arith.constant 0 : index
    %get3A_618 = vector.load %arg2[%get3A_616, %get3A_617] : memref<16x6400xf32, #tpu.memory_space<vmem>>, vector<1x6400xf32>
    %get3A_619 = vector.shape_cast %get3A_618 : vector<1x6400xf32> to vector<6400xf32>
    %mul3A_620 = arith.mulf %get3A_615, %get3A_619 : vector<6400xf32>
    %add3A_621 = arith.addf %add3A_591, %mul3A_620 : vector<6400xf32>
    %get3A_622 = arith.constant 13 : index
    %get3A_623 = arith.constant 0 : index
    %get3A_624 = vector.load %arg1[%get3A_622, %get3A_623] : memref<16x6400xf32, #tpu.memory_space<vmem>>, vector<1x6400xf32>
    %get3A_625 = vector.shape_cast %get3A_624 : vector<1x6400xf32> to vector<6400xf32>
    %get3A_626 = arith.constant 12 : index
    %get3A_627 = arith.constant 0 : index
    %get3A_628 = vector.load %arg2[%get3A_626, %get3A_627] : memref<16x6400xf32, #tpu.memory_space<vmem>>, vector<1x6400xf32>
    %get3A_629 = vector.shape_cast %get3A_628 : vector<1x6400xf32> to vector<6400xf32>
    %mul3A_630 = arith.mulf %get3A_625, %get3A_629 : vector<6400xf32>
    %add3A_631 = arith.addf %add3A_601, %mul3A_630 : vector<6400xf32>
    %get3A_632 = arith.constant 13 : index
    %get3A_633 = arith.constant 0 : index
    %get3A_634 = vector.load %arg1[%get3A_632, %get3A_633] : memref<16x6400xf32, #tpu.memory_space<vmem>>, vector<1x6400xf32>
    %get3A_635 = vector.shape_cast %get3A_634 : vector<1x6400xf32> to vector<6400xf32>
    %get3A_636 = arith.constant 12 : index
    %get3A_637 = arith.constant 0 : index
    %get3A_638 = vector.load %arg1[%get3A_636, %get3A_637] : memref<16x6400xf32, #tpu.memory_space<vmem>>, vector<1x6400xf32>
    %get3A_639 = vector.shape_cast %get3A_638 : vector<1x6400xf32> to vector<6400xf32>
    %mul3A_640 = arith.mulf %get3A_635, %get3A_639 : vector<6400xf32>
    %add3A_641 = arith.addf %add3A_611, %mul3A_640 : vector<6400xf32>
    %get3A_642 = arith.constant 13 : index
    %get3A_643 = arith.constant 0 : index
    %get3A_644 = vector.load %arg2[%get3A_642, %get3A_643] : memref<16x6400xf32, #tpu.memory_space<vmem>>, vector<1x6400xf32>
    %get3A_645 = vector.shape_cast %get3A_644 : vector<1x6400xf32> to vector<6400xf32>
    %get3A_646 = arith.constant 12 : index
    %get3A_647 = arith.constant 0 : index
    %get3A_648 = vector.load %arg2[%get3A_646, %get3A_647] : memref<16x6400xf32, #tpu.memory_space<vmem>>, vector<1x6400xf32>
    %get3A_649 = vector.shape_cast %get3A_648 : vector<1x6400xf32> to vector<6400xf32>
    %mul3A_650 = arith.mulf %get3A_645, %get3A_649 : vector<6400xf32>
    %add3A_651 = arith.addf %add3A_621, %mul3A_650 : vector<6400xf32>
    %neg3A_652 = arith.constant 0.000000e+00 : f32
    %neg3A_653 = vector.broadcast %neg3A_652 : f32 to vector<6400xf32>
    %neg3A_654 = arith.subf %neg3A_653, %add3A_631 : vector<6400xf32>
    %swap3A_655 = arith.constant 4 : index
    %swap3A_656 = arith.constant 0 : index
    %swap3A_657 = vector.load %arg3[%swap3A_655, %swap3A_656] : memref<16x6400xf32, #tpu.memory_space<vmem>>, vector<1x6400xf32>
    %swap3A_658 = vector.shape_cast %swap3A_657 : vector<1x6400xf32> to vector<6400xf32>
    %swap3A_659 = vector.shape_cast %neg3A_654 : vector<6400xf32> to vector<1x6400xf32>
    tpu.vector_store %arg3[%swap3A_655, %swap3A_656], %swap3A_659 {strides = array<i32>} : memref<16x6400xf32, #tpu.memory_space<vmem>>, vector<1x6400xf32>,
    %swap3A_660 = arith.constant 4 : index
    %swap3A_661 = arith.constant 0 : index
    %swap3A_662 = vector.load %arg4[%swap3A_660, %swap3A_661] : memref<16x6400xf32, #tpu.memory_space<vmem>>, vector<1x6400xf32>
    %swap3A_663 = vector.shape_cast %swap3A_662 : vector<1x6400xf32> to vector<6400xf32>
    %swap3A_664 = vector.shape_cast %add3A_641 : vector<6400xf32> to vector<1x6400xf32>
    tpu.vector_store %arg4[%swap3A_660, %swap3A_661], %swap3A_664 {strides = array<i32>} : memref<16x6400xf32, #tpu.memory_space<vmem>>, vector<1x6400xf32>,
    %swap3A_665 = arith.constant 4 : index
    %swap3A_666 = arith.constant 0 : index
    %swap3A_667 = vector.load %arg5[%swap3A_665, %swap3A_666] : memref<16x6400xf32, #tpu.memory_space<vmem>>, vector<1x6400xf32>
    %swap3A_668 = vector.shape_cast %swap3A_667 : vector<1x6400xf32> to vector<6400xf32>
    %swap3A_669 = vector.shape_cast %add3A_651 : vector<6400xf32> to vector<1x6400xf32>
    tpu.vector_store %arg5[%swap3A_665, %swap3A_666], %swap3A_669 {strides = array<i32>} : memref<16x6400xf32, #tpu.memory_space<vmem>>, vector<1x6400xf32>,
    %get3A_670 = arith.constant 1 : index
    %get3A_671 = arith.constant 0 : index
    %get3A_672 = vector.load %arg1[%get3A_670, %get3A_671] : memref<16x6400xf32, #tpu.memory_space<vmem>>, vector<1x6400xf32>
    %get3A_673 = vector.shape_cast %get3A_672 : vector<1x6400xf32> to vector<6400xf32>
    %get3A_674 = arith.constant 1 : index
    %get3A_675 = arith.constant 0 : index
    %get3A_676 = vector.load %arg2[%get3A_674, %get3A_675] : memref<16x6400xf32, #tpu.memory_space<vmem>>, vector<1x6400xf32>
    %get3A_677 = vector.shape_cast %get3A_676 : vector<1x6400xf32> to vector<6400xf32>
    %mul3A_678 = arith.mulf %get3A_673, %get3A_677 : vector<6400xf32>
    %get3A_679 = arith.constant 1 : index
    %get3A_680 = arith.constant 0 : index
    %get3A_681 = vector.load %arg1[%get3A_679, %get3A_680] : memref<16x6400xf32, #tpu.memory_space<vmem>>, vector<1x6400xf32>
    %get3A_682 = vector.shape_cast %get3A_681 : vector<1x6400xf32> to vector<6400xf32>
    %get3A_683 = arith.constant 1 : index
    %get3A_684 = arith.constant 0 : index
    %get3A_685 = vector.load %arg1[%get3A_683, %get3A_684] : memref<16x6400xf32, #tpu.memory_space<vmem>>, vector<1x6400xf32>
    %get3A_686 = vector.shape_cast %get3A_685 : vector<1x6400xf32> to vector<6400xf32>
    %mul3A_687 = arith.mulf %get3A_682, %get3A_686 : vector<6400xf32>
    %get3A_688 = arith.constant 1 : index
    %get3A_689 = arith.constant 0 : index
    %get3A_690 = vector.load %arg2[%get3A_688, %get3A_689] : memref<16x6400xf32, #tpu.memory_space<vmem>>, vector<1x6400xf32>
    %get3A_691 = vector.shape_cast %get3A_690 : vector<1x6400xf32> to vector<6400xf32>
    %get3A_692 = arith.constant 1 : index
    %get3A_693 = arith.constant 0 : index
    %get3A_694 = vector.load %arg2[%get3A_692, %get3A_693] : memref<16x6400xf32, #tpu.memory_space<vmem>>, vector<1x6400xf32>
    %get3A_695 = vector.shape_cast %get3A_694 : vector<1x6400xf32> to vector<6400xf32>
    %mul3A_696 = arith.mulf %get3A_691, %get3A_695 : vector<6400xf32>
    %get3A_697 = arith.constant 5 : index
    %get3A_698 = arith.constant 0 : index
    %get3A_699 = vector.load %arg1[%get3A_697, %get3A_698] : memref<16x6400xf32, #tpu.memory_space<vmem>>, vector<1x6400xf32>
    %get3A_700 = vector.shape_cast %get3A_699 : vector<1x6400xf32> to vector<6400xf32>
    %get3A_701 = arith.constant 5 : index
    %get3A_702 = arith.constant 0 : index
    %get3A_703 = vector.load %arg2[%get3A_701, %get3A_702] : memref<16x6400xf32, #tpu.memory_space<vmem>>, vector<1x6400xf32>
    %get3A_704 = vector.shape_cast %get3A_703 : vector<1x6400xf32> to vector<6400xf32>
    %mul3A_705 = arith.mulf %get3A_700, %get3A_704 : vector<6400xf32>
    %add3A_706 = arith.addf %mul3A_678, %mul3A_705 : vector<6400xf32>
    %get3A_707 = arith.constant 5 : index
    %get3A_708 = arith.constant 0 : index
    %get3A_709 = vector.load %arg1[%get3A_707, %get3A_708] : memref<16x6400xf32, #tpu.memory_space<vmem>>, vector<1x6400xf32>
    %get3A_710 = vector.shape_cast %get3A_709 : vector<1x6400xf32> to vector<6400xf32>
    %get3A_711 = arith.constant 5 : index
    %get3A_712 = arith.constant 0 : index
    %get3A_713 = vector.load %arg1[%get3A_711, %get3A_712] : memref<16x6400xf32, #tpu.memory_space<vmem>>, vector<1x6400xf32>
    %get3A_714 = vector.shape_cast %get3A_713 : vector<1x6400xf32> to vector<6400xf32>
    %mul3A_715 = arith.mulf %get3A_710, %get3A_714 : vector<6400xf32>
    %add3A_716 = arith.addf %mul3A_687, %mul3A_715 : vector<6400xf32>
    %get3A_717 = arith.constant 5 : index
    %get3A_718 = arith.constant 0 : index
    %get3A_719 = vector.load %arg2[%get3A_717, %get3A_718] : memref<16x6400xf32, #tpu.memory_space<vmem>>, vector<1x6400xf32>
    %get3A_720 = vector.shape_cast %get3A_719 : vector<1x6400xf32> to vector<6400xf32>
    %get3A_721 = arith.constant 5 : index
    %get3A_722 = arith.constant 0 : index
    %get3A_723 = vector.load %arg2[%get3A_721, %get3A_722] : memref<16x6400xf32, #tpu.memory_space<vmem>>, vector<1x6400xf32>
    %get3A_724 = vector.shape_cast %get3A_723 : vector<1x6400xf32> to vector<6400xf32>
    %mul3A_725 = arith.mulf %get3A_720, %get3A_724 : vector<6400xf32>
    %add3A_726 = arith.addf %mul3A_696, %mul3A_725 : vector<6400xf32>
    %get3A_727 = arith.constant 9 : index
    %get3A_728 = arith.constant 0 : index
    %get3A_729 = vector.load %arg1[%get3A_727, %get3A_728] : memref<16x6400xf32, #tpu.memory_space<vmem>>, vector<1x6400xf32>
    %get3A_730 = vector.shape_cast %get3A_729 : vector<1x6400xf32> to vector<6400xf32>
    %get3A_731 = arith.constant 9 : index
    %get3A_732 = arith.constant 0 : index
    %get3A_733 = vector.load %arg2[%get3A_731, %get3A_732] : memref<16x6400xf32, #tpu.memory_space<vmem>>, vector<1x6400xf32>
    %get3A_734 = vector.shape_cast %get3A_733 : vector<1x6400xf32> to vector<6400xf32>
    %mul3A_735 = arith.mulf %get3A_730, %get3A_734 : vector<6400xf32>
    %add3A_736 = arith.addf %add3A_706, %mul3A_735 : vector<6400xf32>
    %get3A_737 = arith.constant 9 : index
    %get3A_738 = arith.constant 0 : index
    %get3A_739 = vector.load %arg1[%get3A_737, %get3A_738] : memref<16x6400xf32, #tpu.memory_space<vmem>>, vector<1x6400xf32>
    %get3A_740 = vector.shape_cast %get3A_739 : vector<1x6400xf32> to vector<6400xf32>
    %get3A_741 = arith.constant 9 : index
    %get3A_742 = arith.constant 0 : index
    %get3A_743 = vector.load %arg1[%get3A_741, %get3A_742] : memref<16x6400xf32, #tpu.memory_space<vmem>>, vector<1x6400xf32>
    %get3A_744 = vector.shape_cast %get3A_743 : vector<1x6400xf32> to vector<6400xf32>
    %mul3A_745 = arith.mulf %get3A_740, %get3A_744 : vector<6400xf32>
    %add3A_746 = arith.addf %add3A_716, %mul3A_745 : vector<6400xf32>
    %get3A_747 = arith.constant 9 : index
    %get3A_748 = arith.constant 0 : index
    %get3A_749 = vector.load %arg2[%get3A_747, %get3A_748] : memref<16x6400xf32, #tpu.memory_space<vmem>>, vector<1x6400xf32>
    %get3A_750 = vector.shape_cast %get3A_749 : vector<1x6400xf32> to vector<6400xf32>
    %get3A_751 = arith.constant 9 : index
    %get3A_752 = arith.constant 0 : index
    %get3A_753 = vector.load %arg2[%get3A_751, %get3A_752] : memref<16x6400xf32, #tpu.memory_space<vmem>>, vector<1x6400xf32>
    %get3A_754 = vector.shape_cast %get3A_753 : vector<1x6400xf32> to vector<6400xf32>
    %mul3A_755 = arith.mulf %get3A_750, %get3A_754 : vector<6400xf32>
    %add3A_756 = arith.addf %add3A_726, %mul3A_755 : vector<6400xf32>
    %get3A_757 = arith.constant 13 : index
    %get3A_758 = arith.constant 0 : index
    %get3A_759 = vector.load %arg1[%get3A_757, %get3A_758] : memref<16x6400xf32, #tpu.memory_space<vmem>>, vector<1x6400xf32>
    %get3A_760 = vector.shape_cast %get3A_759 : vector<1x6400xf32> to vector<6400xf32>
    %get3A_761 = arith.constant 13 : index
    %get3A_762 = arith.constant 0 : index
    %get3A_763 = vector.load %arg2[%get3A_761, %get3A_762] : memref<16x6400xf32, #tpu.memory_space<vmem>>, vector<1x6400xf32>
    %get3A_764 = vector.shape_cast %get3A_763 : vector<1x6400xf32> to vector<6400xf32>
    %mul3A_765 = arith.mulf %get3A_760, %get3A_764 : vector<6400xf32>
    %add3A_766 = arith.addf %add3A_736, %mul3A_765 : vector<6400xf32>
    %get3A_767 = arith.constant 13 : index
    %get3A_768 = arith.constant 0 : index
    %get3A_769 = vector.load %arg1[%get3A_767, %get3A_768] : memref<16x6400xf32, #tpu.memory_space<vmem>>, vector<1x6400xf32>
    %get3A_770 = vector.shape_cast %get3A_769 : vector<1x6400xf32> to vector<6400xf32>
    %get3A_771 = arith.constant 13 : index
    %get3A_772 = arith.constant 0 : index
    %get3A_773 = vector.load %arg1[%get3A_771, %get3A_772] : memref<16x6400xf32, #tpu.memory_space<vmem>>, vector<1x6400xf32>
    %get3A_774 = vector.shape_cast %get3A_773 : vector<1x6400xf32> to vector<6400xf32>
    %mul3A_775 = arith.mulf %get3A_770, %get3A_774 : vector<6400xf32>
    %add3A_776 = arith.addf %add3A_746, %mul3A_775 : vector<6400xf32>
    %get3A_777 = arith.constant 13 : index
    %get3A_778 = arith.constant 0 : index
    %get3A_779 = vector.load %arg2[%get3A_777, %get3A_778] : memref<16x6400xf32, #tpu.memory_space<vmem>>, vector<1x6400xf32>
    %get3A_780 = vector.shape_cast %get3A_779 : vector<1x6400xf32> to vector<6400xf32>
    %get3A_781 = arith.constant 13 : index
    %get3A_782 = arith.constant 0 : index
    %get3A_783 = vector.load %arg2[%get3A_781, %get3A_782] : memref<16x6400xf32, #tpu.memory_space<vmem>>, vector<1x6400xf32>
    %get3A_784 = vector.shape_cast %get3A_783 : vector<1x6400xf32> to vector<6400xf32>
    %mul3A_785 = arith.mulf %get3A_780, %get3A_784 : vector<6400xf32>
    %add3A_786 = arith.addf %add3A_756, %mul3A_785 : vector<6400xf32>
    %neg3A_787 = arith.constant 0.000000e+00 : f32
    %neg3A_788 = vector.broadcast %neg3A_787 : f32 to vector<6400xf32>
    %neg3A_789 = arith.subf %neg3A_788, %add3A_766 : vector<6400xf32>
    %swap3A_790 = arith.constant 5 : index
    %swap3A_791 = arith.constant 0 : index
    %swap3A_792 = vector.load %arg3[%swap3A_790, %swap3A_791] : memref<16x6400xf32, #tpu.memory_space<vmem>>, vector<1x6400xf32>
    %swap3A_793 = vector.shape_cast %swap3A_792 : vector<1x6400xf32> to vector<6400xf32>
    %swap3A_794 = vector.shape_cast %neg3A_789 : vector<6400xf32> to vector<1x6400xf32>
    tpu.vector_store %arg3[%swap3A_790, %swap3A_791], %swap3A_794 {strides = array<i32>} : memref<16x6400xf32, #tpu.memory_space<vmem>>, vector<1x6400xf32>,
    %swap3A_795 = arith.constant 5 : index
    %swap3A_796 = arith.constant 0 : index
    %swap3A_797 = vector.load %arg4[%swap3A_795, %swap3A_796] : memref<16x6400xf32, #tpu.memory_space<vmem>>, vector<1x6400xf32>
    %swap3A_798 = vector.shape_cast %swap3A_797 : vector<1x6400xf32> to vector<6400xf32>
    %swap3A_799 = vector.shape_cast %add3A_776 : vector<6400xf32> to vector<1x6400xf32>
    tpu.vector_store %arg4[%swap3A_795, %swap3A_796], %swap3A_799 {strides = array<i32>} : memref<16x6400xf32, #tpu.memory_space<vmem>>, vector<1x6400xf32>,
    %swap3A_800 = arith.constant 5 : index
    %swap3A_801 = arith.constant 0 : index
    %swap3A_802 = vector.load %arg5[%swap3A_800, %swap3A_801] : memref<16x6400xf32, #tpu.memory_space<vmem>>, vector<1x6400xf32>
    %swap3A_803 = vector.shape_cast %swap3A_802 : vector<1x6400xf32> to vector<6400xf32>
    %swap3A_804 = vector.shape_cast %add3A_786 : vector<6400xf32> to vector<1x6400xf32>
    tpu.vector_store %arg5[%swap3A_800, %swap3A_801], %swap3A_804 {strides = array<i32>} : memref<16x6400xf32, #tpu.memory_space<vmem>>, vector<1x6400xf32>,
    %get3A_805 = arith.constant 1 : index
    %get3A_806 = arith.constant 0 : index
    %get3A_807 = vector.load %arg1[%get3A_805, %get3A_806] : memref<16x6400xf32, #tpu.memory_space<vmem>>, vector<1x6400xf32>
    %get3A_808 = vector.shape_cast %get3A_807 : vector<1x6400xf32> to vector<6400xf32>
    %get3A_809 = arith.constant 2 : index
    %get3A_810 = arith.constant 0 : index
    %get3A_811 = vector.load %arg2[%get3A_809, %get3A_810] : memref<16x6400xf32, #tpu.memory_space<vmem>>, vector<1x6400xf32>
    %get3A_812 = vector.shape_cast %get3A_811 : vector<1x6400xf32> to vector<6400xf32>
    %mul3A_813 = arith.mulf %get3A_808, %get3A_812 : vector<6400xf32>
    %get3A_814 = arith.constant 1 : index
    %get3A_815 = arith.constant 0 : index
    %get3A_816 = vector.load %arg1[%get3A_814, %get3A_815] : memref<16x6400xf32, #tpu.memory_space<vmem>>, vector<1x6400xf32>
    %get3A_817 = vector.shape_cast %get3A_816 : vector<1x6400xf32> to vector<6400xf32>
    %get3A_818 = arith.constant 2 : index
    %get3A_819 = arith.constant 0 : index
    %get3A_820 = vector.load %arg1[%get3A_818, %get3A_819] : memref<16x6400xf32, #tpu.memory_space<vmem>>, vector<1x6400xf32>
    %get3A_821 = vector.shape_cast %get3A_820 : vector<1x6400xf32> to vector<6400xf32>
    %mul3A_822 = arith.mulf %get3A_817, %get3A_821 : vector<6400xf32>
    %get3A_823 = arith.constant 1 : index
    %get3A_824 = arith.constant 0 : index
    %get3A_825 = vector.load %arg2[%get3A_823, %get3A_824] : memref<16x6400xf32, #tpu.memory_space<vmem>>, vector<1x6400xf32>
    %get3A_826 = vector.shape_cast %get3A_825 : vector<1x6400xf32> to vector<6400xf32>
    %get3A_827 = arith.constant 2 : index
    %get3A_828 = arith.constant 0 : index
    %get3A_829 = vector.load %arg2[%get3A_827, %get3A_828] : memref<16x6400xf32, #tpu.memory_space<vmem>>, vector<1x6400xf32>
    %get3A_830 = vector.shape_cast %get3A_829 : vector<1x6400xf32> to vector<6400xf32>
    %mul3A_831 = arith.mulf %get3A_826, %get3A_830 : vector<6400xf32>
    %get3A_832 = arith.constant 5 : index
    %get3A_833 = arith.constant 0 : index
    %get3A_834 = vector.load %arg1[%get3A_832, %get3A_833] : memref<16x6400xf32, #tpu.memory_space<vmem>>, vector<1x6400xf32>
    %get3A_835 = vector.shape_cast %get3A_834 : vector<1x6400xf32> to vector<6400xf32>
    %get3A_836 = arith.constant 6 : index
    %get3A_837 = arith.constant 0 : index
    %get3A_838 = vector.load %arg2[%get3A_836, %get3A_837] : memref<16x6400xf32, #tpu.memory_space<vmem>>, vector<1x6400xf32>
    %get3A_839 = vector.shape_cast %get3A_838 : vector<1x6400xf32> to vector<6400xf32>
    %mul3A_840 = arith.mulf %get3A_835, %get3A_839 : vector<6400xf32>
    %add3A_841 = arith.addf %mul3A_813, %mul3A_840 : vector<6400xf32>
    %get3A_842 = arith.constant 5 : index
    %get3A_843 = arith.constant 0 : index
    %get3A_844 = vector.load %arg1[%get3A_842, %get3A_843] : memref<16x6400xf32, #tpu.memory_space<vmem>>, vector<1x6400xf32>
    %get3A_845 = vector.shape_cast %get3A_844 : vector<1x6400xf32> to vector<6400xf32>
    %get3A_846 = arith.constant 6 : index
    %get3A_847 = arith.constant 0 : index
    %get3A_848 = vector.load %arg1[%get3A_846, %get3A_847] : memref<16x6400xf32, #tpu.memory_space<vmem>>, vector<1x6400xf32>
    %get3A_849 = vector.shape_cast %get3A_848 : vector<1x6400xf32> to vector<6400xf32>
    %mul3A_850 = arith.mulf %get3A_845, %get3A_849 : vector<6400xf32>
    %add3A_851 = arith.addf %mul3A_822, %mul3A_850 : vector<6400xf32>
    %get3A_852 = arith.constant 5 : index
    %get3A_853 = arith.constant 0 : index
    %get3A_854 = vector.load %arg2[%get3A_852, %get3A_853] : memref<16x6400xf32, #tpu.memory_space<vmem>>, vector<1x6400xf32>
    %get3A_855 = vector.shape_cast %get3A_854 : vector<1x6400xf32> to vector<6400xf32>
    %get3A_856 = arith.constant 6 : index
    %get3A_857 = arith.constant 0 : index
    %get3A_858 = vector.load %arg2[%get3A_856, %get3A_857] : memref<16x6400xf32, #tpu.memory_space<vmem>>, vector<1x6400xf32>
    %get3A_859 = vector.shape_cast %get3A_858 : vector<1x6400xf32> to vector<6400xf32>
    %mul3A_860 = arith.mulf %get3A_855, %get3A_859 : vector<6400xf32>
    %add3A_861 = arith.addf %mul3A_831, %mul3A_860 : vector<6400xf32>
    %get3A_862 = arith.constant 9 : index
    %get3A_863 = arith.constant 0 : index
    %get3A_864 = vector.load %arg1[%get3A_862, %get3A_863] : memref<16x6400xf32, #tpu.memory_space<vmem>>, vector<1x6400xf32>
    %get3A_865 = vector.shape_cast %get3A_864 : vector<1x6400xf32> to vector<6400xf32>
    %get3A_866 = arith.constant 10 : index
    %get3A_867 = arith.constant 0 : index
    %get3A_868 = vector.load %arg2[%get3A_866, %get3A_867] : memref<16x6400xf32, #tpu.memory_space<vmem>>, vector<1x6400xf32>
    %get3A_869 = vector.shape_cast %get3A_868 : vector<1x6400xf32> to vector<6400xf32>
    %mul3A_870 = arith.mulf %get3A_865, %get3A_869 : vector<6400xf32>
    %add3A_871 = arith.addf %add3A_841, %mul3A_870 : vector<6400xf32>
    %get3A_872 = arith.constant 9 : index
    %get3A_873 = arith.constant 0 : index
    %get3A_874 = vector.load %arg1[%get3A_872, %get3A_873] : memref<16x6400xf32, #tpu.memory_space<vmem>>, vector<1x6400xf32>
    %get3A_875 = vector.shape_cast %get3A_874 : vector<1x6400xf32> to vector<6400xf32>
    %get3A_876 = arith.constant 10 : index
    %get3A_877 = arith.constant 0 : index
    %get3A_878 = vector.load %arg1[%get3A_876, %get3A_877] : memref<16x6400xf32, #tpu.memory_space<vmem>>, vector<1x6400xf32>
    %get3A_879 = vector.shape_cast %get3A_878 : vector<1x6400xf32> to vector<6400xf32>
    %mul3A_880 = arith.mulf %get3A_875, %get3A_879 : vector<6400xf32>
    %add3A_881 = arith.addf %add3A_851, %mul3A_880 : vector<6400xf32>
    %get3A_882 = arith.constant 9 : index
    %get3A_883 = arith.constant 0 : index
    %get3A_884 = vector.load %arg2[%get3A_882, %get3A_883] : memref<16x6400xf32, #tpu.memory_space<vmem>>, vector<1x6400xf32>
    %get3A_885 = vector.shape_cast %get3A_884 : vector<1x6400xf32> to vector<6400xf32>
    %get3A_886 = arith.constant 10 : index
    %get3A_887 = arith.constant 0 : index
    %get3A_888 = vector.load %arg2[%get3A_886, %get3A_887] : memref<16x6400xf32, #tpu.memory_space<vmem>>, vector<1x6400xf32>
    %get3A_889 = vector.shape_cast %get3A_888 : vector<1x6400xf32> to vector<6400xf32>
    %mul3A_890 = arith.mulf %get3A_885, %get3A_889 : vector<6400xf32>
    %add3A_891 = arith.addf %add3A_861, %mul3A_890 : vector<6400xf32>
    %get3A_892 = arith.constant 13 : index
    %get3A_893 = arith.constant 0 : index
    %get3A_894 = vector.load %arg1[%get3A_892, %get3A_893] : memref<16x6400xf32, #tpu.memory_space<vmem>>, vector<1x6400xf32>
    %get3A_895 = vector.shape_cast %get3A_894 : vector<1x6400xf32> to vector<6400xf32>
    %get3A_896 = arith.constant 14 : index
    %get3A_897 = arith.constant 0 : index
    %get3A_898 = vector.load %arg2[%get3A_896, %get3A_897] : memref<16x6400xf32, #tpu.memory_space<vmem>>, vector<1x6400xf32>
    %get3A_899 = vector.shape_cast %get3A_898 : vector<1x6400xf32> to vector<6400xf32>
    %mul3A_900 = arith.mulf %get3A_895, %get3A_899 : vector<6400xf32>
    %add3A_901 = arith.addf %add3A_871, %mul3A_900 : vector<6400xf32>
    %get3A_902 = arith.constant 13 : index
    %get3A_903 = arith.constant 0 : index
    %get3A_904 = vector.load %arg1[%get3A_902, %get3A_903] : memref<16x6400xf32, #tpu.memory_space<vmem>>, vector<1x6400xf32>
    %get3A_905 = vector.shape_cast %get3A_904 : vector<1x6400xf32> to vector<6400xf32>
    %get3A_906 = arith.constant 14 : index
    %get3A_907 = arith.constant 0 : index
    %get3A_908 = vector.load %arg1[%get3A_906, %get3A_907] : memref<16x6400xf32, #tpu.memory_space<vmem>>, vector<1x6400xf32>
    %get3A_909 = vector.shape_cast %get3A_908 : vector<1x6400xf32> to vector<6400xf32>
    %mul3A_910 = arith.mulf %get3A_905, %get3A_909 : vector<6400xf32>
    %add3A_911 = arith.addf %add3A_881, %mul3A_910 : vector<6400xf32>
    %get3A_912 = arith.constant 13 : index
    %get3A_913 = arith.constant 0 : index
    %get3A_914 = vector.load %arg2[%get3A_912, %get3A_913] : memref<16x6400xf32, #tpu.memory_space<vmem>>, vector<1x6400xf32>
    %get3A_915 = vector.shape_cast %get3A_914 : vector<1x6400xf32> to vector<6400xf32>
    %get3A_916 = arith.constant 14 : index
    %get3A_917 = arith.constant 0 : index
    %get3A_918 = vector.load %arg2[%get3A_916, %get3A_917] : memref<16x6400xf32, #tpu.memory_space<vmem>>, vector<1x6400xf32>
    %get3A_919 = vector.shape_cast %get3A_918 : vector<1x6400xf32> to vector<6400xf32>
    %mul3A_920 = arith.mulf %get3A_915, %get3A_919 : vector<6400xf32>
    %add3A_921 = arith.addf %add3A_891, %mul3A_920 : vector<6400xf32>
    %neg3A_922 = arith.constant 0.000000e+00 : f32
    %neg3A_923 = vector.broadcast %neg3A_922 : f32 to vector<6400xf32>
    %neg3A_924 = arith.subf %neg3A_923, %add3A_901 : vector<6400xf32>
    %swap3A_925 = arith.constant 6 : index
    %swap3A_926 = arith.constant 0 : index
    %swap3A_927 = vector.load %arg3[%swap3A_925, %swap3A_926] : memref<16x6400xf32, #tpu.memory_space<vmem>>, vector<1x6400xf32>
    %swap3A_928 = vector.shape_cast %swap3A_927 : vector<1x6400xf32> to vector<6400xf32>
    %swap3A_929 = vector.shape_cast %neg3A_924 : vector<6400xf32> to vector<1x6400xf32>
    tpu.vector_store %arg3[%swap3A_925, %swap3A_926], %swap3A_929 {strides = array<i32>} : memref<16x6400xf32, #tpu.memory_space<vmem>>, vector<1x6400xf32>,
    %swap3A_930 = arith.constant 6 : index
    %swap3A_931 = arith.constant 0 : index
    %swap3A_932 = vector.load %arg4[%swap3A_930, %swap3A_931] : memref<16x6400xf32, #tpu.memory_space<vmem>>, vector<1x6400xf32>
    %swap3A_933 = vector.shape_cast %swap3A_932 : vector<1x6400xf32> to vector<6400xf32>
    %swap3A_934 = vector.shape_cast %add3A_911 : vector<6400xf32> to vector<1x6400xf32>
    tpu.vector_store %arg4[%swap3A_930, %swap3A_931], %swap3A_934 {strides = array<i32>} : memref<16x6400xf32, #tpu.memory_space<vmem>>, vector<1x6400xf32>,
    %swap3A_935 = arith.constant 6 : index
    %swap3A_936 = arith.constant 0 : index
    %swap3A_937 = vector.load %arg5[%swap3A_935, %swap3A_936] : memref<16x6400xf32, #tpu.memory_space<vmem>>, vector<1x6400xf32>
    %swap3A_938 = vector.shape_cast %swap3A_937 : vector<1x6400xf32> to vector<6400xf32>
    %swap3A_939 = vector.shape_cast %add3A_921 : vector<6400xf32> to vector<1x6400xf32>
    tpu.vector_store %arg5[%swap3A_935, %swap3A_936], %swap3A_939 {strides = array<i32>} : memref<16x6400xf32, #tpu.memory_space<vmem>>, vector<1x6400xf32>,
    %get3A_940 = arith.constant 1 : index
    %get3A_941 = arith.constant 0 : index
    %get3A_942 = vector.load %arg1[%get3A_940, %get3A_941] : memref<16x6400xf32, #tpu.memory_space<vmem>>, vector<1x6400xf32>
    %get3A_943 = vector.shape_cast %get3A_942 : vector<1x6400xf32> to vector<6400xf32>
    %get3A_944 = arith.constant 3 : index
    %get3A_945 = arith.constant 0 : index
    %get3A_946 = vector.load %arg2[%get3A_944, %get3A_945] : memref<16x6400xf32, #tpu.memory_space<vmem>>, vector<1x6400xf32>
    %get3A_947 = vector.shape_cast %get3A_946 : vector<1x6400xf32> to vector<6400xf32>
    %mul3A_948 = arith.mulf %get3A_943, %get3A_947 : vector<6400xf32>
    %get3A_949 = arith.constant 1 : index
    %get3A_950 = arith.constant 0 : index
    %get3A_951 = vector.load %arg1[%get3A_949, %get3A_950] : memref<16x6400xf32, #tpu.memory_space<vmem>>, vector<1x6400xf32>
    %get3A_952 = vector.shape_cast %get3A_951 : vector<1x6400xf32> to vector<6400xf32>
    %get3A_953 = arith.constant 3 : index
    %get3A_954 = arith.constant 0 : index
    %get3A_955 = vector.load %arg1[%get3A_953, %get3A_954] : memref<16x6400xf32, #tpu.memory_space<vmem>>, vector<1x6400xf32>
    %get3A_956 = vector.shape_cast %get3A_955 : vector<1x6400xf32> to vector<6400xf32>
    %mul3A_957 = arith.mulf %get3A_952, %get3A_956 : vector<6400xf32>
    %get3A_958 = arith.constant 1 : index
    %get3A_959 = arith.constant 0 : index
    %get3A_960 = vector.load %arg2[%get3A_958, %get3A_959] : memref<16x6400xf32, #tpu.memory_space<vmem>>, vector<1x6400xf32>
    %get3A_961 = vector.shape_cast %get3A_960 : vector<1x6400xf32> to vector<6400xf32>
    %get3A_962 = arith.constant 3 : index
    %get3A_963 = arith.constant 0 : index
    %get3A_964 = vector.load %arg2[%get3A_962, %get3A_963] : memref<16x6400xf32, #tpu.memory_space<vmem>>, vector<1x6400xf32>
    %get3A_965 = vector.shape_cast %get3A_964 : vector<1x6400xf32> to vector<6400xf32>
    %mul3A_966 = arith.mulf %get3A_961, %get3A_965 : vector<6400xf32>
    %get3A_967 = arith.constant 5 : index
    %get3A_968 = arith.constant 0 : index
    %get3A_969 = vector.load %arg1[%get3A_967, %get3A_968] : memref<16x6400xf32, #tpu.memory_space<vmem>>, vector<1x6400xf32>
    %get3A_970 = vector.shape_cast %get3A_969 : vector<1x6400xf32> to vector<6400xf32>
    %get3A_971 = arith.constant 7 : index
    %get3A_972 = arith.constant 0 : index
    %get3A_973 = vector.load %arg2[%get3A_971, %get3A_972] : memref<16x6400xf32, #tpu.memory_space<vmem>>, vector<1x6400xf32>
    %get3A_974 = vector.shape_cast %get3A_973 : vector<1x6400xf32> to vector<6400xf32>
    %mul3A_975 = arith.mulf %get3A_970, %get3A_974 : vector<6400xf32>
    %add3A_976 = arith.addf %mul3A_948, %mul3A_975 : vector<6400xf32>
    %get3A_977 = arith.constant 5 : index
    %get3A_978 = arith.constant 0 : index
    %get3A_979 = vector.load %arg1[%get3A_977, %get3A_978] : memref<16x6400xf32, #tpu.memory_space<vmem>>, vector<1x6400xf32>
    %get3A_980 = vector.shape_cast %get3A_979 : vector<1x6400xf32> to vector<6400xf32>
    %get3A_981 = arith.constant 7 : index
    %get3A_982 = arith.constant 0 : index
    %get3A_983 = vector.load %arg1[%get3A_981, %get3A_982] : memref<16x6400xf32, #tpu.memory_space<vmem>>, vector<1x6400xf32>
    %get3A_984 = vector.shape_cast %get3A_983 : vector<1x6400xf32> to vector<6400xf32>
    %mul3A_985 = arith.mulf %get3A_980, %get3A_984 : vector<6400xf32>
    %add3A_986 = arith.addf %mul3A_957, %mul3A_985 : vector<6400xf32>
    %get3A_987 = arith.constant 5 : index
    %get3A_988 = arith.constant 0 : index
    %get3A_989 = vector.load %arg2[%get3A_987, %get3A_988] : memref<16x6400xf32, #tpu.memory_space<vmem>>, vector<1x6400xf32>
    %get3A_990 = vector.shape_cast %get3A_989 : vector<1x6400xf32> to vector<6400xf32>
    %get3A_991 = arith.constant 7 : index
    %get3A_992 = arith.constant 0 : index
    %get3A_993 = vector.load %arg2[%get3A_991, %get3A_992] : memref<16x6400xf32, #tpu.memory_space<vmem>>, vector<1x6400xf32>
    %get3A_994 = vector.shape_cast %get3A_993 : vector<1x6400xf32> to vector<6400xf32>
    %mul3A_995 = arith.mulf %get3A_990, %get3A_994 : vector<6400xf32>
    %add3A_996 = arith.addf %mul3A_966, %mul3A_995 : vector<6400xf32>
    %get3A_997 = arith.constant 9 : index
    %get3A_998 = arith.constant 0 : index
    %get3A_999 = vector.load %arg1[%get3A_997, %get3A_998] : memref<16x6400xf32, #tpu.memory_space<vmem>>, vector<1x6400xf32>
    %get3A_1000 = vector.shape_cast %get3A_999 : vector<1x6400xf32> to vector<6400xf32>
    %get3A_1001 = arith.constant 11 : index
    %get3A_1002 = arith.constant 0 : index
    %get3A_1003 = vector.load %arg2[%get3A_1001, %get3A_1002] : memref<16x6400xf32, #tpu.memory_space<vmem>>, vector<1x6400xf32>
    %get3A_1004 = vector.shape_cast %get3A_1003 : vector<1x6400xf32> to vector<6400xf32>
    %mul3A_1005 = arith.mulf %get3A_1000, %get3A_1004 : vector<6400xf32>
    %add3A_1006 = arith.addf %add3A_976, %mul3A_1005 : vector<6400xf32>
    %get3A_1007 = arith.constant 9 : index
    %get3A_1008 = arith.constant 0 : index
    %get3A_1009 = vector.load %arg1[%get3A_1007, %get3A_1008] : memref<16x6400xf32, #tpu.memory_space<vmem>>, vector<1x6400xf32>
    %get3A_1010 = vector.shape_cast %get3A_1009 : vector<1x6400xf32> to vector<6400xf32>
    %get3A_1011 = arith.constant 11 : index
    %get3A_1012 = arith.constant 0 : index
    %get3A_1013 = vector.load %arg1[%get3A_1011, %get3A_1012] : memref<16x6400xf32, #tpu.memory_space<vmem>>, vector<1x6400xf32>
    %get3A_1014 = vector.shape_cast %get3A_1013 : vector<1x6400xf32> to vector<6400xf32>
    %mul3A_1015 = arith.mulf %get3A_1010, %get3A_1014 : vector<6400xf32>
    %add3A_1016 = arith.addf %add3A_986, %mul3A_1015 : vector<6400xf32>
    %get3A_1017 = arith.constant 9 : index
    %get3A_1018 = arith.constant 0 : index
    %get3A_1019 = vector.load %arg2[%get3A_1017, %get3A_1018] : memref<16x6400xf32, #tpu.memory_space<vmem>>, vector<1x6400xf32>
    %get3A_1020 = vector.shape_cast %get3A_1019 : vector<1x6400xf32> to vector<6400xf32>
    %get3A_1021 = arith.constant 11 : index
    %get3A_1022 = arith.constant 0 : index
    %get3A_1023 = vector.load %arg2[%get3A_1021, %get3A_1022] : memref<16x6400xf32, #tpu.memory_space<vmem>>, vector<1x6400xf32>
    %get3A_1024 = vector.shape_cast %get3A_1023 : vector<1x6400xf32> to vector<6400xf32>
    %mul3A_1025 = arith.mulf %get3A_1020, %get3A_1024 : vector<6400xf32>
    %add3A_1026 = arith.addf %add3A_996, %mul3A_1025 : vector<6400xf32>
    %get3A_1027 = arith.constant 13 : index
    %get3A_1028 = arith.constant 0 : index
    %get3A_1029 = vector.load %arg1[%get3A_1027, %get3A_1028] : memref<16x6400xf32, #tpu.memory_space<vmem>>, vector<1x6400xf32>
    %get3A_1030 = vector.shape_cast %get3A_1029 : vector<1x6400xf32> to vector<6400xf32>
    %get3A_1031 = arith.constant 15 : index
    %get3A_1032 = arith.constant 0 : index
    %get3A_1033 = vector.load %arg2[%get3A_1031, %get3A_1032] : memref<16x6400xf32, #tpu.memory_space<vmem>>, vector<1x6400xf32>
    %get3A_1034 = vector.shape_cast %get3A_1033 : vector<1x6400xf32> to vector<6400xf32>
    %mul3A_1035 = arith.mulf %get3A_1030, %get3A_1034 : vector<6400xf32>
    %add3A_1036 = arith.addf %add3A_1006, %mul3A_1035 : vector<6400xf32>
    %get3A_1037 = arith.constant 13 : index
    %get3A_1038 = arith.constant 0 : index
    %get3A_1039 = vector.load %arg1[%get3A_1037, %get3A_1038] : memref<16x6400xf32, #tpu.memory_space<vmem>>, vector<1x6400xf32>
    %get3A_1040 = vector.shape_cast %get3A_1039 : vector<1x6400xf32> to vector<6400xf32>
    %get3A_1041 = arith.constant 15 : index
    %get3A_1042 = arith.constant 0 : index
    %get3A_1043 = vector.load %arg1[%get3A_1041, %get3A_1042] : memref<16x6400xf32, #tpu.memory_space<vmem>>, vector<1x6400xf32>
    %get3A_1044 = vector.shape_cast %get3A_1043 : vector<1x6400xf32> to vector<6400xf32>
    %mul3A_1045 = arith.mulf %get3A_1040, %get3A_1044 : vector<6400xf32>
    %add3A_1046 = arith.addf %add3A_1016, %mul3A_1045 : vector<6400xf32>
    %get3A_1047 = arith.constant 13 : index
    %get3A_1048 = arith.constant 0 : index
    %get3A_1049 = vector.load %arg2[%get3A_1047, %get3A_1048] : memref<16x6400xf32, #tpu.memory_space<vmem>>, vector<1x6400xf32>
    %get3A_1050 = vector.shape_cast %get3A_1049 : vector<1x6400xf32> to vector<6400xf32>
    %get3A_1051 = arith.constant 15 : index
    %get3A_1052 = arith.constant 0 : index
    %get3A_1053 = vector.load %arg2[%get3A_1051, %get3A_1052] : memref<16x6400xf32, #tpu.memory_space<vmem>>, vector<1x6400xf32>
    %get3A_1054 = vector.shape_cast %get3A_1053 : vector<1x6400xf32> to vector<6400xf32>
    %mul3A_1055 = arith.mulf %get3A_1050, %get3A_1054 : vector<6400xf32>
    %add3A_1056 = arith.addf %add3A_1026, %mul3A_1055 : vector<6400xf32>
    %neg3A_1057 = arith.constant 0.000000e+00 : f32
    %neg3A_1058 = vector.broadcast %neg3A_1057 : f32 to vector<6400xf32>
    %neg3A_1059 = arith.subf %neg3A_1058, %add3A_1036 : vector<6400xf32>
    %swap3A_1060 = arith.constant 7 : index
    %swap3A_1061 = arith.constant 0 : index
    %swap3A_1062 = vector.load %arg3[%swap3A_1060, %swap3A_1061] : memref<16x6400xf32, #tpu.memory_space<vmem>>, vector<1x6400xf32>
    %swap3A_1063 = vector.shape_cast %swap3A_1062 : vector<1x6400xf32> to vector<6400xf32>
    %swap3A_1064 = vector.shape_cast %neg3A_1059 : vector<6400xf32> to vector<1x6400xf32>
    tpu.vector_store %arg3[%swap3A_1060, %swap3A_1061], %swap3A_1064 {strides = array<i32>} : memref<16x6400xf32, #tpu.memory_space<vmem>>, vector<1x6400xf32>,
    %swap3A_1065 = arith.constant 7 : index
    %swap3A_1066 = arith.constant 0 : index
    %swap3A_1067 = vector.load %arg4[%swap3A_1065, %swap3A_1066] : memref<16x6400xf32, #tpu.memory_space<vmem>>, vector<1x6400xf32>
    %swap3A_1068 = vector.shape_cast %swap3A_1067 : vector<1x6400xf32> to vector<6400xf32>
    %swap3A_1069 = vector.shape_cast %add3A_1046 : vector<6400xf32> to vector<1x6400xf32>
    tpu.vector_store %arg4[%swap3A_1065, %swap3A_1066], %swap3A_1069 {strides = array<i32>} : memref<16x6400xf32, #tpu.memory_space<vmem>>, vector<1x6400xf32>,
    %swap3A_1070 = arith.constant 7 : index
    %swap3A_1071 = arith.constant 0 : index
    %swap3A_1072 = vector.load %arg5[%swap3A_1070, %swap3A_1071] : memref<16x6400xf32, #tpu.memory_space<vmem>>, vector<1x6400xf32>
    %swap3A_1073 = vector.shape_cast %swap3A_1072 : vector<1x6400xf32> to vector<6400xf32>
    %swap3A_1074 = vector.shape_cast %add3A_1056 : vector<6400xf32> to vector<1x6400xf32>
    tpu.vector_store %arg5[%swap3A_1070, %swap3A_1071], %swap3A_1074 {strides = array<i32>} : memref<16x6400xf32, #tpu.memory_space<vmem>>, vector<1x6400xf32>,
    %get3A_1075 = arith.constant 2 : index
    %get3A_1076 = arith.constant 0 : index
    %get3A_1077 = vector.load %arg1[%get3A_1075, %get3A_1076] : memref<16x6400xf32, #tpu.memory_space<vmem>>, vector<1x6400xf32>
    %get3A_1078 = vector.shape_cast %get3A_1077 : vector<1x6400xf32> to vector<6400xf32>
    %get3A_1079 = arith.constant 0 : index
    %get3A_1080 = arith.constant 0 : index
    %get3A_1081 = vector.load %arg2[%get3A_1079, %get3A_1080] : memref<16x6400xf32, #tpu.memory_space<vmem>>, vector<1x6400xf32>
    %get3A_1082 = vector.shape_cast %get3A_1081 : vector<1x6400xf32> to vector<6400xf32>
    %mul3A_1083 = arith.mulf %get3A_1078, %get3A_1082 : vector<6400xf32>
    %get3A_1084 = arith.constant 2 : index
    %get3A_1085 = arith.constant 0 : index
    %get3A_1086 = vector.load %arg1[%get3A_1084, %get3A_1085] : memref<16x6400xf32, #tpu.memory_space<vmem>>, vector<1x6400xf32>
    %get3A_1087 = vector.shape_cast %get3A_1086 : vector<1x6400xf32> to vector<6400xf32>
    %get3A_1088 = arith.constant 0 : index
    %get3A_1089 = arith.constant 0 : index
    %get3A_1090 = vector.load %arg1[%get3A_1088, %get3A_1089] : memref<16x6400xf32, #tpu.memory_space<vmem>>, vector<1x6400xf32>
    %get3A_1091 = vector.shape_cast %get3A_1090 : vector<1x6400xf32> to vector<6400xf32>
    %mul3A_1092 = arith.mulf %get3A_1087, %get3A_1091 : vector<6400xf32>
    %get3A_1093 = arith.constant 2 : index
    %get3A_1094 = arith.constant 0 : index
    %get3A_1095 = vector.load %arg2[%get3A_1093, %get3A_1094] : memref<16x6400xf32, #tpu.memory_space<vmem>>, vector<1x6400xf32>
    %get3A_1096 = vector.shape_cast %get3A_1095 : vector<1x6400xf32> to vector<6400xf32>
    %get3A_1097 = arith.constant 0 : index
    %get3A_1098 = arith.constant 0 : index
    %get3A_1099 = vector.load %arg2[%get3A_1097, %get3A_1098] : memref<16x6400xf32, #tpu.memory_space<vmem>>, vector<1x6400xf32>
    %get3A_1100 = vector.shape_cast %get3A_1099 : vector<1x6400xf32> to vector<6400xf32>
    %mul3A_1101 = arith.mulf %get3A_1096, %get3A_1100 : vector<6400xf32>
    %get3A_1102 = arith.constant 6 : index
    %get3A_1103 = arith.constant 0 : index
    %get3A_1104 = vector.load %arg1[%get3A_1102, %get3A_1103] : memref<16x6400xf32, #tpu.memory_space<vmem>>, vector<1x6400xf32>
    %get3A_1105 = vector.shape_cast %get3A_1104 : vector<1x6400xf32> to vector<6400xf32>
    %get3A_1106 = arith.constant 4 : index
    %get3A_1107 = arith.constant 0 : index
    %get3A_1108 = vector.load %arg2[%get3A_1106, %get3A_1107] : memref<16x6400xf32, #tpu.memory_space<vmem>>, vector<1x6400xf32>
    %get3A_1109 = vector.shape_cast %get3A_1108 : vector<1x6400xf32> to vector<6400xf32>
    %mul3A_1110 = arith.mulf %get3A_1105, %get3A_1109 : vector<6400xf32>
    %add3A_1111 = arith.addf %mul3A_1083, %mul3A_1110 : vector<6400xf32>
    %get3A_1112 = arith.constant 6 : index
    %get3A_1113 = arith.constant 0 : index
    %get3A_1114 = vector.load %arg1[%get3A_1112, %get3A_1113] : memref<16x6400xf32, #tpu.memory_space<vmem>>, vector<1x6400xf32>
    %get3A_1115 = vector.shape_cast %get3A_1114 : vector<1x6400xf32> to vector<6400xf32>
    %get3A_1116 = arith.constant 4 : index
    %get3A_1117 = arith.constant 0 : index
    %get3A_1118 = vector.load %arg1[%get3A_1116, %get3A_1117] : memref<16x6400xf32, #tpu.memory_space<vmem>>, vector<1x6400xf32>
    %get3A_1119 = vector.shape_cast %get3A_1118 : vector<1x6400xf32> to vector<6400xf32>
    %mul3A_1120 = arith.mulf %get3A_1115, %get3A_1119 : vector<6400xf32>
    %add3A_1121 = arith.addf %mul3A_1092, %mul3A_1120 : vector<6400xf32>
    %get3A_1122 = arith.constant 6 : index
    %get3A_1123 = arith.constant 0 : index
    %get3A_1124 = vector.load %arg2[%get3A_1122, %get3A_1123] : memref<16x6400xf32, #tpu.memory_space<vmem>>, vector<1x6400xf32>
    %get3A_1125 = vector.shape_cast %get3A_1124 : vector<1x6400xf32> to vector<6400xf32>
    %get3A_1126 = arith.constant 4 : index
    %get3A_1127 = arith.constant 0 : index
    %get3A_1128 = vector.load %arg2[%get3A_1126, %get3A_1127] : memref<16x6400xf32, #tpu.memory_space<vmem>>, vector<1x6400xf32>
    %get3A_1129 = vector.shape_cast %get3A_1128 : vector<1x6400xf32> to vector<6400xf32>
    %mul3A_1130 = arith.mulf %get3A_1125, %get3A_1129 : vector<6400xf32>
    %add3A_1131 = arith.addf %mul3A_1101, %mul3A_1130 : vector<6400xf32>
    %get3A_1132 = arith.constant 10 : index
    %get3A_1133 = arith.constant 0 : index
    %get3A_1134 = vector.load %arg1[%get3A_1132, %get3A_1133] : memref<16x6400xf32, #tpu.memory_space<vmem>>, vector<1x6400xf32>
    %get3A_1135 = vector.shape_cast %get3A_1134 : vector<1x6400xf32> to vector<6400xf32>
    %get3A_1136 = arith.constant 8 : index
    %get3A_1137 = arith.constant 0 : index
    %get3A_1138 = vector.load %arg2[%get3A_1136, %get3A_1137] : memref<16x6400xf32, #tpu.memory_space<vmem>>, vector<1x6400xf32>
    %get3A_1139 = vector.shape_cast %get3A_1138 : vector<1x6400xf32> to vector<6400xf32>
    %mul3A_1140 = arith.mulf %get3A_1135, %get3A_1139 : vector<6400xf32>
    %add3A_1141 = arith.addf %add3A_1111, %mul3A_1140 : vector<6400xf32>
    %get3A_1142 = arith.constant 10 : index
    %get3A_1143 = arith.constant 0 : index
    %get3A_1144 = vector.load %arg1[%get3A_1142, %get3A_1143] : memref<16x6400xf32, #tpu.memory_space<vmem>>, vector<1x6400xf32>
    %get3A_1145 = vector.shape_cast %get3A_1144 : vector<1x6400xf32> to vector<6400xf32>
    %get3A_1146 = arith.constant 8 : index
    %get3A_1147 = arith.constant 0 : index
    %get3A_1148 = vector.load %arg1[%get3A_1146, %get3A_1147] : memref<16x6400xf32, #tpu.memory_space<vmem>>, vector<1x6400xf32>
    %get3A_1149 = vector.shape_cast %get3A_1148 : vector<1x6400xf32> to vector<6400xf32>
    %mul3A_1150 = arith.mulf %get3A_1145, %get3A_1149 : vector<6400xf32>
    %add3A_1151 = arith.addf %add3A_1121, %mul3A_1150 : vector<6400xf32>
    %get3A_1152 = arith.constant 10 : index
    %get3A_1153 = arith.constant 0 : index
    %get3A_1154 = vector.load %arg2[%get3A_1152, %get3A_1153] : memref<16x6400xf32, #tpu.memory_space<vmem>>, vector<1x6400xf32>
    %get3A_1155 = vector.shape_cast %get3A_1154 : vector<1x6400xf32> to vector<6400xf32>
    %get3A_1156 = arith.constant 8 : index
    %get3A_1157 = arith.constant 0 : index
    %get3A_1158 = vector.load %arg2[%get3A_1156, %get3A_1157] : memref<16x6400xf32, #tpu.memory_space<vmem>>, vector<1x6400xf32>
    %get3A_1159 = vector.shape_cast %get3A_1158 : vector<1x6400xf32> to vector<6400xf32>
    %mul3A_1160 = arith.mulf %get3A_1155, %get3A_1159 : vector<6400xf32>
    %add3A_1161 = arith.addf %add3A_1131, %mul3A_1160 : vector<6400xf32>
    %get3A_1162 = arith.constant 14 : index
    %get3A_1163 = arith.constant 0 : index
    %get3A_1164 = vector.load %arg1[%get3A_1162, %get3A_1163] : memref<16x6400xf32, #tpu.memory_space<vmem>>, vector<1x6400xf32>
    %get3A_1165 = vector.shape_cast %get3A_1164 : vector<1x6400xf32> to vector<6400xf32>
    %get3A_1166 = arith.constant 12 : index
    %get3A_1167 = arith.constant 0 : index
    %get3A_1168 = vector.load %arg2[%get3A_1166, %get3A_1167] : memref<16x6400xf32, #tpu.memory_space<vmem>>, vector<1x6400xf32>
    %get3A_1169 = vector.shape_cast %get3A_1168 : vector<1x6400xf32> to vector<6400xf32>
    %mul3A_1170 = arith.mulf %get3A_1165, %get3A_1169 : vector<6400xf32>
    %add3A_1171 = arith.addf %add3A_1141, %mul3A_1170 : vector<6400xf32>
    %get3A_1172 = arith.constant 14 : index
    %get3A_1173 = arith.constant 0 : index
    %get3A_1174 = vector.load %arg1[%get3A_1172, %get3A_1173] : memref<16x6400xf32, #tpu.memory_space<vmem>>, vector<1x6400xf32>
    %get3A_1175 = vector.shape_cast %get3A_1174 : vector<1x6400xf32> to vector<6400xf32>
    %get3A_1176 = arith.constant 12 : index
    %get3A_1177 = arith.constant 0 : index
    %get3A_1178 = vector.load %arg1[%get3A_1176, %get3A_1177] : memref<16x6400xf32, #tpu.memory_space<vmem>>, vector<1x6400xf32>
    %get3A_1179 = vector.shape_cast %get3A_1178 : vector<1x6400xf32> to vector<6400xf32>
    %mul3A_1180 = arith.mulf %get3A_1175, %get3A_1179 : vector<6400xf32>
    %add3A_1181 = arith.addf %add3A_1151, %mul3A_1180 : vector<6400xf32>
    %get3A_1182 = arith.constant 14 : index
    %get3A_1183 = arith.constant 0 : index
    %get3A_1184 = vector.load %arg2[%get3A_1182, %get3A_1183] : memref<16x6400xf32, #tpu.memory_space<vmem>>, vector<1x6400xf32>
    %get3A_1185 = vector.shape_cast %get3A_1184 : vector<1x6400xf32> to vector<6400xf32>
    %get3A_1186 = arith.constant 12 : index
    %get3A_1187 = arith.constant 0 : index
    %get3A_1188 = vector.load %arg2[%get3A_1186, %get3A_1187] : memref<16x6400xf32, #tpu.memory_space<vmem>>, vector<1x6400xf32>
    %get3A_1189 = vector.shape_cast %get3A_1188 : vector<1x6400xf32> to vector<6400xf32>
    %mul3A_1190 = arith.mulf %get3A_1185, %get3A_1189 : vector<6400xf32>
    %add3A_1191 = arith.addf %add3A_1161, %mul3A_1190 : vector<6400xf32>
    %neg3A_1192 = arith.constant 0.000000e+00 : f32
    %neg3A_1193 = vector.broadcast %neg3A_1192 : f32 to vector<6400xf32>
    %neg3A_1194 = arith.subf %neg3A_1193, %add3A_1171 : vector<6400xf32>
    %swap3A_1195 = arith.constant 8 : index
    %swap3A_1196 = arith.constant 0 : index
    %swap3A_1197 = vector.load %arg3[%swap3A_1195, %swap3A_1196] : memref<16x6400xf32, #tpu.memory_space<vmem>>, vector<1x6400xf32>
    %swap3A_1198 = vector.shape_cast %swap3A_1197 : vector<1x6400xf32> to vector<6400xf32>
    %swap3A_1199 = vector.shape_cast %neg3A_1194 : vector<6400xf32> to vector<1x6400xf32>
    tpu.vector_store %arg3[%swap3A_1195, %swap3A_1196], %swap3A_1199 {strides = array<i32>} : memref<16x6400xf32, #tpu.memory_space<vmem>>, vector<1x6400xf32>,
    %swap3A_1200 = arith.constant 8 : index
    %swap3A_1201 = arith.constant 0 : index
    %swap3A_1202 = vector.load %arg4[%swap3A_1200, %swap3A_1201] : memref<16x6400xf32, #tpu.memory_space<vmem>>, vector<1x6400xf32>
    %swap3A_1203 = vector.shape_cast %swap3A_1202 : vector<1x6400xf32> to vector<6400xf32>
    %swap3A_1204 = vector.shape_cast %add3A_1181 : vector<6400xf32> to vector<1x6400xf32>
    tpu.vector_store %arg4[%swap3A_1200, %swap3A_1201], %swap3A_1204 {strides = array<i32>} : memref<16x6400xf32, #tpu.memory_space<vmem>>, vector<1x6400xf32>,
    %swap3A_1205 = arith.constant 8 : index
    %swap3A_1206 = arith.constant 0 : index
    %swap3A_1207 = vector.load %arg5[%swap3A_1205, %swap3A_1206] : memref<16x6400xf32, #tpu.memory_space<vmem>>, vector<1x6400xf32>
    %swap3A_1208 = vector.shape_cast %swap3A_1207 : vector<1x6400xf32> to vector<6400xf32>
    %swap3A_1209 = vector.shape_cast %add3A_1191 : vector<6400xf32> to vector<1x6400xf32>
    tpu.vector_store %arg5[%swap3A_1205, %swap3A_1206], %swap3A_1209 {strides = array<i32>} : memref<16x6400xf32, #tpu.memory_space<vmem>>, vector<1x6400xf32>,
    %get3A_1210 = arith.constant 2 : index
    %get3A_1211 = arith.constant 0 : index
    %get3A_1212 = vector.load %arg1[%get3A_1210, %get3A_1211] : memref<16x6400xf32, #tpu.memory_space<vmem>>, vector<1x6400xf32>
    %get3A_1213 = vector.shape_cast %get3A_1212 : vector<1x6400xf32> to vector<6400xf32>
    %get3A_1214 = arith.constant 1 : index
    %get3A_1215 = arith.constant 0 : index
    %get3A_1216 = vector.load %arg2[%get3A_1214, %get3A_1215] : memref<16x6400xf32, #tpu.memory_space<vmem>>, vector<1x6400xf32>
    %get3A_1217 = vector.shape_cast %get3A_1216 : vector<1x6400xf32> to vector<6400xf32>
    %mul3A_1218 = arith.mulf %get3A_1213, %get3A_1217 : vector<6400xf32>
    %get3A_1219 = arith.constant 2 : index
    %get3A_1220 = arith.constant 0 : index
    %get3A_1221 = vector.load %arg1[%get3A_1219, %get3A_1220] : memref<16x6400xf32, #tpu.memory_space<vmem>>, vector<1x6400xf32>
    %get3A_1222 = vector.shape_cast %get3A_1221 : vector<1x6400xf32> to vector<6400xf32>
    %get3A_1223 = arith.constant 1 : index
    %get3A_1224 = arith.constant 0 : index
    %get3A_1225 = vector.load %arg1[%get3A_1223, %get3A_1224] : memref<16x6400xf32, #tpu.memory_space<vmem>>, vector<1x6400xf32>
    %get3A_1226 = vector.shape_cast %get3A_1225 : vector<1x6400xf32> to vector<6400xf32>
    %mul3A_1227 = arith.mulf %get3A_1222, %get3A_1226 : vector<6400xf32>
    %get3A_1228 = arith.constant 2 : index
    %get3A_1229 = arith.constant 0 : index
    %get3A_1230 = vector.load %arg2[%get3A_1228, %get3A_1229] : memref<16x6400xf32, #tpu.memory_space<vmem>>, vector<1x6400xf32>
    %get3A_1231 = vector.shape_cast %get3A_1230 : vector<1x6400xf32> to vector<6400xf32>
    %get3A_1232 = arith.constant 1 : index
    %get3A_1233 = arith.constant 0 : index
    %get3A_1234 = vector.load %arg2[%get3A_1232, %get3A_1233] : memref<16x6400xf32, #tpu.memory_space<vmem>>, vector<1x6400xf32>
    %get3A_1235 = vector.shape_cast %get3A_1234 : vector<1x6400xf32> to vector<6400xf32>
    %mul3A_1236 = arith.mulf %get3A_1231, %get3A_1235 : vector<6400xf32>
    %get3A_1237 = arith.constant 6 : index
    %get3A_1238 = arith.constant 0 : index
    %get3A_1239 = vector.load %arg1[%get3A_1237, %get3A_1238] : memref<16x6400xf32, #tpu.memory_space<vmem>>, vector<1x6400xf32>
    %get3A_1240 = vector.shape_cast %get3A_1239 : vector<1x6400xf32> to vector<6400xf32>
    %get3A_1241 = arith.constant 5 : index
    %get3A_1242 = arith.constant 0 : index
    %get3A_1243 = vector.load %arg2[%get3A_1241, %get3A_1242] : memref<16x6400xf32, #tpu.memory_space<vmem>>, vector<1x6400xf32>
    %get3A_1244 = vector.shape_cast %get3A_1243 : vector<1x6400xf32> to vector<6400xf32>
    %mul3A_1245 = arith.mulf %get3A_1240, %get3A_1244 : vector<6400xf32>
    %add3A_1246 = arith.addf %mul3A_1218, %mul3A_1245 : vector<6400xf32>
    %get3A_1247 = arith.constant 6 : index
    %get3A_1248 = arith.constant 0 : index
    %get3A_1249 = vector.load %arg1[%get3A_1247, %get3A_1248] : memref<16x6400xf32, #tpu.memory_space<vmem>>, vector<1x6400xf32>
    %get3A_1250 = vector.shape_cast %get3A_1249 : vector<1x6400xf32> to vector<6400xf32>
    %get3A_1251 = arith.constant 5 : index
    %get3A_1252 = arith.constant 0 : index
    %get3A_1253 = vector.load %arg1[%get3A_1251, %get3A_1252] : memref<16x6400xf32, #tpu.memory_space<vmem>>, vector<1x6400xf32>
    %get3A_1254 = vector.shape_cast %get3A_1253 : vector<1x6400xf32> to vector<6400xf32>
    %mul3A_1255 = arith.mulf %get3A_1250, %get3A_1254 : vector<6400xf32>
    %add3A_1256 = arith.addf %mul3A_1227, %mul3A_1255 : vector<6400xf32>
    %get3A_1257 = arith.constant 6 : index
    %get3A_1258 = arith.constant 0 : index
    %get3A_1259 = vector.load %arg2[%get3A_1257, %get3A_1258] : memref<16x6400xf32, #tpu.memory_space<vmem>>, vector<1x6400xf32>
    %get3A_1260 = vector.shape_cast %get3A_1259 : vector<1x6400xf32> to vector<6400xf32>
    %get3A_1261 = arith.constant 5 : index
    %get3A_1262 = arith.constant 0 : index
    %get3A_1263 = vector.load %arg2[%get3A_1261, %get3A_1262] : memref<16x6400xf32, #tpu.memory_space<vmem>>, vector<1x6400xf32>
    %get3A_1264 = vector.shape_cast %get3A_1263 : vector<1x6400xf32> to vector<6400xf32>
    %mul3A_1265 = arith.mulf %get3A_1260, %get3A_1264 : vector<6400xf32>
    %add3A_1266 = arith.addf %mul3A_1236, %mul3A_1265 : vector<6400xf32>
    %get3A_1267 = arith.constant 10 : index
    %get3A_1268 = arith.constant 0 : index
    %get3A_1269 = vector.load %arg1[%get3A_1267, %get3A_1268] : memref<16x6400xf32, #tpu.memory_space<vmem>>, vector<1x6400xf32>
    %get3A_1270 = vector.shape_cast %get3A_1269 : vector<1x6400xf32> to vector<6400xf32>
    %get3A_1271 = arith.constant 9 : index
    %get3A_1272 = arith.constant 0 : index
    %get3A_1273 = vector.load %arg2[%get3A_1271, %get3A_1272] : memref<16x6400xf32, #tpu.memory_space<vmem>>, vector<1x6400xf32>
    %get3A_1274 = vector.shape_cast %get3A_1273 : vector<1x6400xf32> to vector<6400xf32>
    %mul3A_1275 = arith.mulf %get3A_1270, %get3A_1274 : vector<6400xf32>
    %add3A_1276 = arith.addf %add3A_1246, %mul3A_1275 : vector<6400xf32>
    %get3A_1277 = arith.constant 10 : index
    %get3A_1278 = arith.constant 0 : index
    %get3A_1279 = vector.load %arg1[%get3A_1277, %get3A_1278] : memref<16x6400xf32, #tpu.memory_space<vmem>>, vector<1x6400xf32>
    %get3A_1280 = vector.shape_cast %get3A_1279 : vector<1x6400xf32> to vector<6400xf32>
    %get3A_1281 = arith.constant 9 : index
    %get3A_1282 = arith.constant 0 : index
    %get3A_1283 = vector.load %arg1[%get3A_1281, %get3A_1282] : memref<16x6400xf32, #tpu.memory_space<vmem>>, vector<1x6400xf32>
    %get3A_1284 = vector.shape_cast %get3A_1283 : vector<1x6400xf32> to vector<6400xf32>
    %mul3A_1285 = arith.mulf %get3A_1280, %get3A_1284 : vector<6400xf32>
    %add3A_1286 = arith.addf %add3A_1256, %mul3A_1285 : vector<6400xf32>
    %get3A_1287 = arith.constant 10 : index
    %get3A_1288 = arith.constant 0 : index
    %get3A_1289 = vector.load %arg2[%get3A_1287, %get3A_1288] : memref<16x6400xf32, #tpu.memory_space<vmem>>, vector<1x6400xf32>
    %get3A_1290 = vector.shape_cast %get3A_1289 : vector<1x6400xf32> to vector<6400xf32>
    %get3A_1291 = arith.constant 9 : index
    %get3A_1292 = arith.constant 0 : index
    %get3A_1293 = vector.load %arg2[%get3A_1291, %get3A_1292] : memref<16x6400xf32, #tpu.memory_space<vmem>>, vector<1x6400xf32>
    %get3A_1294 = vector.shape_cast %get3A_1293 : vector<1x6400xf32> to vector<6400xf32>
    %mul3A_1295 = arith.mulf %get3A_1290, %get3A_1294 : vector<6400xf32>
    %add3A_1296 = arith.addf %add3A_1266, %mul3A_1295 : vector<6400xf32>
    %get3A_1297 = arith.constant 14 : index
    %get3A_1298 = arith.constant 0 : index
    %get3A_1299 = vector.load %arg1[%get3A_1297, %get3A_1298] : memref<16x6400xf32, #tpu.memory_space<vmem>>, vector<1x6400xf32>
    %get3A_1300 = vector.shape_cast %get3A_1299 : vector<1x6400xf32> to vector<6400xf32>
    %get3A_1301 = arith.constant 13 : index
    %get3A_1302 = arith.constant 0 : index
    %get3A_1303 = vector.load %arg2[%get3A_1301, %get3A_1302] : memref<16x6400xf32, #tpu.memory_space<vmem>>, vector<1x6400xf32>
    %get3A_1304 = vector.shape_cast %get3A_1303 : vector<1x6400xf32> to vector<6400xf32>
    %mul3A_1305 = arith.mulf %get3A_1300, %get3A_1304 : vector<6400xf32>
    %add3A_1306 = arith.addf %add3A_1276, %mul3A_1305 : vector<6400xf32>
    %get3A_1307 = arith.constant 14 : index
    %get3A_1308 = arith.constant 0 : index
    %get3A_1309 = vector.load %arg1[%get3A_1307, %get3A_1308] : memref<16x6400xf32, #tpu.memory_space<vmem>>, vector<1x6400xf32>
    %get3A_1310 = vector.shape_cast %get3A_1309 : vector<1x6400xf32> to vector<6400xf32>
    %get3A_1311 = arith.constant 13 : index
    %get3A_1312 = arith.constant 0 : index
    %get3A_1313 = vector.load %arg1[%get3A_1311, %get3A_1312] : memref<16x6400xf32, #tpu.memory_space<vmem>>, vector<1x6400xf32>
    %get3A_1314 = vector.shape_cast %get3A_1313 : vector<1x6400xf32> to vector<6400xf32>
    %mul3A_1315 = arith.mulf %get3A_1310, %get3A_1314 : vector<6400xf32>
    %add3A_1316 = arith.addf %add3A_1286, %mul3A_1315 : vector<6400xf32>
    %get3A_1317 = arith.constant 14 : index
    %get3A_1318 = arith.constant 0 : index
    %get3A_1319 = vector.load %arg2[%get3A_1317, %get3A_1318] : memref<16x6400xf32, #tpu.memory_space<vmem>>, vector<1x6400xf32>
    %get3A_1320 = vector.shape_cast %get3A_1319 : vector<1x6400xf32> to vector<6400xf32>
    %get3A_1321 = arith.constant 13 : index
    %get3A_1322 = arith.constant 0 : index
    %get3A_1323 = vector.load %arg2[%get3A_1321, %get3A_1322] : memref<16x6400xf32, #tpu.memory_space<vmem>>, vector<1x6400xf32>
    %get3A_1324 = vector.shape_cast %get3A_1323 : vector<1x6400xf32> to vector<6400xf32>
    %mul3A_1325 = arith.mulf %get3A_1320, %get3A_1324 : vector<6400xf32>
    %add3A_1326 = arith.addf %add3A_1296, %mul3A_1325 : vector<6400xf32>
    %neg3A_1327 = arith.constant 0.000000e+00 : f32
    %neg3A_1328 = vector.broadcast %neg3A_1327 : f32 to vector<6400xf32>
    %neg3A_1329 = arith.subf %neg3A_1328, %add3A_1306 : vector<6400xf32>
    %swap3A_1330 = arith.constant 9 : index
    %swap3A_1331 = arith.constant 0 : index
    %swap3A_1332 = vector.load %arg3[%swap3A_1330, %swap3A_1331] : memref<16x6400xf32, #tpu.memory_space<vmem>>, vector<1x6400xf32>
    %swap3A_1333 = vector.shape_cast %swap3A_1332 : vector<1x6400xf32> to vector<6400xf32>
    %swap3A_1334 = vector.shape_cast %neg3A_1329 : vector<6400xf32> to vector<1x6400xf32>
    tpu.vector_store %arg3[%swap3A_1330, %swap3A_1331], %swap3A_1334 {strides = array<i32>} : memref<16x6400xf32, #tpu.memory_space<vmem>>, vector<1x6400xf32>,
    %swap3A_1335 = arith.constant 9 : index
    %swap3A_1336 = arith.constant 0 : index
    %swap3A_1337 = vector.load %arg4[%swap3A_1335, %swap3A_1336] : memref<16x6400xf32, #tpu.memory_space<vmem>>, vector<1x6400xf32>
    %swap3A_1338 = vector.shape_cast %swap3A_1337 : vector<1x6400xf32> to vector<6400xf32>
    %swap3A_1339 = vector.shape_cast %add3A_1316 : vector<6400xf32> to vector<1x6400xf32>
    tpu.vector_store %arg4[%swap3A_1335, %swap3A_1336], %swap3A_1339 {strides = array<i32>} : memref<16x6400xf32, #tpu.memory_space<vmem>>, vector<1x6400xf32>,
    %swap3A_1340 = arith.constant 9 : index
    %swap3A_1341 = arith.constant 0 : index
    %swap3A_1342 = vector.load %arg5[%swap3A_1340, %swap3A_1341] : memref<16x6400xf32, #tpu.memory_space<vmem>>, vector<1x6400xf32>
    %swap3A_1343 = vector.shape_cast %swap3A_1342 : vector<1x6400xf32> to vector<6400xf32>
    %swap3A_1344 = vector.shape_cast %add3A_1326 : vector<6400xf32> to vector<1x6400xf32>
    tpu.vector_store %arg5[%swap3A_1340, %swap3A_1341], %swap3A_1344 {strides = array<i32>} : memref<16x6400xf32, #tpu.memory_space<vmem>>, vector<1x6400xf32>,
    %get3A_1345 = arith.constant 2 : index
    %get3A_1346 = arith.constant 0 : index
    %get3A_1347 = vector.load %arg1[%get3A_1345, %get3A_1346] : memref<16x6400xf32, #tpu.memory_space<vmem>>, vector<1x6400xf32>
    %get3A_1348 = vector.shape_cast %get3A_1347 : vector<1x6400xf32> to vector<6400xf32>
    %get3A_1349 = arith.constant 2 : index
    %get3A_1350 = arith.constant 0 : index
    %get3A_1351 = vector.load %arg2[%get3A_1349, %get3A_1350] : memref<16x6400xf32, #tpu.memory_space<vmem>>, vector<1x6400xf32>
    %get3A_1352 = vector.shape_cast %get3A_1351 : vector<1x6400xf32> to vector<6400xf32>
    %mul3A_1353 = arith.mulf %get3A_1348, %get3A_1352 : vector<6400xf32>
    %get3A_1354 = arith.constant 2 : index
    %get3A_1355 = arith.constant 0 : index
    %get3A_1356 = vector.load %arg1[%get3A_1354, %get3A_1355] : memref<16x6400xf32, #tpu.memory_space<vmem>>, vector<1x6400xf32>
    %get3A_1357 = vector.shape_cast %get3A_1356 : vector<1x6400xf32> to vector<6400xf32>
    %get3A_1358 = arith.constant 2 : index
    %get3A_1359 = arith.constant 0 : index
    %get3A_1360 = vector.load %arg1[%get3A_1358, %get3A_1359] : memref<16x6400xf32, #tpu.memory_space<vmem>>, vector<1x6400xf32>
    %get3A_1361 = vector.shape_cast %get3A_1360 : vector<1x6400xf32> to vector<6400xf32>
    %mul3A_1362 = arith.mulf %get3A_1357, %get3A_1361 : vector<6400xf32>
    %get3A_1363 = arith.constant 2 : index
    %get3A_1364 = arith.constant 0 : index
    %get3A_1365 = vector.load %arg2[%get3A_1363, %get3A_1364] : memref<16x6400xf32, #tpu.memory_space<vmem>>, vector<1x6400xf32>
    %get3A_1366 = vector.shape_cast %get3A_1365 : vector<1x6400xf32> to vector<6400xf32>
    %get3A_1367 = arith.constant 2 : index
    %get3A_1368 = arith.constant 0 : index
    %get3A_1369 = vector.load %arg2[%get3A_1367, %get3A_1368] : memref<16x6400xf32, #tpu.memory_space<vmem>>, vector<1x6400xf32>
    %get3A_1370 = vector.shape_cast %get3A_1369 : vector<1x6400xf32> to vector<6400xf32>
    %mul3A_1371 = arith.mulf %get3A_1366, %get3A_1370 : vector<6400xf32>
    %get3A_1372 = arith.constant 6 : index
    %get3A_1373 = arith.constant 0 : index
    %get3A_1374 = vector.load %arg1[%get3A_1372, %get3A_1373] : memref<16x6400xf32, #tpu.memory_space<vmem>>, vector<1x6400xf32>
    %get3A_1375 = vector.shape_cast %get3A_1374 : vector<1x6400xf32> to vector<6400xf32>
    %get3A_1376 = arith.constant 6 : index
    %get3A_1377 = arith.constant 0 : index
    %get3A_1378 = vector.load %arg2[%get3A_1376, %get3A_1377] : memref<16x6400xf32, #tpu.memory_space<vmem>>, vector<1x6400xf32>
    %get3A_1379 = vector.shape_cast %get3A_1378 : vector<1x6400xf32> to vector<6400xf32>
    %mul3A_1380 = arith.mulf %get3A_1375, %get3A_1379 : vector<6400xf32>
    %add3A_1381 = arith.addf %mul3A_1353, %mul3A_1380 : vector<6400xf32>
    %get3A_1382 = arith.constant 6 : index
    %get3A_1383 = arith.constant 0 : index
    %get3A_1384 = vector.load %arg1[%get3A_1382, %get3A_1383] : memref<16x6400xf32, #tpu.memory_space<vmem>>, vector<1x6400xf32>
    %get3A_1385 = vector.shape_cast %get3A_1384 : vector<1x6400xf32> to vector<6400xf32>
    %get3A_1386 = arith.constant 6 : index
    %get3A_1387 = arith.constant 0 : index
    %get3A_1388 = vector.load %arg1[%get3A_1386, %get3A_1387] : memref<16x6400xf32, #tpu.memory_space<vmem>>, vector<1x6400xf32>
    %get3A_1389 = vector.shape_cast %get3A_1388 : vector<1x6400xf32> to vector<6400xf32>
    %mul3A_1390 = arith.mulf %get3A_1385, %get3A_1389 : vector<6400xf32>
    %add3A_1391 = arith.addf %mul3A_1362, %mul3A_1390 : vector<6400xf32>
    %get3A_1392 = arith.constant 6 : index
    %get3A_1393 = arith.constant 0 : index
    %get3A_1394 = vector.load %arg2[%get3A_1392, %get3A_1393] : memref<16x6400xf32, #tpu.memory_space<vmem>>, vector<1x6400xf32>
    %get3A_1395 = vector.shape_cast %get3A_1394 : vector<1x6400xf32> to vector<6400xf32>
    %get3A_1396 = arith.constant 6 : index
    %get3A_1397 = arith.constant 0 : index
    %get3A_1398 = vector.load %arg2[%get3A_1396, %get3A_1397] : memref<16x6400xf32, #tpu.memory_space<vmem>>, vector<1x6400xf32>
    %get3A_1399 = vector.shape_cast %get3A_1398 : vector<1x6400xf32> to vector<6400xf32>
    %mul3A_1400 = arith.mulf %get3A_1395, %get3A_1399 : vector<6400xf32>
    %add3A_1401 = arith.addf %mul3A_1371, %mul3A_1400 : vector<6400xf32>
    %get3A_1402 = arith.constant 10 : index
    %get3A_1403 = arith.constant 0 : index
    %get3A_1404 = vector.load %arg1[%get3A_1402, %get3A_1403] : memref<16x6400xf32, #tpu.memory_space<vmem>>, vector<1x6400xf32>
    %get3A_1405 = vector.shape_cast %get3A_1404 : vector<1x6400xf32> to vector<6400xf32>
    %get3A_1406 = arith.constant 10 : index
    %get3A_1407 = arith.constant 0 : index
    %get3A_1408 = vector.load %arg2[%get3A_1406, %get3A_1407] : memref<16x6400xf32, #tpu.memory_space<vmem>>, vector<1x6400xf32>
    %get3A_1409 = vector.shape_cast %get3A_1408 : vector<1x6400xf32> to vector<6400xf32>
    %mul3A_1410 = arith.mulf %get3A_1405, %get3A_1409 : vector<6400xf32>
    %add3A_1411 = arith.addf %add3A_1381, %mul3A_1410 : vector<6400xf32>
    %get3A_1412 = arith.constant 10 : index
    %get3A_1413 = arith.constant 0 : index
    %get3A_1414 = vector.load %arg1[%get3A_1412, %get3A_1413] : memref<16x6400xf32, #tpu.memory_space<vmem>>, vector<1x6400xf32>
    %get3A_1415 = vector.shape_cast %get3A_1414 : vector<1x6400xf32> to vector<6400xf32>
    %get3A_1416 = arith.constant 10 : index
    %get3A_1417 = arith.constant 0 : index
    %get3A_1418 = vector.load %arg1[%get3A_1416, %get3A_1417] : memref<16x6400xf32, #tpu.memory_space<vmem>>, vector<1x6400xf32>
    %get3A_1419 = vector.shape_cast %get3A_1418 : vector<1x6400xf32> to vector<6400xf32>
    %mul3A_1420 = arith.mulf %get3A_1415, %get3A_1419 : vector<6400xf32>
    %add3A_1421 = arith.addf %add3A_1391, %mul3A_1420 : vector<6400xf32>
    %get3A_1422 = arith.constant 10 : index
    %get3A_1423 = arith.constant 0 : index
    %get3A_1424 = vector.load %arg2[%get3A_1422, %get3A_1423] : memref<16x6400xf32, #tpu.memory_space<vmem>>, vector<1x6400xf32>
    %get3A_1425 = vector.shape_cast %get3A_1424 : vector<1x6400xf32> to vector<6400xf32>
    %get3A_1426 = arith.constant 10 : index
    %get3A_1427 = arith.constant 0 : index
    %get3A_1428 = vector.load %arg2[%get3A_1426, %get3A_1427] : memref<16x6400xf32, #tpu.memory_space<vmem>>, vector<1x6400xf32>
    %get3A_1429 = vector.shape_cast %get3A_1428 : vector<1x6400xf32> to vector<6400xf32>
    %mul3A_1430 = arith.mulf %get3A_1425, %get3A_1429 : vector<6400xf32>
    %add3A_1431 = arith.addf %add3A_1401, %mul3A_1430 : vector<6400xf32>
    %get3A_1432 = arith.constant 14 : index
    %get3A_1433 = arith.constant 0 : index
    %get3A_1434 = vector.load %arg1[%get3A_1432, %get3A_1433] : memref<16x6400xf32, #tpu.memory_space<vmem>>, vector<1x6400xf32>
    %get3A_1435 = vector.shape_cast %get3A_1434 : vector<1x6400xf32> to vector<6400xf32>
    %get3A_1436 = arith.constant 14 : index
    %get3A_1437 = arith.constant 0 : index
    %get3A_1438 = vector.load %arg2[%get3A_1436, %get3A_1437] : memref<16x6400xf32, #tpu.memory_space<vmem>>, vector<1x6400xf32>
    %get3A_1439 = vector.shape_cast %get3A_1438 : vector<1x6400xf32> to vector<6400xf32>
    %mul3A_1440 = arith.mulf %get3A_1435, %get3A_1439 : vector<6400xf32>
    %add3A_1441 = arith.addf %add3A_1411, %mul3A_1440 : vector<6400xf32>
    %get3A_1442 = arith.constant 14 : index
    %get3A_1443 = arith.constant 0 : index
    %get3A_1444 = vector.load %arg1[%get3A_1442, %get3A_1443] : memref<16x6400xf32, #tpu.memory_space<vmem>>, vector<1x6400xf32>
    %get3A_1445 = vector.shape_cast %get3A_1444 : vector<1x6400xf32> to vector<6400xf32>
    %get3A_1446 = arith.constant 14 : index
    %get3A_1447 = arith.constant 0 : index
    %get3A_1448 = vector.load %arg1[%get3A_1446, %get3A_1447] : memref<16x6400xf32, #tpu.memory_space<vmem>>, vector<1x6400xf32>
    %get3A_1449 = vector.shape_cast %get3A_1448 : vector<1x6400xf32> to vector<6400xf32>
    %mul3A_1450 = arith.mulf %get3A_1445, %get3A_1449 : vector<6400xf32>
    %add3A_1451 = arith.addf %add3A_1421, %mul3A_1450 : vector<6400xf32>
    %get3A_1452 = arith.constant 14 : index
    %get3A_1453 = arith.constant 0 : index
    %get3A_1454 = vector.load %arg2[%get3A_1452, %get3A_1453] : memref<16x6400xf32, #tpu.memory_space<vmem>>, vector<1x6400xf32>
    %get3A_1455 = vector.shape_cast %get3A_1454 : vector<1x6400xf32> to vector<6400xf32>
    %get3A_1456 = arith.constant 14 : index
    %get3A_1457 = arith.constant 0 : index
    %get3A_1458 = vector.load %arg2[%get3A_1456, %get3A_1457] : memref<16x6400xf32, #tpu.memory_space<vmem>>, vector<1x6400xf32>
    %get3A_1459 = vector.shape_cast %get3A_1458 : vector<1x6400xf32> to vector<6400xf32>
    %mul3A_1460 = arith.mulf %get3A_1455, %get3A_1459 : vector<6400xf32>
    %add3A_1461 = arith.addf %add3A_1431, %mul3A_1460 : vector<6400xf32>
    %neg3A_1462 = arith.constant 0.000000e+00 : f32
    %neg3A_1463 = vector.broadcast %neg3A_1462 : f32 to vector<6400xf32>
    %neg3A_1464 = arith.subf %neg3A_1463, %add3A_1441 : vector<6400xf32>
    %swap3A_1465 = arith.constant 10 : index
    %swap3A_1466 = arith.constant 0 : index
    %swap3A_1467 = vector.load %arg3[%swap3A_1465, %swap3A_1466] : memref<16x6400xf32, #tpu.memory_space<vmem>>, vector<1x6400xf32>
    %swap3A_1468 = vector.shape_cast %swap3A_1467 : vector<1x6400xf32> to vector<6400xf32>
    %swap3A_1469 = vector.shape_cast %neg3A_1464 : vector<6400xf32> to vector<1x6400xf32>
    tpu.vector_store %arg3[%swap3A_1465, %swap3A_1466], %swap3A_1469 {strides = array<i32>} : memref<16x6400xf32, #tpu.memory_space<vmem>>, vector<1x6400xf32>,
    %swap3A_1470 = arith.constant 10 : index
    %swap3A_1471 = arith.constant 0 : index
    %swap3A_1472 = vector.load %arg4[%swap3A_1470, %swap3A_1471] : memref<16x6400xf32, #tpu.memory_space<vmem>>, vector<1x6400xf32>
    %swap3A_1473 = vector.shape_cast %swap3A_1472 : vector<1x6400xf32> to vector<6400xf32>
    %swap3A_1474 = vector.shape_cast %add3A_1451 : vector<6400xf32> to vector<1x6400xf32>
    tpu.vector_store %arg4[%swap3A_1470, %swap3A_1471], %swap3A_1474 {strides = array<i32>} : memref<16x6400xf32, #tpu.memory_space<vmem>>, vector<1x6400xf32>,
    %swap3A_1475 = arith.constant 10 : index
    %swap3A_1476 = arith.constant 0 : index
    %swap3A_1477 = vector.load %arg5[%swap3A_1475, %swap3A_1476] : memref<16x6400xf32, #tpu.memory_space<vmem>>, vector<1x6400xf32>
    %swap3A_1478 = vector.shape_cast %swap3A_1477 : vector<1x6400xf32> to vector<6400xf32>
    %swap3A_1479 = vector.shape_cast %add3A_1461 : vector<6400xf32> to vector<1x6400xf32>
    tpu.vector_store %arg5[%swap3A_1475, %swap3A_1476], %swap3A_1479 {strides = array<i32>} : memref<16x6400xf32, #tpu.memory_space<vmem>>, vector<1x6400xf32>,
    %get3A_1480 = arith.constant 2 : index
    %get3A_1481 = arith.constant 0 : index
    %get3A_1482 = vector.load %arg1[%get3A_1480, %get3A_1481] : memref<16x6400xf32, #tpu.memory_space<vmem>>, vector<1x6400xf32>
    %get3A_1483 = vector.shape_cast %get3A_1482 : vector<1x6400xf32> to vector<6400xf32>
    %get3A_1484 = arith.constant 3 : index
    %get3A_1485 = arith.constant 0 : index
    %get3A_1486 = vector.load %arg2[%get3A_1484, %get3A_1485] : memref<16x6400xf32, #tpu.memory_space<vmem>>, vector<1x6400xf32>
    %get3A_1487 = vector.shape_cast %get3A_1486 : vector<1x6400xf32> to vector<6400xf32>
    %mul3A_1488 = arith.mulf %get3A_1483, %get3A_1487 : vector<6400xf32>
    %get3A_1489 = arith.constant 2 : index
    %get3A_1490 = arith.constant 0 : index
    %get3A_1491 = vector.load %arg1[%get3A_1489, %get3A_1490] : memref<16x6400xf32, #tpu.memory_space<vmem>>, vector<1x6400xf32>
    %get3A_1492 = vector.shape_cast %get3A_1491 : vector<1x6400xf32> to vector<6400xf32>
    %get3A_1493 = arith.constant 3 : index
    %get3A_1494 = arith.constant 0 : index
    %get3A_1495 = vector.load %arg1[%get3A_1493, %get3A_1494] : memref<16x6400xf32, #tpu.memory_space<vmem>>, vector<1x6400xf32>
    %get3A_1496 = vector.shape_cast %get3A_1495 : vector<1x6400xf32> to vector<6400xf32>
    %mul3A_1497 = arith.mulf %get3A_1492, %get3A_1496 : vector<6400xf32>
    %get3A_1498 = arith.constant 2 : index
    %get3A_1499 = arith.constant 0 : index
    %get3A_1500 = vector.load %arg2[%get3A_1498, %get3A_1499] : memref<16x6400xf32, #tpu.memory_space<vmem>>, vector<1x6400xf32>
    %get3A_1501 = vector.shape_cast %get3A_1500 : vector<1x6400xf32> to vector<6400xf32>
    %get3A_1502 = arith.constant 3 : index
    %get3A_1503 = arith.constant 0 : index
    %get3A_1504 = vector.load %arg2[%get3A_1502, %get3A_1503] : memref<16x6400xf32, #tpu.memory_space<vmem>>, vector<1x6400xf32>
    %get3A_1505 = vector.shape_cast %get3A_1504 : vector<1x6400xf32> to vector<6400xf32>
    %mul3A_1506 = arith.mulf %get3A_1501, %get3A_1505 : vector<6400xf32>
    %get3A_1507 = arith.constant 6 : index
    %get3A_1508 = arith.constant 0 : index
    %get3A_1509 = vector.load %arg1[%get3A_1507, %get3A_1508] : memref<16x6400xf32, #tpu.memory_space<vmem>>, vector<1x6400xf32>
    %get3A_1510 = vector.shape_cast %get3A_1509 : vector<1x6400xf32> to vector<6400xf32>
    %get3A_1511 = arith.constant 7 : index
    %get3A_1512 = arith.constant 0 : index
    %get3A_1513 = vector.load %arg2[%get3A_1511, %get3A_1512] : memref<16x6400xf32, #tpu.memory_space<vmem>>, vector<1x6400xf32>
    %get3A_1514 = vector.shape_cast %get3A_1513 : vector<1x6400xf32> to vector<6400xf32>
    %mul3A_1515 = arith.mulf %get3A_1510, %get3A_1514 : vector<6400xf32>
    %add3A_1516 = arith.addf %mul3A_1488, %mul3A_1515 : vector<6400xf32>
    %get3A_1517 = arith.constant 6 : index
    %get3A_1518 = arith.constant 0 : index
    %get3A_1519 = vector.load %arg1[%get3A_1517, %get3A_1518] : memref<16x6400xf32, #tpu.memory_space<vmem>>, vector<1x6400xf32>
    %get3A_1520 = vector.shape_cast %get3A_1519 : vector<1x6400xf32> to vector<6400xf32>
    %get3A_1521 = arith.constant 7 : index
    %get3A_1522 = arith.constant 0 : index
    %get3A_1523 = vector.load %arg1[%get3A_1521, %get3A_1522] : memref<16x6400xf32, #tpu.memory_space<vmem>>, vector<1x6400xf32>
    %get3A_1524 = vector.shape_cast %get3A_1523 : vector<1x6400xf32> to vector<6400xf32>
    %mul3A_1525 = arith.mulf %get3A_1520, %get3A_1524 : vector<6400xf32>
    %add3A_1526 = arith.addf %mul3A_1497, %mul3A_1525 : vector<6400xf32>
    %get3A_1527 = arith.constant 6 : index
    %get3A_1528 = arith.constant 0 : index
    %get3A_1529 = vector.load %arg2[%get3A_1527, %get3A_1528] : memref<16x6400xf32, #tpu.memory_space<vmem>>, vector<1x6400xf32>
    %get3A_1530 = vector.shape_cast %get3A_1529 : vector<1x6400xf32> to vector<6400xf32>
    %get3A_1531 = arith.constant 7 : index
    %get3A_1532 = arith.constant 0 : index
    %get3A_1533 = vector.load %arg2[%get3A_1531, %get3A_1532] : memref<16x6400xf32, #tpu.memory_space<vmem>>, vector<1x6400xf32>
    %get3A_1534 = vector.shape_cast %get3A_1533 : vector<1x6400xf32> to vector<6400xf32>
    %mul3A_1535 = arith.mulf %get3A_1530, %get3A_1534 : vector<6400xf32>
    %add3A_1536 = arith.addf %mul3A_1506, %mul3A_1535 : vector<6400xf32>
    %get3A_1537 = arith.constant 10 : index
    %get3A_1538 = arith.constant 0 : index
    %get3A_1539 = vector.load %arg1[%get3A_1537, %get3A_1538] : memref<16x6400xf32, #tpu.memory_space<vmem>>, vector<1x6400xf32>
    %get3A_1540 = vector.shape_cast %get3A_1539 : vector<1x6400xf32> to vector<6400xf32>
    %get3A_1541 = arith.constant 11 : index
    %get3A_1542 = arith.constant 0 : index
    %get3A_1543 = vector.load %arg2[%get3A_1541, %get3A_1542] : memref<16x6400xf32, #tpu.memory_space<vmem>>, vector<1x6400xf32>
    %get3A_1544 = vector.shape_cast %get3A_1543 : vector<1x6400xf32> to vector<6400xf32>
    %mul3A_1545 = arith.mulf %get3A_1540, %get3A_1544 : vector<6400xf32>
    %add3A_1546 = arith.addf %add3A_1516, %mul3A_1545 : vector<6400xf32>
    %get3A_1547 = arith.constant 10 : index
    %get3A_1548 = arith.constant 0 : index
    %get3A_1549 = vector.load %arg1[%get3A_1547, %get3A_1548] : memref<16x6400xf32, #tpu.memory_space<vmem>>, vector<1x6400xf32>
    %get3A_1550 = vector.shape_cast %get3A_1549 : vector<1x6400xf32> to vector<6400xf32>
    %get3A_1551 = arith.constant 11 : index
    %get3A_1552 = arith.constant 0 : index
    %get3A_1553 = vector.load %arg1[%get3A_1551, %get3A_1552] : memref<16x6400xf32, #tpu.memory_space<vmem>>, vector<1x6400xf32>
    %get3A_1554 = vector.shape_cast %get3A_1553 : vector<1x6400xf32> to vector<6400xf32>
    %mul3A_1555 = arith.mulf %get3A_1550, %get3A_1554 : vector<6400xf32>
    %add3A_1556 = arith.addf %add3A_1526, %mul3A_1555 : vector<6400xf32>
    %get3A_1557 = arith.constant 10 : index
    %get3A_1558 = arith.constant 0 : index
    %get3A_1559 = vector.load %arg2[%get3A_1557, %get3A_1558] : memref<16x6400xf32, #tpu.memory_space<vmem>>, vector<1x6400xf32>
    %get3A_1560 = vector.shape_cast %get3A_1559 : vector<1x6400xf32> to vector<6400xf32>
    %get3A_1561 = arith.constant 11 : index
    %get3A_1562 = arith.constant 0 : index
    %get3A_1563 = vector.load %arg2[%get3A_1561, %get3A_1562] : memref<16x6400xf32, #tpu.memory_space<vmem>>, vector<1x6400xf32>
    %get3A_1564 = vector.shape_cast %get3A_1563 : vector<1x6400xf32> to vector<6400xf32>
    %mul3A_1565 = arith.mulf %get3A_1560, %get3A_1564 : vector<6400xf32>
    %add3A_1566 = arith.addf %add3A_1536, %mul3A_1565 : vector<6400xf32>
    %get3A_1567 = arith.constant 14 : index
    %get3A_1568 = arith.constant 0 : index
    %get3A_1569 = vector.load %arg1[%get3A_1567, %get3A_1568] : memref<16x6400xf32, #tpu.memory_space<vmem>>, vector<1x6400xf32>
    %get3A_1570 = vector.shape_cast %get3A_1569 : vector<1x6400xf32> to vector<6400xf32>
    %get3A_1571 = arith.constant 15 : index
    %get3A_1572 = arith.constant 0 : index
    %get3A_1573 = vector.load %arg2[%get3A_1571, %get3A_1572] : memref<16x6400xf32, #tpu.memory_space<vmem>>, vector<1x6400xf32>
    %get3A_1574 = vector.shape_cast %get3A_1573 : vector<1x6400xf32> to vector<6400xf32>
    %mul3A_1575 = arith.mulf %get3A_1570, %get3A_1574 : vector<6400xf32>
    %add3A_1576 = arith.addf %add3A_1546, %mul3A_1575 : vector<6400xf32>
    %get3A_1577 = arith.constant 14 : index
    %get3A_1578 = arith.constant 0 : index
    %get3A_1579 = vector.load %arg1[%get3A_1577, %get3A_1578] : memref<16x6400xf32, #tpu.memory_space<vmem>>, vector<1x6400xf32>
    %get3A_1580 = vector.shape_cast %get3A_1579 : vector<1x6400xf32> to vector<6400xf32>
    %get3A_1581 = arith.constant 15 : index
    %get3A_1582 = arith.constant 0 : index
    %get3A_1583 = vector.load %arg1[%get3A_1581, %get3A_1582] : memref<16x6400xf32, #tpu.memory_space<vmem>>, vector<1x6400xf32>
    %get3A_1584 = vector.shape_cast %get3A_1583 : vector<1x6400xf32> to vector<6400xf32>
    %mul3A_1585 = arith.mulf %get3A_1580, %get3A_1584 : vector<6400xf32>
    %add3A_1586 = arith.addf %add3A_1556, %mul3A_1585 : vector<6400xf32>
    %get3A_1587 = arith.constant 14 : index
    %get3A_1588 = arith.constant 0 : index
    %get3A_1589 = vector.load %arg2[%get3A_1587, %get3A_1588] : memref<16x6400xf32, #tpu.memory_space<vmem>>, vector<1x6400xf32>
    %get3A_1590 = vector.shape_cast %get3A_1589 : vector<1x6400xf32> to vector<6400xf32>
    %get3A_1591 = arith.constant 15 : index
    %get3A_1592 = arith.constant 0 : index
    %get3A_1593 = vector.load %arg2[%get3A_1591, %get3A_1592] : memref<16x6400xf32, #tpu.memory_space<vmem>>, vector<1x6400xf32>
    %get3A_1594 = vector.shape_cast %get3A_1593 : vector<1x6400xf32> to vector<6400xf32>
    %mul3A_1595 = arith.mulf %get3A_1590, %get3A_1594 : vector<6400xf32>
    %add3A_1596 = arith.addf %add3A_1566, %mul3A_1595 : vector<6400xf32>
    %neg3A_1597 = arith.constant 0.000000e+00 : f32
    %neg3A_1598 = vector.broadcast %neg3A_1597 : f32 to vector<6400xf32>
    %neg3A_1599 = arith.subf %neg3A_1598, %add3A_1576 : vector<6400xf32>
    %swap3A_1600 = arith.constant 11 : index
    %swap3A_1601 = arith.constant 0 : index
    %swap3A_1602 = vector.load %arg3[%swap3A_1600, %swap3A_1601] : memref<16x6400xf32, #tpu.memory_space<vmem>>, vector<1x6400xf32>
    %swap3A_1603 = vector.shape_cast %swap3A_1602 : vector<1x6400xf32> to vector<6400xf32>
    %swap3A_1604 = vector.shape_cast %neg3A_1599 : vector<6400xf32> to vector<1x6400xf32>
    tpu.vector_store %arg3[%swap3A_1600, %swap3A_1601], %swap3A_1604 {strides = array<i32>} : memref<16x6400xf32, #tpu.memory_space<vmem>>, vector<1x6400xf32>,
    %swap3A_1605 = arith.constant 11 : index
    %swap3A_1606 = arith.constant 0 : index
    %swap3A_1607 = vector.load %arg4[%swap3A_1605, %swap3A_1606] : memref<16x6400xf32, #tpu.memory_space<vmem>>, vector<1x6400xf32>
    %swap3A_1608 = vector.shape_cast %swap3A_1607 : vector<1x6400xf32> to vector<6400xf32>
    %swap3A_1609 = vector.shape_cast %add3A_1586 : vector<6400xf32> to vector<1x6400xf32>
    tpu.vector_store %arg4[%swap3A_1605, %swap3A_1606], %swap3A_1609 {strides = array<i32>} : memref<16x6400xf32, #tpu.memory_space<vmem>>, vector<1x6400xf32>,
    %swap3A_1610 = arith.constant 11 : index
    %swap3A_1611 = arith.constant 0 : index
    %swap3A_1612 = vector.load %arg5[%swap3A_1610, %swap3A_1611] : memref<16x6400xf32, #tpu.memory_space<vmem>>, vector<1x6400xf32>
    %swap3A_1613 = vector.shape_cast %swap3A_1612 : vector<1x6400xf32> to vector<6400xf32>
    %swap3A_1614 = vector.shape_cast %add3A_1596 : vector<6400xf32> to vector<1x6400xf32>
    tpu.vector_store %arg5[%swap3A_1610, %swap3A_1611], %swap3A_1614 {strides = array<i32>} : memref<16x6400xf32, #tpu.memory_space<vmem>>, vector<1x6400xf32>,
    %get3A_1615 = arith.constant 3 : index
    %get3A_1616 = arith.constant 0 : index
    %get3A_1617 = vector.load %arg1[%get3A_1615, %get3A_1616] : memref<16x6400xf32, #tpu.memory_space<vmem>>, vector<1x6400xf32>
    %get3A_1618 = vector.shape_cast %get3A_1617 : vector<1x6400xf32> to vector<6400xf32>
    %get3A_1619 = arith.constant 0 : index
    %get3A_1620 = arith.constant 0 : index
    %get3A_1621 = vector.load %arg2[%get3A_1619, %get3A_1620] : memref<16x6400xf32, #tpu.memory_space<vmem>>, vector<1x6400xf32>
    %get3A_1622 = vector.shape_cast %get3A_1621 : vector<1x6400xf32> to vector<6400xf32>
    %mul3A_1623 = arith.mulf %get3A_1618, %get3A_1622 : vector<6400xf32>
    %get3A_1624 = arith.constant 3 : index
    %get3A_1625 = arith.constant 0 : index
    %get3A_1626 = vector.load %arg1[%get3A_1624, %get3A_1625] : memref<16x6400xf32, #tpu.memory_space<vmem>>, vector<1x6400xf32>
    %get3A_1627 = vector.shape_cast %get3A_1626 : vector<1x6400xf32> to vector<6400xf32>
    %get3A_1628 = arith.constant 0 : index
    %get3A_1629 = arith.constant 0 : index
    %get3A_1630 = vector.load %arg1[%get3A_1628, %get3A_1629] : memref<16x6400xf32, #tpu.memory_space<vmem>>, vector<1x6400xf32>
    %get3A_1631 = vector.shape_cast %get3A_1630 : vector<1x6400xf32> to vector<6400xf32>
    %mul3A_1632 = arith.mulf %get3A_1627, %get3A_1631 : vector<6400xf32>
    %get3A_1633 = arith.constant 3 : index
    %get3A_1634 = arith.constant 0 : index
    %get3A_1635 = vector.load %arg2[%get3A_1633, %get3A_1634] : memref<16x6400xf32, #tpu.memory_space<vmem>>, vector<1x6400xf32>
    %get3A_1636 = vector.shape_cast %get3A_1635 : vector<1x6400xf32> to vector<6400xf32>
    %get3A_1637 = arith.constant 0 : index
    %get3A_1638 = arith.constant 0 : index
    %get3A_1639 = vector.load %arg2[%get3A_1637, %get3A_1638] : memref<16x6400xf32, #tpu.memory_space<vmem>>, vector<1x6400xf32>
    %get3A_1640 = vector.shape_cast %get3A_1639 : vector<1x6400xf32> to vector<6400xf32>
    %mul3A_1641 = arith.mulf %get3A_1636, %get3A_1640 : vector<6400xf32>
    %get3A_1642 = arith.constant 7 : index
    %get3A_1643 = arith.constant 0 : index
    %get3A_1644 = vector.load %arg1[%get3A_1642, %get3A_1643] : memref<16x6400xf32, #tpu.memory_space<vmem>>, vector<1x6400xf32>
    %get3A_1645 = vector.shape_cast %get3A_1644 : vector<1x6400xf32> to vector<6400xf32>
    %get3A_1646 = arith.constant 4 : index
    %get3A_1647 = arith.constant 0 : index
    %get3A_1648 = vector.load %arg2[%get3A_1646, %get3A_1647] : memref<16x6400xf32, #tpu.memory_space<vmem>>, vector<1x6400xf32>
    %get3A_1649 = vector.shape_cast %get3A_1648 : vector<1x6400xf32> to vector<6400xf32>
    %mul3A_1650 = arith.mulf %get3A_1645, %get3A_1649 : vector<6400xf32>
    %add3A_1651 = arith.addf %mul3A_1623, %mul3A_1650 : vector<6400xf32>
    %get3A_1652 = arith.constant 7 : index
    %get3A_1653 = arith.constant 0 : index
    %get3A_1654 = vector.load %arg1[%get3A_1652, %get3A_1653] : memref<16x6400xf32, #tpu.memory_space<vmem>>, vector<1x6400xf32>
    %get3A_1655 = vector.shape_cast %get3A_1654 : vector<1x6400xf32> to vector<6400xf32>
    %get3A_1656 = arith.constant 4 : index
    %get3A_1657 = arith.constant 0 : index
    %get3A_1658 = vector.load %arg1[%get3A_1656, %get3A_1657] : memref<16x6400xf32, #tpu.memory_space<vmem>>, vector<1x6400xf32>
    %get3A_1659 = vector.shape_cast %get3A_1658 : vector<1x6400xf32> to vector<6400xf32>
    %mul3A_1660 = arith.mulf %get3A_1655, %get3A_1659 : vector<6400xf32>
    %add3A_1661 = arith.addf %mul3A_1632, %mul3A_1660 : vector<6400xf32>
    %get3A_1662 = arith.constant 7 : index
    %get3A_1663 = arith.constant 0 : index
    %get3A_1664 = vector.load %arg2[%get3A_1662, %get3A_1663] : memref<16x6400xf32, #tpu.memory_space<vmem>>, vector<1x6400xf32>
    %get3A_1665 = vector.shape_cast %get3A_1664 : vector<1x6400xf32> to vector<6400xf32>
    %get3A_1666 = arith.constant 4 : index
    %get3A_1667 = arith.constant 0 : index
    %get3A_1668 = vector.load %arg2[%get3A_1666, %get3A_1667] : memref<16x6400xf32, #tpu.memory_space<vmem>>, vector<1x6400xf32>
    %get3A_1669 = vector.shape_cast %get3A_1668 : vector<1x6400xf32> to vector<6400xf32>
    %mul3A_1670 = arith.mulf %get3A_1665, %get3A_1669 : vector<6400xf32>
    %add3A_1671 = arith.addf %mul3A_1641, %mul3A_1670 : vector<6400xf32>
    %get3A_1672 = arith.constant 11 : index
    %get3A_1673 = arith.constant 0 : index
    %get3A_1674 = vector.load %arg1[%get3A_1672, %get3A_1673] : memref<16x6400xf32, #tpu.memory_space<vmem>>, vector<1x6400xf32>
    %get3A_1675 = vector.shape_cast %get3A_1674 : vector<1x6400xf32> to vector<6400xf32>
    %get3A_1676 = arith.constant 8 : index
    %get3A_1677 = arith.constant 0 : index
    %get3A_1678 = vector.load %arg2[%get3A_1676, %get3A_1677] : memref<16x6400xf32, #tpu.memory_space<vmem>>, vector<1x6400xf32>
    %get3A_1679 = vector.shape_cast %get3A_1678 : vector<1x6400xf32> to vector<6400xf32>
    %mul3A_1680 = arith.mulf %get3A_1675, %get3A_1679 : vector<6400xf32>
    %add3A_1681 = arith.addf %add3A_1651, %mul3A_1680 : vector<6400xf32>
    %get3A_1682 = arith.constant 11 : index
    %get3A_1683 = arith.constant 0 : index
    %get3A_1684 = vector.load %arg1[%get3A_1682, %get3A_1683] : memref<16x6400xf32, #tpu.memory_space<vmem>>, vector<1x6400xf32>
    %get3A_1685 = vector.shape_cast %get3A_1684 : vector<1x6400xf32> to vector<6400xf32>
    %get3A_1686 = arith.constant 8 : index
    %get3A_1687 = arith.constant 0 : index
    %get3A_1688 = vector.load %arg1[%get3A_1686, %get3A_1687] : memref<16x6400xf32, #tpu.memory_space<vmem>>, vector<1x6400xf32>
    %get3A_1689 = vector.shape_cast %get3A_1688 : vector<1x6400xf32> to vector<6400xf32>
    %mul3A_1690 = arith.mulf %get3A_1685, %get3A_1689 : vector<6400xf32>
    %add3A_1691 = arith.addf %add3A_1661, %mul3A_1690 : vector<6400xf32>
    %get3A_1692 = arith.constant 11 : index
    %get3A_1693 = arith.constant 0 : index
    %get3A_1694 = vector.load %arg2[%get3A_1692, %get3A_1693] : memref<16x6400xf32, #tpu.memory_space<vmem>>, vector<1x6400xf32>
    %get3A_1695 = vector.shape_cast %get3A_1694 : vector<1x6400xf32> to vector<6400xf32>
    %get3A_1696 = arith.constant 8 : index
    %get3A_1697 = arith.constant 0 : index
    %get3A_1698 = vector.load %arg2[%get3A_1696, %get3A_1697] : memref<16x6400xf32, #tpu.memory_space<vmem>>, vector<1x6400xf32>
    %get3A_1699 = vector.shape_cast %get3A_1698 : vector<1x6400xf32> to vector<6400xf32>
    %mul3A_1700 = arith.mulf %get3A_1695, %get3A_1699 : vector<6400xf32>
    %add3A_1701 = arith.addf %add3A_1671, %mul3A_1700 : vector<6400xf32>
    %get3A_1702 = arith.constant 15 : index
    %get3A_1703 = arith.constant 0 : index
    %get3A_1704 = vector.load %arg1[%get3A_1702, %get3A_1703] : memref<16x6400xf32, #tpu.memory_space<vmem>>, vector<1x6400xf32>
    %get3A_1705 = vector.shape_cast %get3A_1704 : vector<1x6400xf32> to vector<6400xf32>
    %get3A_1706 = arith.constant 12 : index
    %get3A_1707 = arith.constant 0 : index
    %get3A_1708 = vector.load %arg2[%get3A_1706, %get3A_1707] : memref<16x6400xf32, #tpu.memory_space<vmem>>, vector<1x6400xf32>
    %get3A_1709 = vector.shape_cast %get3A_1708 : vector<1x6400xf32> to vector<6400xf32>
    %mul3A_1710 = arith.mulf %get3A_1705, %get3A_1709 : vector<6400xf32>
    %add3A_1711 = arith.addf %add3A_1681, %mul3A_1710 : vector<6400xf32>
    %get3A_1712 = arith.constant 15 : index
    %get3A_1713 = arith.constant 0 : index
    %get3A_1714 = vector.load %arg1[%get3A_1712, %get3A_1713] : memref<16x6400xf32, #tpu.memory_space<vmem>>, vector<1x6400xf32>
    %get3A_1715 = vector.shape_cast %get3A_1714 : vector<1x6400xf32> to vector<6400xf32>
    %get3A_1716 = arith.constant 12 : index
    %get3A_1717 = arith.constant 0 : index
    %get3A_1718 = vector.load %arg1[%get3A_1716, %get3A_1717] : memref<16x6400xf32, #tpu.memory_space<vmem>>, vector<1x6400xf32>
    %get3A_1719 = vector.shape_cast %get3A_1718 : vector<1x6400xf32> to vector<6400xf32>
    %mul3A_1720 = arith.mulf %get3A_1715, %get3A_1719 : vector<6400xf32>
    %add3A_1721 = arith.addf %add3A_1691, %mul3A_1720 : vector<6400xf32>
    %get3A_1722 = arith.constant 15 : index
    %get3A_1723 = arith.constant 0 : index
    %get3A_1724 = vector.load %arg2[%get3A_1722, %get3A_1723] : memref<16x6400xf32, #tpu.memory_space<vmem>>, vector<1x6400xf32>
    %get3A_1725 = vector.shape_cast %get3A_1724 : vector<1x6400xf32> to vector<6400xf32>
    %get3A_1726 = arith.constant 12 : index
    %get3A_1727 = arith.constant 0 : index
    %get3A_1728 = vector.load %arg2[%get3A_1726, %get3A_1727] : memref<16x6400xf32, #tpu.memory_space<vmem>>, vector<1x6400xf32>
    %get3A_1729 = vector.shape_cast %get3A_1728 : vector<1x6400xf32> to vector<6400xf32>
    %mul3A_1730 = arith.mulf %get3A_1725, %get3A_1729 : vector<6400xf32>
    %add3A_1731 = arith.addf %add3A_1701, %mul3A_1730 : vector<6400xf32>
    %neg3A_1732 = arith.constant 0.000000e+00 : f32
    %neg3A_1733 = vector.broadcast %neg3A_1732 : f32 to vector<6400xf32>
    %neg3A_1734 = arith.subf %neg3A_1733, %add3A_1711 : vector<6400xf32>
    %swap3A_1735 = arith.constant 12 : index
    %swap3A_1736 = arith.constant 0 : index
    %swap3A_1737 = vector.load %arg3[%swap3A_1735, %swap3A_1736] : memref<16x6400xf32, #tpu.memory_space<vmem>>, vector<1x6400xf32>
    %swap3A_1738 = vector.shape_cast %swap3A_1737 : vector<1x6400xf32> to vector<6400xf32>
    %swap3A_1739 = vector.shape_cast %neg3A_1734 : vector<6400xf32> to vector<1x6400xf32>
    tpu.vector_store %arg3[%swap3A_1735, %swap3A_1736], %swap3A_1739 {strides = array<i32>} : memref<16x6400xf32, #tpu.memory_space<vmem>>, vector<1x6400xf32>,
    %swap3A_1740 = arith.constant 12 : index
    %swap3A_1741 = arith.constant 0 : index
    %swap3A_1742 = vector.load %arg4[%swap3A_1740, %swap3A_1741] : memref<16x6400xf32, #tpu.memory_space<vmem>>, vector<1x6400xf32>
    %swap3A_1743 = vector.shape_cast %swap3A_1742 : vector<1x6400xf32> to vector<6400xf32>
    %swap3A_1744 = vector.shape_cast %add3A_1721 : vector<6400xf32> to vector<1x6400xf32>
    tpu.vector_store %arg4[%swap3A_1740, %swap3A_1741], %swap3A_1744 {strides = array<i32>} : memref<16x6400xf32, #tpu.memory_space<vmem>>, vector<1x6400xf32>,
    %swap3A_1745 = arith.constant 12 : index
    %swap3A_1746 = arith.constant 0 : index
    %swap3A_1747 = vector.load %arg5[%swap3A_1745, %swap3A_1746] : memref<16x6400xf32, #tpu.memory_space<vmem>>, vector<1x6400xf32>
    %swap3A_1748 = vector.shape_cast %swap3A_1747 : vector<1x6400xf32> to vector<6400xf32>
    %swap3A_1749 = vector.shape_cast %add3A_1731 : vector<6400xf32> to vector<1x6400xf32>
    tpu.vector_store %arg5[%swap3A_1745, %swap3A_1746], %swap3A_1749 {strides = array<i32>} : memref<16x6400xf32, #tpu.memory_space<vmem>>, vector<1x6400xf32>,
    %get3A_1750 = arith.constant 3 : index
    %get3A_1751 = arith.constant 0 : index
    %get3A_1752 = vector.load %arg1[%get3A_1750, %get3A_1751] : memref<16x6400xf32, #tpu.memory_space<vmem>>, vector<1x6400xf32>
    %get3A_1753 = vector.shape_cast %get3A_1752 : vector<1x6400xf32> to vector<6400xf32>
    %get3A_1754 = arith.constant 1 : index
    %get3A_1755 = arith.constant 0 : index
    %get3A_1756 = vector.load %arg2[%get3A_1754, %get3A_1755] : memref<16x6400xf32, #tpu.memory_space<vmem>>, vector<1x6400xf32>
    %get3A_1757 = vector.shape_cast %get3A_1756 : vector<1x6400xf32> to vector<6400xf32>
    %mul3A_1758 = arith.mulf %get3A_1753, %get3A_1757 : vector<6400xf32>
    %get3A_1759 = arith.constant 3 : index
    %get3A_1760 = arith.constant 0 : index
    %get3A_1761 = vector.load %arg1[%get3A_1759, %get3A_1760] : memref<16x6400xf32, #tpu.memory_space<vmem>>, vector<1x6400xf32>
    %get3A_1762 = vector.shape_cast %get3A_1761 : vector<1x6400xf32> to vector<6400xf32>
    %get3A_1763 = arith.constant 1 : index
    %get3A_1764 = arith.constant 0 : index
    %get3A_1765 = vector.load %arg1[%get3A_1763, %get3A_1764] : memref<16x6400xf32, #tpu.memory_space<vmem>>, vector<1x6400xf32>
    %get3A_1766 = vector.shape_cast %get3A_1765 : vector<1x6400xf32> to vector<6400xf32>
    %mul3A_1767 = arith.mulf %get3A_1762, %get3A_1766 : vector<6400xf32>
    %get3A_1768 = arith.constant 3 : index
    %get3A_1769 = arith.constant 0 : index
    %get3A_1770 = vector.load %arg2[%get3A_1768, %get3A_1769] : memref<16x6400xf32, #tpu.memory_space<vmem>>, vector<1x6400xf32>
    %get3A_1771 = vector.shape_cast %get3A_1770 : vector<1x6400xf32> to vector<6400xf32>
    %get3A_1772 = arith.constant 1 : index
    %get3A_1773 = arith.constant 0 : index
    %get3A_1774 = vector.load %arg2[%get3A_1772, %get3A_1773] : memref<16x6400xf32, #tpu.memory_space<vmem>>, vector<1x6400xf32>
    %get3A_1775 = vector.shape_cast %get3A_1774 : vector<1x6400xf32> to vector<6400xf32>
    %mul3A_1776 = arith.mulf %get3A_1771, %get3A_1775 : vector<6400xf32>
    %get3A_1777 = arith.constant 7 : index
    %get3A_1778 = arith.constant 0 : index
    %get3A_1779 = vector.load %arg1[%get3A_1777, %get3A_1778] : memref<16x6400xf32, #tpu.memory_space<vmem>>, vector<1x6400xf32>
    %get3A_1780 = vector.shape_cast %get3A_1779 : vector<1x6400xf32> to vector<6400xf32>
    %get3A_1781 = arith.constant 5 : index
    %get3A_1782 = arith.constant 0 : index
    %get3A_1783 = vector.load %arg2[%get3A_1781, %get3A_1782] : memref<16x6400xf32, #tpu.memory_space<vmem>>, vector<1x6400xf32>
    %get3A_1784 = vector.shape_cast %get3A_1783 : vector<1x6400xf32> to vector<6400xf32>
    %mul3A_1785 = arith.mulf %get3A_1780, %get3A_1784 : vector<6400xf32>
    %add3A_1786 = arith.addf %mul3A_1758, %mul3A_1785 : vector<6400xf32>
    %get3A_1787 = arith.constant 7 : index
    %get3A_1788 = arith.constant 0 : index
    %get3A_1789 = vector.load %arg1[%get3A_1787, %get3A_1788] : memref<16x6400xf32, #tpu.memory_space<vmem>>, vector<1x6400xf32>
    %get3A_1790 = vector.shape_cast %get3A_1789 : vector<1x6400xf32> to vector<6400xf32>
    %get3A_1791 = arith.constant 5 : index
    %get3A_1792 = arith.constant 0 : index
    %get3A_1793 = vector.load %arg1[%get3A_1791, %get3A_1792] : memref<16x6400xf32, #tpu.memory_space<vmem>>, vector<1x6400xf32>
    %get3A_1794 = vector.shape_cast %get3A_1793 : vector<1x6400xf32> to vector<6400xf32>
    %mul3A_1795 = arith.mulf %get3A_1790, %get3A_1794 : vector<6400xf32>
    %add3A_1796 = arith.addf %mul3A_1767, %mul3A_1795 : vector<6400xf32>
    %get3A_1797 = arith.constant 7 : index
    %get3A_1798 = arith.constant 0 : index
    %get3A_1799 = vector.load %arg2[%get3A_1797, %get3A_1798] : memref<16x6400xf32, #tpu.memory_space<vmem>>, vector<1x6400xf32>
    %get3A_1800 = vector.shape_cast %get3A_1799 : vector<1x6400xf32> to vector<6400xf32>
    %get3A_1801 = arith.constant 5 : index
    %get3A_1802 = arith.constant 0 : index
    %get3A_1803 = vector.load %arg2[%get3A_1801, %get3A_1802] : memref<16x6400xf32, #tpu.memory_space<vmem>>, vector<1x6400xf32>
    %get3A_1804 = vector.shape_cast %get3A_1803 : vector<1x6400xf32> to vector<6400xf32>
    %mul3A_1805 = arith.mulf %get3A_1800, %get3A_1804 : vector<6400xf32>
    %add3A_1806 = arith.addf %mul3A_1776, %mul3A_1805 : vector<6400xf32>
    %get3A_1807 = arith.constant 11 : index
    %get3A_1808 = arith.constant 0 : index
    %get3A_1809 = vector.load %arg1[%get3A_1807, %get3A_1808] : memref<16x6400xf32, #tpu.memory_space<vmem>>, vector<1x6400xf32>
    %get3A_1810 = vector.shape_cast %get3A_1809 : vector<1x6400xf32> to vector<6400xf32>
    %get3A_1811 = arith.constant 9 : index
    %get3A_1812 = arith.constant 0 : index
    %get3A_1813 = vector.load %arg2[%get3A_1811, %get3A_1812] : memref<16x6400xf32, #tpu.memory_space<vmem>>, vector<1x6400xf32>
    %get3A_1814 = vector.shape_cast %get3A_1813 : vector<1x6400xf32> to vector<6400xf32>
    %mul3A_1815 = arith.mulf %get3A_1810, %get3A_1814 : vector<6400xf32>
    %add3A_1816 = arith.addf %add3A_1786, %mul3A_1815 : vector<6400xf32>
    %get3A_1817 = arith.constant 11 : index
    %get3A_1818 = arith.constant 0 : index
    %get3A_1819 = vector.load %arg1[%get3A_1817, %get3A_1818] : memref<16x6400xf32, #tpu.memory_space<vmem>>, vector<1x6400xf32>
    %get3A_1820 = vector.shape_cast %get3A_1819 : vector<1x6400xf32> to vector<6400xf32>
    %get3A_1821 = arith.constant 9 : index
    %get3A_1822 = arith.constant 0 : index
    %get3A_1823 = vector.load %arg1[%get3A_1821, %get3A_1822] : memref<16x6400xf32, #tpu.memory_space<vmem>>, vector<1x6400xf32>
    %get3A_1824 = vector.shape_cast %get3A_1823 : vector<1x6400xf32> to vector<6400xf32>
    %mul3A_1825 = arith.mulf %get3A_1820, %get3A_1824 : vector<6400xf32>
    %add3A_1826 = arith.addf %add3A_1796, %mul3A_1825 : vector<6400xf32>
    %get3A_1827 = arith.constant 11 : index
    %get3A_1828 = arith.constant 0 : index
    %get3A_1829 = vector.load %arg2[%get3A_1827, %get3A_1828] : memref<16x6400xf32, #tpu.memory_space<vmem>>, vector<1x6400xf32>
    %get3A_1830 = vector.shape_cast %get3A_1829 : vector<1x6400xf32> to vector<6400xf32>
    %get3A_1831 = arith.constant 9 : index
    %get3A_1832 = arith.constant 0 : index
    %get3A_1833 = vector.load %arg2[%get3A_1831, %get3A_1832] : memref<16x6400xf32, #tpu.memory_space<vmem>>, vector<1x6400xf32>
    %get3A_1834 = vector.shape_cast %get3A_1833 : vector<1x6400xf32> to vector<6400xf32>
    %mul3A_1835 = arith.mulf %get3A_1830, %get3A_1834 : vector<6400xf32>
    %add3A_1836 = arith.addf %add3A_1806, %mul3A_1835 : vector<6400xf32>
    %get3A_1837 = arith.constant 15 : index
    %get3A_1838 = arith.constant 0 : index
    %get3A_1839 = vector.load %arg1[%get3A_1837, %get3A_1838] : memref<16x6400xf32, #tpu.memory_space<vmem>>, vector<1x6400xf32>
    %get3A_1840 = vector.shape_cast %get3A_1839 : vector<1x6400xf32> to vector<6400xf32>
    %get3A_1841 = arith.constant 13 : index
    %get3A_1842 = arith.constant 0 : index
    %get3A_1843 = vector.load %arg2[%get3A_1841, %get3A_1842] : memref<16x6400xf32, #tpu.memory_space<vmem>>, vector<1x6400xf32>
    %get3A_1844 = vector.shape_cast %get3A_1843 : vector<1x6400xf32> to vector<6400xf32>
    %mul3A_1845 = arith.mulf %get3A_1840, %get3A_1844 : vector<6400xf32>
    %add3A_1846 = arith.addf %add3A_1816, %mul3A_1845 : vector<6400xf32>
    %get3A_1847 = arith.constant 15 : index
    %get3A_1848 = arith.constant 0 : index
    %get3A_1849 = vector.load %arg1[%get3A_1847, %get3A_1848] : memref<16x6400xf32, #tpu.memory_space<vmem>>, vector<1x6400xf32>
    %get3A_1850 = vector.shape_cast %get3A_1849 : vector<1x6400xf32> to vector<6400xf32>
    %get3A_1851 = arith.constant 13 : index
    %get3A_1852 = arith.constant 0 : index
    %get3A_1853 = vector.load %arg1[%get3A_1851, %get3A_1852] : memref<16x6400xf32, #tpu.memory_space<vmem>>, vector<1x6400xf32>
    %get3A_1854 = vector.shape_cast %get3A_1853 : vector<1x6400xf32> to vector<6400xf32>
    %mul3A_1855 = arith.mulf %get3A_1850, %get3A_1854 : vector<6400xf32>
    %add3A_1856 = arith.addf %add3A_1826, %mul3A_1855 : vector<6400xf32>
    %get3A_1857 = arith.constant 15 : index
    %get3A_1858 = arith.constant 0 : index
    %get3A_1859 = vector.load %arg2[%get3A_1857, %get3A_1858] : memref<16x6400xf32, #tpu.memory_space<vmem>>, vector<1x6400xf32>
    %get3A_1860 = vector.shape_cast %get3A_1859 : vector<1x6400xf32> to vector<6400xf32>
    %get3A_1861 = arith.constant 13 : index
    %get3A_1862 = arith.constant 0 : index
    %get3A_1863 = vector.load %arg2[%get3A_1861, %get3A_1862] : memref<16x6400xf32, #tpu.memory_space<vmem>>, vector<1x6400xf32>
    %get3A_1864 = vector.shape_cast %get3A_1863 : vector<1x6400xf32> to vector<6400xf32>
    %mul3A_1865 = arith.mulf %get3A_1860, %get3A_1864 : vector<6400xf32>
    %add3A_1866 = arith.addf %add3A_1836, %mul3A_1865 : vector<6400xf32>
    %neg3A_1867 = arith.constant 0.000000e+00 : f32
    %neg3A_1868 = vector.broadcast %neg3A_1867 : f32 to vector<6400xf32>
    %neg3A_1869 = arith.subf %neg3A_1868, %add3A_1846 : vector<6400xf32>
    %swap3A_1870 = arith.constant 13 : index
    %swap3A_1871 = arith.constant 0 : index
    %swap3A_1872 = vector.load %arg3[%swap3A_1870, %swap3A_1871] : memref<16x6400xf32, #tpu.memory_space<vmem>>, vector<1x6400xf32>
    %swap3A_1873 = vector.shape_cast %swap3A_1872 : vector<1x6400xf32> to vector<6400xf32>
    %swap3A_1874 = vector.shape_cast %neg3A_1869 : vector<6400xf32> to vector<1x6400xf32>
    tpu.vector_store %arg3[%swap3A_1870, %swap3A_1871], %swap3A_1874 {strides = array<i32>} : memref<16x6400xf32, #tpu.memory_space<vmem>>, vector<1x6400xf32>,
    %swap3A_1875 = arith.constant 13 : index
    %swap3A_1876 = arith.constant 0 : index
    %swap3A_1877 = vector.load %arg4[%swap3A_1875, %swap3A_1876] : memref<16x6400xf32, #tpu.memory_space<vmem>>, vector<1x6400xf32>
    %swap3A_1878 = vector.shape_cast %swap3A_1877 : vector<1x6400xf32> to vector<6400xf32>
    %swap3A_1879 = vector.shape_cast %add3A_1856 : vector<6400xf32> to vector<1x6400xf32>
    tpu.vector_store %arg4[%swap3A_1875, %swap3A_1876], %swap3A_1879 {strides = array<i32>} : memref<16x6400xf32, #tpu.memory_space<vmem>>, vector<1x6400xf32>,
    %swap3A_1880 = arith.constant 13 : index
    %swap3A_1881 = arith.constant 0 : index
    %swap3A_1882 = vector.load %arg5[%swap3A_1880, %swap3A_1881] : memref<16x6400xf32, #tpu.memory_space<vmem>>, vector<1x6400xf32>
    %swap3A_1883 = vector.shape_cast %swap3A_1882 : vector<1x6400xf32> to vector<6400xf32>
    %swap3A_1884 = vector.shape_cast %add3A_1866 : vector<6400xf32> to vector<1x6400xf32>
    tpu.vector_store %arg5[%swap3A_1880, %swap3A_1881], %swap3A_1884 {strides = array<i32>} : memref<16x6400xf32, #tpu.memory_space<vmem>>, vector<1x6400xf32>,
    %get3A_1885 = arith.constant 3 : index
    %get3A_1886 = arith.constant 0 : index
    %get3A_1887 = vector.load %arg1[%get3A_1885, %get3A_1886] : memref<16x6400xf32, #tpu.memory_space<vmem>>, vector<1x6400xf32>
    %get3A_1888 = vector.shape_cast %get3A_1887 : vector<1x6400xf32> to vector<6400xf32>
    %get3A_1889 = arith.constant 2 : index
    %get3A_1890 = arith.constant 0 : index
    %get3A_1891 = vector.load %arg2[%get3A_1889, %get3A_1890] : memref<16x6400xf32, #tpu.memory_space<vmem>>, vector<1x6400xf32>
    %get3A_1892 = vector.shape_cast %get3A_1891 : vector<1x6400xf32> to vector<6400xf32>
    %mul3A_1893 = arith.mulf %get3A_1888, %get3A_1892 : vector<6400xf32>
    %get3A_1894 = arith.constant 3 : index
    %get3A_1895 = arith.constant 0 : index
    %get3A_1896 = vector.load %arg1[%get3A_1894, %get3A_1895] : memref<16x6400xf32, #tpu.memory_space<vmem>>, vector<1x6400xf32>
    %get3A_1897 = vector.shape_cast %get3A_1896 : vector<1x6400xf32> to vector<6400xf32>
    %get3A_1898 = arith.constant 2 : index
    %get3A_1899 = arith.constant 0 : index
    %get3A_1900 = vector.load %arg1[%get3A_1898, %get3A_1899] : memref<16x6400xf32, #tpu.memory_space<vmem>>, vector<1x6400xf32>
    %get3A_1901 = vector.shape_cast %get3A_1900 : vector<1x6400xf32> to vector<6400xf32>
    %mul3A_1902 = arith.mulf %get3A_1897, %get3A_1901 : vector<6400xf32>
    %get3A_1903 = arith.constant 3 : index
    %get3A_1904 = arith.constant 0 : index
    %get3A_1905 = vector.load %arg2[%get3A_1903, %get3A_1904] : memref<16x6400xf32, #tpu.memory_space<vmem>>, vector<1x6400xf32>
    %get3A_1906 = vector.shape_cast %get3A_1905 : vector<1x6400xf32> to vector<6400xf32>
    %get3A_1907 = arith.constant 2 : index
    %get3A_1908 = arith.constant 0 : index
    %get3A_1909 = vector.load %arg2[%get3A_1907, %get3A_1908] : memref<16x6400xf32, #tpu.memory_space<vmem>>, vector<1x6400xf32>
    %get3A_1910 = vector.shape_cast %get3A_1909 : vector<1x6400xf32> to vector<6400xf32>
    %mul3A_1911 = arith.mulf %get3A_1906, %get3A_1910 : vector<6400xf32>
    %get3A_1912 = arith.constant 7 : index
    %get3A_1913 = arith.constant 0 : index
    %get3A_1914 = vector.load %arg1[%get3A_1912, %get3A_1913] : memref<16x6400xf32, #tpu.memory_space<vmem>>, vector<1x6400xf32>
    %get3A_1915 = vector.shape_cast %get3A_1914 : vector<1x6400xf32> to vector<6400xf32>
    %get3A_1916 = arith.constant 6 : index
    %get3A_1917 = arith.constant 0 : index
    %get3A_1918 = vector.load %arg2[%get3A_1916, %get3A_1917] : memref<16x6400xf32, #tpu.memory_space<vmem>>, vector<1x6400xf32>
    %get3A_1919 = vector.shape_cast %get3A_1918 : vector<1x6400xf32> to vector<6400xf32>
    %mul3A_1920 = arith.mulf %get3A_1915, %get3A_1919 : vector<6400xf32>
    %add3A_1921 = arith.addf %mul3A_1893, %mul3A_1920 : vector<6400xf32>
    %get3A_1922 = arith.constant 7 : index
    %get3A_1923 = arith.constant 0 : index
    %get3A_1924 = vector.load %arg1[%get3A_1922, %get3A_1923] : memref<16x6400xf32, #tpu.memory_space<vmem>>, vector<1x6400xf32>
    %get3A_1925 = vector.shape_cast %get3A_1924 : vector<1x6400xf32> to vector<6400xf32>
    %get3A_1926 = arith.constant 6 : index
    %get3A_1927 = arith.constant 0 : index
    %get3A_1928 = vector.load %arg1[%get3A_1926, %get3A_1927] : memref<16x6400xf32, #tpu.memory_space<vmem>>, vector<1x6400xf32>
    %get3A_1929 = vector.shape_cast %get3A_1928 : vector<1x6400xf32> to vector<6400xf32>
    %mul3A_1930 = arith.mulf %get3A_1925, %get3A_1929 : vector<6400xf32>
    %add3A_1931 = arith.addf %mul3A_1902, %mul3A_1930 : vector<6400xf32>
    %get3A_1932 = arith.constant 7 : index
    %get3A_1933 = arith.constant 0 : index
    %get3A_1934 = vector.load %arg2[%get3A_1932, %get3A_1933] : memref<16x6400xf32, #tpu.memory_space<vmem>>, vector<1x6400xf32>
    %get3A_1935 = vector.shape_cast %get3A_1934 : vector<1x6400xf32> to vector<6400xf32>
    %get3A_1936 = arith.constant 6 : index
    %get3A_1937 = arith.constant 0 : index
    %get3A_1938 = vector.load %arg2[%get3A_1936, %get3A_1937] : memref<16x6400xf32, #tpu.memory_space<vmem>>, vector<1x6400xf32>
    %get3A_1939 = vector.shape_cast %get3A_1938 : vector<1x6400xf32> to vector<6400xf32>
    %mul3A_1940 = arith.mulf %get3A_1935, %get3A_1939 : vector<6400xf32>
    %add3A_1941 = arith.addf %mul3A_1911, %mul3A_1940 : vector<6400xf32>
    %get3A_1942 = arith.constant 11 : index
    %get3A_1943 = arith.constant 0 : index
    %get3A_1944 = vector.load %arg1[%get3A_1942, %get3A_1943] : memref<16x6400xf32, #tpu.memory_space<vmem>>, vector<1x6400xf32>
    %get3A_1945 = vector.shape_cast %get3A_1944 : vector<1x6400xf32> to vector<6400xf32>
    %get3A_1946 = arith.constant 10 : index
    %get3A_1947 = arith.constant 0 : index
    %get3A_1948 = vector.load %arg2[%get3A_1946, %get3A_1947] : memref<16x6400xf32, #tpu.memory_space<vmem>>, vector<1x6400xf32>
    %get3A_1949 = vector.shape_cast %get3A_1948 : vector<1x6400xf32> to vector<6400xf32>
    %mul3A_1950 = arith.mulf %get3A_1945, %get3A_1949 : vector<6400xf32>
    %add3A_1951 = arith.addf %add3A_1921, %mul3A_1950 : vector<6400xf32>
    %get3A_1952 = arith.constant 11 : index
    %get3A_1953 = arith.constant 0 : index
    %get3A_1954 = vector.load %arg1[%get3A_1952, %get3A_1953] : memref<16x6400xf32, #tpu.memory_space<vmem>>, vector<1x6400xf32>
    %get3A_1955 = vector.shape_cast %get3A_1954 : vector<1x6400xf32> to vector<6400xf32>
    %get3A_1956 = arith.constant 10 : index
    %get3A_1957 = arith.constant 0 : index
    %get3A_1958 = vector.load %arg1[%get3A_1956, %get3A_1957] : memref<16x6400xf32, #tpu.memory_space<vmem>>, vector<1x6400xf32>
    %get3A_1959 = vector.shape_cast %get3A_1958 : vector<1x6400xf32> to vector<6400xf32>
    %mul3A_1960 = arith.mulf %get3A_1955, %get3A_1959 : vector<6400xf32>
    %add3A_1961 = arith.addf %add3A_1931, %mul3A_1960 : vector<6400xf32>
    %get3A_1962 = arith.constant 11 : index
    %get3A_1963 = arith.constant 0 : index
    %get3A_1964 = vector.load %arg2[%get3A_1962, %get3A_1963] : memref<16x6400xf32, #tpu.memory_space<vmem>>, vector<1x6400xf32>
    %get3A_1965 = vector.shape_cast %get3A_1964 : vector<1x6400xf32> to vector<6400xf32>
    %get3A_1966 = arith.constant 10 : index
    %get3A_1967 = arith.constant 0 : index
    %get3A_1968 = vector.load %arg2[%get3A_1966, %get3A_1967] : memref<16x6400xf32, #tpu.memory_space<vmem>>, vector<1x6400xf32>
    %get3A_1969 = vector.shape_cast %get3A_1968 : vector<1x6400xf32> to vector<6400xf32>
    %mul3A_1970 = arith.mulf %get3A_1965, %get3A_1969 : vector<6400xf32>
    %add3A_1971 = arith.addf %add3A_1941, %mul3A_1970 : vector<6400xf32>
    %get3A_1972 = arith.constant 15 : index
    %get3A_1973 = arith.constant 0 : index
    %get3A_1974 = vector.load %arg1[%get3A_1972, %get3A_1973] : memref<16x6400xf32, #tpu.memory_space<vmem>>, vector<1x6400xf32>
    %get3A_1975 = vector.shape_cast %get3A_1974 : vector<1x6400xf32> to vector<6400xf32>
    %get3A_1976 = arith.constant 14 : index
    %get3A_1977 = arith.constant 0 : index
    %get3A_1978 = vector.load %arg2[%get3A_1976, %get3A_1977] : memref<16x6400xf32, #tpu.memory_space<vmem>>, vector<1x6400xf32>
    %get3A_1979 = vector.shape_cast %get3A_1978 : vector<1x6400xf32> to vector<6400xf32>
    %mul3A_1980 = arith.mulf %get3A_1975, %get3A_1979 : vector<6400xf32>
    %add3A_1981 = arith.addf %add3A_1951, %mul3A_1980 : vector<6400xf32>
    %get3A_1982 = arith.constant 15 : index
    %get3A_1983 = arith.constant 0 : index
    %get3A_1984 = vector.load %arg1[%get3A_1982, %get3A_1983] : memref<16x6400xf32, #tpu.memory_space<vmem>>, vector<1x6400xf32>
    %get3A_1985 = vector.shape_cast %get3A_1984 : vector<1x6400xf32> to vector<6400xf32>
    %get3A_1986 = arith.constant 14 : index
    %get3A_1987 = arith.constant 0 : index
    %get3A_1988 = vector.load %arg1[%get3A_1986, %get3A_1987] : memref<16x6400xf32, #tpu.memory_space<vmem>>, vector<1x6400xf32>
    %get3A_1989 = vector.shape_cast %get3A_1988 : vector<1x6400xf32> to vector<6400xf32>
    %mul3A_1990 = arith.mulf %get3A_1985, %get3A_1989 : vector<6400xf32>
    %add3A_1991 = arith.addf %add3A_1961, %mul3A_1990 : vector<6400xf32>
    %get3A_1992 = arith.constant 15 : index
    %get3A_1993 = arith.constant 0 : index
    %get3A_1994 = vector.load %arg2[%get3A_1992, %get3A_1993] : memref<16x6400xf32, #tpu.memory_space<vmem>>, vector<1x6400xf32>
    %get3A_1995 = vector.shape_cast %get3A_1994 : vector<1x6400xf32> to vector<6400xf32>
    %get3A_1996 = arith.constant 14 : index
    %get3A_1997 = arith.constant 0 : index
    %get3A_1998 = vector.load %arg2[%get3A_1996, %get3A_1997] : memref<16x6400xf32, #tpu.memory_space<vmem>>, vector<1x6400xf32>
    %get3A_1999 = vector.shape_cast %get3A_1998 : vector<1x6400xf32> to vector<6400xf32>
    %mul3A_2000 = arith.mulf %get3A_1995, %get3A_1999 : vector<6400xf32>
    %add3A_2001 = arith.addf %add3A_1971, %mul3A_2000 : vector<6400xf32>
    %neg3A_2002 = arith.constant 0.000000e+00 : f32
    %neg3A_2003 = vector.broadcast %neg3A_2002 : f32 to vector<6400xf32>
    %neg3A_2004 = arith.subf %neg3A_2003, %add3A_1981 : vector<6400xf32>
    %swap3A_2005 = arith.constant 14 : index
    %swap3A_2006 = arith.constant 0 : index
    %swap3A_2007 = vector.load %arg3[%swap3A_2005, %swap3A_2006] : memref<16x6400xf32, #tpu.memory_space<vmem>>, vector<1x6400xf32>
    %swap3A_2008 = vector.shape_cast %swap3A_2007 : vector<1x6400xf32> to vector<6400xf32>
    %swap3A_2009 = vector.shape_cast %neg3A_2004 : vector<6400xf32> to vector<1x6400xf32>
    tpu.vector_store %arg3[%swap3A_2005, %swap3A_2006], %swap3A_2009 {strides = array<i32>} : memref<16x6400xf32, #tpu.memory_space<vmem>>, vector<1x6400xf32>,
    %swap3A_2010 = arith.constant 14 : index
    %swap3A_2011 = arith.constant 0 : index
    %swap3A_2012 = vector.load %arg4[%swap3A_2010, %swap3A_2011] : memref<16x6400xf32, #tpu.memory_space<vmem>>, vector<1x6400xf32>
    %swap3A_2013 = vector.shape_cast %swap3A_2012 : vector<1x6400xf32> to vector<6400xf32>
    %swap3A_2014 = vector.shape_cast %add3A_1991 : vector<6400xf32> to vector<1x6400xf32>
    tpu.vector_store %arg4[%swap3A_2010, %swap3A_2011], %swap3A_2014 {strides = array<i32>} : memref<16x6400xf32, #tpu.memory_space<vmem>>, vector<1x6400xf32>,
    %swap3A_2015 = arith.constant 14 : index
    %swap3A_2016 = arith.constant 0 : index
    %swap3A_2017 = vector.load %arg5[%swap3A_2015, %swap3A_2016] : memref<16x6400xf32, #tpu.memory_space<vmem>>, vector<1x6400xf32>
    %swap3A_2018 = vector.shape_cast %swap3A_2017 : vector<1x6400xf32> to vector<6400xf32>
    %swap3A_2019 = vector.shape_cast %add3A_2001 : vector<6400xf32> to vector<1x6400xf32>
    tpu.vector_store %arg5[%swap3A_2015, %swap3A_2016], %swap3A_2019 {strides = array<i32>} : memref<16x6400xf32, #tpu.memory_space<vmem>>, vector<1x6400xf32>,
    %get3A_2020 = arith.constant 3 : index
    %get3A_2021 = arith.constant 0 : index
    %get3A_2022 = vector.load %arg1[%get3A_2020, %get3A_2021] : memref<16x6400xf32, #tpu.memory_space<vmem>>, vector<1x6400xf32>
    %get3A_2023 = vector.shape_cast %get3A_2022 : vector<1x6400xf32> to vector<6400xf32>
    %get3A_2024 = arith.constant 3 : index
    %get3A_2025 = arith.constant 0 : index
    %get3A_2026 = vector.load %arg2[%get3A_2024, %get3A_2025] : memref<16x6400xf32, #tpu.memory_space<vmem>>, vector<1x6400xf32>
    %get3A_2027 = vector.shape_cast %get3A_2026 : vector<1x6400xf32> to vector<6400xf32>
    %mul3A_2028 = arith.mulf %get3A_2023, %get3A_2027 : vector<6400xf32>
    %get3A_2029 = arith.constant 3 : index
    %get3A_2030 = arith.constant 0 : index
    %get3A_2031 = vector.load %arg1[%get3A_2029, %get3A_2030] : memref<16x6400xf32, #tpu.memory_space<vmem>>, vector<1x6400xf32>
    %get3A_2032 = vector.shape_cast %get3A_2031 : vector<1x6400xf32> to vector<6400xf32>
    %get3A_2033 = arith.constant 3 : index
    %get3A_2034 = arith.constant 0 : index
    %get3A_2035 = vector.load %arg1[%get3A_2033, %get3A_2034] : memref<16x6400xf32, #tpu.memory_space<vmem>>, vector<1x6400xf32>
    %get3A_2036 = vector.shape_cast %get3A_2035 : vector<1x6400xf32> to vector<6400xf32>
    %mul3A_2037 = arith.mulf %get3A_2032, %get3A_2036 : vector<6400xf32>
    %get3A_2038 = arith.constant 3 : index
    %get3A_2039 = arith.constant 0 : index
    %get3A_2040 = vector.load %arg2[%get3A_2038, %get3A_2039] : memref<16x6400xf32, #tpu.memory_space<vmem>>, vector<1x6400xf32>
    %get3A_2041 = vector.shape_cast %get3A_2040 : vector<1x6400xf32> to vector<6400xf32>
    %get3A_2042 = arith.constant 3 : index
    %get3A_2043 = arith.constant 0 : index
    %get3A_2044 = vector.load %arg2[%get3A_2042, %get3A_2043] : memref<16x6400xf32, #tpu.memory_space<vmem>>, vector<1x6400xf32>
    %get3A_2045 = vector.shape_cast %get3A_2044 : vector<1x6400xf32> to vector<6400xf32>
    %mul3A_2046 = arith.mulf %get3A_2041, %get3A_2045 : vector<6400xf32>
    %get3A_2047 = arith.constant 7 : index
    %get3A_2048 = arith.constant 0 : index
    %get3A_2049 = vector.load %arg1[%get3A_2047, %get3A_2048] : memref<16x6400xf32, #tpu.memory_space<vmem>>, vector<1x6400xf32>
    %get3A_2050 = vector.shape_cast %get3A_2049 : vector<1x6400xf32> to vector<6400xf32>
    %get3A_2051 = arith.constant 7 : index
    %get3A_2052 = arith.constant 0 : index
    %get3A_2053 = vector.load %arg2[%get3A_2051, %get3A_2052] : memref<16x6400xf32, #tpu.memory_space<vmem>>, vector<1x6400xf32>
    %get3A_2054 = vector.shape_cast %get3A_2053 : vector<1x6400xf32> to vector<6400xf32>
    %mul3A_2055 = arith.mulf %get3A_2050, %get3A_2054 : vector<6400xf32>
    %add3A_2056 = arith.addf %mul3A_2028, %mul3A_2055 : vector<6400xf32>
    %get3A_2057 = arith.constant 7 : index
    %get3A_2058 = arith.constant 0 : index
    %get3A_2059 = vector.load %arg1[%get3A_2057, %get3A_2058] : memref<16x6400xf32, #tpu.memory_space<vmem>>, vector<1x6400xf32>
    %get3A_2060 = vector.shape_cast %get3A_2059 : vector<1x6400xf32> to vector<6400xf32>
    %get3A_2061 = arith.constant 7 : index
    %get3A_2062 = arith.constant 0 : index
    %get3A_2063 = vector.load %arg1[%get3A_2061, %get3A_2062] : memref<16x6400xf32, #tpu.memory_space<vmem>>, vector<1x6400xf32>
    %get3A_2064 = vector.shape_cast %get3A_2063 : vector<1x6400xf32> to vector<6400xf32>
    %mul3A_2065 = arith.mulf %get3A_2060, %get3A_2064 : vector<6400xf32>
    %add3A_2066 = arith.addf %mul3A_2037, %mul3A_2065 : vector<6400xf32>
    %get3A_2067 = arith.constant 7 : index
    %get3A_2068 = arith.constant 0 : index
    %get3A_2069 = vector.load %arg2[%get3A_2067, %get3A_2068] : memref<16x6400xf32, #tpu.memory_space<vmem>>, vector<1x6400xf32>
    %get3A_2070 = vector.shape_cast %get3A_2069 : vector<1x6400xf32> to vector<6400xf32>
    %get3A_2071 = arith.constant 7 : index
    %get3A_2072 = arith.constant 0 : index
    %get3A_2073 = vector.load %arg2[%get3A_2071, %get3A_2072] : memref<16x6400xf32, #tpu.memory_space<vmem>>, vector<1x6400xf32>
    %get3A_2074 = vector.shape_cast %get3A_2073 : vector<1x6400xf32> to vector<6400xf32>
    %mul3A_2075 = arith.mulf %get3A_2070, %get3A_2074 : vector<6400xf32>
    %add3A_2076 = arith.addf %mul3A_2046, %mul3A_2075 : vector<6400xf32>
    %get3A_2077 = arith.constant 11 : index
    %get3A_2078 = arith.constant 0 : index
    %get3A_2079 = vector.load %arg1[%get3A_2077, %get3A_2078] : memref<16x6400xf32, #tpu.memory_space<vmem>>, vector<1x6400xf32>
    %get3A_2080 = vector.shape_cast %get3A_2079 : vector<1x6400xf32> to vector<6400xf32>
    %get3A_2081 = arith.constant 11 : index
    %get3A_2082 = arith.constant 0 : index
    %get3A_2083 = vector.load %arg2[%get3A_2081, %get3A_2082] : memref<16x6400xf32, #tpu.memory_space<vmem>>, vector<1x6400xf32>
    %get3A_2084 = vector.shape_cast %get3A_2083 : vector<1x6400xf32> to vector<6400xf32>
    %mul3A_2085 = arith.mulf %get3A_2080, %get3A_2084 : vector<6400xf32>
    %add3A_2086 = arith.addf %add3A_2056, %mul3A_2085 : vector<6400xf32>
    %get3A_2087 = arith.constant 11 : index
    %get3A_2088 = arith.constant 0 : index
    %get3A_2089 = vector.load %arg1[%get3A_2087, %get3A_2088] : memref<16x6400xf32, #tpu.memory_space<vmem>>, vector<1x6400xf32>
    %get3A_2090 = vector.shape_cast %get3A_2089 : vector<1x6400xf32> to vector<6400xf32>
    %get3A_2091 = arith.constant 11 : index
    %get3A_2092 = arith.constant 0 : index
    %get3A_2093 = vector.load %arg1[%get3A_2091, %get3A_2092] : memref<16x6400xf32, #tpu.memory_space<vmem>>, vector<1x6400xf32>
    %get3A_2094 = vector.shape_cast %get3A_2093 : vector<1x6400xf32> to vector<6400xf32>
    %mul3A_2095 = arith.mulf %get3A_2090, %get3A_2094 : vector<6400xf32>
    %add3A_2096 = arith.addf %add3A_2066, %mul3A_2095 : vector<6400xf32>
    %get3A_2097 = arith.constant 11 : index
    %get3A_2098 = arith.constant 0 : index
    %get3A_2099 = vector.load %arg2[%get3A_2097, %get3A_2098] : memref<16x6400xf32, #tpu.memory_space<vmem>>, vector<1x6400xf32>
    %get3A_2100 = vector.shape_cast %get3A_2099 : vector<1x6400xf32> to vector<6400xf32>
    %get3A_2101 = arith.constant 11 : index
    %get3A_2102 = arith.constant 0 : index
    %get3A_2103 = vector.load %arg2[%get3A_2101, %get3A_2102] : memref<16x6400xf32, #tpu.memory_space<vmem>>, vector<1x6400xf32>
    %get3A_2104 = vector.shape_cast %get3A_2103 : vector<1x6400xf32> to vector<6400xf32>
    %mul3A_2105 = arith.mulf %get3A_2100, %get3A_2104 : vector<6400xf32>
    %add3A_2106 = arith.addf %add3A_2076, %mul3A_2105 : vector<6400xf32>
    %get3A_2107 = arith.constant 15 : index
    %get3A_2108 = arith.constant 0 : index
    %get3A_2109 = vector.load %arg1[%get3A_2107, %get3A_2108] : memref<16x6400xf32, #tpu.memory_space<vmem>>, vector<1x6400xf32>
    %get3A_2110 = vector.shape_cast %get3A_2109 : vector<1x6400xf32> to vector<6400xf32>
    %get3A_2111 = arith.constant 15 : index
    %get3A_2112 = arith.constant 0 : index
    %get3A_2113 = vector.load %arg2[%get3A_2111, %get3A_2112] : memref<16x6400xf32, #tpu.memory_space<vmem>>, vector<1x6400xf32>
    %get3A_2114 = vector.shape_cast %get3A_2113 : vector<1x6400xf32> to vector<6400xf32>
    %mul3A_2115 = arith.mulf %get3A_2110, %get3A_2114 : vector<6400xf32>
    %add3A_2116 = arith.addf %add3A_2086, %mul3A_2115 : vector<6400xf32>
    %get3A_2117 = arith.constant 15 : index
    %get3A_2118 = arith.constant 0 : index
    %get3A_2119 = vector.load %arg1[%get3A_2117, %get3A_2118] : memref<16x6400xf32, #tpu.memory_space<vmem>>, vector<1x6400xf32>
    %get3A_2120 = vector.shape_cast %get3A_2119 : vector<1x6400xf32> to vector<6400xf32>
    %get3A_2121 = arith.constant 15 : index
    %get3A_2122 = arith.constant 0 : index
    %get3A_2123 = vector.load %arg1[%get3A_2121, %get3A_2122] : memref<16x6400xf32, #tpu.memory_space<vmem>>, vector<1x6400xf32>
    %get3A_2124 = vector.shape_cast %get3A_2123 : vector<1x6400xf32> to vector<6400xf32>
    %mul3A_2125 = arith.mulf %get3A_2120, %get3A_2124 : vector<6400xf32>
    %add3A_2126 = arith.addf %add3A_2096, %mul3A_2125 : vector<6400xf32>
    %get3A_2127 = arith.constant 15 : index
    %get3A_2128 = arith.constant 0 : index
    %get3A_2129 = vector.load %arg2[%get3A_2127, %get3A_2128] : memref<16x6400xf32, #tpu.memory_space<vmem>>, vector<1x6400xf32>
    %get3A_2130 = vector.shape_cast %get3A_2129 : vector<1x6400xf32> to vector<6400xf32>
    %get3A_2131 = arith.constant 15 : index
    %get3A_2132 = arith.constant 0 : index
    %get3A_2133 = vector.load %arg2[%get3A_2131, %get3A_2132] : memref<16x6400xf32, #tpu.memory_space<vmem>>, vector<1x6400xf32>
    %get3A_2134 = vector.shape_cast %get3A_2133 : vector<1x6400xf32> to vector<6400xf32>
    %mul3A_2135 = arith.mulf %get3A_2130, %get3A_2134 : vector<6400xf32>
    %add3A_2136 = arith.addf %add3A_2106, %mul3A_2135 : vector<6400xf32>
    %neg3A_2137 = arith.constant 0.000000e+00 : f32
    %neg3A_2138 = vector.broadcast %neg3A_2137 : f32 to vector<6400xf32>
    %neg3A_2139 = arith.subf %neg3A_2138, %add3A_2116 : vector<6400xf32>
    %swap3A_2140 = arith.constant 15 : index
    %swap3A_2141 = arith.constant 0 : index
    %swap3A_2142 = vector.load %arg3[%swap3A_2140, %swap3A_2141] : memref<16x6400xf32, #tpu.memory_space<vmem>>, vector<1x6400xf32>
    %swap3A_2143 = vector.shape_cast %swap3A_2142 : vector<1x6400xf32> to vector<6400xf32>
    %swap3A_2144 = vector.shape_cast %neg3A_2139 : vector<6400xf32> to vector<1x6400xf32>
    tpu.vector_store %arg3[%swap3A_2140, %swap3A_2141], %swap3A_2144 {strides = array<i32>} : memref<16x6400xf32, #tpu.memory_space<vmem>>, vector<1x6400xf32>,
    %swap3A_2145 = arith.constant 15 : index
    %swap3A_2146 = arith.constant 0 : index
    %swap3A_2147 = vector.load %arg4[%swap3A_2145, %swap3A_2146] : memref<16x6400xf32, #tpu.memory_space<vmem>>, vector<1x6400xf32>
    %swap3A_2148 = vector.shape_cast %swap3A_2147 : vector<1x6400xf32> to vector<6400xf32>
    %swap3A_2149 = vector.shape_cast %add3A_2126 : vector<6400xf32> to vector<1x6400xf32>
    tpu.vector_store %arg4[%swap3A_2145, %swap3A_2146], %swap3A_2149 {strides = array<i32>} : memref<16x6400xf32, #tpu.memory_space<vmem>>, vector<1x6400xf32>,
    %swap3A_2150 = arith.constant 15 : index
    %swap3A_2151 = arith.constant 0 : index
    %swap3A_2152 = vector.load %arg5[%swap3A_2150, %swap3A_2151] : memref<16x6400xf32, #tpu.memory_space<vmem>>, vector<1x6400xf32>
    %swap3A_2153 = vector.shape_cast %swap3A_2152 : vector<1x6400xf32> to vector<6400xf32>
    %swap3A_2154 = vector.shape_cast %add3A_2136 : vector<6400xf32> to vector<1x6400xf32>
    tpu.vector_store %arg5[%swap3A_2150, %swap3A_2151], %swap3A_2154 {strides = array<i32>} : memref<16x6400xf32, #tpu.memory_space<vmem>>, vector<1x6400xf32>,
    return
  }
  func.func @transform_0(%arg0: i32) -> (i32, i32) {
    %c0_i32 = arith.constant 0 : i32
    %c0_i32_0 = arith.constant 0 : i32
    return %c0_i32, %arg0 : i32, i32
  }
  func.func @transform_1(%arg0: i32) -> (i32, i32) {
    %add3A = arith.constant 125 : i32
    %add3A_0 = arith.addi %arg0, %add3A : i32
    %c0_i32 = arith.constant 0 : i32
    %c0_i32_1 = arith.constant 0 : i32
    return %c0_i32, %add3A_0 : i32, i32
  }
  func.func @transform_2(%arg0: i32) -> (i32, i32) {
    %c0_i32 = arith.constant 0 : i32
    %c0_i32_0 = arith.constant 0 : i32
    return %c0_i32, %arg0 : i32, i32
  }
  func.func @transform_3(%arg0: i32) -> (i32, i32) {
    %c0_i32 = arith.constant 0 : i32
    %c0_i32_0 = arith.constant 0 : i32
    return %c0_i32, %arg0 : i32, i32
  }
  func.func @transform_4(%arg0: i32) -> (i32, i32) {
    %c0_i32 = arith.constant 0 : i32
    %c0_i32_0 = arith.constant 0 : i32
    return %c0_i32, %arg0 : i32, i32
  }
}

</mosaic_0001>

<sc_bundles>
// kernel: gather_offload_async_start.1
scs
__scs_entry_jumppad:
0x0: {  	(pc) =	sbr.rel $0x88, $3  }
0x1: {  	(tag) =	ssettag $0x0;
	lr =	simm.s32 $0x1  }
0x2: {  	[smem:$0x3F9D] =	sst lr;
	_ =	strace $0xD0000000  }
0x3: {  	_ = 	snop  }
0x4: {  	_ = 	snop  }
0x5: {  	_ = 	snop  }
0x6: {  	_ = 	snop  }
0x7: {  	_ = 	snop  }
__scs_overlays_trampoline_lowered:
0x8: {  	[smem:$0x3FAC] =	sst s0  }
0x9: {  	[smem:$0x3FAD] =	sst s1  }
0xa: {  	[smem:$0x3FAE] =	sst s2  }
0xb: {  	[smem:$0x3FAF] =	sst s3  }
0xc: {  	[smem:$0x3FB0] =	sst s4  }
0xd: {  	[smem:$0x3FB1] =	sst s5  }
0xe: {  	[smem:$0x3FB2] =	sst s6  }
0xf: {  	[smem:$0x3FB3] =	sst s7  }
0x10: {  	[smem:$0x3FB4] =	sst s8  }
0x11: {  	[smem:$0x3FB5] =	sst s9;
	s0 =	simm.s32 @!p0 $0x0  }
0x12: {  	s1 =	sld [smem:$0x3F9B];
	s0 =	simm.s32 @p0 $0x1  }
0x13: {  	[smem:$0x3FB6] =	sst s0;
	s0 =	simm.s32 @!p1 $0x0  }
0x14: {  	s2 =	sld [smem:$0x3F9A];
	s0 =	simm.s32 @p1 $0x1  }
0x15: {  	[smem:$0x3FB7] =	sst s0;
	s0 =	simm.s32 @!p2 $0x0  }
0x16: {  	s3 =	sld [smem:$0x3FDB];
	s0 =	simm.s32 @p2 $0x1  }
0x17: {  	s4 =	simm.s32 $0x1BF5;
	[smem:$0x3FB9] =	sst s0  }
0x18: {  	s0 =	sld [smem:$0x3F9C];
	_ =	swait.ge [sflag:s4], $0x0  }
0x19: {  	s7 =	sld [smem:$0x3F9D]  }
0x1a: {  	s8 =	sadd.s32 $0xFFFFE003, lr  }
0x1b: {  	s9 =	sadd.s32 $0xFFFFFEF7, lr;
	s5 =	simm.s32 $0xFFFFFFFF;
	p2 =	slt.u32 s8, $0xFFFFF086  }
0x1c: {  	p1 =	slt.u32 s9, $0xF7A;
	s5 =	simm.s32 @!p2 $0x0  }
0x1d: {  	s5 =	simm.s32 @p1 $0x1;
	p0 =	seq.s32 s7, s2  }
0x1e: {  	s7 =	smul.u32 @!p0 $0xF7A, s2;
	p2 =	seq.s32 @!p0 s5, $0x0  }
0x1f: {  	s9 =	smul.u32 $0xF7A, s1;
	s8 =	simm.s32 @!p0 $0x1BF5;
	p2 =	por !p2, p0  }
0x20: {  	[sflag:s8] =	ssyncset.s32 @!p0 $0xFFFFF086;
	s6 =	sadd.s32 @!p0 s3, s7;
	s7 =	simm.s32 @!p0 $0x108  }
0x21: {  	s3 =	sadd.s32 s3, s9;
	s6 =	sadd.s32 @!p0 $0x88, s6;
	s7 =	simm.s32 @p2 $0x1082  }
0x22: {  	[simem:s7], [sflag:s8] =	dma.local @!p0 [hbm:s6], $0xF7A  }
0x23: {  	s9 =	sor.u32 $0xD0000000, s2;
	s6 =	simm.s32 $0x108;
	_ =	swait.ge @!p0 [sflag:s8], $0x0  }
0x24: {  	s3 =	sadd.s32 $0x88, s3;
	s6 =	simm.s32 @!p1 $0x1082;
	[sflag:s4] =	ssyncset.s32 $0xFFFFF086  }
0x25: {  	[simem:s6], [sflag:s4] =	dma.local [hbm:s3], $0xF7A  }
0x26: {  	[smem:$0x3F9D] =	sst s1;
	(tag) =	ssettag s2;
	_ =	strace s9  }
0x27: {  	s1 =	sld [smem:$0x3FAD]  }
0x28: {  	s2 =	sld [smem:$0x3FAE]  }
0x29: {  	s4 =	sld [smem:$0x3FB0]  }
0x2a: {  	p0 =	seq.s32 s5, $0x0;
	s5 =	sld [smem:$0x3FB1]  }
0x2b: {  	s6 =	sld [smem:$0x3FB2]  }
0x2c: {  	s7 =	sld [smem:$0x3FB3]  }
0x2d: {  	s3 =	simm.s32 $0x108;
	s8 =	sld [smem:$0x3FB4]  }
0x2e: {  	s3 =	simm.s32 @!p0 $0x1082;
	s9 =	sld [smem:$0x3FB5]  }
0x2f: {  	lr =	sadd.s32 s0, s3;
	s0 =	sld [smem:$0x3FAC]  }
0x30: {  	s3 =	sld [smem:$0x3FAF]  }
0x31: {  	[smem:$0x3FB8] =	sst s10  }
0x32: {  	s10 =	sld [smem:$0x3FB6];
	_ =	sdelay $0x3  }
0x33: {  	p0 =	seq.s32 s10, $0x1;
	s10 =	sld [smem:$0x3FB8];
	_ =	sdelay $0x3  }
0x34: {  	[smem:$0x3FB8] =	sst s10  }
0x35: {  	s10 =	sld [smem:$0x3FB7];
	_ =	sdelay $0x3  }
0x36: {  	p1 =	seq.s32 s10, $0x1;
	s10 =	sld [smem:$0x3FB8];
	_ =	sdelay $0x3  }
0x37: {  	[smem:$0x3FB8] =	sst s10  }
0x38: {  	s10 =	sld [smem:$0x3FB9]  }
0x39: {  	_ = 	snop;
	(pc) =	sbr.ind lr, $3  }
0x3a: {  	_ = 	snop  }
0x3b: {  	_ = 	snop  }
0x3c: {  	p2 =	seq.s32 s10, $0x1;
	s10 =	sld [smem:$0x3FB8]  }
0x3d: {  	_ =	shalt  }
0x3e: {  	_ =	shalt  }
0x3f: {  	_ =	shalt  }
0x40: {  	_ =	shalt  }
0x41: {  	_ =	shalt  }
0x42: {  	_ =	shalt  }
0x43: {  	_ =	shalt  }
0x44: {  	_ =	shalt  }
0x45: {  	_ =	shalt  }
0x46: {  	_ =	shalt  }
0x47: {  	_ =	shalt  }
0x48: {  	_ =	shalt  }
0x49: {  	_ =	shalt  }
0x4a: {  	_ =	shalt  }
0x4b: {  	_ =	shalt  }
0x4c: {  	_ =	shalt  }
0x4d: {  	_ =	shalt  }
0x4e: {  	_ =	shalt  }
0x4f: {  	_ =	shalt  }
0x50: {  	_ =	shalt  }
0x51: {  	_ =	shalt  }
0x52: {  	_ =	shalt  }
0x53: {  	_ =	shalt  }
0x54: {  	_ =	shalt  }
0x55: {  	_ =	shalt  }
0x56: {  	_ =	shalt  }
0x57: {  	_ =	shalt  }
0x58: {  	_ =	shalt  }
0x59: {  	_ =	shalt  }
0x5a: {  	_ =	shalt  }
0x5b: {  	_ =	shalt  }
0x5c: {  	_ =	shalt  }
0x5d: {  	_ =	shalt  }
0x5e: {  	_ =	shalt  }
0x5f: {  	_ =	shalt  }
0x60: {  	_ =	shalt  }
0x61: {  	_ =	shalt  }
0x62: {  	_ =	shalt  }
0x63: {  	_ =	shalt  }
0x64: {  	_ =	shalt  }
0x65: {  	_ =	shalt  }
0x66: {  	_ =	shalt  }
0x67: {  	_ =	shalt  }
0x68: {  	_ =	shalt  }
0x69: {  	_ =	shalt  }
0x6a: {  	_ =	shalt  }
0x6b: {  	_ =	shalt  }
0x6c: {  	_ =	shalt  }
0x6d: {  	_ =	shalt  }
0x6e: {  	_ =	shalt  }
0x6f: {  	_ =	shalt  }
0x70: {  	_ =	shalt  }
0x71: {  	_ =	shalt  }
0x72: {  	_ =	shalt  }
0x73: {  	_ =	shalt  }
0x74: {  	_ =	shalt  }
0x75: {  	_ =	shalt  }
0x76: {  	_ =	shalt  }
0x77: {  	_ =	shalt  }
0x78: {  	_ =	shalt  }
0x79: {  	_ =	shalt  }
0x7a: {  	_ =	shalt  }
0x7b: {  	_ =	shalt  }
0x7c: {  	_ =	shalt  }
0x7d: {  	_ =	shalt  }
0x7e: {  	_ =	shalt  }
0x7f: {  	_ =	shalt  }
0x80: {  	_ =	shalt  }
0x81: {  	_ =	shalt  }
0x82: {  	_ =	shalt  }
0x83: {  	_ =	shalt  }
0x84: {  	_ =	shalt  }
0x85: {  	_ =	shalt  }
0x86: {  	_ =	shalt  }
0x87: {  	_ =	shalt  }
.Lfunc_end0:
.L_simem_size_0:
called_computation.6_lowered:
.L_overlay_start_0:
0x88: {  	s2 =	sld [smem:$0x3FD9]  }
0x89: {  	s3 =	sld [smem:$0x3FFE];
	_ =	sdelay $0x1  }
0x8a: {  	s1 =	srdreg.scid  }
0x8b: {  	s0 =	sand.u32 $0x1, s1  }
0x8c: {  	s15 =	sshll.u32 s0, $0xA;
	s2 =	sadd.s32 s3, s2  }
0x8d: {  	s2 =	sadd.s32 s2, s15  }
0x8e: {  	[smem:$0x3FC4] =	sst s2  }
0x8f: {  	_ = 	snop  }
0x90: {  	s2 =	sld [smem:$0x3FD0];
	_ =	sdelay $0x2  }
0x91: {  	s16 =	simm.s32 $0xE;
	s4 =	simm.s32 $0x10  }
0x92: {  	[smem:s4], [sflag:s16] =	dma.local [hbm:s2], $0x1  }
0x93: {  	_ =	swait.eq [sflag:s16], $0x1  }
0x94: {  	[sflag:s16] =	ssyncset.done $0x0  }
0x95: {  	[sflag:s16] =	ssyncadd.s32 $0xFFFFFFFF  }
0x96: {  	s17 =	sld [smem:$0x10];
	(tm) =	ssettm $0x1  }
0x97: {  	s18 =	sld [smem:$0x3FFB];
	_ =	sdelay $0x3  }
0x98: {  	_ =	strace s18  }
0x99: {  	s2 =	sld [smem:$0x3FFC];
	_ =	sdelay $0x3  }
0x9a: {  	_ =	strace s2  }
0x9b: {  	s2 =	sld [smem:$0x3FFD];
	_ =	sdelay $0x3  }
0x9c: {  	_ =	strace s2  }
0x9d: {  	_ =	strace $0x8FFFFFFF  }
0x9e: {  	s19 =	sld [smem:$0x3FDB];
	_ =	sdelay $0x1  }
0x9f: {  	s20 =	simm.s32 $_scs_section_size  }
0xa0: {  	s5 =	simm.s32 $_size__tile_overlayer_lowered;
	s6 =	simm.s32 $_tile_overlayer_lowered  }
0xa1: {  	s7 =	simm.s32 $0x1BFF;
	s21 =	sshll.u32 s6, $0x1;
	s4 =	sadd.s32 s20, s19  }
0xa2: {  	s22 =	simm.s32 $0x0;
	s5 =	sshll.u32 s5, $0x1;
	s6 =	sadd.s32 s21, s4  }
0xa3: {  	[timem:s22], [sflag:s7] =	dma.local [hbm:s6], s5  }
0xa4: {  	_ =	swait.ge [sflag:s7], s5  }
0xa5: {  	s5 =	ssub.s32 $0x0, s5;
	[sflag:s7] =	ssyncset.done $0x0  }
0xa6: {  	[sflag:s7] =	ssyncadd.s32 s5;
	_ =	sdelay $0x1  }
0xa7: {  	s23 =	simm.s32 $0x1B8B  }
0xa8: {  	_ =	swait.ge [sflag:s23], $0x1  }
0xa9: {  	[sflag:s23] =	ssyncset.done $0x0  }
0xaa: {  	[sflag:s23] =	ssyncadd.s32 $0xFFFFFFFF  }
0xab: {  	s5 =	sld [smem:$0x0]  }
0xac: {  	s6 =	sand.u32 $0xFFFFFFFE, s1  }
0xad: {  	p0 =	sne.s32 s1, s6  }
0xae: {  	s6 =	sshll.u32 @p0 s6, $0xE  }
0xaf: {  	s6 =	sadd.s32 @p0 $0x11B8D, s6;
	s7 =	sshll.u32 @p0 s5, $0x11  }
0xb0: {  	s6 =	sor.u32 @p0 s7, s6  }
0xb1: {  	[sflag:s6] =	ssyncadd.remote.s32 @p0 $0x1;
	_ =	sdelay $0x1  }
0xb2: {  	s6 =	simm.s32 @p0 $0x1B8D  }
0xb3: {  	_ =	swait.eq @p0 [sflag:s6], $0x1  }
0xb4: {  	[sflag:s6] =	ssyncadd.s32 @p0 $0xFFFFFFFF  }
0xb5: {  	s7 =	sshll.u32 @!p0 s1, $0xE  }
0xb6: {  	s7 =	sor.u32 @!p0 $0x4000, s7;
	s6 =	simm.s32 @!p0 $0x1B8D  }
0xb7: {  	s5 =	sshll.u32 @!p0 s5, $0x11;
	s7 =	sadd.s32 @!p0 $0x11B8D, s7;
	_ =	swait.eq @!p0 [sflag:s6], $0x1  }
0xb8: {  	s5 =	sor.u32 @!p0 s5, s7;
	[sflag:s6] =	ssyncadd.s32 @!p0 $0xFFFFFFFF  }
0xb9: {  	s25 =	simm.s32 $0x1B8E;
	s24 =	sld [smem:$0x3FFE];
	[sflag:s5] =	ssyncadd.remote.s32 @!p0 $0x1  }
0xba: {  	s26 =	simm.s32 $execute0_lowered;
	[smem:$0x3FD2] =	sst s25  }
0xbb: {  	s6 =	sshll.u32 s26, $0x1;
	_ =	strace $0x80000061;
	[dreg:$0x1] =	wrdreg $0xFFFFFFFF  }
0xbc: {  	s28 =	simm.s32 $_size_execute0_lowered;
	s4 =	sadd.s32 s4, s6;
	[dreg:$0x0] =	wrdreg $0x0  }
0xbd: {  	s6 =	sshll.u32 s28, $0x1;
	[dreg:$0x2] =	wrdreg s4  }
0xbe: {  	[dreg:$0x3] =	wrdreg s6  }
0xbf: {  	[dreg:$0x4] =	wrdreg $0xC0  }
0xc0: {  	_ =	task [dreg:s22], $0x5FFFF  }
0xc1: {  	[dreg:$0x1] =	wrdreg $0xFFFFFFFF  }
0xc2: {  	[dreg:$0x0] =	wrdreg $0x60  }
0xc3: {  	[dreg:$0x2] =	wrdreg s17  }
0xc4: {  	[dreg:$0x3] =	wrdreg s24  }
0xc5: {  	[dreg:$0x4] =	wrdreg $0xA  }
0xc6: {  	_ =	task.clear_ibuf [dreg:s22], $0x5FFFF;
	_ =	strace $0x90000061  }
0xc7: {  	s29 =	simm.s32 $0xA;
	_ =	strace $0x80000063  }
0xc8: {  	_ =	swait.ge [sflag:s29], $0x1  }
0xc9: {  	[sflag:s29] =	ssyncadd.s32 $0xFFFFFFFF  }
0xca: {  	_ =	strace $0x90000063  }
0xcb: {  	_ =	sfence  }
0xcc: {  	s30 =	sld [smem:$0x0];
	_ =	sdelay $0x2  }
0xcd: {  	s31 =	sshll.u32 s1, $0xD;
	s1 =	sshrl.u32 s1, $0x2  }
0xce: {  	s4 =	sand.u32 $0x4000, s31;
	s1 =	sadd.s32 s1, s30  }
0xcf: {  	s0 =	sor.u32 s4, s0;
	s1 =	sshll.u32 s1, $0x11  }
0xd0: {  	s0 =	sor.u32 s1, s0  }
0xd1: {  	s0 =	sadd.s32 $0x8F2B, s0  }
0xd2: {  	[sflag:s0] =	ssyncadd.remote.s32 $0x1  }
0xd3: {  	_ =	sfence.sel $0xFFFF  }
0xd4: {  	[dreg:$0x0] =	wrdreg $0xFFFFFFFF;
	(pc) =	sbr.abs _section_cstart, $3  }
0xd5: {  	[dreg:$0x1] =	wrdreg $0xFFFFFFFF  }
0xd6: {  	_ =	task.clear_ibuf [dreg:s22], $0x2FFFF;
	_ =	strace $0x9FFFFFFF  }
0xd7: {  	(tm) =	ssettm $0x7FFFFFFF  }
tec
execute0_lowered:
.L_overlay_start_1:
0x0: {  	(tag) =	ssettag $0x1  }
0x1: {  	s0 =	stileid.u32;
	s1 =	srdreg.scid  }
0x2: {  	s1 =	sand.u32 $0x1, s1;
	s2 =	sshll.u32 s0, $0x1  }
0x3: {  	s1 =	sor.u32 s2, s1  }
0x4: {  	s2 =	smul.u32 $0x7530, s1;
	_ =	sdelay $0x1  }
0x5: {  	s6 =	ssub.s32 $0x192D500, s2  }
0x6: {  	s3 =	rddreg [dreg:$0x0];
	s31 =	smulhi.u32 $0x8BCF65, s6  }
0x7: {  	s8 =	rddreg [dreg:$0x1];
	s5 =	simm.s32 $0x1  }
0x8: {  	s10 =	simm.s32 $0x3;
	s13 =	simm.s32 $0x0;
	s7 =	sshrl.u32 s31, $0xB  }
0x9: {  	s12 =	simm.s32 $0x0;
	s4 =	sadd.s32 $0x368FA00, s8;
	s9 =	smul.u32 $0xEA600, s7  }
.Ltmp0:
0xa: {  	s8 =	sadd.s32 $0xC00, s8;
	s1 =	rddreg [dreg:$0x2];
	(pc) =	sbr.rel .LBB2_1-.Ltmp0, $4  }
0xb: {  	_ =	strace $0x80000062;
	p0 =	sne.s32 s6, s9;
	s9 =	simm.s32 $0x1  }
0xc: {  	[sflag:s5] =	ssyncpa.u1 $0x0;
	s6 =	simm.s32 $0x2;
	s9 =	simm.s32 @!p0 $0x0  }
0xd: {  	s11 =	smov.u32 s2;
	[sflag:s6] =	ssyncpa.u1 $0x0;
	s7 =	sadd.s32 s9, s7  }
0xe: {  	vm0 =	vmmov $0xffff;
	[sflag:s10] =	ssyncpa.u1 $0x0;
	s10 =	simm.s32 $0x0;
	s9 =	sadd.s32 $0x1, s7  }
.LBB2_4:
0xf: {  	v2 =	vnsel vm1, $0x0, v2  }
0x10: {  	vm1 =	vgt.s32 v0, $0x0;
	v2 =	vmin.u32 v2, $0x192D4FF  }
0x11: {  	v0 =	vnsel vm1, $0x0, v0  }
0x12: {  	v0 =	vmin.u32 v0, $0x192D4FF  }
0x13: {  	[tilespmem:s18], [sflag:$0x1] =	stream.indirect_vreg.gather [hbm4b:s3+s10], $0x1, v1, vm0, $0x4038;
	[tilespmem:$0x1D4C0] =	vst v63  }
0x14: {  	(ifvalue) =	ssetifvalue $0x7FFFFFFF  }
0x15: {  	[tilespmem:s15], [sflag:$0x1] =	stream.indirect_vreg.gather [hbm4b:s3+s10], $0x1, v2, vm0, $0x4038;
	[tilespmem:$0x1D4C0] =	vst v63  }
0x16: {  	s29 =	sadd.s32 $0x10, s15;
	(ifvalue) =	ssetifvalue $0x7FFFFFFF  }
0x17: {  	[tilespmem:s29], [sflag:$0x1] =	stream.indirect_vreg.gather [hbm4b:s3+s10], $0x1, v0, vm0, $0x4038;
	[tilespmem:$0x1D4C0] =	vst v63  }
0x18: {  	_ =	swait.ge [sflag:s5], $0x7530  }
0x19: {  	s30 =	sshrl.u32 s13, $0x3;
	[sflag:s5] =	ssyncset.done $0x0  }
0x1a: {  	s31 =	sand.u32 $0x7, s13;
	s15 =	sadd.s32 s8, s30;
	[sflag:s5] =	ssyncadd.s32 $0xFFFF8AD0  }
0x1b: {  	[hbm4b:s15+s31] =	stream.linear.scatter [tilespmem:s14], [sflag:$0x3], $0x7530, $0x38;
	[tilespmem:$0x1D4C0] =	vst v63  }
.LBB2_5:
0x1c: {  	s15 =	sadd.s32 $0xEA600, s11  }
0x1d: {  	p1 =	sgt.s32 s15, $0x192D4FF  }
0x1e: {  	s15 =	smov.u32 @p1 s2;
	p1 =	sne.s32 s12, s9  }
.Ltmp1:
0x1f: {  	p0 =	slt.u32 s12, $0x2;
	(pc) =	sbr.rel @!p1 .LBB2_6-.Ltmp1, $4  }
0x20: {  	s14 =	simm.s32 @!p0 $0x3  }
0x21: {  	_ =	swait.ge @!p0 [sflag:s14], $0x7530  }
0x22: {  	s16 =	sadd.s32 $0x1, s12;
	s13 =	smov.u32 s11;
	[sflag:s14] =	ssyncset.done @!p0 $0x0  }
0x23: {  	s12 =	smov.u32 s16;
	s11 =	smov.u32 s15;
	[sflag:s14] =	ssyncadd.s32 @!p0 $0xFFFF8AD0  }
.LBB2_1:
0x24: {  	p0 =	sge.u32 s12, s7  }
0x25: {  	s14 =	sxor.u32 @!p0 $0xFFFFFFFF, s12  }
0x26: {  	s14 =	sand.u32 @!p0 $0x1, s14  }
0x27: {  	s14 =	smul.u32 @!p0 $0x1D4C0, s14  }
0x28: {  	s31 =	sadd.s32 $0xFFFFFFFF, s12;
	s15 =	sshrl.u32 @!p0 s11, $0x3  }
0x29: {  	s16 =	sand.u32 @!p0 $0x7, s11;
	s15 =	sadd.s32 @!p0 s4, s15;
	s14 =	sshrl.u32 @!p0 s14, $0x2  }
0x2a: {  	[tilespmem:s14], [sflag:$0x2] =	stream.linear.gather @!p0 [hbm4b:s15+s16], $0x7530, $0x38;
	[tilespmem:$0x1D4C0] =	vst v63  }
0x2b: {  	p0 =	sge.u32 s31, s7  }
.Ltmp2:
0x2c: {  	_ = 	snop;
	(pc) =	sbr.rel @p0 .LBB2_5-.Ltmp2, $1  }
0x2d: {  	_ =	sdelay $0x3  }
0x2e: {  	s14 =	sand.u32 $0x1, s12  }
0x2f: {  	_ =	swait.ge [sflag:s6], $0x7530;
	p0 =	seq.s32 s14, $0x1;
	s14 =	simm.s32 $0x7530  }
0x30: {  	[sflag:s6] =	ssyncset.done $0x0;
	s14 =	simm.s32 @!p0 $0x0  }
0x31: {  	[sflag:s6] =	ssyncadd.s32 $0xFFFF8AD0;
	(ifvalue) =	ssetifvalue $0x7FFFFFFF;
	v0 =	vld.msk [tilespmem:s14+$0x0 ss:$0x1], $0xffff;
	_ =	sdelay $0x4  }
0x32: {  	s15 =	sadd.s32 $0x10, s14;
	vm1 =	vgt.s32 v0, $0x0  }
0x33: {  	v2 =	vld.msk [tilespmem:s15+$0x0 ss:$0x1], $0xffff;
	v1 =	vnsel vm1, $0x0, v0  }
0x34: {  	v1 =	vmin.u32 v1, $0x192D4FF;
	_ =	sdelay $0x2  }
0x35: {  	s17 =	simm.s32 $0x20;
	s14 =	sadd.s32 $0xEA60, s14;
	s16 =	sadd.s32 $0x10, s15  }
0x36: {  	s15 =	sadd.s32 $0x10, s14;
	s18 =	smov.u32 s14;
	v0 =	vld.msk [tilespmem:s16+$0x0 ss:$0x1], $0xffff;
	vm1 =	vgt.s32 v2, $0x0;
	(ifvalue) =	ssetifvalue $0x7FFFFFFF  }
.LBB2_3:
0x37: {  	[tilespmem:s18], [sflag:$0x1] =	stream.indirect_vreg.gather [hbm4b:s3+s10], $0x1, v1, vm0, $0x4038;
	[tilespmem:$0x1D4C0] =	vst v63  }
0x38: {  	s17 =	sadd.s32 $0x10, s17  }
0x39: {  	v2 =	vnsel vm1, $0x0, v2;
	p0 =	slt.u32 s17, $0x7520  }
.Ltmp3:
0x3a: {  	s18 =	smov.u32 s15;
	v1 =	vmin.u32 v2, $0x192D4FF;
	(pc) =	sbr.rel @p0 .LBB2_3-.Ltmp3, $3  }
0x3b: {  	_ =	sdelay $0x1  }
0x3c: {  	s16 =	sadd.s32 $0x10, s16  }
0x3d: {  	vm1 =	vgt.s32 v0, $0x0;
	s15 =	sadd.s32 $0x10, s15;
	v2 =	vmov v0;
	(ifvalue) =	ssetifvalue $0x7FFFFFFF;
	v0 =	vld.msk [tilespmem:s16+$0x0 ss:$0x1], $0xffff  }
.Ltmp4:
0x3e: {  	_ = 	snop;
	(pc) =	sbr.rel .LBB2_4-.Ltmp4, $1  }
0x3f: {  	_ =	sdelay $0x3  }
.LBB2_6:
0x40: {  	_ =	sfence.sel $0x180000  }
0x41: {  	s2 =	simm.s32 $0x2;
	[bflag:$0x0] =	sbarrier.arrive $0xFFFF  }
0x42: {  	s30 =	simm.s32 $0x3;
	[sflag:s2] =	ssyncpa.u1 $0x1  }
0x43: {  	s31 =	simm.s32 $0x1;
	[sflag:s30] =	ssyncpa.u1 $0x1  }
0x44: {  	[sflag:s31] =	ssyncpa.u1 $0x1  }
0x45: {  	p0 =	sne.s32 s0, $0x0;
	_ =	strace $0x90000062  }
0x46: {  	s0 =	sadd.s32 @!p0 $0x100000, s1;
	[bflag:$0x2] =	sbarrier.arrive $0xFFFF  }
0x47: {  	[sflag:s0] =	ssyncadd.tile.s32 @!p0 $0x1;
	_ =	shalt  }
.Lfunc_end2:
_tile_overlayer_lowered:
.L_overlay_start_2:
0x48: {  	(tag) =	ssettag $0x2  }
0x49: {  	s0 =	rddreg [dreg:$0x0];
	s2 =	stileid.u32  }
0x4a: {  	s1 =	rddreg [dreg:$0x1];
	p0 =	sne.s32 s2, $0x0  }
0x4b: {  	s3 =	rddreg [dreg:$0x2];
	[bflag:$0x3] =	sbarrier.arrive $0xFFFF;
	s2 =	simm.s32 @!p0 $0x1C01  }
0x4c: {  	[timem:s3], [sflag:s2] =	dma.local @!p0 [hbm:s0], s1  }
0x4d: {  	s0 =	simm.s32 @!p0 $0x1  }
0x4e: {  	_ =	swait.ge @!p0 [sflag:s0], s1  }
0x4f: {  	s1 =	ssub.s32 @!p0 $0x0, s1;
	[sflag:s0] =	ssyncset.done @!p0 $0x0  }
0x50: {  	[sflag:s0] =	ssyncadd.s32 @!p0 s1  }
0x51: {  	[bflag:$0x3] =	sbarrier.arrive $0xFFFF  }
0x52: {  	_ =	shalt  }

// kernel: gather_offload_async_start.2
scs
__scs_entry_jumppad:
0x0: {  	(pc) =	sbr.rel $0x88, $3  }
0x1: {  	(tag) =	ssettag $0x0;
	lr =	simm.s32 $0x1  }
0x2: {  	[smem:$0x3F9D] =	sst lr;
	_ =	strace $0xD0000000  }
0x3: {  	_ = 	snop  }
0x4: {  	_ = 	snop  }
0x5: {  	_ = 	snop  }
0x6: {  	_ = 	snop  }
0x7: {  	_ = 	snop  }
__scs_overlays_trampoline_lowered:
0x8: {  	[smem:$0x3FAC] =	sst s0  }
0x9: {  	[smem:$0x3FAD] =	sst s1  }
0xa: {  	[smem:$0x3FAE] =	sst s2  }
0xb: {  	[smem:$0x3FAF] =	sst s3  }
0xc: {  	[smem:$0x3FB0] =	sst s4  }
0xd: {  	[smem:$0x3FB1] =	sst s5  }
0xe: {  	[smem:$0x3FB2] =	sst s6  }
0xf: {  	[smem:$0x3FB3] =	sst s7  }
0x10: {  	[smem:$0x3FB4] =	sst s8  }
0x11: {  	[smem:$0x3FB5] =	sst s9;
	s0 =	simm.s32 @!p0 $0x0  }
0x12: {  	s1 =	sld [smem:$0x3F9B];
	s0 =	simm.s32 @p0 $0x1  }
0x13: {  	[smem:$0x3FB6] =	sst s0;
	s0 =	simm.s32 @!p1 $0x0  }
0x14: {  	s2 =	sld [smem:$0x3F9A];
	s0 =	simm.s32 @p1 $0x1  }
0x15: {  	[smem:$0x3FB7] =	sst s0;
	s0 =	simm.s32 @!p2 $0x0  }
0x16: {  	s3 =	sld [smem:$0x3FDB];
	s0 =	simm.s32 @p2 $0x1  }
0x17: {  	s4 =	simm.s32 $0x1BF5;
	[smem:$0x3FB9] =	sst s0  }
0x18: {  	s0 =	sld [smem:$0x3F9C];
	_ =	swait.ge [sflag:s4], $0x0  }
0x19: {  	s7 =	sld [smem:$0x3F9D]  }
0x1a: {  	s8 =	sadd.s32 $0xFFFFE003, lr  }
0x1b: {  	s9 =	sadd.s32 $0xFFFFFEF7, lr;
	s5 =	simm.s32 $0xFFFFFFFF;
	p2 =	slt.u32 s8, $0xFFFFF086  }
0x1c: {  	p1 =	slt.u32 s9, $0xF7A;
	s5 =	simm.s32 @!p2 $0x0  }
0x1d: {  	s5 =	simm.s32 @p1 $0x1;
	p0 =	seq.s32 s7, s2  }
0x1e: {  	s7 =	smul.u32 @!p0 $0xF7A, s2;
	p2 =	seq.s32 @!p0 s5, $0x0  }
0x1f: {  	s9 =	smul.u32 $0xF7A, s1;
	s8 =	simm.s32 @!p0 $0x1BF5;
	p2 =	por !p2, p0  }
0x20: {  	[sflag:s8] =	ssyncset.s32 @!p0 $0xFFFFF086;
	s6 =	sadd.s32 @!p0 s3, s7;
	s7 =	simm.s32 @!p0 $0x108  }
0x21: {  	s3 =	sadd.s32 s3, s9;
	s6 =	sadd.s32 @!p0 $0x88, s6;
	s7 =	simm.s32 @p2 $0x1082  }
0x22: {  	[simem:s7], [sflag:s8] =	dma.local @!p0 [hbm:s6], $0xF7A  }
0x23: {  	s9 =	sor.u32 $0xD0000000, s2;
	s6 =	simm.s32 $0x108;
	_ =	swait.ge @!p0 [sflag:s8], $0x0  }
0x24: {  	s3 =	sadd.s32 $0x88, s3;
	s6 =	simm.s32 @!p1 $0x1082;
	[sflag:s4] =	ssyncset.s32 $0xFFFFF086  }
0x25: {  	[simem:s6], [sflag:s4] =	dma.local [hbm:s3], $0xF7A  }
0x26: {  	[smem:$0x3F9D] =	sst s1;
	(tag) =	ssettag s2;
	_ =	strace s9  }
0x27: {  	s1 =	sld [smem:$0x3FAD]  }
0x28: {  	s2 =	sld [smem:$0x3FAE]  }
0x29: {  	s4 =	sld [smem:$0x3FB0]  }
0x2a: {  	p0 =	seq.s32 s5, $0x0;
	s5 =	sld [smem:$0x3FB1]  }
0x2b: {  	s6 =	sld [smem:$0x3FB2]  }
0x2c: {  	s7 =	sld [smem:$0x3FB3]  }
0x2d: {  	s3 =	simm.s32 $0x108;
	s8 =	sld [smem:$0x3FB4]  }
0x2e: {  	s3 =	simm.s32 @!p0 $0x1082;
	s9 =	sld [smem:$0x3FB5]  }
0x2f: {  	lr =	sadd.s32 s0, s3;
	s0 =	sld [smem:$0x3FAC]  }
0x30: {  	s3 =	sld [smem:$0x3FAF]  }
0x31: {  	[smem:$0x3FB8] =	sst s10  }
0x32: {  	s10 =	sld [smem:$0x3FB6];
	_ =	sdelay $0x3  }
0x33: {  	p0 =	seq.s32 s10, $0x1;
	s10 =	sld [smem:$0x3FB8];
	_ =	sdelay $0x3  }
0x34: {  	[smem:$0x3FB8] =	sst s10  }
0x35: {  	s10 =	sld [smem:$0x3FB7];
	_ =	sdelay $0x3  }
0x36: {  	p1 =	seq.s32 s10, $0x1;
	s10 =	sld [smem:$0x3FB8];
	_ =	sdelay $0x3  }
0x37: {  	[smem:$0x3FB8] =	sst s10  }
0x38: {  	s10 =	sld [smem:$0x3FB9]  }
0x39: {  	_ = 	snop;
	(pc) =	sbr.ind lr, $3  }
0x3a: {  	_ = 	snop  }
0x3b: {  	_ = 	snop  }
0x3c: {  	p2 =	seq.s32 s10, $0x1;
	s10 =	sld [smem:$0x3FB8]  }
0x3d: {  	_ =	shalt  }
0x3e: {  	_ =	shalt  }
0x3f: {  	_ =	shalt  }
0x40: {  	_ =	shalt  }
0x41: {  	_ =	shalt  }
0x42: {  	_ =	shalt  }
0x43: {  	_ =	shalt  }
0x44: {  	_ =	shalt  }
0x45: {  	_ =	shalt  }
0x46: {  	_ =	shalt  }
0x47: {  	_ =	shalt  }
0x48: {  	_ =	shalt  }
0x49: {  	_ =	shalt  }
0x4a: {  	_ =	shalt  }
0x4b: {  	_ =	shalt  }
0x4c: {  	_ =	shalt  }
0x4d: {  	_ =	shalt  }
0x4e: {  	_ =	shalt  }
0x4f: {  	_ =	shalt  }
0x50: {  	_ =	shalt  }
0x51: {  	_ =	shalt  }
0x52: {  	_ =	shalt  }
0x53: {  	_ =	shalt  }
0x54: {  	_ =	shalt  }
0x55: {  	_ =	shalt  }
0x56: {  	_ =	shalt  }
0x57: {  	_ =	shalt  }
0x58: {  	_ =	shalt  }
0x59: {  	_ =	shalt  }
0x5a: {  	_ =	shalt  }
0x5b: {  	_ =	shalt  }
0x5c: {  	_ =	shalt  }
0x5d: {  	_ =	shalt  }
0x5e: {  	_ =	shalt  }
0x5f: {  	_ =	shalt  }
0x60: {  	_ =	shalt  }
0x61: {  	_ =	shalt  }
0x62: {  	_ =	shalt  }
0x63: {  	_ =	shalt  }
0x64: {  	_ =	shalt  }
0x65: {  	_ =	shalt  }
0x66: {  	_ =	shalt  }
0x67: {  	_ =	shalt  }
0x68: {  	_ =	shalt  }
0x69: {  	_ =	shalt  }
0x6a: {  	_ =	shalt  }
0x6b: {  	_ =	shalt  }
0x6c: {  	_ =	shalt  }
0x6d: {  	_ =	shalt  }
0x6e: {  	_ =	shalt  }
0x6f: {  	_ =	shalt  }
0x70: {  	_ =	shalt  }
0x71: {  	_ =	shalt  }
0x72: {  	_ =	shalt  }
0x73: {  	_ =	shalt  }
0x74: {  	_ =	shalt  }
0x75: {  	_ =	shalt  }
0x76: {  	_ =	shalt  }
0x77: {  	_ =	shalt  }
0x78: {  	_ =	shalt  }
0x79: {  	_ =	shalt  }
0x7a: {  	_ =	shalt  }
0x7b: {  	_ =	shalt  }
0x7c: {  	_ =	shalt  }
0x7d: {  	_ =	shalt  }
0x7e: {  	_ =	shalt  }
0x7f: {  	_ =	shalt  }
0x80: {  	_ =	shalt  }
0x81: {  	_ =	shalt  }
0x82: {  	_ =	shalt  }
0x83: {  	_ =	shalt  }
0x84: {  	_ =	shalt  }
0x85: {  	_ =	shalt  }
0x86: {  	_ =	shalt  }
0x87: {  	_ =	shalt  }
.Lfunc_end0:
.L_simem_size_0:
called_computation.7_lowered:
.L_overlay_start_0:
0x88: {  	s2 =	sld [smem:$0x3FD9]  }
0x89: {  	s3 =	sld [smem:$0x3FFE];
	_ =	sdelay $0x1  }
0x8a: {  	s1 =	srdreg.scid  }
0x8b: {  	s0 =	sand.u32 $0x1, s1  }
0x8c: {  	s17 =	sshll.u32 s0, $0xA;
	s2 =	sadd.s32 s3, s2  }
0x8d: {  	s2 =	sadd.s32 s2, s17  }
0x8e: {  	[smem:$0x3FC4] =	sst s2  }
0x8f: {  	_ = 	snop  }
0x90: {  	(tm) =	ssettm $0x1  }
0x91: {  	s18 =	sld [smem:$0x3FFB];
	_ =	sdelay $0x3  }
0x92: {  	_ =	strace s18  }
0x93: {  	s2 =	sld [smem:$0x3FFC];
	_ =	sdelay $0x3  }
0x94: {  	_ =	strace s2  }
0x95: {  	s2 =	sld [smem:$0x3FFD];
	_ =	sdelay $0x3  }
0x96: {  	_ =	strace s2  }
0x97: {  	_ =	strace $0x8FFFFFFF  }
0x98: {  	s19 =	sld [smem:$0x3FDB];
	_ =	sdelay $0x1  }
0x99: {  	s20 =	simm.s32 $_scs_section_size  }
0x9a: {  	s4 =	simm.s32 $_size__tile_overlayer_lowered;
	s5 =	simm.s32 $_tile_overlayer_lowered  }
0x9b: {  	s6 =	simm.s32 $0x1BFF;
	s21 =	sshll.u32 s5, $0x1;
	s3 =	sadd.s32 s20, s19  }
0x9c: {  	s22 =	simm.s32 $0x0;
	s4 =	sshll.u32 s4, $0x1;
	s5 =	sadd.s32 s21, s3  }
0x9d: {  	[timem:s22], [sflag:s6] =	dma.local [hbm:s5], s4  }
0x9e: {  	_ =	swait.ge [sflag:s6], s4  }
0x9f: {  	s4 =	ssub.s32 $0x0, s4;
	[sflag:s6] =	ssyncset.done $0x0  }
0xa0: {  	[sflag:s6] =	ssyncadd.s32 s4;
	_ =	sdelay $0x1  }
0xa1: {  	s23 =	simm.s32 $0x1B8B  }
0xa2: {  	_ =	swait.ge [sflag:s23], $0x1  }
0xa3: {  	[sflag:s23] =	ssyncset.done $0x0  }
0xa4: {  	[sflag:s23] =	ssyncadd.s32 $0xFFFFFFFF  }
0xa5: {  	s4 =	sld [smem:$0x0]  }
0xa6: {  	s5 =	sand.u32 $0xFFFFFFFE, s1  }
0xa7: {  	p0 =	sne.s32 s1, s5  }
0xa8: {  	s5 =	sshll.u32 @p0 s5, $0xE  }
0xa9: {  	s5 =	sadd.s32 @p0 $0x11B8D, s5;
	s6 =	sshll.u32 @p0 s4, $0x11  }
0xaa: {  	s5 =	sor.u32 @p0 s6, s5  }
0xab: {  	[sflag:s5] =	ssyncadd.remote.s32 @p0 $0x1;
	_ =	sdelay $0x1  }
0xac: {  	s5 =	simm.s32 @p0 $0x1B8D  }
0xad: {  	_ =	swait.eq @p0 [sflag:s5], $0x1  }
0xae: {  	[sflag:s5] =	ssyncadd.s32 @p0 $0xFFFFFFFF  }
0xaf: {  	s6 =	sshll.u32 @!p0 s1, $0xE  }
0xb0: {  	s6 =	sor.u32 @!p0 $0x4000, s6;
	s5 =	simm.s32 @!p0 $0x1B8D  }
0xb1: {  	s4 =	sshll.u32 @!p0 s4, $0x11;
	s6 =	sadd.s32 @!p0 $0x11B8D, s6;
	_ =	swait.eq @!p0 [sflag:s5], $0x1  }
0xb2: {  	s4 =	sor.u32 @!p0 s4, s6;
	[sflag:s5] =	ssyncadd.s32 @!p0 $0xFFFFFFFF  }
0xb3: {  	s25 =	simm.s32 $0x1B8E;
	s24 =	sld [smem:$0x3FFE];
	[sflag:s4] =	ssyncadd.remote.s32 @!p0 $0x1  }
0xb4: {  	s26 =	simm.s32 $execute0_lowered;
	[smem:$0x3FD2] =	sst s25  }
0xb5: {  	s5 =	sshll.u32 s26, $0x1;
	_ =	strace $0x8000005E;
	[dreg:$0x1] =	wrdreg $0xFFFFFFFF  }
0xb6: {  	s28 =	simm.s32 $_size_execute0_lowered;
	s3 =	sadd.s32 s3, s5;
	[dreg:$0x0] =	wrdreg $0x0  }
0xb7: {  	s5 =	sshll.u32 s28, $0x1;
	[dreg:$0x2] =	wrdreg s3  }
0xb8: {  	[dreg:$0x3] =	wrdreg s5  }
0xb9: {  	[dreg:$0x4] =	wrdreg $0xC0  }
0xba: {  	_ =	task [dreg:s22], $0x5FFFF  }
0xbb: {  	[dreg:$0x1] =	wrdreg $0xFFFFFFFF  }
0xbc: {  	[dreg:$0x0] =	wrdreg $0x60  }
0xbd: {  	[dreg:$0x2] =	wrdreg s24  }
0xbe: {  	[dreg:$0x3] =	wrdreg $0x9  }
0xbf: {  	_ =	task.clear_ibuf [dreg:s22], $0x4FFFF;
	_ =	strace $0x9000005E  }
0xc0: {  	s29 =	simm.s32 $0x9;
	_ =	strace $0x80000060  }
0xc1: {  	_ =	swait.ge [sflag:s29], $0x1  }
0xc2: {  	[sflag:s29] =	ssyncadd.s32 $0xFFFFFFFF  }
0xc3: {  	_ =	strace $0x90000060  }
0xc4: {  	_ =	sfence  }
0xc5: {  	s30 =	sld [smem:$0x0];
	_ =	sdelay $0x2  }
0xc6: {  	s31 =	sshll.u32 s1, $0xD;
	s1 =	sshrl.u32 s1, $0x2  }
0xc7: {  	s4 =	sand.u32 $0x4000, s31;
	s1 =	sadd.s32 s1, s30  }
0xc8: {  	s0 =	sor.u32 s4, s0;
	s1 =	sshll.u32 s1, $0x11  }
0xc9: {  	s0 =	sor.u32 s1, s0  }
0xca: {  	s0 =	sadd.s32 $0x8F2B, s0  }
0xcb: {  	[sflag:s0] =	ssyncadd.remote.s32 $0x1  }
0xcc: {  	_ =	sfence.sel $0xFFFF  }
0xcd: {  	[dreg:$0x0] =	wrdreg $0xFFFFFFFF;
	(pc) =	sbr.abs _section_cstart, $3  }
0xce: {  	[dreg:$0x1] =	wrdreg $0xFFFFFFFF  }
0xcf: {  	_ =	task.clear_ibuf [dreg:s22], $0x2FFFF;
	_ =	strace $0x9FFFFFFF  }
0xd0: {  	(tm) =	ssettm $0x7FFFFFFF  }
0xd1: {  	_ =	shalt  }
tec
execute0_lowered:
.L_overlay_start_1:
0x0: {  	(tag) =	ssettag $0x1  }
0x1: {  	s0 =	stileid.u32;
	s1 =	srdreg.scid  }
0x2: {  	s1 =	sand.u32 $0x1, s1;
	s2 =	sshll.u32 s0, $0x1  }
0x3: {  	s1 =	sor.u32 s2, s1  }
0x4: {  	s2 =	smul.u32 $0x7530, s1;
	_ =	sdelay $0x1  }
0x5: {  	s6 =	ssub.s32 $0x192D500, s2  }
0x6: {  	s3 =	smulhi.u32 $0x8BCF65, s6  }
0x7: {  	s8 =	rddreg [dreg:$0x0];
	s5 =	simm.s32 $0x1;
	s10 =	simm.s32 $0x3  }
0x8: {  	s13 =	simm.s32 $0x0;
	s12 =	simm.s32 $0x0;
	s7 =	sshrl.u32 s3, $0xB  }
0x9: {  	s1 =	rddreg [dreg:$0x1];
	_ =	strace $0x8000005F;
	s9 =	smul.u32 $0xEA600, s7  }
.Ltmp0:
0xa: {  	s4 =	sadd.s32 $0x368FA00, s8;
	[sflag:s5] =	ssyncpa.u1 $0x0;
	(pc) =	sbr.rel .LBB2_1-.Ltmp0, $4  }
0xb: {  	s11 =	smov.u32 s2;
	p0 =	sne.s32 s6, s9;
	s9 =	simm.s32 $0x1  }
0xc: {  	s3 =	sadd.s32 $0x2935400, s8;
	s6 =	simm.s32 $0x2;
	s9 =	simm.s32 @!p0 $0x0  }
0xd: {  	s8 =	sadd.s32 $0x326800, s8;
	[sflag:s6] =	ssyncpa.u1 $0x0;
	s7 =	sadd.s32 s9, s7  }
0xe: {  	vm0 =	vmmov $0xffff;
	[sflag:s10] =	ssyncpa.u1 $0x0;
	s10 =	simm.s32 $0x0;
	s9 =	sadd.s32 $0x1, s7  }
.LBB2_4:
0xf: {  	v2 =	vnsel vm1, $0x0, v2  }
0x10: {  	vm1 =	vgt.s32 v0, $0x0;
	v2 =	vmin.u32 v2, $0x192D4FF  }
0x11: {  	v0 =	vnsel vm1, $0x0, v0  }
0x12: {  	v0 =	vmin.u32 v0, $0x192D4FF  }
0x13: {  	[tilespmem:s18], [sflag:$0x1] =	stream.indirect_vreg.gather [hbm4b:s3+s10], $0x1, v1, vm0, $0x4038;
	[tilespmem:$0x1D4C0] =	vst v63  }
0x14: {  	(ifvalue) =	ssetifvalue $0x7FFFFFFF  }
0x15: {  	[tilespmem:s15], [sflag:$0x1] =	stream.indirect_vreg.gather [hbm4b:s3+s10], $0x1, v2, vm0, $0x4038;
	[tilespmem:$0x1D4C0] =	vst v63  }
0x16: {  	s29 =	sadd.s32 $0x10, s15;
	(ifvalue) =	ssetifvalue $0x7FFFFFFF  }
0x17: {  	[tilespmem:s29], [sflag:$0x1] =	stream.indirect_vreg.gather [hbm4b:s3+s10], $0x1, v0, vm0, $0x4038;
	[tilespmem:$0x1D4C0] =	vst v63  }
0x18: {  	_ =	swait.ge [sflag:s5], $0x7530  }
0x19: {  	s30 =	sshrl.u32 s13, $0x3;
	[sflag:s5] =	ssyncset.done $0x0  }
0x1a: {  	s31 =	sand.u32 $0x7, s13;
	s15 =	sadd.s32 s8, s30;
	[sflag:s5] =	ssyncadd.s32 $0xFFFF8AD0  }
0x1b: {  	[hbm4b:s15+s31] =	stream.linear.scatter [tilespmem:s14], [sflag:$0x3], $0x7530, $0x38;
	[tilespmem:$0x1D4C0] =	vst v63  }
.LBB2_5:
0x1c: {  	s15 =	sadd.s32 $0xEA600, s11  }
0x1d: {  	p1 =	sgt.s32 s15, $0x192D4FF  }
0x1e: {  	s15 =	smov.u32 @p1 s2;
	p1 =	sne.s32 s12, s9  }
.Ltmp1:
0x1f: {  	p0 =	slt.u32 s12, $0x2;
	(pc) =	sbr.rel @!p1 .LBB2_6-.Ltmp1, $4  }
0x20: {  	s14 =	simm.s32 @!p0 $0x3  }
0x21: {  	_ =	swait.ge @!p0 [sflag:s14], $0x7530  }
0x22: {  	s16 =	sadd.s32 $0x1, s12;
	s13 =	smov.u32 s11;
	[sflag:s14] =	ssyncset.done @!p0 $0x0  }
0x23: {  	s12 =	smov.u32 s16;
	s11 =	smov.u32 s15;
	[sflag:s14] =	ssyncadd.s32 @!p0 $0xFFFF8AD0  }
.LBB2_1:
0x24: {  	p0 =	sge.u32 s12, s7  }
0x25: {  	s14 =	sxor.u32 @!p0 $0xFFFFFFFF, s12  }
0x26: {  	s14 =	sand.u32 @!p0 $0x1, s14  }
0x27: {  	s14 =	smul.u32 @!p0 $0x1D4C0, s14  }
0x28: {  	s31 =	sadd.s32 $0xFFFFFFFF, s12;
	s15 =	sshrl.u32 @!p0 s11, $0x3  }
0x29: {  	s16 =	sand.u32 @!p0 $0x7, s11;
	s15 =	sadd.s32 @!p0 s4, s15;
	s14 =	sshrl.u32 @!p0 s14, $0x2  }
0x2a: {  	[tilespmem:s14], [sflag:$0x2] =	stream.linear.gather @!p0 [hbm4b:s15+s16], $0x7530, $0x38;
	[tilespmem:$0x1D4C0] =	vst v63  }
0x2b: {  	p0 =	sge.u32 s31, s7  }
.Ltmp2:
0x2c: {  	_ = 	snop;
	(pc) =	sbr.rel @p0 .LBB2_5-.Ltmp2, $1  }
0x2d: {  	_ =	sdelay $0x3  }
0x2e: {  	s14 =	sand.u32 $0x1, s12  }
0x2f: {  	_ =	swait.ge [sflag:s6], $0x7530;
	p0 =	seq.s32 s14, $0x1;
	s14 =	simm.s32 $0x7530  }
0x30: {  	[sflag:s6] =	ssyncset.done $0x0;
	s14 =	simm.s32 @!p0 $0x0  }
0x31: {  	[sflag:s6] =	ssyncadd.s32 $0xFFFF8AD0;
	(ifvalue) =	ssetifvalue $0x7FFFFFFF;
	v0 =	vld.msk [tilespmem:s14+$0x0 ss:$0x1], $0xffff;
	_ =	sdelay $0x4  }
0x32: {  	s15 =	sadd.s32 $0x10, s14;
	vm1 =	vgt.s32 v0, $0x0  }
0x33: {  	v2 =	vld.msk [tilespmem:s15+$0x0 ss:$0x1], $0xffff;
	v1 =	vnsel vm1, $0x0, v0  }
0x34: {  	v1 =	vmin.u32 v1, $0x192D4FF;
	_ =	sdelay $0x2  }
0x35: {  	s17 =	simm.s32 $0x20;
	s14 =	sadd.s32 $0xEA60, s14;
	s16 =	sadd.s32 $0x10, s15  }
0x36: {  	s15 =	sadd.s32 $0x10, s14;
	s18 =	smov.u32 s14;
	v0 =	vld.msk [tilespmem:s16+$0x0 ss:$0x1], $0xffff;
	vm1 =	vgt.s32 v2, $0x0;
	(ifvalue) =	ssetifvalue $0x7FFFFFFF  }
.LBB2_3:
0x37: {  	[tilespmem:s18], [sflag:$0x1] =	stream.indirect_vreg.gather [hbm4b:s3+s10], $0x1, v1, vm0, $0x4038;
	[tilespmem:$0x1D4C0] =	vst v63  }
0x38: {  	s17 =	sadd.s32 $0x10, s17  }
0x39: {  	v2 =	vnsel vm1, $0x0, v2;
	p0 =	slt.u32 s17, $0x7520  }
.Ltmp3:
0x3a: {  	s18 =	smov.u32 s15;
	v1 =	vmin.u32 v2, $0x192D4FF;
	(pc) =	sbr.rel @p0 .LBB2_3-.Ltmp3, $3  }
0x3b: {  	_ =	sdelay $0x1  }
0x3c: {  	s16 =	sadd.s32 $0x10, s16  }
0x3d: {  	vm1 =	vgt.s32 v0, $0x0;
	s15 =	sadd.s32 $0x10, s15;
	v2 =	vmov v0;
	(ifvalue) =	ssetifvalue $0x7FFFFFFF;
	v0 =	vld.msk [tilespmem:s16+$0x0 ss:$0x1], $0xffff  }
.Ltmp4:
0x3e: {  	_ = 	snop;
	(pc) =	sbr.rel .LBB2_4-.Ltmp4, $1  }
0x3f: {  	_ =	sdelay $0x3  }
.LBB2_6:
0x40: {  	_ =	sfence.sel $0x180000  }
0x41: {  	s2 =	simm.s32 $0x2;
	[bflag:$0x0] =	sbarrier.arrive $0xFFFF  }
0x42: {  	s30 =	simm.s32 $0x3;
	[sflag:s2] =	ssyncpa.u1 $0x1  }
0x43: {  	s31 =	simm.s32 $0x1;
	[sflag:s30] =	ssyncpa.u1 $0x1  }
0x44: {  	[sflag:s31] =	ssyncpa.u1 $0x1  }
0x45: {  	p0 =	sne.s32 s0, $0x0;
	_ =	strace $0x9000005F  }
0x46: {  	s0 =	sadd.s32 @!p0 $0x100000, s1;
	[bflag:$0x2] =	sbarrier.arrive $0xFFFF  }
0x47: {  	[sflag:s0] =	ssyncadd.tile.s32 @!p0 $0x1;
	_ =	shalt  }
.Lfunc_end2:
_tile_overlayer_lowered:
.L_overlay_start_2:
0x48: {  	(tag) =	ssettag $0x2  }
0x49: {  	s0 =	rddreg [dreg:$0x0];
	s2 =	stileid.u32  }
0x4a: {  	s1 =	rddreg [dreg:$0x1];
	p0 =	sne.s32 s2, $0x0  }
0x4b: {  	s3 =	rddreg [dreg:$0x2];
	[bflag:$0x3] =	sbarrier.arrive $0xFFFF;
	s2 =	simm.s32 @!p0 $0x1C01  }
0x4c: {  	[timem:s3], [sflag:s2] =	dma.local @!p0 [hbm:s0], s1  }
0x4d: {  	s0 =	simm.s32 @!p0 $0x1  }
0x4e: {  	_ =	swait.ge @!p0 [sflag:s0], s1  }
0x4f: {  	s1 =	ssub.s32 @!p0 $0x0, s1;
	[sflag:s0] =	ssyncset.done @!p0 $0x0  }
0x50: {  	[sflag:s0] =	ssyncadd.s32 @!p0 s1  }
0x51: {  	[bflag:$0x3] =	sbarrier.arrive $0xFFFF  }
0x52: {  	_ =	shalt  }

// kernel: gather_offload_async_start
scs
__scs_entry_jumppad:
0x0: {  	(pc) =	sbr.rel $0x88, $3  }
0x1: {  	(tag) =	ssettag $0x0;
	lr =	simm.s32 $0x1  }
0x2: {  	[smem:$0x3F9D] =	sst lr;
	_ =	strace $0xD0000000  }
0x3: {  	_ = 	snop  }
0x4: {  	_ = 	snop  }
0x5: {  	_ = 	snop  }
0x6: {  	_ = 	snop  }
0x7: {  	_ = 	snop  }
__scs_overlays_trampoline_lowered:
0x8: {  	[smem:$0x3FAC] =	sst s0  }
0x9: {  	[smem:$0x3FAD] =	sst s1  }
0xa: {  	[smem:$0x3FAE] =	sst s2  }
0xb: {  	[smem:$0x3FAF] =	sst s3  }
0xc: {  	[smem:$0x3FB0] =	sst s4  }
0xd: {  	[smem:$0x3FB1] =	sst s5  }
0xe: {  	[smem:$0x3FB2] =	sst s6  }
0xf: {  	[smem:$0x3FB3] =	sst s7  }
0x10: {  	[smem:$0x3FB4] =	sst s8  }
0x11: {  	[smem:$0x3FB5] =	sst s9;
	s0 =	simm.s32 @!p0 $0x0  }
0x12: {  	s1 =	sld [smem:$0x3F9B];
	s0 =	simm.s32 @p0 $0x1  }
0x13: {  	[smem:$0x3FB6] =	sst s0;
	s0 =	simm.s32 @!p1 $0x0  }
0x14: {  	s2 =	sld [smem:$0x3F9A];
	s0 =	simm.s32 @p1 $0x1  }
0x15: {  	[smem:$0x3FB7] =	sst s0;
	s0 =	simm.s32 @!p2 $0x0  }
0x16: {  	s3 =	sld [smem:$0x3FDB];
	s0 =	simm.s32 @p2 $0x1  }
0x17: {  	s4 =	simm.s32 $0x1BF5;
	[smem:$0x3FB9] =	sst s0  }
0x18: {  	s0 =	sld [smem:$0x3F9C];
	_ =	swait.ge [sflag:s4], $0x0  }
0x19: {  	s7 =	sld [smem:$0x3F9D]  }
0x1a: {  	s8 =	sadd.s32 $0xFFFFE003, lr  }
0x1b: {  	s9 =	sadd.s32 $0xFFFFFEF7, lr;
	s5 =	simm.s32 $0xFFFFFFFF;
	p2 =	slt.u32 s8, $0xFFFFF086  }
0x1c: {  	p1 =	slt.u32 s9, $0xF7A;
	s5 =	simm.s32 @!p2 $0x0  }
0x1d: {  	s5 =	simm.s32 @p1 $0x1;
	p0 =	seq.s32 s7, s2  }
0x1e: {  	s7 =	smul.u32 @!p0 $0xF7A, s2;
	p2 =	seq.s32 @!p0 s5, $0x0  }
0x1f: {  	s9 =	smul.u32 $0xF7A, s1;
	s8 =	simm.s32 @!p0 $0x1BF5;
	p2 =	por !p2, p0  }
0x20: {  	[sflag:s8] =	ssyncset.s32 @!p0 $0xFFFFF086;
	s6 =	sadd.s32 @!p0 s3, s7;
	s7 =	simm.s32 @!p0 $0x108  }
0x21: {  	s3 =	sadd.s32 s3, s9;
	s6 =	sadd.s32 @!p0 $0x88, s6;
	s7 =	simm.s32 @p2 $0x1082  }
0x22: {  	[simem:s7], [sflag:s8] =	dma.local @!p0 [hbm:s6], $0xF7A  }
0x23: {  	s9 =	sor.u32 $0xD0000000, s2;
	s6 =	simm.s32 $0x108;
	_ =	swait.ge @!p0 [sflag:s8], $0x0  }
0x24: {  	s3 =	sadd.s32 $0x88, s3;
	s6 =	simm.s32 @!p1 $0x1082;
	[sflag:s4] =	ssyncset.s32 $0xFFFFF086  }
0x25: {  	[simem:s6], [sflag:s4] =	dma.local [hbm:s3], $0xF7A  }
0x26: {  	[smem:$0x3F9D] =	sst s1;
	(tag) =	ssettag s2;
	_ =	strace s9  }
0x27: {  	s1 =	sld [smem:$0x3FAD]  }
0x28: {  	s2 =	sld [smem:$0x3FAE]  }
0x29: {  	s4 =	sld [smem:$0x3FB0]  }
0x2a: {  	p0 =	seq.s32 s5, $0x0;
	s5 =	sld [smem:$0x3FB1]  }
0x2b: {  	s6 =	sld [smem:$0x3FB2]  }
0x2c: {  	s7 =	sld [smem:$0x3FB3]  }
0x2d: {  	s3 =	simm.s32 $0x108;
	s8 =	sld [smem:$0x3FB4]  }
0x2e: {  	s3 =	simm.s32 @!p0 $0x1082;
	s9 =	sld [smem:$0x3FB5]  }
0x2f: {  	lr =	sadd.s32 s0, s3;
	s0 =	sld [smem:$0x3FAC]  }
0x30: {  	s3 =	sld [smem:$0x3FAF]  }
0x31: {  	[smem:$0x3FB8] =	sst s10  }
0x32: {  	s10 =	sld [smem:$0x3FB6];
	_ =	sdelay $0x3  }
0x33: {  	p0 =	seq.s32 s10, $0x1;
	s10 =	sld [smem:$0x3FB8];
	_ =	sdelay $0x3  }
0x34: {  	[smem:$0x3FB8] =	sst s10  }
0x35: {  	s10 =	sld [smem:$0x3FB7];
	_ =	sdelay $0x3  }
0x36: {  	p1 =	seq.s32 s10, $0x1;
	s10 =	sld [smem:$0x3FB8];
	_ =	sdelay $0x3  }
0x37: {  	[smem:$0x3FB8] =	sst s10  }
0x38: {  	s10 =	sld [smem:$0x3FB9]  }
0x39: {  	_ = 	snop;
	(pc) =	sbr.ind lr, $3  }
0x3a: {  	_ = 	snop  }
0x3b: {  	_ = 	snop  }
0x3c: {  	p2 =	seq.s32 s10, $0x1;
	s10 =	sld [smem:$0x3FB8]  }
0x3d: {  	_ =	shalt  }
0x3e: {  	_ =	shalt  }
0x3f: {  	_ =	shalt  }
0x40: {  	_ =	shalt  }
0x41: {  	_ =	shalt  }
0x42: {  	_ =	shalt  }
0x43: {  	_ =	shalt  }
0x44: {  	_ =	shalt  }
0x45: {  	_ =	shalt  }
0x46: {  	_ =	shalt  }
0x47: {  	_ =	shalt  }
0x48: {  	_ =	shalt  }
0x49: {  	_ =	shalt  }
0x4a: {  	_ =	shalt  }
0x4b: {  	_ =	shalt  }
0x4c: {  	_ =	shalt  }
0x4d: {  	_ =	shalt  }
0x4e: {  	_ =	shalt  }
0x4f: {  	_ =	shalt  }
0x50: {  	_ =	shalt  }
0x51: {  	_ =	shalt  }
0x52: {  	_ =	shalt  }
0x53: {  	_ =	shalt  }
0x54: {  	_ =	shalt  }
0x55: {  	_ =	shalt  }
0x56: {  	_ =	shalt  }
0x57: {  	_ =	shalt  }
0x58: {  	_ =	shalt  }
0x59: {  	_ =	shalt  }
0x5a: {  	_ =	shalt  }
0x5b: {  	_ =	shalt  }
0x5c: {  	_ =	shalt  }
0x5d: {  	_ =	shalt  }
0x5e: {  	_ =	shalt  }
0x5f: {  	_ =	shalt  }
0x60: {  	_ =	shalt  }
0x61: {  	_ =	shalt  }
0x62: {  	_ =	shalt  }
0x63: {  	_ =	shalt  }
0x64: {  	_ =	shalt  }
0x65: {  	_ =	shalt  }
0x66: {  	_ =	shalt  }
0x67: {  	_ =	shalt  }
0x68: {  	_ =	shalt  }
0x69: {  	_ =	shalt  }
0x6a: {  	_ =	shalt  }
0x6b: {  	_ =	shalt  }
0x6c: {  	_ =	shalt  }
0x6d: {  	_ =	shalt  }
0x6e: {  	_ =	shalt  }
0x6f: {  	_ =	shalt  }
0x70: {  	_ =	shalt  }
0x71: {  	_ =	shalt  }
0x72: {  	_ =	shalt  }
0x73: {  	_ =	shalt  }
0x74: {  	_ =	shalt  }
0x75: {  	_ =	shalt  }
0x76: {  	_ =	shalt  }
0x77: {  	_ =	shalt  }
0x78: {  	_ =	shalt  }
0x79: {  	_ =	shalt  }
0x7a: {  	_ =	shalt  }
0x7b: {  	_ =	shalt  }
0x7c: {  	_ =	shalt  }
0x7d: {  	_ =	shalt  }
0x7e: {  	_ =	shalt  }
0x7f: {  	_ =	shalt  }
0x80: {  	_ =	shalt  }
0x81: {  	_ =	shalt  }
0x82: {  	_ =	shalt  }
0x83: {  	_ =	shalt  }
0x84: {  	_ =	shalt  }
0x85: {  	_ =	shalt  }
0x86: {  	_ =	shalt  }
0x87: {  	_ =	shalt  }
.Lfunc_end0:
.L_simem_size_0:
called_computation.5_lowered:
.L_overlay_start_0:
0x88: {  	s2 =	sld [smem:$0x3FD9]  }
0x89: {  	s3 =	sld [smem:$0x3FFE];
	_ =	sdelay $0x1  }
0x8a: {  	s1 =	srdreg.scid  }
0x8b: {  	s0 =	sand.u32 $0x1, s1  }
0x8c: {  	s14 =	sshll.u32 s0, $0xA;
	s2 =	sadd.s32 s3, s2  }
0x8d: {  	s2 =	sadd.s32 s2, s14  }
0x8e: {  	[smem:$0x3FC4] =	sst s2  }
0x8f: {  	_ = 	snop  }
0x90: {  	s2 =	sld [smem:$0x3FD0];
	_ =	sdelay $0x2  }
0x91: {  	s15 =	simm.s32 $0xE;
	s4 =	simm.s32 $0x10  }
0x92: {  	[smem:s4], [sflag:s15] =	dma.local [hbm:s2], $0x1  }
0x93: {  	_ =	swait.eq [sflag:s15], $0x1  }
0x94: {  	[sflag:s15] =	ssyncset.done $0x0  }
0x95: {  	[sflag:s15] =	ssyncadd.s32 $0xFFFFFFFF  }
0x96: {  	s16 =	sld [smem:$0x11];
	(tm) =	ssettm $0x1  }
0x97: {  	s17 =	sld [smem:$0x3FFB];
	_ =	sdelay $0x3  }
0x98: {  	_ =	strace s17  }
0x99: {  	s3 =	sld [smem:$0x3FFC];
	_ =	sdelay $0x3  }
0x9a: {  	_ =	strace s3  }
0x9b: {  	s3 =	sld [smem:$0x3FFD];
	_ =	sdelay $0x3  }
0x9c: {  	_ =	strace s3  }
0x9d: {  	_ =	strace $0x8FFFFFFF  }
0x9e: {  	s18 =	sld [smem:$0x3FDB];
	_ =	sdelay $0x1  }
0x9f: {  	s19 =	simm.s32 $_scs_section_size  }
0xa0: {  	s5 =	simm.s32 $_size__tile_overlayer_lowered;
	s6 =	simm.s32 $_tile_overlayer_lowered  }
0xa1: {  	s22 =	simm.s32 $0x1BFF;
	s21 =	sshll.u32 s6, $0x1;
	s3 =	sadd.s32 s19, s18  }
0xa2: {  	s7 =	simm.s32 $0x0;
	s20 =	sshll.u32 s5, $0x1;
	s5 =	sadd.s32 s21, s3  }
0xa3: {  	[timem:s7], [sflag:s22] =	dma.local [hbm:s5], s20  }
0xa4: {  	_ =	swait.ge [sflag:s22], s20  }
0xa5: {  	s4 =	ssub.s32 $0x0, s20;
	[sflag:s22] =	ssyncset.done $0x0  }
0xa6: {  	[sflag:s22] =	ssyncadd.s32 s4;
	_ =	sdelay $0x1  }
0xa7: {  	s23 =	simm.s32 $0x1B8B  }
0xa8: {  	_ =	swait.ge [sflag:s23], $0x1  }
0xa9: {  	[sflag:s23] =	ssyncset.done $0x0  }
0xaa: {  	s25 =	simm.s32 $0x1B8E;
	s24 =	sld [smem:$0x3FFE];
	[sflag:s23] =	ssyncadd.s32 $0xFFFFFFFF  }
0xab: {  	s26 =	simm.s32 $execute0_lowered;
	[smem:$0x3FD2] =	sst s25  }
0xac: {  	s5 =	sshll.u32 s26, $0x1;
	_ =	strace $0x8000005B;
	[dreg:$0x1] =	wrdreg $0xFFFFFFFF  }
0xad: {  	s28 =	simm.s32 $_size_execute0_lowered;
	s3 =	sadd.s32 s3, s5;
	[dreg:$0x0] =	wrdreg $0x0  }
0xae: {  	s5 =	sshll.u32 s28, $0x1;
	[dreg:$0x2] =	wrdreg s3  }
0xaf: {  	[dreg:$0x3] =	wrdreg s5  }
0xb0: {  	[dreg:$0x4] =	wrdreg $0xC0  }
0xb1: {  	_ =	task [dreg:s7], $0x5FFFF  }
0xb2: {  	[dreg:$0x1] =	wrdreg $0xFFFFFFFF  }
0xb3: {  	[dreg:$0x0] =	wrdreg $0x60  }
0xb4: {  	[dreg:$0x2] =	wrdreg s16  }
0xb5: {  	[dreg:$0x3] =	wrdreg s24  }
0xb6: {  	[dreg:$0x4] =	wrdreg $0xA  }
0xb7: {  	_ =	task.clear_ibuf [dreg:s7], $0x5FFFF;
	_ =	strace $0x9000005B  }
0xb8: {  	s29 =	simm.s32 $0xA;
	_ =	strace $0x8000005D  }
0xb9: {  	_ =	swait.ge [sflag:s29], $0x1  }
0xba: {  	[sflag:s29] =	ssyncadd.s32 $0xFFFFFFFF  }
0xbb: {  	_ =	strace $0x9000005D  }
0xbc: {  	_ =	sfence  }
0xbd: {  	s30 =	sld [smem:$0x0];
	_ =	sdelay $0x2  }
0xbe: {  	s31 =	sshll.u32 s1, $0xD;
	s1 =	sshrl.u32 s1, $0x2  }
0xbf: {  	s3 =	sand.u32 $0x4000, s31;
	s1 =	sadd.s32 s1, s30  }
0xc0: {  	s0 =	sor.u32 s3, s0;
	s1 =	sshll.u32 s1, $0x11  }
0xc1: {  	s0 =	sor.u32 s1, s0  }
0xc2: {  	s0 =	sadd.s32 $0x8F2B, s0  }
0xc3: {  	[sflag:s0] =	ssyncadd.remote.s32 $0x1  }
0xc4: {  	_ =	sfence.sel $0xFFFF  }
0xc5: {  	[dreg:$0x0] =	wrdreg $0xFFFFFFFF;
	(pc) =	sbr.abs _section_cstart, $3  }
0xc6: {  	[dreg:$0x1] =	wrdreg $0xFFFFFFFF  }
0xc7: {  	_ =	task.clear_ibuf [dreg:s7], $0x2FFFF;
	_ =	strace $0x9FFFFFFF  }
0xc8: {  	(tm) =	ssettm $0x7FFFFFFF  }
0xc9: {  	_ =	shalt  }
tec
execute0_lowered:
.L_overlay_start_1:
0x0: {  	(tag) =	ssettag $0x1  }
0x1: {  	s0 =	stileid.u32;
	s1 =	srdreg.scid  }
0x2: {  	s1 =	sand.u32 $0x1, s1;
	s2 =	sshll.u32 s0, $0x1  }
0x3: {  	s1 =	sor.u32 s2, s1  }
0x4: {  	s2 =	smul.u32 $0x7530, s1;
	_ =	sdelay $0x1  }
0x5: {  	s6 =	ssub.s32 $0x192D500, s2  }
0x6: {  	s3 =	rddreg [dreg:$0x0];
	s31 =	smulhi.u32 $0x8BCF65, s6  }
0x7: {  	s8 =	rddreg [dreg:$0x1];
	s5 =	simm.s32 $0x1  }
0x8: {  	s10 =	simm.s32 $0x3;
	s13 =	simm.s32 $0x0;
	s7 =	sshrl.u32 s31, $0xB  }
0x9: {  	s12 =	simm.s32 $0x0;
	s4 =	sadd.s32 $0x368FA00, s8;
	s9 =	smul.u32 $0xEA600, s7  }
.Ltmp0:
0xa: {  	s8 =	sadd.s32 $0xC00, s8;
	s1 =	rddreg [dreg:$0x2];
	(pc) =	sbr.rel .LBB2_1-.Ltmp0, $4  }
0xb: {  	_ =	strace $0x8000005C;
	p0 =	sne.s32 s6, s9;
	s9 =	simm.s32 $0x1  }
0xc: {  	[sflag:s5] =	ssyncpa.u1 $0x0;
	s6 =	simm.s32 $0x2;
	s9 =	simm.s32 @!p0 $0x0  }
0xd: {  	s11 =	smov.u32 s2;
	[sflag:s6] =	ssyncpa.u1 $0x0;
	s7 =	sadd.s32 s9, s7  }
0xe: {  	vm0 =	vmmov $0xffff;
	[sflag:s10] =	ssyncpa.u1 $0x0;
	s10 =	simm.s32 $0x0;
	s9 =	sadd.s32 $0x1, s7  }
.LBB2_4:
0xf: {  	v2 =	vnsel vm1, $0x0, v2  }
0x10: {  	vm1 =	vgt.s32 v0, $0x0;
	v2 =	vmin.u32 v2, $0x192D4FF  }
0x11: {  	v0 =	vnsel vm1, $0x0, v0  }
0x12: {  	v0 =	vmin.u32 v0, $0x192D4FF  }
0x13: {  	[tilespmem:s18], [sflag:$0x1] =	stream.indirect_vreg.gather [hbm4b:s3+s10], $0x1, v1, vm0, $0x4038;
	[tilespmem:$0x1D4C0] =	vst v63  }
0x14: {  	(ifvalue) =	ssetifvalue $0x7FFFFFFF  }
0x15: {  	[tilespmem:s15], [sflag:$0x1] =	stream.indirect_vreg.gather [hbm4b:s3+s10], $0x1, v2, vm0, $0x4038;
	[tilespmem:$0x1D4C0] =	vst v63  }
0x16: {  	s29 =	sadd.s32 $0x10, s15;
	(ifvalue) =	ssetifvalue $0x7FFFFFFF  }
0x17: {  	[tilespmem:s29], [sflag:$0x1] =	stream.indirect_vreg.gather [hbm4b:s3+s10], $0x1, v0, vm0, $0x4038;
	[tilespmem:$0x1D4C0] =	vst v63  }
0x18: {  	_ =	swait.ge [sflag:s5], $0x7530  }
0x19: {  	s30 =	sshrl.u32 s13, $0x3;
	[sflag:s5] =	ssyncset.done $0x0  }
0x1a: {  	s31 =	sand.u32 $0x7, s13;
	s15 =	sadd.s32 s8, s30;
	[sflag:s5] =	ssyncadd.s32 $0xFFFF8AD0  }
0x1b: {  	[hbm4b:s15+s31] =	stream.linear.scatter [tilespmem:s14], [sflag:$0x3], $0x7530, $0x38;
	[tilespmem:$0x1D4C0] =	vst v63  }
.LBB2_5:
0x1c: {  	s15 =	sadd.s32 $0xEA600, s11  }
0x1d: {  	p1 =	sgt.s32 s15, $0x192D4FF  }
0x1e: {  	s15 =	smov.u32 @p1 s2;
	p1 =	sne.s32 s12, s9  }
.Ltmp1:
0x1f: {  	p0 =	slt.u32 s12, $0x2;
	(pc) =	sbr.rel @!p1 .LBB2_6-.Ltmp1, $4  }
0x20: {  	s14 =	simm.s32 @!p0 $0x3  }
0x21: {  	_ =	swait.ge @!p0 [sflag:s14], $0x7530  }
0x22: {  	s16 =	sadd.s32 $0x1, s12;
	s13 =	smov.u32 s11;
	[sflag:s14] =	ssyncset.done @!p0 $0x0  }
0x23: {  	s12 =	smov.u32 s16;
	s11 =	smov.u32 s15;
	[sflag:s14] =	ssyncadd.s32 @!p0 $0xFFFF8AD0  }
.LBB2_1:
0x24: {  	p0 =	sge.u32 s12, s7  }
0x25: {  	s14 =	sxor.u32 @!p0 $0xFFFFFFFF, s12  }
0x26: {  	s14 =	sand.u32 @!p0 $0x1, s14  }
0x27: {  	s14 =	smul.u32 @!p0 $0x1D4C0, s14  }
0x28: {  	s31 =	sadd.s32 $0xFFFFFFFF, s12;
	s15 =	sshrl.u32 @!p0 s11, $0x3  }
0x29: {  	s16 =	sand.u32 @!p0 $0x7, s11;
	s15 =	sadd.s32 @!p0 s4, s15;
	s14 =	sshrl.u32 @!p0 s14, $0x2  }
0x2a: {  	[tilespmem:s14], [sflag:$0x2] =	stream.linear.gather @!p0 [hbm4b:s15+s16], $0x7530, $0x38;
	[tilespmem:$0x1D4C0] =	vst v63  }
0x2b: {  	p0 =	sge.u32 s31, s7  }
.Ltmp2:
0x2c: {  	_ = 	snop;
	(pc) =	sbr.rel @p0 .LBB2_5-.Ltmp2, $1  }
0x2d: {  	_ =	sdelay $0x3  }
0x2e: {  	s14 =	sand.u32 $0x1, s12  }
0x2f: {  	_ =	swait.ge [sflag:s6], $0x7530;
	p0 =	seq.s32 s14, $0x1;
	s14 =	simm.s32 $0x7530  }
0x30: {  	[sflag:s6] =	ssyncset.done $0x0;
	s14 =	simm.s32 @!p0 $0x0  }
0x31: {  	[sflag:s6] =	ssyncadd.s32 $0xFFFF8AD0;
	(ifvalue) =	ssetifvalue $0x7FFFFFFF;
	v0 =	vld.msk [tilespmem:s14+$0x0 ss:$0x1], $0xffff;
	_ =	sdelay $0x4  }
0x32: {  	s15 =	sadd.s32 $0x10, s14;
	vm1 =	vgt.s32 v0, $0x0  }
0x33: {  	v2 =	vld.msk [tilespmem:s15+$0x0 ss:$0x1], $0xffff;
	v1 =	vnsel vm1, $0x0, v0  }
0x34: {  	v1 =	vmin.u32 v1, $0x192D4FF;
	_ =	sdelay $0x2  }
0x35: {  	s17 =	simm.s32 $0x20;
	s14 =	sadd.s32 $0xEA60, s14;
	s16 =	sadd.s32 $0x10, s15  }
0x36: {  	s15 =	sadd.s32 $0x10, s14;
	s18 =	smov.u32 s14;
	v0 =	vld.msk [tilespmem:s16+$0x0 ss:$0x1], $0xffff;
	vm1 =	vgt.s32 v2, $0x0;
	(ifvalue) =	ssetifvalue $0x7FFFFFFF  }
.LBB2_3:
0x37: {  	[tilespmem:s18], [sflag:$0x1] =	stream.indirect_vreg.gather [hbm4b:s3+s10], $0x1, v1, vm0, $0x4038;
	[tilespmem:$0x1D4C0] =	vst v63  }
0x38: {  	s17 =	sadd.s32 $0x10, s17  }
0x39: {  	v2 =	vnsel vm1, $0x0, v2;
	p0 =	slt.u32 s17, $0x7520  }
.Ltmp3:
0x3a: {  	s18 =	smov.u32 s15;
	v1 =	vmin.u32 v2, $0x192D4FF;
	(pc) =	sbr.rel @p0 .LBB2_3-.Ltmp3, $3  }
0x3b: {  	_ =	sdelay $0x1  }
0x3c: {  	s16 =	sadd.s32 $0x10, s16  }
0x3d: {  	vm1 =	vgt.s32 v0, $0x0;
	s15 =	sadd.s32 $0x10, s15;
	v2 =	vmov v0;
	(ifvalue) =	ssetifvalue $0x7FFFFFFF;
	v0 =	vld.msk [tilespmem:s16+$0x0 ss:$0x1], $0xffff  }
.Ltmp4:
0x3e: {  	_ = 	snop;
	(pc) =	sbr.rel .LBB2_4-.Ltmp4, $1  }
0x3f: {  	_ =	sdelay $0x3  }
.LBB2_6:
0x40: {  	_ =	sfence.sel $0x180000  }
0x41: {  	s2 =	simm.s32 $0x2;
	[bflag:$0x0] =	sbarrier.arrive $0xFFFF  }
0x42: {  	s30 =	simm.s32 $0x3;
	[sflag:s2] =	ssyncpa.u1 $0x1  }
0x43: {  	s31 =	simm.s32 $0x1;
	[sflag:s30] =	ssyncpa.u1 $0x1  }
0x44: {  	[sflag:s31] =	ssyncpa.u1 $0x1  }
0x45: {  	p0 =	sne.s32 s0, $0x0;
	_ =	strace $0x9000005C  }
0x46: {  	s0 =	sadd.s32 @!p0 $0x100000, s1;
	[bflag:$0x2] =	sbarrier.arrive $0xFFFF  }
0x47: {  	[sflag:s0] =	ssyncadd.tile.s32 @!p0 $0x1;
	_ =	shalt  }
.Lfunc_end2:
_tile_overlayer_lowered:
.L_overlay_start_2:
0x48: {  	(tag) =	ssettag $0x2  }
0x49: {  	s0 =	rddreg [dreg:$0x0];
	s2 =	stileid.u32  }
0x4a: {  	s1 =	rddreg [dreg:$0x1];
	p0 =	sne.s32 s2, $0x0  }
0x4b: {  	s3 =	rddreg [dreg:$0x2];
	[bflag:$0x3] =	sbarrier.arrive $0xFFFF;
	s2 =	simm.s32 @!p0 $0x1C01  }
0x4c: {  	[timem:s3], [sflag:s2] =	dma.local @!p0 [hbm:s0], s1  }
0x4d: {  	s0 =	simm.s32 @!p0 $0x1  }
0x4e: {  	_ =	swait.ge @!p0 [sflag:s0], s1  }
0x4f: {  	s1 =	ssub.s32 @!p0 $0x0, s1;
	[sflag:s0] =	ssyncset.done @!p0 $0x0  }
0x50: {  	[sflag:s0] =	ssyncadd.s32 @!p0 s1  }
0x51: {  	[bflag:$0x3] =	sbarrier.arrive $0xFFFF  }
0x52: {  	_ =	shalt  }

// kernel: scatter_offload_async_start.1
scs
__scs_entry_jumppad:
0x0: {  	(pc) =	sbr.rel $0x88, $3  }
0x1: {  	(tag) =	ssettag $0x0;
	lr =	simm.s32 $0x1  }
0x2: {  	[smem:$0x3F9D] =	sst lr;
	_ =	strace $0xD0000000  }
0x3: {  	_ = 	snop  }
0x4: {  	_ = 	snop  }
0x5: {  	_ = 	snop  }
0x6: {  	_ = 	snop  }
0x7: {  	_ = 	snop  }
__scs_overlays_trampoline_lowered:
0x8: {  	[smem:$0x3FAC] =	sst s0  }
0x9: {  	[smem:$0x3FAD] =	sst s1  }
0xa: {  	[smem:$0x3FAE] =	sst s2  }
0xb: {  	[smem:$0x3FAF] =	sst s3  }
0xc: {  	[smem:$0x3FB0] =	sst s4  }
0xd: {  	[smem:$0x3FB1] =	sst s5  }
0xe: {  	[smem:$0x3FB2] =	sst s6  }
0xf: {  	[smem:$0x3FB3] =	sst s7  }
0x10: {  	[smem:$0x3FB4] =	sst s8  }
0x11: {  	[smem:$0x3FB5] =	sst s9;
	s0 =	simm.s32 @!p0 $0x0  }
0x12: {  	s1 =	sld [smem:$0x3F9B];
	s0 =	simm.s32 @p0 $0x1  }
0x13: {  	[smem:$0x3FB6] =	sst s0;
	s0 =	simm.s32 @!p1 $0x0  }
0x14: {  	s2 =	sld [smem:$0x3F9A];
	s0 =	simm.s32 @p1 $0x1  }
0x15: {  	[smem:$0x3FB7] =	sst s0;
	s0 =	simm.s32 @!p2 $0x0  }
0x16: {  	s3 =	sld [smem:$0x3FDB];
	s0 =	simm.s32 @p2 $0x1  }
0x17: {  	s4 =	simm.s32 $0x1BF5;
	[smem:$0x3FB9] =	sst s0  }
0x18: {  	s0 =	sld [smem:$0x3F9C];
	_ =	swait.ge [sflag:s4], $0x0  }
0x19: {  	s7 =	sld [smem:$0x3F9D]  }
0x1a: {  	s8 =	sadd.s32 $0xFFFFE003, lr  }
0x1b: {  	s9 =	sadd.s32 $0xFFFFFEF7, lr;
	s5 =	simm.s32 $0xFFFFFFFF;
	p2 =	slt.u32 s8, $0xFFFFF086  }
0x1c: {  	p1 =	slt.u32 s9, $0xF7A;
	s5 =	simm.s32 @!p2 $0x0  }
0x1d: {  	s5 =	simm.s32 @p1 $0x1;
	p0 =	seq.s32 s7, s2  }
0x1e: {  	s7 =	smul.u32 @!p0 $0xF7A, s2;
	p2 =	seq.s32 @!p0 s5, $0x0  }
0x1f: {  	s9 =	smul.u32 $0xF7A, s1;
	s8 =	simm.s32 @!p0 $0x1BF5;
	p2 =	por !p2, p0  }
0x20: {  	[sflag:s8] =	ssyncset.s32 @!p0 $0xFFFFF086;
	s6 =	sadd.s32 @!p0 s3, s7;
	s7 =	simm.s32 @!p0 $0x108  }
0x21: {  	s3 =	sadd.s32 s3, s9;
	s6 =	sadd.s32 @!p0 $0x88, s6;
	s7 =	simm.s32 @p2 $0x1082  }
0x22: {  	[simem:s7], [sflag:s8] =	dma.local @!p0 [hbm:s6], $0xF7A  }
0x23: {  	s9 =	sor.u32 $0xD0000000, s2;
	s6 =	simm.s32 $0x108;
	_ =	swait.ge @!p0 [sflag:s8], $0x0  }
0x24: {  	s3 =	sadd.s32 $0x88, s3;
	s6 =	simm.s32 @!p1 $0x1082;
	[sflag:s4] =	ssyncset.s32 $0xFFFFF086  }
0x25: {  	[simem:s6], [sflag:s4] =	dma.local [hbm:s3], $0xF7A  }
0x26: {  	[smem:$0x3F9D] =	sst s1;
	(tag) =	ssettag s2;
	_ =	strace s9  }
0x27: {  	s1 =	sld [smem:$0x3FAD]  }
0x28: {  	s2 =	sld [smem:$0x3FAE]  }
0x29: {  	s4 =	sld [smem:$0x3FB0]  }
0x2a: {  	p0 =	seq.s32 s5, $0x0;
	s5 =	sld [smem:$0x3FB1]  }
0x2b: {  	s6 =	sld [smem:$0x3FB2]  }
0x2c: {  	s7 =	sld [smem:$0x3FB3]  }
0x2d: {  	s3 =	simm.s32 $0x108;
	s8 =	sld [smem:$0x3FB4]  }
0x2e: {  	s3 =	simm.s32 @!p0 $0x1082;
	s9 =	sld [smem:$0x3FB5]  }
0x2f: {  	lr =	sadd.s32 s0, s3;
	s0 =	sld [smem:$0x3FAC]  }
0x30: {  	s3 =	sld [smem:$0x3FAF]  }
0x31: {  	[smem:$0x3FB8] =	sst s10  }
0x32: {  	s10 =	sld [smem:$0x3FB6];
	_ =	sdelay $0x3  }
0x33: {  	p0 =	seq.s32 s10, $0x1;
	s10 =	sld [smem:$0x3FB8];
	_ =	sdelay $0x3  }
0x34: {  	[smem:$0x3FB8] =	sst s10  }
0x35: {  	s10 =	sld [smem:$0x3FB7];
	_ =	sdelay $0x3  }
0x36: {  	p1 =	seq.s32 s10, $0x1;
	s10 =	sld [smem:$0x3FB8];
	_ =	sdelay $0x3  }
0x37: {  	[smem:$0x3FB8] =	sst s10  }
0x38: {  	s10 =	sld [smem:$0x3FB9]  }
0x39: {  	_ = 	snop;
	(pc) =	sbr.ind lr, $3  }
0x3a: {  	_ = 	snop  }
0x3b: {  	_ = 	snop  }
0x3c: {  	p2 =	seq.s32 s10, $0x1;
	s10 =	sld [smem:$0x3FB8]  }
0x3d: {  	_ =	shalt  }
0x3e: {  	_ =	shalt  }
0x3f: {  	_ =	shalt  }
0x40: {  	_ =	shalt  }
0x41: {  	_ =	shalt  }
0x42: {  	_ =	shalt  }
0x43: {  	_ =	shalt  }
0x44: {  	_ =	shalt  }
0x45: {  	_ =	shalt  }
0x46: {  	_ =	shalt  }
0x47: {  	_ =	shalt  }
0x48: {  	_ =	shalt  }
0x49: {  	_ =	shalt  }
0x4a: {  	_ =	shalt  }
0x4b: {  	_ =	shalt  }
0x4c: {  	_ =	shalt  }
0x4d: {  	_ =	shalt  }
0x4e: {  	_ =	shalt  }
0x4f: {  	_ =	shalt  }
0x50: {  	_ =	shalt  }
0x51: {  	_ =	shalt  }
0x52: {  	_ =	shalt  }
0x53: {  	_ =	shalt  }
0x54: {  	_ =	shalt  }
0x55: {  	_ =	shalt  }
0x56: {  	_ =	shalt  }
0x57: {  	_ =	shalt  }
0x58: {  	_ =	shalt  }
0x59: {  	_ =	shalt  }
0x5a: {  	_ =	shalt  }
0x5b: {  	_ =	shalt  }
0x5c: {  	_ =	shalt  }
0x5d: {  	_ =	shalt  }
0x5e: {  	_ =	shalt  }
0x5f: {  	_ =	shalt  }
0x60: {  	_ =	shalt  }
0x61: {  	_ =	shalt  }
0x62: {  	_ =	shalt  }
0x63: {  	_ =	shalt  }
0x64: {  	_ =	shalt  }
0x65: {  	_ =	shalt  }
0x66: {  	_ =	shalt  }
0x67: {  	_ =	shalt  }
0x68: {  	_ =	shalt  }
0x69: {  	_ =	shalt  }
0x6a: {  	_ =	shalt  }
0x6b: {  	_ =	shalt  }
0x6c: {  	_ =	shalt  }
0x6d: {  	_ =	shalt  }
0x6e: {  	_ =	shalt  }
0x6f: {  	_ =	shalt  }
0x70: {  	_ =	shalt  }
0x71: {  	_ =	shalt  }
0x72: {  	_ =	shalt  }
0x73: {  	_ =	shalt  }
0x74: {  	_ =	shalt  }
0x75: {  	_ =	shalt  }
0x76: {  	_ =	shalt  }
0x77: {  	_ =	shalt  }
0x78: {  	_ =	shalt  }
0x79: {  	_ =	shalt  }
0x7a: {  	_ =	shalt  }
0x7b: {  	_ =	shalt  }
0x7c: {  	_ =	shalt  }
0x7d: {  	_ =	shalt  }
0x7e: {  	_ =	shalt  }
0x7f: {  	_ =	shalt  }
0x80: {  	_ =	shalt  }
0x81: {  	_ =	shalt  }
0x82: {  	_ =	shalt  }
0x83: {  	_ =	shalt  }
0x84: {  	_ =	shalt  }
0x85: {  	_ =	shalt  }
0x86: {  	_ =	shalt  }
0x87: {  	_ =	shalt  }
.Lfunc_end0:
.L_simem_size_0:
called_computation.1_lowered:
.L_overlay_start_0:
0x88: {  	s2 =	sld [smem:$0x3FD9]  }
0x89: {  	s3 =	sld [smem:$0x3FFE];
	_ =	sdelay $0x1  }
0x8a: {  	s1 =	srdreg.scid  }
0x8b: {  	s0 =	sand.u32 $0x1, s1  }
0x8c: {  	s12 =	sshll.u32 s0, $0xA;
	s2 =	sadd.s32 s3, s2  }
0x8d: {  	s2 =	sadd.s32 s2, s12  }
0x8e: {  	[smem:$0x3FC4] =	sst s2  }
0x8f: {  	_ = 	snop  }
0x90: {  	(tm) =	ssettm $0x1  }
0x91: {  	s13 =	sld [smem:$0x3FFB];
	_ =	sdelay $0x3  }
0x92: {  	_ =	strace s13  }
0x93: {  	s2 =	sld [smem:$0x3FFC];
	_ =	sdelay $0x3  }
0x94: {  	_ =	strace s2  }
0x95: {  	s2 =	sld [smem:$0x3FFD];
	_ =	sdelay $0x3  }
0x96: {  	_ =	strace s2  }
0x97: {  	_ =	strace $0x8FFFFFFF  }
0x98: {  	s14 =	sld [smem:$0x3FDB];
	_ =	sdelay $0x1  }
0x99: {  	s15 =	simm.s32 $_scs_section_size  }
0x9a: {  	s4 =	simm.s32 $_size__tile_overlayer_lowered;
	s5 =	simm.s32 $_tile_overlayer_lowered  }
0x9b: {  	s19 =	simm.s32 $0x1BFF;
	s17 =	sshll.u32 s5, $0x1;
	s6 =	sadd.s32 s15, s14  }
0x9c: {  	s20 =	simm.s32 $0x0;
	s16 =	sshll.u32 s4, $0x1;
	s18 =	sadd.s32 s17, s6  }
0x9d: {  	[timem:s20], [sflag:s19] =	dma.local [hbm:s18], s16  }
0x9e: {  	_ =	swait.ge [sflag:s19], s16  }
0x9f: {  	s3 =	ssub.s32 $0x0, s16;
	[sflag:s19] =	ssyncset.done $0x0  }
0xa0: {  	[sflag:s19] =	ssyncadd.s32 s3;
	_ =	sdelay $0x1  }
0xa1: {  	s21 =	simm.s32 $0x1B8B  }
0xa2: {  	_ =	swait.ge [sflag:s21], $0x1  }
0xa3: {  	[sflag:s21] =	ssyncset.done $0x0  }
0xa4: {  	[sflag:s21] =	ssyncadd.s32 $0xFFFFFFFF  }
0xa5: {  	s3 =	sld [smem:$0x0]  }
0xa6: {  	s4 =	sand.u32 $0xFFFFFFFE, s1  }
0xa7: {  	p0 =	sne.s32 s1, s4  }
0xa8: {  	s4 =	sshll.u32 @p0 s4, $0xE  }
0xa9: {  	s5 =	sadd.s32 @p0 $0x11B8D, s4;
	s7 =	sshll.u32 @p0 s3, $0x11  }
0xaa: {  	s5 =	sor.u32 @p0 s7, s5  }
0xab: {  	[sflag:s5] =	ssyncadd.remote.s32 @p0 $0x1;
	_ =	sdelay $0x1  }
0xac: {  	s5 =	simm.s32 @p0 $0x1B8D  }
0xad: {  	_ =	swait.eq @p0 [sflag:s5], $0x1  }
0xae: {  	[sflag:s5] =	ssyncadd.s32 @p0 $0xFFFFFFFF  }
0xaf: {  	s7 =	sshll.u32 @!p0 s1, $0xE  }
0xb0: {  	s7 =	sor.u32 @!p0 $0x4000, s7;
	s5 =	simm.s32 @!p0 $0x1B8D  }
0xb1: {  	s9 =	sshll.u32 @!p0 s3, $0x11;
	s8 =	sadd.s32 @!p0 $0x11B8D, s7;
	_ =	swait.eq @!p0 [sflag:s5], $0x1  }
0xb2: {  	[sflag:s5] =	ssyncadd.s32 @!p0 $0xFFFFFFFF;
	s5 =	sor.u32 @!p0 s9, s8  }
0xb3: {  	s23 =	simm.s32 $0x1B8E;
	s22 =	sld [smem:$0x3FFE];
	[sflag:s5] =	ssyncadd.remote.s32 @!p0 $0x1  }
0xb4: {  	s24 =	simm.s32 $execute0_lowered;
	[smem:$0x3FD2] =	sst s23  }
0xb5: {  	s8 =	sshll.u32 s24, $0x1;
	_ =	strace $0x8000004F;
	[dreg:$0x1] =	wrdreg $0xFFFFFFFF  }
0xb6: {  	s25 =	simm.s32 $_size_execute0_lowered;
	s8 =	sadd.s32 s6, s8;
	[dreg:$0x0] =	wrdreg $0x0  }
0xb7: {  	s9 =	sshll.u32 s25, $0x1;
	[dreg:$0x2] =	wrdreg s8  }
0xb8: {  	[dreg:$0x3] =	wrdreg s9  }
0xb9: {  	[dreg:$0x4] =	wrdreg $0xC0  }
0xba: {  	s26 =	simm.s32 $execute1_lowered;
	_ =	task [dreg:s20], $0x5FFFF  }
0xbb: {  	s8 =	sshll.u32 s26, $0x1;
	[dreg:$0x1] =	wrdreg $0xFFFFFFFF  }
0xbc: {  	s6 =	sadd.s32 s6, s8;
	[dreg:$0x0] =	wrdreg $0x60  }
0xbd: {  	[dreg:$0x2] =	wrdreg s6  }
0xbe: {  	[dreg:$0x3] =	wrdreg s22  }
0xbf: {  	[dreg:$0x4] =	wrdreg $0xA  }
0xc0: {  	_ =	task.clear_ibuf [dreg:s20], $0x5FFFF;
	_ =	strace $0x9000004F  }
0xc1: {  	s28 =	simm.s32 $0xA;
	_ =	strace $0x80000051  }
0xc2: {  	_ =	swait.ge [sflag:s28], $0x1  }
0xc3: {  	[sflag:s28] =	ssyncadd.s32 $0xFFFFFFFF  }
0xc4: {  	_ =	strace $0x90000051  }
0xc5: {  	s6 =	sld [smem:$0x0];
	_ =	sdelay $0x3  }
0xc6: {  	s4 =	sadd.s32 @p0 $0x11BF3, s4;
	s8 =	sshll.u32 @p0 s6, $0x11  }
0xc7: {  	s4 =	sor.u32 @p0 s8, s4  }
0xc8: {  	[sflag:s4] =	ssyncadd.remote.s32 @p0 $0x1;
	_ =	sdelay $0x1  }
0xc9: {  	s4 =	simm.s32 @p0 $0x1BF3  }
0xca: {  	_ =	swait.eq @p0 [sflag:s4], $0x1  }
0xcb: {  	[sflag:s4] =	ssyncadd.s32 @p0 $0xFFFFFFFF;
	_ =	sdelay $0x1  }
0xcc: {  	s4 =	simm.s32 @!p0 $0x1BF3  }
0xcd: {  	s7 =	sadd.s32 @!p0 $0x11BF3, s7;
	s6 =	sshll.u32 @!p0 s6, $0x11;
	_ =	swait.eq @!p0 [sflag:s4], $0x1  }
0xce: {  	[sflag:s4] =	ssyncadd.s32 @!p0 $0xFFFFFFFF;
	s4 =	sor.u32 @!p0 s6, s7  }
0xcf: {  	[sflag:s4] =	ssyncadd.remote.s32 @!p0 $0x1  }
0xd0: {  	_ =	strace $0x80000052;
	[dreg:$0x1] =	wrdreg $0xFFFFFFFF  }
0xd1: {  	[dreg:$0x0] =	wrdreg $0x2030  }
0xd2: {  	[dreg:$0x2] =	wrdreg s22  }
0xd3: {  	[dreg:$0x3] =	wrdreg s1  }
0xd4: {  	[dreg:$0x4] =	wrdreg s3  }
0xd5: {  	[dreg:$0x5] =	wrdreg $0xB  }
0xd6: {  	_ =	task.clear_ibuf [dreg:s20], $0x6FFFF;
	_ =	strace $0x90000052  }
0xd7: {  	s29 =	simm.s32 $0xB;
	_ =	strace $0x80000054  }
0xd8: {  	_ =	swait.ge [sflag:s29], $0x1  }
0xd9: {  	[sflag:s29] =	ssyncadd.s32 $0xFFFFFFFF  }
0xda: {  	_ =	strace $0x90000054  }
0xdb: {  	_ =	sfence  }
0xdc: {  	s30 =	sld [smem:$0x0];
	_ =	sdelay $0x2  }
0xdd: {  	s31 =	sshll.u32 s1, $0xD;
	s1 =	sshrl.u32 s1, $0x2  }
0xde: {  	s4 =	sand.u32 $0x4000, s31;
	s1 =	sadd.s32 s1, s30  }
0xdf: {  	s0 =	sor.u32 s4, s0;
	s1 =	sshll.u32 s1, $0x11  }
0xe0: {  	s0 =	sor.u32 s1, s0  }
0xe1: {  	s0 =	sadd.s32 $0x8F2B, s0  }
0xe2: {  	[sflag:s0] =	ssyncadd.remote.s32 $0x1  }
0xe3: {  	_ =	sfence.sel $0xFFFF  }
0xe4: {  	[dreg:$0x0] =	wrdreg $0xFFFFFFFF;
	(pc) =	sbr.abs _section_cstart, $3  }
0xe5: {  	[dreg:$0x1] =	wrdreg $0xFFFFFFFF  }
0xe6: {  	_ =	task.clear_ibuf [dreg:s20], $0x2FFFF;
	_ =	strace $0x9FFFFFFF  }
0xe7: {  	(tm) =	ssettm $0x7FFFFFFF  }
tec
execute0_lowered:
.L_overlay_start_1:
0x0: {  	(tag) =	ssettag $0x1  }
0x1: {  	s2 =	rddreg [dreg:$0x0]  }
0x2: {  	s5 =	rddreg [dreg:$0x1]  }
0x3: {  	s0 =	rddreg [dreg:$0x2];
	s3 =	stileid.u32;
	[bflag:$0x3] =	sbarrier.arrive $0xFFFF  }
0x4: {  	s1 =	simm.s32 $_size_execute1_lowered;
	s29 =	srdreg.scid;
	s31 =	simm.s32 $0x2  }
0x5: {  	s13 =	simm.s32 $0x0;
	s8 =	simm.s32 $0x20;
	p0 =	sne.s32 s3, $0x0  }
0x6: {  	s1 =	sshll.u32 s1, $0x1;
	s4 =	simm.s32 @!p0 $0x1C3F;
	s6 =	simm.s32 @!p0 $0x4060  }
0x7: {  	[timem:s6], [sflag:s4] =	dma.local @!p0 [hbm:s2], s1  }
0x8: {  	s9 =	simm.s32 $0x80;
	s11 =	simm.s32 $0x0;
	s2 =	sshll.u32 s29, $0x9  }
.Ltmp0:
0x9: {  	s3 =	sshll.u32 s3, $0xA;
	s30 =	sand.u32 $0x200, s2;
	(pc) =	sbr.rel .LBB2_1-.Ltmp0, $4  }
0xa: {  	s12 =	simm.s32 $0x0;
	_ =	strace $0x80000050;
	s3 =	sor.u32 s3, s30  }
0xb: {  	s4 =	simm.s32 $0x1;
	s2 =	sadd.s32 $0x27F6800, s5;
	s7 =	ssub.s32 $0xC200, s3  }
0xc: {  	s5 =	sadd.s32 $0x2F80C00, s5;
	[sflag:s4] =	ssyncpa.u1 $0x0;
	s6 =	sshrl.u32 s7, $0xE  }
0xd: {  	[sflag:s31] =	ssyncpa.u1 $0x0;
	s10 =	smov.u32 s3;
	s7 =	sadd.s32 $0x2, s6  }
.LBB2_5:
0xe: {  	_ =	sdelay $0x3  }
0xf: {  	[tilespmem:v1+s16+$0x0 ss:$0x1] =	vst.idx.msk $0xffff, v2  }
.LBB2_6:
0x10: {  	s16 =	sand.u32 $0x1FFFFFF, s11  }
0x11: {  	s17 =	smulhi.u32 $0x14F8B59, s16;
	_ =	sdelay $0x1  }
0x12: {  	s17 =	sshrl.u32 s17, $0x8  }
0x13: {  	s17 =	smul.u32 $0xC350, s17;
	_ =	sdelay $0x1  }
0x14: {  	s16 =	ssub.s32 s16, s17  }
0x15: {  	s16 =	sshll.u32 s16, $0x4  }
0x16: {  	s16 =	sadd.s32 s5, s16  }
0x17: {  	[hbm4b:s16+s8] =	stream.strided.scatter [tilespmem:s15], [sflag:$0x2], s14, s9, s8, $0x38;
	[tilespmem:$0x10000] =	vst v63  }
.LBB2_7:
0x18: {  	p1 =	slt.u32 s12, $0x2  }
0x19: {  	p2 =	sgt.s32 @!p1 s13, $0xC150  }
0x1a: {  	s14 =	smov.u32 s13;
	s15 =	sshra.s32 @!p1 s13, $0x1F;
	p2 =	por !p2, p1  }
0x1b: {  	s13 =	sand.u32 @!p1 s15, s13;
	s14 =	simm.s32 @p2 $0xC150  }
0x1c: {  	s13 =	ssub.s32 @!p1 s14, s13  }
0x1d: {  	s13 =	sadd.s32 @!p1 $0xFFFF3EB0, s13  }
0x1e: {  	s14 =	sshll.u32 @!p1 s13, $0x7  }
0x1f: {  	p2 =	sgt.s32 @!p1 s13, $0x1FF;
	s13 =	ssub.s32 @!p1 $0x10000, s14  }
0x20: {  	s15 =	sadd.s32 $0x4000, s10;
	p2 =	por !p2, p1;
	s13 =	sshrl.u32 @!p1 s13, $0x2  }
0x21: {  	s13 =	simm.s32 @!p2 $0x0;
	p2 =	sgt.s32 s15, $0xC34F  }
0x22: {  	s15 =	smov.u32 @p2 s3;
	p2 =	sne.s32 s12, s7  }
.Ltmp1:
0x23: {  	_ = 	snop;
	(pc) =	sbr.rel @!p2 .LBB2_8-.Ltmp1, $4  }
0x24: {  	s14 =	simm.s32 @!p1 $0x2  }
0x25: {  	_ =	swait.ge @!p1 [sflag:s14], s13;
	s16 =	ssub.s32 @!p1 $0x0, s13  }
0x26: {  	s13 =	smov.u32 s11;
	s12 =	sadd.s32 $0x1, s12;
	[sflag:s14] =	ssyncset.done @!p1 $0x0  }
0x27: {  	s11 =	smov.u32 s10;
	s10 =	smov.u32 s15;
	[sflag:s14] =	ssyncadd.s32 @!p1 s16  }
.LBB2_1:
0x28: {  	p1 =	sgt.u32 s12, s6  }
0x29: {  	s15 =	smov.u32 s10;
	p2 =	sgt.s32 @!p1 s10, $0xC150  }
0x2a: {  	s14 =	sand.u32 @!p1 $0x1FFFFFF, s10;
	s16 =	sshra.s32 @!p1 s10, $0x1F;
	p2 =	por !p2, p1  }
0x2b: {  	s17 =	smulhi.u32 @!p1 $0x14F8B59, s14;
	s16 =	sand.u32 @!p1 s16, s10;
	s15 =	simm.s32 @p2 $0xC150  }
0x2c: {  	s15 =	ssub.s32 @!p1 s15, s16  }
0x2d: {  	s16 =	sshrl.u32 @!p1 s17, $0x8;
	s15 =	sadd.s32 @!p1 $0xFFFF3EB0, s15  }
0x2e: {  	s17 =	sxor.u32 @!p1 $0xFFFFFFFF, s12;
	s16 =	smul.u32 @!p1 $0xC350, s16;
	s18 =	sshll.u32 @!p1 s15, $0x7  }
0x2f: {  	s17 =	sshll.u32 @!p1 s17, $0xE;
	p2 =	sgt.s32 @!p1 s15, $0x1FF;
	s15 =	ssub.s32 @!p1 $0x10000, s18  }
0x30: {  	s14 =	ssub.s32 @!p1 s14, s16;
	p2 =	por !p2, p1;
	s16 =	sand.u32 @!p1 $0x4000, s17  }
0x31: {  	s17 =	simm.s32 @!p1 $0x20;
	s15 =	sshrl.u32 @!p1 s15, $0x2;
	s14 =	sshll.u32 @!p1 s14, $0x4  }
0x32: {  	s18 =	simm.s32 @!p1 $0x80;
	s15 =	simm.s32 @!p2 $0x0;
	s14 =	sadd.s32 @!p1 s2, s14  }
0x33: {  	[tilespmem:s16], [sflag:$0x1] =	stream.strided.gather @!p1 [hbm4b:s14+s17], s15, s18, s17, $0x38;
	[tilespmem:$0x10000] =	vst v63  }
0x34: {  	p1 =	seq.s32 s12, $0x0  }
0x35: {  	p2 =	sge.u32 @!p1 s12, s7  }
0x36: {  	p1 =	por p1, p2  }
.Ltmp2:
0x37: {  	_ = 	snop;
	(pc) =	sbr.rel @p1 .LBB2_7-.Ltmp2, $1  }
0x38: {  	_ =	sdelay $0x3  }
0x39: {  	p1 =	sgt.s32 s11, $0xC150;
	s14 =	smov.u32 s11;
	s15 =	sshra.s32 s11, $0x1F  }
0x3a: {  	s14 =	simm.s32 @!p1 $0xC150;
	s15 =	sand.u32 s15, s11  }
0x3b: {  	s14 =	ssub.s32 s14, s15  }
0x3c: {  	s14 =	sadd.s32 $0xFFFF3EB0, s14  }
0x3d: {  	s31 =	sshll.u32 s14, $0x7  }
0x3e: {  	s15 =	ssub.s32 $0x10000, s31  }
0x3f: {  	p1 =	sgt.s32 s14, $0x1FF;
	s14 =	sshrl.u32 s15, $0x2;
	s15 =	sadd.s32 $0x200, s11  }
0x40: {  	s14 =	simm.s32 @p1 $0x0;
	p1 =	slt.s32 s15, $0xC350  }
0x41: {  	s15 =	simm.s32 @!p1 $0xC350  }
0x42: {  	s17 =	ssub.s32 s15, s11  }
0x43: {  	p1 =	slt.s32 s17, $0x1  }
.Ltmp3:
0x44: {  	_ = 	snop;
	(pc) =	sbr.rel @p1 .LBB2_6-.Ltmp3, $4  }
0x45: {  	_ = 	snop  }
0x46: {  	s16 =	sshll.u32 s12, $0xE;
	_ =	swait.ge [sflag:s4], s14  }
0x47: {  	s16 =	sand.u32 $0x4000, s16;
	s18 =	ssub.s32 $0x0, s14;
	[sflag:s4] =	ssyncset.done $0x0  }
0x48: {  	s15 =	sor.u32 $0x8000, s16;
	[sflag:s4] =	ssyncadd.s32 s18  }
0x49: {  	v0 =	vmov s16;
	_ =	sdelay $0x2  }
0x4a: {  	s31 =	simm.s32 $0x0;
	p1 =	sne.s32 s17, $0x1  }
.Ltmp4:
0x4b: {  	s16 =	sand.u32 $0x3FE0, s31;
	(pc) =	sbr.rel @!p1 .LBB2_5-.Ltmp4, $2  }
0x4c: {  	v1 =	vmov s15;
	v2 =	vld.idx.msk [tilespmem:v0+s16+$0x0 ss:$0x1], $0xffff;
	_ =	sdelay $0x2  }
0x4d: {  	s17 =	sadd.s32 $0xFFFFFFFF, s17;
	s18 =	simm.s32 $0x20  }
.LBB2_4:
0x4e: {  	s19 =	sand.u32 $0x3FE0, s18;
	p1 =	sne.s32 s17, $0x1;
	s17 =	sadd.s32 $0xFFFFFFFF, s17  }
.Ltmp5:
0x4f: {  	[tilespmem:v1+s16+$0x0 ss:$0x1] =	vst.idx.msk $0xffff, v2;
	v2 =	vld.idx.msk [tilespmem:v0+s19+$0x0 ss:$0x1], $0xffff;
	s16 =	smov.u32 s19;
	(pc) =	sbr.rel @p1 .LBB2_4-.Ltmp5, $2  }
0x50: {  	_ =	sdelay $0x2  }
0x51: {  	s18 =	sadd.s32 $0x20, s18  }
.Ltmp6:
0x52: {  	_ = 	snop;
	(pc) =	sbr.rel .LBB2_5-.Ltmp6, $1  }
0x53: {  	_ =	sdelay $0x3  }
.LBB2_8:
0x54: {  	_ =	sfence.sel $0x180000  }
0x55: {  	s2 =	simm.s32 $0x1;
	[bflag:$0x0] =	sbarrier.arrive $0xFFFF  }
0x56: {  	s31 =	simm.s32 $0x2;
	[sflag:s2] =	ssyncpa.u1 $0x1  }
0x57: {  	[sflag:s31] =	ssyncpa.u1 $0x1  }
0x58: {  	_ =	strace $0x90000050  }
0x59: {  	s0 =	sadd.s32 @!p0 $0x100000, s0;
	[bflag:$0x2] =	sbarrier.arrive $0xFFFF  }
0x5a: {  	[sflag:s0] =	ssyncadd.tile.s32 @!p0 $0x1;
	s0 =	simm.s32 @!p0 $0x3F  }
0x5b: {  	_ =	swait.ge @!p0 [sflag:s0], s1  }
0x5c: {  	s1 =	ssub.s32 @!p0 $0x0, s1;
	[sflag:s0] =	ssyncset.done @!p0 $0x0  }
0x5d: {  	[sflag:s0] =	ssyncadd.s32 @!p0 s1  }
0x5e: {  	[bflag:$0x3] =	sbarrier.arrive $0xFFFF  }
0x5f: {  	_ =	shalt  }
.Lfunc_end2:
execute1_lowered:
.L_overlay_start_2:
0x60: {  	(tag) =	ssettag $0x2  }
0x61: {  	s11 =	rddreg [dreg:$0x0]  }
0x62: {  	s2 =	rddreg [dreg:$0x1];
	_ =	strace $0x80000053;
	s12 =	simm.s32 $0x1  }
0x63: {  	v0 =	vimm.s32 $0x0;
	[sflag:s12] =	ssyncpa.u1 $0x0  }
0x64: {  	[tilespmem:$0x28] =	vst v0  }
0x65: {  	[tilespmem:$0x38] =	vst v0  }
0x66: {  	[tilespmem:$0x48] =	vst v0  }
0x67: {  	[tilespmem:$0x58] =	vst v0  }
0x68: {  	[tilespmem:$0x68] =	vst v0  }
0x69: {  	[tilespmem:$0x78] =	vst v0  }
0x6a: {  	[tilespmem:$0x88] =	vst v0  }
0x6b: {  	[tilespmem:$0x98] =	vst v0  }
0x6c: {  	[tilespmem:$0xA8] =	vst v0  }
0x6d: {  	[tilespmem:$0xB8] =	vst v0  }
0x6e: {  	[tilespmem:$0xC8] =	vst v0  }
0x6f: {  	[tilespmem:$0xD8] =	vst v0  }
0x70: {  	[tilespmem:$0xE8] =	vst v0  }
0x71: {  	[tilespmem:$0xF8] =	vst v0  }
0x72: {  	[tilespmem:$0x108] =	vst v0  }
0x73: {  	[tilespmem:$0x118] =	vst v0  }
0x74: {  	[tilespmem:$0x128] =	vst v0  }
0x75: {  	[tilespmem:$0x138] =	vst v0  }
0x76: {  	[tilespmem:$0x148] =	vst v0  }
0x77: {  	[tilespmem:$0x158] =	vst v0  }
0x78: {  	[tilespmem:$0x168] =	vst v0  }
0x79: {  	[tilespmem:$0x178] =	vst v0  }
0x7a: {  	[tilespmem:$0x188] =	vst v0  }
0x7b: {  	[tilespmem:$0x198] =	vst v0  }
0x7c: {  	[tilespmem:$0x1A8] =	vst v0  }
0x7d: {  	[tilespmem:$0x1B8] =	vst v0  }
0x7e: {  	[tilespmem:$0x1C8] =	vst v0  }
0x7f: {  	[tilespmem:$0x1D8] =	vst v0  }
0x80: {  	[tilespmem:$0x1E8] =	vst v0  }
0x81: {  	[tilespmem:$0x1F8] =	vst v0  }
0x82: {  	[tilespmem:$0x208] =	vst v0  }
0x83: {  	[tilespmem:$0x218] =	vst v0  }
0x84: {  	[tilespmem:$0x228] =	vst v0  }
0x85: {  	[tilespmem:$0x238] =	vst v0  }
0x86: {  	[tilespmem:$0x248] =	vst v0  }
0x87: {  	[tilespmem:$0x258] =	vst v0  }
0x88: {  	[tilespmem:$0x268] =	vst v0  }
0x89: {  	[tilespmem:$0x278] =	vst v0  }
0x8a: {  	[tilespmem:$0x288] =	vst v0  }
0x8b: {  	[tilespmem:$0x298] =	vst v0  }
0x8c: {  	[tilespmem:$0x2A8] =	vst v0  }
0x8d: {  	[tilespmem:$0x2B8] =	vst v0  }
0x8e: {  	[tilespmem:$0x2C8] =	vst v0  }
0x8f: {  	[tilespmem:$0x2D8] =	vst v0  }
0x90: {  	[tilespmem:$0x2E8] =	vst v0  }
0x91: {  	[tilespmem:$0x2F8] =	vst v0  }
0x92: {  	[tilespmem:$0x308] =	vst v0  }
0x93: {  	[tilespmem:$0x318] =	vst v0  }
0x94: {  	[tilespmem:$0x328] =	vst v0  }
0x95: {  	[tilespmem:$0x338] =	vst v0  }
0x96: {  	[tilespmem:$0x348] =	vst v0  }
0x97: {  	[tilespmem:$0x358] =	vst v0  }
0x98: {  	[tilespmem:$0x368] =	vst v0  }
0x99: {  	[tilespmem:$0x378] =	vst v0  }
0x9a: {  	[tilespmem:$0x388] =	vst v0  }
0x9b: {  	[tilespmem:$0x398] =	vst v0  }
0x9c: {  	[tilespmem:$0x3A8] =	vst v0  }
0x9d: {  	[tilespmem:$0x3B8] =	vst v0  }
0x9e: {  	[tilespmem:$0x3C8] =	vst v0  }
0x9f: {  	[tilespmem:$0x3D8] =	vst v0  }
0xa0: {  	[tilespmem:$0x3E8] =	vst v0  }
0xa1: {  	[tilespmem:$0x3F8] =	vst v0  }
0xa2: {  	[tilespmem:$0x408] =	vst v0  }
0xa3: {  	[tilespmem:$0x418] =	vst v0  }
0xa4: {  	[tilespmem:$0x428] =	vst v0  }
0xa5: {  	[tilespmem:$0x438] =	vst v0  }
0xa6: {  	[tilespmem:$0x448] =	vst v0  }
0xa7: {  	[tilespmem:$0x458] =	vst v0  }
0xa8: {  	[tilespmem:$0x468] =	vst v0  }
0xa9: {  	[tilespmem:$0x478] =	vst v0  }
0xaa: {  	[tilespmem:$0x488] =	vst v0  }
0xab: {  	[tilespmem:$0x498] =	vst v0  }
0xac: {  	[tilespmem:$0x4A8] =	vst v0  }
0xad: {  	[tilespmem:$0x4B8] =	vst v0  }
0xae: {  	[tilespmem:$0x4C8] =	vst v0  }
0xaf: {  	[tilespmem:$0x4D8] =	vst v0  }
0xb0: {  	[tilespmem:$0x4E8] =	vst v0  }
0xb1: {  	[tilespmem:$0x4F8] =	vst v0  }
0xb2: {  	[tilespmem:$0x508] =	vst v0  }
0xb3: {  	[tilespmem:$0x518] =	vst v0  }
0xb4: {  	[tilespmem:$0x528] =	vst v0  }
0xb5: {  	[tilespmem:$0x538] =	vst v0  }
0xb6: {  	[tilespmem:$0x548] =	vst v0  }
0xb7: {  	[tilespmem:$0x558] =	vst v0  }
0xb8: {  	[tilespmem:$0x568] =	vst v0  }
0xb9: {  	[tilespmem:$0x578] =	vst v0  }
0xba: {  	[tilespmem:$0x588] =	vst v0  }
0xbb: {  	[tilespmem:$0x598] =	vst v0  }
0xbc: {  	[tilespmem:$0x5A8] =	vst v0  }
0xbd: {  	[tilespmem:$0x5B8] =	vst v0  }
0xbe: {  	[tilespmem:$0x5C8] =	vst v0  }
0xbf: {  	[tilespmem:$0x5D8] =	vst v0  }
0xc0: {  	[tilespmem:$0x5E8] =	vst v0  }
0xc1: {  	[tilespmem:$0x5F8] =	vst v0  }
0xc2: {  	[tilespmem:$0x608] =	vst v0  }
0xc3: {  	[tilespmem:$0x618] =	vst v0  }
0xc4: {  	[tilespmem:$0x628] =	vst v0  }
0xc5: {  	[tilespmem:$0x638] =	vst v0  }
0xc6: {  	[tilespmem:$0x648] =	vst v0  }
0xc7: {  	[tilespmem:$0x658] =	vst v0  }
0xc8: {  	[tilespmem:$0x668] =	vst v0  }
0xc9: {  	[tilespmem:$0x678] =	vst v0  }
0xca: {  	[tilespmem:$0x688] =	vst v0  }
0xcb: {  	[tilespmem:$0x698] =	vst v0  }
0xcc: {  	[tilespmem:$0x6A8] =	vst v0  }
0xcd: {  	[tilespmem:$0x6B8] =	vst v0  }
0xce: {  	[tilespmem:$0x6C8] =	vst v0  }
0xcf: {  	[tilespmem:$0x6D8] =	vst v0  }
0xd0: {  	[tilespmem:$0x6E8] =	vst v0  }
0xd1: {  	[tilespmem:$0x6F8] =	vst v0  }
0xd2: {  	[tilespmem:$0x708] =	vst v0  }
0xd3: {  	[tilespmem:$0x718] =	vst v0  }
0xd4: {  	[tilespmem:$0x728] =	vst v0  }
0xd5: {  	[tilespmem:$0x738] =	vst v0  }
0xd6: {  	[tilespmem:$0x748] =	vst v0  }
0xd7: {  	[tilespmem:$0x758] =	vst v0  }
0xd8: {  	[tilespmem:$0x768] =	vst v0  }
0xd9: {  	[tilespmem:$0x778] =	vst v0  }
0xda: {  	[tilespmem:$0x788] =	vst v0  }
0xdb: {  	[tilespmem:$0x798] =	vst v0  }
0xdc: {  	[tilespmem:$0x7A8] =	vst v0  }
0xdd: {  	[tilespmem:$0x7B8] =	vst v0  }
0xde: {  	[tilespmem:$0x7C8] =	vst v0  }
0xdf: {  	[tilespmem:$0x7D8] =	vst v0  }
0xe0: {  	[tilespmem:$0x7E8] =	vst v0  }
0xe1: {  	[tilespmem:$0x7F8] =	vst v0  }
0xe2: {  	[tilespmem:$0x808] =	vst v0  }
0xe3: {  	[tilespmem:$0x818] =	vst v0  }
0xe4: {  	[tilespmem:$0x828] =	vst v0  }
0xe5: {  	[tilespmem:$0x838] =	vst v0  }
0xe6: {  	[tilespmem:$0x848] =	vst v0  }
0xe7: {  	[tilespmem:$0x858] =	vst v0  }
0xe8: {  	[tilespmem:$0x868] =	vst v0  }
0xe9: {  	[tilespmem:$0x878] =	vst v0  }
0xea: {  	[tilespmem:$0x888] =	vst v0  }
0xeb: {  	[tilespmem:$0x898] =	vst v0  }
0xec: {  	[tilespmem:$0x8A8] =	vst v0  }
0xed: {  	[tilespmem:$0x8B8] =	vst v0  }
0xee: {  	[tilespmem:$0x8C8] =	vst v0  }
0xef: {  	[tilespmem:$0x8D8] =	vst v0  }
0xf0: {  	[tilespmem:$0x8E8] =	vst v0  }
0xf1: {  	[tilespmem:$0x8F8] =	vst v0  }
0xf2: {  	[tilespmem:$0x908] =	vst v0  }
0xf3: {  	[tilespmem:$0x918] =	vst v0  }
0xf4: {  	[tilespmem:$0x928] =	vst v0  }
0xf5: {  	[tilespmem:$0x938] =	vst v0  }
0xf6: {  	[tilespmem:$0x948] =	vst v0  }
0xf7: {  	[tilespmem:$0x958] =	vst v0  }
0xf8: {  	[tilespmem:$0x968] =	vst v0  }
0xf9: {  	[tilespmem:$0x978] =	vst v0  }
0xfa: {  	[tilespmem:$0x988] =	vst v0  }
0xfb: {  	[tilespmem:$0x998] =	vst v0  }
0xfc: {  	[tilespmem:$0x9A8] =	vst v0  }
0xfd: {  	[tilespmem:$0x9B8] =	vst v0  }
0xfe: {  	[tilespmem:$0x9C8] =	vst v0  }
0xff: {  	[tilespmem:$0x9D8] =	vst v0  }
0x100: {  	[tilespmem:$0x9E8] =	vst v0  }
0x101: {  	[tilespmem:$0x9F8] =	vst v0  }
0x102: {  	[tilespmem:$0xA08] =	vst v0  }
0x103: {  	[tilespmem:$0xA18] =	vst v0  }
0x104: {  	[tilespmem:$0xA28] =	vst v0  }
0x105: {  	[tilespmem:$0xA38] =	vst v0  }
0x106: {  	[tilespmem:$0xA48] =	vst v0  }
0x107: {  	[tilespmem:$0xA58] =	vst v0  }
0x108: {  	[tilespmem:$0xA68] =	vst v0  }
0x109: {  	[tilespmem:$0xA78] =	vst v0  }
0x10a: {  	[tilespmem:$0xA88] =	vst v0  }
0x10b: {  	[tilespmem:$0xA98] =	vst v0  }
0x10c: {  	[tilespmem:$0xAA8] =	vst v0  }
0x10d: {  	[tilespmem:$0xAB8] =	vst v0  }
0x10e: {  	[tilespmem:$0xAC8] =	vst v0  }
0x10f: {  	[tilespmem:$0xAD8] =	vst v0  }
0x110: {  	[tilespmem:$0xAE8] =	vst v0  }
0x111: {  	[tilespmem:$0xAF8] =	vst v0  }
0x112: {  	[tilespmem:$0xB08] =	vst v0  }
0x113: {  	[tilespmem:$0xB18] =	vst v0  }
0x114: {  	[tilespmem:$0xB28] =	vst v0  }
0x115: {  	[tilespmem:$0xB38] =	vst v0  }
0x116: {  	[tilespmem:$0xB48] =	vst v0  }
0x117: {  	[tilespmem:$0xB58] =	vst v0  }
0x118: {  	[tilespmem:$0xB68] =	vst v0  }
0x119: {  	[tilespmem:$0xB78] =	vst v0  }
0x11a: {  	[tilespmem:$0xB88] =	vst v0  }
0x11b: {  	[tilespmem:$0xB98] =	vst v0  }
0x11c: {  	[tilespmem:$0xBA8] =	vst v0  }
0x11d: {  	[tilespmem:$0xBB8] =	vst v0  }
0x11e: {  	[tilespmem:$0xBC8] =	vst v0  }
0x11f: {  	[tilespmem:$0xBD8] =	vst v0  }
0x120: {  	[tilespmem:$0xBE8] =	vst v0  }
0x121: {  	[tilespmem:$0xBF8] =	vst v0  }
0x122: {  	[tilespmem:$0xC08] =	vst v0  }
0x123: {  	[tilespmem:$0xC18] =	vst v0  }
0x124: {  	[tilespmem:$0xC28] =	vst v0  }
0x125: {  	[tilespmem:$0xC38] =	vst v0  }
0x126: {  	[tilespmem:$0xC48] =	vst v0  }
0x127: {  	[tilespmem:$0xC58] =	vst v0  }
0x128: {  	[tilespmem:$0xC68] =	vst v0  }
0x129: {  	[tilespmem:$0xC78] =	vst v0  }
0x12a: {  	[tilespmem:$0xC88] =	vst v0  }
0x12b: {  	[tilespmem:$0xC98] =	vst v0  }
0x12c: {  	[tilespmem:$0xCA8] =	vst v0  }
0x12d: {  	[tilespmem:$0xCB8] =	vst v0  }
0x12e: {  	[tilespmem:$0xCC8] =	vst v0  }
0x12f: {  	[tilespmem:$0xCD8] =	vst v0  }
0x130: {  	[tilespmem:$0xCE8] =	vst v0  }
0x131: {  	[tilespmem:$0xCF8] =	vst v0  }
0x132: {  	[tilespmem:$0xD08] =	vst v0  }
0x133: {  	[tilespmem:$0xD18] =	vst v0  }
0x134: {  	[tilespmem:$0xD28] =	vst v0  }
0x135: {  	[tilespmem:$0xD38] =	vst v0  }
0x136: {  	[tilespmem:$0xD48] =	vst v0  }
0x137: {  	[tilespmem:$0xD58] =	vst v0  }
0x138: {  	[tilespmem:$0xD68] =	vst v0  }
0x139: {  	[tilespmem:$0xD78] =	vst v0  }
0x13a: {  	[tilespmem:$0xD88] =	vst v0  }
0x13b: {  	[tilespmem:$0xD98] =	vst v0  }
0x13c: {  	[tilespmem:$0xDA8] =	vst v0  }
0x13d: {  	[tilespmem:$0xDB8] =	vst v0  }
0x13e: {  	[tilespmem:$0xDC8] =	vst v0  }
0x13f: {  	[tilespmem:$0xDD8] =	vst v0  }
0x140: {  	[tilespmem:$0xDE8] =	vst v0  }
0x141: {  	[tilespmem:$0xDF8] =	vst v0  }
0x142: {  	[tilespmem:$0xE08] =	vst v0  }
0x143: {  	[tilespmem:$0xE18] =	vst v0  }
0x144: {  	[tilespmem:$0xE28] =	vst v0  }
0x145: {  	[tilespmem:$0xE38] =	vst v0  }
0x146: {  	[tilespmem:$0xE48] =	vst v0  }
0x147: {  	[tilespmem:$0xE58] =	vst v0  }
0x148: {  	[tilespmem:$0xE68] =	vst v0  }
0x149: {  	[tilespmem:$0xE78] =	vst v0  }
0x14a: {  	[tilespmem:$0xE88] =	vst v0  }
0x14b: {  	[tilespmem:$0xE98] =	vst v0  }
0x14c: {  	[tilespmem:$0xEA8] =	vst v0  }
0x14d: {  	[tilespmem:$0xEB8] =	vst v0  }
0x14e: {  	[tilespmem:$0xEC8] =	vst v0  }
0x14f: {  	[tilespmem:$0xED8] =	vst v0  }
0x150: {  	[tilespmem:$0xEE8] =	vst v0  }
0x151: {  	[tilespmem:$0xEF8] =	vst v0  }
0x152: {  	[tilespmem:$0xF08] =	vst v0  }
0x153: {  	[tilespmem:$0xF18] =	vst v0  }
0x154: {  	[tilespmem:$0xF28] =	vst v0  }
0x155: {  	[tilespmem:$0xF38] =	vst v0  }
0x156: {  	[tilespmem:$0xF48] =	vst v0  }
0x157: {  	[tilespmem:$0xF58] =	vst v0  }
0x158: {  	[tilespmem:$0xF68] =	vst v0  }
0x159: {  	[tilespmem:$0xF78] =	vst v0  }
0x15a: {  	[tilespmem:$0xF88] =	vst v0  }
0x15b: {  	[tilespmem:$0xF98] =	vst v0  }
0x15c: {  	[tilespmem:$0xFA8] =	vst v0  }
0x15d: {  	[tilespmem:$0xFB8] =	vst v0  }
0x15e: {  	[tilespmem:$0xFC8] =	vst v0  }
0x15f: {  	[tilespmem:$0xFD8] =	vst v0  }
0x160: {  	[tilespmem:$0xFE8] =	vst v0  }
0x161: {  	[tilespmem:$0xFF8] =	vst v0  }
0x162: {  	[tilespmem:$0x1028] =	vst v0  }
0x163: {  	[tilespmem:$0x10E8] =	vst v0  }
0x164: {  	[tilespmem:$0x1068] =	vst v0  }
0x165: {  	[tilespmem:$0x1B28] =	vst v0  }
0x166: {  	[tilespmem:$0x1B18] =	vst v0  }
0x167: {  	[tilespmem:$0x1B08] =	vst v0  }
0x168: {  	[tilespmem:$0x1AF8] =	vst v0  }
0x169: {  	[tilespmem:$0x1AE8] =	vst v0  }
0x16a: {  	[tilespmem:$0x1AD8] =	vst v0  }
0x16b: {  	[tilespmem:$0x1AC8] =	vst v0  }
0x16c: {  	[tilespmem:$0x1AB8] =	vst v0  }
0x16d: {  	[tilespmem:$0x1AA8] =	vst v0  }
0x16e: {  	[tilespmem:$0x1A98] =	vst v0  }
0x16f: {  	[tilespmem:$0x1A88] =	vst v0  }
0x170: {  	[tilespmem:$0x1A78] =	vst v0  }
0x171: {  	[tilespmem:$0x1A68] =	vst v0  }
0x172: {  	[tilespmem:$0x1A58] =	vst v0  }
0x173: {  	[tilespmem:$0x1A48] =	vst v0  }
0x174: {  	[tilespmem:$0x1A38] =	vst v0  }
0x175: {  	[tilespmem:$0x1A28] =	vst v0  }
0x176: {  	[tilespmem:$0x1A18] =	vst v0  }
0x177: {  	[tilespmem:$0x1A08] =	vst v0  }
0x178: {  	[tilespmem:$0x19F8] =	vst v0  }
0x179: {  	[tilespmem:$0x19E8] =	vst v0  }
0x17a: {  	[tilespmem:$0x19D8] =	vst v0  }
0x17b: {  	[tilespmem:$0x19C8] =	vst v0  }
0x17c: {  	[tilespmem:$0x19B8] =	vst v0  }
0x17d: {  	[tilespmem:$0x19A8] =	vst v0  }
0x17e: {  	[tilespmem:$0x1998] =	vst v0  }
0x17f: {  	[tilespmem:$0x1988] =	vst v0  }
0x180: {  	[tilespmem:$0x1978] =	vst v0  }
0x181: {  	[tilespmem:$0x1968] =	vst v0  }
0x182: {  	[tilespmem:$0x1958] =	vst v0  }
0x183: {  	[tilespmem:$0x1948] =	vst v0  }
0x184: {  	[tilespmem:$0x1938] =	vst v0  }
0x185: {  	[tilespmem:$0x1928] =	vst v0  }
0x186: {  	[tilespmem:$0x1918] =	vst v0  }
0x187: {  	[tilespmem:$0x1908] =	vst v0  }
0x188: {  	[tilespmem:$0x18F8] =	vst v0  }
0x189: {  	[tilespmem:$0x18E8] =	vst v0  }
0x18a: {  	[tilespmem:$0x18D8] =	vst v0  }
0x18b: {  	[tilespmem:$0x18C8] =	vst v0  }
0x18c: {  	[tilespmem:$0x18B8] =	vst v0  }
0x18d: {  	[tilespmem:$0x18A8] =	vst v0  }
0x18e: {  	[tilespmem:$0x1898] =	vst v0  }
0x18f: {  	[tilespmem:$0x1888] =	vst v0  }
0x190: {  	[tilespmem:$0x1878] =	vst v0  }
0x191: {  	[tilespmem:$0x1868] =	vst v0  }
0x192: {  	[tilespmem:$0x1858] =	vst v0  }
0x193: {  	[tilespmem:$0x1848] =	vst v0  }
0x194: {  	[tilespmem:$0x1838] =	vst v0  }
0x195: {  	[tilespmem:$0x1828] =	vst v0  }
0x196: {  	[tilespmem:$0x1818] =	vst v0  }
0x197: {  	[tilespmem:$0x1808] =	vst v0  }
0x198: {  	[tilespmem:$0x17F8] =	vst v0  }
0x199: {  	[tilespmem:$0x17E8] =	vst v0  }
0x19a: {  	[tilespmem:$0x17D8] =	vst v0  }
0x19b: {  	[tilespmem:$0x17C8] =	vst v0  }
0x19c: {  	[tilespmem:$0x17B8] =	vst v0  }
0x19d: {  	[tilespmem:$0x17A8] =	vst v0  }
0x19e: {  	[tilespmem:$0x1798] =	vst v0  }
0x19f: {  	[tilespmem:$0x1788] =	vst v0  }
0x1a0: {  	[tilespmem:$0x1778] =	vst v0  }
0x1a1: {  	[tilespmem:$0x1768] =	vst v0  }
0x1a2: {  	[tilespmem:$0x1758] =	vst v0  }
0x1a3: {  	[tilespmem:$0x1748] =	vst v0  }
0x1a4: {  	[tilespmem:$0x1738] =	vst v0  }
0x1a5: {  	[tilespmem:$0x1728] =	vst v0  }
0x1a6: {  	[tilespmem:$0x1718] =	vst v0  }
0x1a7: {  	[tilespmem:$0x1708] =	vst v0  }
0x1a8: {  	[tilespmem:$0x16F8] =	vst v0  }
0x1a9: {  	[tilespmem:$0x16E8] =	vst v0  }
0x1aa: {  	[tilespmem:$0x16D8] =	vst v0  }
0x1ab: {  	[tilespmem:$0x16C8] =	vst v0  }
0x1ac: {  	[tilespmem:$0x16B8] =	vst v0  }
0x1ad: {  	[tilespmem:$0x16A8] =	vst v0  }
0x1ae: {  	[tilespmem:$0x1698] =	vst v0  }
0x1af: {  	[tilespmem:$0x1688] =	vst v0  }
0x1b0: {  	[tilespmem:$0x1678] =	vst v0  }
0x1b1: {  	[tilespmem:$0x1668] =	vst v0  }
0x1b2: {  	[tilespmem:$0x1658] =	vst v0  }
0x1b3: {  	[tilespmem:$0x1648] =	vst v0  }
0x1b4: {  	[tilespmem:$0x1638] =	vst v0  }
0x1b5: {  	[tilespmem:$0x1628] =	vst v0  }
0x1b6: {  	[tilespmem:$0x1618] =	vst v0  }
0x1b7: {  	[tilespmem:$0x1608] =	vst v0  }
0x1b8: {  	[tilespmem:$0x15F8] =	vst v0  }
0x1b9: {  	[tilespmem:$0x15E8] =	vst v0  }
0x1ba: {  	[tilespmem:$0x15D8] =	vst v0  }
0x1bb: {  	[tilespmem:$0x15C8] =	vst v0  }
0x1bc: {  	[tilespmem:$0x15B8] =	vst v0  }
0x1bd: {  	[tilespmem:$0x15A8] =	vst v0  }
0x1be: {  	[tilespmem:$0x1598] =	vst v0  }
0x1bf: {  	[tilespmem:$0x1588] =	vst v0  }
0x1c0: {  	[tilespmem:$0x1578] =	vst v0  }
0x1c1: {  	[tilespmem:$0x1568] =	vst v0  }
0x1c2: {  	[tilespmem:$0x1558] =	vst v0  }
0x1c3: {  	[tilespmem:$0x1548] =	vst v0  }
0x1c4: {  	[tilespmem:$0x1538] =	vst v0  }
0x1c5: {  	[tilespmem:$0x1528] =	vst v0  }
0x1c6: {  	[tilespmem:$0x1518] =	vst v0  }
0x1c7: {  	[tilespmem:$0x1508] =	vst v0  }
0x1c8: {  	[tilespmem:$0x14F8] =	vst v0  }
0x1c9: {  	[tilespmem:$0x14E8] =	vst v0  }
0x1ca: {  	[tilespmem:$0x14D8] =	vst v0  }
0x1cb: {  	[tilespmem:$0x14C8] =	vst v0  }
0x1cc: {  	[tilespmem:$0x14B8] =	vst v0  }
0x1cd: {  	[tilespmem:$0x14A8] =	vst v0  }
0x1ce: {  	[tilespmem:$0x1498] =	vst v0  }
0x1cf: {  	[tilespmem:$0x1488] =	vst v0  }
0x1d0: {  	[tilespmem:$0x1478] =	vst v0  }
0x1d1: {  	[tilespmem:$0x1468] =	vst v0  }
0x1d2: {  	[tilespmem:$0x1458] =	vst v0  }
0x1d3: {  	[tilespmem:$0x1448] =	vst v0  }
0x1d4: {  	[tilespmem:$0x1438] =	vst v0  }
0x1d5: {  	[tilespmem:$0x1428] =	vst v0  }
0x1d6: {  	[tilespmem:$0x1418] =	vst v0  }
0x1d7: {  	[tilespmem:$0x1408] =	vst v0  }
0x1d8: {  	[tilespmem:$0x13F8] =	vst v0  }
0x1d9: {  	[tilespmem:$0x13E8] =	vst v0  }
0x1da: {  	[tilespmem:$0x13D8] =	vst v0  }
0x1db: {  	[tilespmem:$0x13C8] =	vst v0  }
0x1dc: {  	[tilespmem:$0x13B8] =	vst v0  }
0x1dd: {  	[tilespmem:$0x13A8] =	vst v0  }
0x1de: {  	[tilespmem:$0x1398] =	vst v0  }
0x1df: {  	[tilespmem:$0x1388] =	vst v0  }
0x1e0: {  	[tilespmem:$0x1378] =	vst v0  }
0x1e1: {  	[tilespmem:$0x1368] =	vst v0  }
0x1e2: {  	[tilespmem:$0x1358] =	vst v0  }
0x1e3: {  	[tilespmem:$0x1348] =	vst v0  }
0x1e4: {  	[tilespmem:$0x1338] =	vst v0  }
0x1e5: {  	[tilespmem:$0x1328] =	vst v0  }
0x1e6: {  	[tilespmem:$0x1318] =	vst v0  }
0x1e7: {  	[tilespmem:$0x1308] =	vst v0  }
0x1e8: {  	[tilespmem:$0x12F8] =	vst v0  }
0x1e9: {  	[tilespmem:$0x12E8] =	vst v0  }
0x1ea: {  	[tilespmem:$0x12D8] =	vst v0  }
0x1eb: {  	[tilespmem:$0x12C8] =	vst v0  }
0x1ec: {  	[tilespmem:$0x12B8] =	vst v0  }
0x1ed: {  	[tilespmem:$0x12A8] =	vst v0  }
0x1ee: {  	[tilespmem:$0x1298] =	vst v0  }
0x1ef: {  	[tilespmem:$0x1288] =	vst v0  }
0x1f0: {  	[tilespmem:$0x1278] =	vst v0  }
0x1f1: {  	[tilespmem:$0x1268] =	vst v0  }
0x1f2: {  	[tilespmem:$0x1258] =	vst v0  }
0x1f3: {  	[tilespmem:$0x1248] =	vst v0  }
0x1f4: {  	[tilespmem:$0x1238] =	vst v0  }
0x1f5: {  	[tilespmem:$0x1228] =	vst v0  }
0x1f6: {  	[tilespmem:$0x1218] =	vst v0  }
0x1f7: {  	[tilespmem:$0x1208] =	vst v0  }
0x1f8: {  	[tilespmem:$0x11F8] =	vst v0  }
0x1f9: {  	[tilespmem:$0x11E8] =	vst v0  }
0x1fa: {  	[tilespmem:$0x11D8] =	vst v0  }
0x1fb: {  	[tilespmem:$0x11C8] =	vst v0  }
0x1fc: {  	[tilespmem:$0x11B8] =	vst v0  }
0x1fd: {  	[tilespmem:$0x11A8] =	vst v0  }
0x1fe: {  	[tilespmem:$0x1198] =	vst v0  }
0x1ff: {  	[tilespmem:$0x1188] =	vst v0  }
0x200: {  	[tilespmem:$0x1178] =	vst v0  }
0x201: {  	[tilespmem:$0x1168] =	vst v0  }
0x202: {  	[tilespmem:$0x1158] =	vst v0  }
0x203: {  	[tilespmem:$0x1148] =	vst v0  }
0x204: {  	[tilespmem:$0x1138] =	vst v0  }
0x205: {  	[tilespmem:$0x1128] =	vst v0  }
0x206: {  	[tilespmem:$0x1118] =	vst v0  }
0x207: {  	s4 =	stileid.u32;
	[tilespmem:$0x1108] =	vst v0  }
0x208: {  	s0 =	smul.u32 $0x39, s4;
	[tilespmem:$0x10F8] =	vst v0  }
0x209: {  	s1 =	smin.u32 s4, $0xE;
	[tilespmem:$0x10C8] =	vst v0  }
0x20a: {  	[tilespmem:$0x10D8] =	vst v0;
	s0 =	sadd.s32 s1, s0  }
0x20b: {  	p0 =	slt.u32 s4, $0xE;
	[tilespmem:$0x10B8] =	vst v0;
	s1 =	simm.s32 $0x61E0;
	s6 =	smul.u32 $0x1B0, s0  }
0x20c: {  	s1 =	simm.s32 @!p0 $0x6030;
	[tilespmem:$0x1038] =	vst v0  }
0x20d: {  	[tilespmem:$0x10A8] =	vst v0;
	s0 =	sadd.s32 s1, s6  }
0x20e: {  	s3 =	simm.s32 $0x2;
	s8 =	simm.s32 $0x9;
	[tilespmem:$0x1098] =	vst v0;
	s7 =	smin.u32 s0, $0x61A80  }
0x20f: {  	s10 =	simm.s32 $0xA;
	s30 =	simm.s32 $0xB;
	[tilespmem:$0x1088] =	vst v0;
	s0 =	ssub.s32 s7, s6  }
0x210: {  	s16 =	simm.s32 $0x0;
	p4 =	por $0x0, $0x0;
	[tilespmem:$0x1078] =	vst v0;
	p0 =	sgt.s32 s0, $0x0  }
0x211: {  	s17 =	simm.s32 $0xC;
	s21 =	simm.s32 $0x0;
	[tilespmem:$0x1058] =	vst v0;
	s0 =	simm.s32 @!p0 $0x0  }
0x212: {  	s18 =	simm.s32 $0x0;
	s2 =	sand.u32 $0x1, s2;
	[tilespmem:$0x1048] =	vst v0;
	s29 =	smulhi.u32 $0x4BDA12F7, s0  }
0x213: {  	s20 =	simm.s32 $0x0;
	s31 =	sshll.u32 s4, $0x5;
	[tilespmem:$0x1018] =	vst v0;
	[dreg:$0x5] =	wrdreg s2  }
0x214: {  	s2 =	smul.u32 $0xC350, s2;
	[tilespmem:$0x1008] =	vst v0;
	[sflag:s3] =	ssyncpa.u1 $0x0;
	s1 =	sshrl.u32 s29, $0x7  }
0x215: {  	v0 =	vimm.s32 $0xFFFFFFFF;
	s3 =	sadd.s32 $0x2F80C00, s11;
	[dreg:$0x4] =	wrdreg s31;
	s5 =	smul.u32 $0x1B0, s1  }
.Ltmp7:
0x216: {  	[tilespmem:$0x3648] =	vst v0;
	[sflag:s8] =	ssyncpa.u1 $0x0;
	s2 =	sadd.s32 s2, s11;
	(pc) =	sbr.rel .LBB3_1-.Ltmp7, $4  }
0x217: {  	[sflag:s10] =	ssyncpa.u1 $0x0;
	s11 =	sadd.s32 $0x30E000, s11;
	p0 =	sne.s32 s0, s5  }
0x218: {  	[sflag:s30] =	ssyncpa.u1 $0x0;
	s14 =	sadd.s32 $0x27DE000, s2;
	s12 =	simm.s32 @!p0 $0x0  }
0x219: {  	s15 =	sadd.s32 $0x27C5800, s2;
	s19 =	smov.u32 s6;
	s12 =	sadd.s32 s12, s1  }
0x21a: {  	v0 =	vlaneseq.u32;
	[dreg:$0x6] =	wrdreg s6;
	p0 =	por $0x1, $0x1;
	s4 =	sadd.s32 $0x1, s12  }
.LBB3_18:
0x21b: {  	s0 =	simm.s32 $0x2  }
0x21c: {  	_ =	swait.ge [sflag:s0], $0x0  }
0x21d: {  	[sflag:s0] =	ssyncset.done $0x0;
	s0 =	simm.s32 $0x0  }
.LBB3_19:
0x21e: {  	_ =	swait.ge [sflag:s17], s0  }
0x21f: {  	s31 =	ssub.s32 $0x0, s0;
	v1 =	vmov s23;
	vm0 =	veq.s32 v0, $0x0;
	[sflag:s17] =	ssyncset.done $0x0  }
0x220: {  	vm15 =	veq.s32 v0, $0x2;
	v1 =	vsel vm0, s28, v1;
	[sflag:s17] =	ssyncadd.s32 s31  }
0x221: {  	v1 =	vsel vm15, s21, v1;
	[sflag:s17] =	ssyncpa.u1 $0x1  }
0x222: {  	[tilespmem:$0x3648] =	vst v1  }
.LBB3_20:
0x223: {  	s0 =	sadd.s32 $0x1B0, s19  }
0x224: {  	s1 =	smov.u32 s6;
	p1 =	slt.s32 s0, s7  }
0x225: {  	s1 =	smov.u32 @p1 s0;
	p1 =	sne.s32 s20, s4  }
.Ltmp8:
0x226: {  	_ = 	snop;
	(pc) =	sbr.rel @!p1 .LBB3_21-.Ltmp8, $4  }
0x227: {  	_ = 	snop  }
0x228: {  	s21 =	smov.u32 s18  }
0x229: {  	s31 =	sadd.s32 $0x1, s20;
	s18 =	smov.u32 s19;
	p0 =	por !p0, !p0  }
0x22a: {  	p4 =	por !p4, !p4;
	s20 =	smov.u32 s31;
	s19 =	smov.u32 s1  }
.LBB3_1:
0x22b: {  	p2 =	sge.u32 s20, s12  }
0x22c: {  	s0 =	smulhi.u32 @!p2 $0xAAAAAAAB, s20  }
0x22d: {  	s1 =	smov.u32 s19;
	p3 =	sgt.s32 @!p2 s19, $0x618D0  }
0x22e: {  	s2 =	sshra.s32 @!p2 s19, $0x1F;
	p3 =	por !p3, p2;
	s0 =	sshrl.u32 @!p2 s0, $0x1  }
0x22f: {  	s2 =	sand.u32 @!p2 s2, s19;
	s1 =	simm.s32 @p3 $0x618D0;
	s0 =	smul.u32 @!p2 $0x3, s0  }
0x230: {  	s1 =	ssub.s32 @!p2 s1, s2  }
0x231: {  	s23 =	sadd.s32 $0xFFFFFFFF, s20;
	s1 =	sadd.s32 @!p2 $0xFFF9E730, s1;
	s0 =	ssub.s32 @!p2 s20, s0  }
0x232: {  	s2 =	sshll.u32 @!p2 s1, $0x2;
	p3 =	sgt.s32 @!p2 s1, $0x1AF;
	s0 =	smul.u32 @!p2 $0x6C0, s0  }
0x233: {  	s5 =	sand.u32 @!p2 $0x7, s19;
	s1 =	ssub.s32 @!p2 $0x6C0, s2;
	p3 =	por !p3, p2  }
0x234: {  	s2 =	sshrl.u32 @!p2 s19, $0x3;
	s1 =	sshrl.u32 @!p2 s1, $0x2;
	s0 =	sshrl.u32 @!p2 s0, $0x2  }
0x235: {  	s2 =	sadd.s32 @!p2 s2, s14;
	s1 =	simm.s32 @!p3 $0x0;
	s0 =	sadd.s32 @!p2 $0x3888, s0  }
0x236: {  	[tilespmem:s0], [sflag:$0xA] =	stream.linear.gather @!p2 [hbm4b:s2+s5], s1, $0x38;
	[tilespmem:$0x1F0F8] =	vst v63  }
0x237: {  	p2 =	sge.u32 s23, s12  }
0x238: {  	p3 =	sgt.s32 @!p2 s18, $0x618D0  }
0x239: {  	s0 =	smov.u32 s18;
	s1 =	sshra.s32 @!p2 s18, $0x1F;
	p3 =	por !p3, p2  }
0x23a: {  	s1 =	sand.u32 @!p2 s1, s18;
	s0 =	simm.s32 @p3 $0x618D0  }
0x23b: {  	s0 =	ssub.s32 @!p2 s0, s1  }
0x23c: {  	s0 =	sadd.s32 @!p2 $0xFFF9E730, s0  }
0x23d: {  	s1 =	sshll.u32 @!p2 s0, $0x2  }
0x23e: {  	p3 =	sgt.s32 @!p2 s0, $0x1AF;
	s0 =	ssub.s32 @!p2 $0x6C0, s1  }
0x23f: {  	s22 =	ssub.s32 @!p2 $0x61A80, s18;
	p3 =	por !p3, p2;
	s0 =	sshrl.u32 @!p2 s0, $0x2  }
0x240: {  	s1 =	sand.u32 @!p2 $0x1, s23;
	s0 =	simm.s32 @!p3 $0x0;
	p3 =	slt.s32 @!p2 s22, $0x1  }
0x241: {  	s2 =	simm.s32 @!p2 $0xA;
	s1 =	smul.u32 @!p2 $0x6C0, s1;
	p3 =	por p2, p3  }
.Ltmp9:
0x242: {  	_ =	swait.ge @!p2 [sflag:s2], s0;
	(pc) =	sbr.rel @p3 .LBB3_7-.Ltmp9, $4  }
0x243: {  	s5 =	ssub.s32 @!p2 $0x0, s0;
	[sflag:s2] =	ssyncset.done @!p2 $0x0  }
0x244: {  	s1 =	sshrl.u32 @!p2 s1, $0x2;
	[sflag:s2] =	ssyncadd.s32 @!p2 s5;
	s2 =	sshrl.u32 @!p2 s18, $0x3  }
0x245: {  	s1 =	sadd.s32 @!p2 $0x3D98, s1;
	s5 =	sand.u32 @!p2 $0x7, s18;
	s2 =	sadd.s32 @!p2 s2, s15  }
0x246: {  	[tilespmem:s1], [sflag:$0xB] =	stream.linear.gather @!p2 [hbm4b:s2+s5], s0, $0x38;
	[tilespmem:$0x1F0F8] =	vst v63  }
0x247: {  	s0 =	smulhi.u32 $0xAAAAAAAB, s23;
	_ =	sdelay $0x1  }
0x248: {  	s0 =	sshrl.u32 s0, $0x1  }
0x249: {  	s0 =	smul.u32 $0x3, s0;
	_ =	sdelay $0x1  }
0x24a: {  	s0 =	ssub.s32 s23, s0  }
0x24b: {  	s1 =	simm.s32 $0x1;
	s0 =	smul.u32 $0x6C0, s0  }
.Ltmp10:
0x24c: {  	s1 =	simm.s32 @!p0 $0x0;
	(pc) =	sbr.rel .LBB3_4-.Ltmp10, $4  }
0x24d: {  	s1 =	smul.u32 $0x36000, s1  }
0x24e: {  	p3 =	slt.s32 @!p2 s22, $0x1B0;
	s0 =	sshrl.u32 s0, $0x2  }
0x24f: {  	p2 =	por !p3, p2;
	s1 =	sshrl.u32 s1, $0x2;
	s0 =	sadd.s32 $0x3888, s0  }
0x250: {  	s24 =	simm.s32 $0x0;
	s22 =	simm.s32 @p2 $0x1B0;
	s23 =	sadd.s32 $0x40F8, s1;
	v1 =	vmov s0  }
.LBB3_3:
0x251: {  	p2 =	sge.s32 s24, s22  }
.Ltmp11:
0x252: {  	_ = 	snop;
	(pc) =	sbr.rel @p2 .LBB3_7-.Ltmp11, $2  }
0x253: {  	_ =	sdelay $0x2  }
0x254: {  	s23 =	sadd.s32 $0x800, s23  }
.LBB3_4:
0x255: {  	p2 =	sle.s32 s22, s24  }
.Ltmp12:
0x256: {  	_ = 	snop;
	(pc) =	sbr.rel @p2 .LBB3_3-.Ltmp12, $2  }
0x257: {  	_ =	sdelay $0x2  }
0x258: {  	s0 =	smov.u32 s24;
	s24 =	sadd.s32 $0x10, s24  }
0x259: {  	s1 =	ssub.s32 s22, s0  }
0x25a: {  	p2 =	slt.s32 s1, $0x10  }
0x25b: {  	s1 =	simm.s32 @!p2 $0x10  }
0x25c: {  	v2 =	vmov s1  }
0x25d: {  	vm0 =	vgt.s32 v2, v0;
	_ =	sdelay $0x5  }
0x25e: {  	v2 =	vld.idx.msk [tilespmem:v1+s0+$0x0 ss:$0x1], vm0;
	_ =	sdelay $0x2  }
0x25f: {  	p2 =	slt.s32 s24, s22;
	s1 =	smov.u32 s22  }
0x260: {  	s2 =	smov.u32 s23;
	s25 =	simm.s32 $0x0;
	s1 =	smov.u32 @p2 s24  }
.LBB3_6:
0x261: {  	(v2sf) =	vpush v2, s25;
	_ =	sdelay $0xc  }
0x262: {  	s25 =	sadd.s32 $0x1, s25  }
0x263: {  	s31 =	sadd.s32 s25, s0  }
0x264: {  	p2 =	slt.s32 s31, s1;
	s5 =	spop (v2sf)  }
.Ltmp13:
0x265: {  	s5 =	sshll.u32 s5, $0x4;
	(pc) =	sbr.rel @p2 .LBB3_6-.Ltmp13, $4  }
0x266: {  	s5 =	sand.u32 $0x1FFFFFF0, s5  }
0x267: {  	s5 =	sadd.s32 s11, s5  }
0x268: {  	[tilespmem:s2], [sflag:$0x9] =	stream.linear.gather [hbm4b:s5+s16], $0x10, $0x38;
	[tilespmem:$0x1F0F8] =	vst v63  }
0x269: {  	s2 =	sadd.s32 $0x80, s2  }
.Ltmp14:
0x26a: {  	_ = 	snop;
	(pc) =	sbr.rel .LBB3_3-.Ltmp14, $1  }
0x26b: {  	_ =	sdelay $0x3  }
.LBB3_7:
0x26c: {  	p2 =	slt.u32 s20, $0x2  }
.Ltmp15:
0x26d: {  	_ = 	snop;
	(pc) =	sbr.rel @p2 .LBB3_20-.Ltmp15, $1  }
0x26e: {  	_ =	sdelay $0x3  }
0x26f: {  	p2 =	sgt.s32 s21, $0x618D0  }
0x270: {  	s0 =	smov.u32 s21;
	s1 =	sshra.s32 s21, $0x1F;
	s2 =	ssub.s32 $0x61A80, s21  }
0x271: {  	s0 =	simm.s32 @!p2 $0x618D0;
	s1 =	sand.u32 s1, s21;
	p2 =	slt.s32 s2, $0x1B0  }
0x272: {  	s0 =	ssub.s32 s0, s1;
	s2 =	simm.s32 @!p2 $0x1B0  }
0x273: {  	s0 =	sadd.s32 $0xFFF9E730, s0;
	s24 =	sshll.u32 s2, $0x4  }
0x274: {  	s28 =	simm.s32 $0x9;
	s25 =	sshll.u32 s0, $0x2;
	s1 =	sand.u32 $0x3FFFFFF0, s24  }
0x275: {  	p2 =	sgt.s32 s0, $0x1AF;
	s26 =	ssub.s32 $0x6C0, s25;
	_ =	swait.ge [sflag:s28], s1  }
0x276: {  	s1 =	ssub.s32 $0x0, s1;
	[sflag:s28] =	ssyncset.done $0x0;
	s0 =	sshrl.u32 s26, $0x2  }
0x277: {  	s30 =	simm.s32 $0xB;
	[sflag:s28] =	ssyncadd.s32 s1;
	s0 =	simm.s32 @p2 $0x0  }
0x278: {  	_ =	swait.ge [sflag:s30], s0  }
0x279: {  	s0 =	ssub.s32 $0x0, s0;
	[sflag:s30] =	ssyncset.done $0x0  }
0x27a: {  	[sflag:s30] =	ssyncadd.s32 s0  }
0x27b: {  	v1 =	vld [tilespmem:$0x3648];
	_ =	sdelay $0x4  }
0x27c: {  	(v2sf) =	vpush v1, $0x0  }
0x27d: {  	(v2sf) =	vpush v1, $0x1  }
0x27e: {  	(v2sf) =	vpush v1, $0x2;
	_ =	sdelay $0x3  }
0x27f: {  	s0 =	sadd.s32 $0x1B0, s21  }
0x280: {  	s1 =	ssub.s32 $0xC3500, s21;
	p2 =	slt.s32 s7, s0  }
0x281: {  	s0 =	smov.u32 @p2 s7;
	p2 =	sgt.s32 s1, $0x0  }
0x282: {  	s25 =	ssub.s32 s0, s21;
	s1 =	simm.s32 @!p2 $0x0  }
0x283: {  	p2 =	slt.s32 s1, s25  }
0x284: {  	s25 =	smov.u32 @p2 s1  }
0x285: {  	s24 =	simm.s32 $0x1;
	p2 =	slt.s32 s25, $0x1  }
.Ltmp16:
0x286: {  	s24 =	simm.s32 @!p4 $0x0;
	(pc) =	sbr.rel @p2 .LBB3_12-.Ltmp16, $4  }
0x287: {  	s31 =	smul.u32 $0x6C0, s24  }
0x288: {  	s26 =	spop (v2sf)  }
0x289: {  	s0 =	sshrl.u32 s31, $0x2;
	s29 =	spop (v2sf)  }
0x28a: {  	s22 =	sadd.s32 $0x3D98, s0;
	s21 =	spop (v2sf)  }
0x28b: {  	s0 =	smin.u32 s25, $0x10  }
0x28c: {  	v1 =	vmov s0  }
0x28d: {  	p3 =	sgt.s32 s25, $0x10;
	vm1 =	vgt.u32 v1, v0  }
.Ltmp17:
0x28e: {  	_ = 	snop;
	(pc) =	sbr.rel @!p3 .LBB3_11-.Ltmp17, $2  }
0x28f: {  	_ =	sdelay $0x2  }
0x290: {  	s23 =	simm.s32 $0x10;
	s28 =	sadd.s32 $0xFFFFFFF0, s25;
	s0 =	smov.u32 s22;
	vm0 =	vmmov vm1  }
.LBB3_10:
0x291: {  	s1 =	smin.u32 s28, $0x10;
	s23 =	sadd.s32 $0x10, s23;
	v1 =	vld.msk [tilespmem:s0+$0x0 ss:$0x1], vm1  }
0x292: {  	v2 =	vmov s1;
	p3 =	slt.s32 s23, s25  }
0x293: {  	vm1 =	vgt.u32 v2, v0  }
.Ltmp18:
0x294: {  	(pc) =	sbr.rel @p3 .LBB3_10-.Ltmp18, $3  }
0x295: {  	_ =	sdelay $0x1  }
0x296: {  	v1 =	vshll.u32 v1, $0x4  }
0x297: {  	s28 =	sadd.s32 $0xFFFFFFF0, s28;
	[tilespmem:s0+$0x0] =	vst.msk vm0, v1;
	s0 =	sadd.s32 $0x10, s0;
	vm0 =	vmmov vm1  }
.LBB3_11:
0x298: {  	_ =	sdelay $0x4  }
0x299: {  	v1 =	vld.msk [tilespmem:s0+$0x0 ss:$0x1], vm1;
	_ =	sdelay $0x4  }
0x29a: {  	v1 =	vshll.u32 v1, $0x4  }
0x29b: {  	[tilespmem:s0+$0x0] =	vst.msk vm0, v1  }
.LBB3_12:
0x29c: {  	s0 =	sand.u32 $0x1, s20  }
0x29d: {  	s0 =	smul.u32 $0x1B0, s0  }
0x29e: {  	p3 =	sne.s32 s29, $0xFFFFFFFF  }
0x29f: {  	v1 =	vld.msk @!p3 [tilespmem:s0+$0x3D98], $0x1;
	_ =	sdelay $0x4  }
0x2a0: {  	(v2sf) =	vpush @!p3 v1, $0x0;
	_ =	sdelay $0xc  }
.Ltmp19:
0x2a1: {  	_ = 	snop;
	(pc) =	sbr.rel @p2 .LBB3_18-.Ltmp19, $4  }
0x2a2: {  	_ = 	snop  }
0x2a3: {  	s28 =	spop @!p3 (v2sf)  }
0x2a4: {  	s21 =	simm.s32 @!p3 $0x0;
	s23 =	smov.u32 s28  }
0x2a5: {  	[sflag:s17] =	ssyncpa.u1 $0x0;
	s28 =	smov.u32 @p3 s26;
	s23 =	smov.u32 @p3 s29  }
0x2a6: {  	v1 =	vld.msk [tilespmem:s22+$0x0], $0x1;
	_ =	sdelay $0x4  }
0x2a7: {  	(v2sf) =	vpush v1, $0x0;
	_ =	sdelay $0xe  }
0x2a8: {  	s0 =	simm.s32 @!p4 $0x0;
	s26 =	smul.u32 $0x36000, s24;
	s31 =	spop (v2sf)  }
0x2a9: {  	s29 =	ssub.s32 $0x0, s25;
	s0 =	simm.s32 @p4 $0x1;
	p2 =	seq.s32 s28, s31  }
0x2aa: {  	s1 =	smov.u32 s28;
	[smem:$0x7FD] =	sst s0;
	p3 =	sgt.s32 @!p2 s28, $0x0  }
0x2ab: {  	s0 =	sshrl.u32 s26, $0x2;
	s26 =	sadd.s32 $0x1, s29;
	p3 =	por !p3, p2  }
0x2ac: {  	s1 =	simm.s32 @p3 $0x0;
	p3 =	seq.s32 s26, $0x0  }
.Ltmp20:
0x2ad: {  	_ = 	snop;
	(pc) =	sbr.rel @p3 .LBB3_15-.Ltmp20, $4  }
0x2ae: {  	s6 =	smov.u32 s4;
	s25 =	simm.s32 $0x0  }
0x2af: {  	s24 =	sadd.s32 $0x40F8, s0;
	s0 =	simm.s32 @!p2 $0x1;
	s2 =	smin.u32 @!p2 s1, $0xC34FE  }
0x2b0: {  	s30 =	sadd.s32 $0x1, s22;
	s0 =	smov.u32 @p2 s25;
	s5 =	sand.u32 @!p2 $0xFFFF8, s2  }
0x2b1: {  	s1 =	simm.s32 @!p2 $0x1B38;
	s2 =	sand.u32 @!p2 $0x7, s2;
	s5 =	sadd.s32 @!p2 s3, s5  }
.LBB3_14:
0x2b2: {  	s4 =	smov.u32 s0  }
0x2b3: {  	[tilespmem:s1], [sflag:$0x2] =	stream.linear.gather @!p2 [hbm4b:s5+s2], $0x10, $0x38;
	[tilespmem:$0x1F0F8] =	vst v63  }
0x2b4: {  	s26 =	sadd.s32 $0x1, s26;
	s2 =	smov.u32 s31;
	v1 =	vld.msk [tilespmem:s30+$0x0], $0x1  }
0x2b5: {  	p3 =	seq.s32 s26, $0x0;
	_ =	sdelay $0x3  }
0x2b6: {  	(v2sf) =	vpush v1, $0x0;
	_ =	sdelay $0xe  }
0x2b7: {  	s31 =	spop (v2sf)  }
0x2b8: {  	p2 =	seq.s32 s2, s31  }
0x2b9: {  	p4 =	sgt.s32 @!p2 s2, $0x0;
	s1 =	sshll.u32 @!p2 s0, $0x6;
	s0 =	sadd.s32 @!p2 $0x1, s0  }
.Ltmp21:
0x2ba: {  	p4 =	por !p4, p2;
	s1 =	sshra.s32 @!p2 s1, $0x2;
	(pc) =	sbr.rel @!p3 .LBB3_14-.Ltmp21, $4  }
0x2bb: {  	s0 =	smov.u32 @p2 s4;
	s2 =	simm.s32 @p4 $0x0;
	s1 =	sadd.s32 @!p2 $0x1B38, s1  }
0x2bc: {  	s2 =	smin.u32 @!p2 s2, $0xC34FE  }
0x2bd: {  	s4 =	sand.u32 @!p2 $0xFFFF8, s2;
	s2 =	sand.u32 @!p2 $0x7, s2  }
0x2be: {  	s30 =	sadd.s32 $0x1, s30;
	s5 =	sadd.s32 @!p2 s3, s4  }
.LBB3_15:
0x2bf: {  	[tilespmem:s1], [sflag:$0x2] =	stream.linear.gather @!p2 [hbm4b:s5+s2], $0x10, $0x38;
	[tilespmem:$0x1F0F8] =	vst v63  }
0x2c0: {  	s0 =	sshll.u32 s0, $0x4  }
0x2c1: {  	s31 =	simm.s32 $0x2;
	s0 =	sand.u32 $0x3FFFFFF0, s0  }
0x2c2: {  	_ =	swait.ge [sflag:s31], s0  }
0x2c3: {  	s0 =	ssub.s32 $0x0, s0;
	[sflag:s31] =	ssyncset.done $0x0  }
0x2c4: {  	[sflag:s31] =	ssyncadd.s32 s0  }
0x2c5: {  	v1 =	vld.msk [tilespmem:s22+$0x0], $0x1;
	_ =	sdelay $0x4  }
0x2c6: {  	(v2sf) =	vpush v1, $0x0;
	_ =	sdelay $0xe  }
0x2c7: {  	s26 =	spop (v2sf)  }
0x2c8: {  	p2 =	sne.s32 s28, s26  }
0x2c9: {  	p4 =	sne.s32 @p2 s28, s23  }
0x2ca: {  	p3 =	por !p4, !p2  }
0x2cb: {  	s0 =	simm.s32 @!p3 $0x0  }
0x2cc: {  	v1 =	vld @!p3 [tilespmem:s0+$0x1B38]  }
0x2cd: {  	p5 =	sgt.u32 @!p3 s28, $0xC34FE  }
0x2ce: {  	s1 =	sshll.u32 @!p3 s21, $0x6;
	p6 =	por @p2 p5, !p4  }
0x2cf: {  	s1 =	sshra.s32 @!p3 s1, $0x2;
	p1 =	por p6, !p2;
	p6 =	por p4, !p2  }
0x2d0: {  	s2 =	sadd.s32 @!p3 $0x28, s1;
	s4 =	sand.u32 @!p1 $0xFFFF8, s28;
	s5 =	sshll.u32 @!p6 s21, $0x6  }
0x2d1: {  	s28 =	sand.u32 @!p1 $0x7, s28;
	[tilespmem:s1+$0x28] =	vst.add.f32.msk @!p3 $0xffff, v1;
	s1 =	sadd.s32 @!p1 s3, s4;
	s4 =	sshra.s32 @!p6 s5, $0x2  }
0x2d2: {  	[hbm4b:s1+s28] =	stream.linear.scatter @!p1 [tilespmem:s2], [sflag:$0xC], $0x10, $0x38;
	[tilespmem:$0x1F0F8] =	vst v63  }
0x2d3: {  	s0 =	rddreg [dreg:$0x4];
	s1 =	sadd.s32 @!p6 $0x28, s4;
	s2 =	simm.s32 @!p6 $0x1  }
0x2d4: {  	[spmem:s0] =	stream.linear.scatter @!p6 [tilespmem:s1], [sflag:$0x1], $0x10, $0x38;
	[tilespmem:$0x1F0F8] =	vst v63  }
0x2d5: {  	s0 =	sadd.s32 @p2 $0x1, s21;
	_ =	swait.ge @!p6 [sflag:s2], $0x10  }
0x2d6: {  	s1 =	sshrl.u32 @p2 s0, $0x4;
	[sflag:s2] =	ssyncset.done @!p6 $0x0  }
0x2d7: {  	s1 =	smulhi.u32 @p2 $0x97B425F, s1;
	[sflag:s2] =	ssyncadd.s32 @!p6 $0xFFFFFFF0  }
0x2d8: {  	s28 =	sadd.s32 $0x1, s29;
	v1 =	vld @p2 [tilespmem:s24+$0x0]  }
0x2d9: {  	p1 =	por @p2 !p5, !p4;
	p4 =	seq.s32 s28, $0x0;
	s1 =	smul.u32 @p2 $0x1B0, s1  }
.Ltmp22:
0x2da: {  	p1 =	por !p1, !p2;
	s2 =	simm.s32 @!p3 $0x0;
	(pc) =	sbr.rel @p4 .LBB3_17-.Ltmp22, $4  }
0x2db: {  	s4 =	sshll.u32 @!p2 s21, $0x6;
	s2 =	simm.s32 @!p1 $0x40;
	s0 =	ssub.s32 @p2 s0, s1  }
0x2dc: {  	s29 =	simm.s32 $0x0;
	s2 =	sadd.s32 @!p3 $0x0, s2;
	s5 =	sshll.u32 @p2 s0, $0x4  }
0x2dd: {  	s30 =	sshra.s32 @!p2 s4, $0x2;
	s1 =	simm.s32 @p2 $0x1;
	s2 =	smov.u32 @p3 s25;
	[tilespmem:s5+$0x28] =	vst @p2 v1  }
0x2de: {  	s21 =	smov.u32 @p2 s0;
	s29 =	smov.u32 @p2 s2;
	s25 =	smov.u32 @p2 s1;
	v1 =	vld @!p2 [tilespmem:s24+$0x0]  }
.LBB3_16:
0x2df: {  	_ =	sdelay $0x3  }
0x2e0: {  	s22 =	sadd.s32 $0x1, s22;
	[tilespmem:s30+$0x28] =	vst.add.f32.msk @!p2 $0xffff, v1  }
0x2e1: {  	v1 =	vld.msk [tilespmem:s22+$0x0], $0x1;
	_ =	sdelay $0x4  }
0x2e2: {  	(v2sf) =	vpush v1, $0x0;
	_ =	sdelay $0xe  }
0x2e3: {  	s0 =	smov.u32 s26;
	s26 =	spop (v2sf)  }
0x2e4: {  	p2 =	sne.s32 s0, s26  }
0x2e5: {  	p5 =	sne.s32 @p2 s0, s23  }
0x2e6: {  	s4 =	sshll.u32 @!p2 s21, $0x6;
	p4 =	por !p5, !p2  }
0x2e7: {  	s30 =	sshra.s32 @!p2 s4, $0x2;
	s4 =	sshll.u32 @!p4 s25, $0x6  }
0x2e8: {  	s4 =	sshra.s32 @!p4 s4, $0x2  }
0x2e9: {  	p1 =	sgt.u32 @!p4 s0, $0xC34FE;
	v1 =	vld @!p4 [tilespmem:s4+$0x1B38]  }
0x2ea: {  	s31 =	sshll.u32 @!p4 s21, $0x6;
	p6 =	por @p2 p1, !p5;
	p1 =	por @p2 !p1, !p5  }
0x2eb: {  	s8 =	simm.s32 @!p4 $0x0;
	s31 =	sshra.s32 @!p4 s31, $0x2;
	p1 =	por !p1, !p2  }
0x2ec: {  	p5 =	por p5, !p2;
	s8 =	simm.s32 @!p1 $0x40;
	p1 =	por p6, !p2  }
0x2ed: {  	s4 =	sadd.s32 @!p4 $0x28, s31;
	s13 =	sshll.u32 @!p5 s21, $0x6;
	s10 =	sand.u32 @!p1 $0xFFFF8, s0  }
0x2ee: {  	s13 =	sshra.s32 @!p5 s13, $0x2;
	s0 =	sand.u32 @!p1 $0x7, s0;
	s10 =	sadd.s32 @!p1 s3, s10;
	[tilespmem:s31+$0x28] =	vst.add.f32.msk @!p4 $0xffff, v1  }
0x2ef: {  	[hbm4b:s10+s0] =	stream.linear.scatter @!p1 [tilespmem:s4], [sflag:$0xC], $0x10, $0x38;
	[tilespmem:$0x1F0F8] =	vst v63  }
0x2f0: {  	s1 =	rddreg [dreg:$0x4];
	s0 =	sadd.s32 @!p5 $0x28, s13;
	s4 =	simm.s32 @!p5 $0x1  }
0x2f1: {  	[spmem:s1] =	stream.linear.scatter @!p5 [tilespmem:s0], [sflag:$0x1], $0x10, $0x38;
	[tilespmem:$0x1F0F8] =	vst v63  }
0x2f2: {  	s2 =	sadd.s32 @p2 $0x1, s21;
	_ =	swait.ge @!p5 [sflag:s4], $0x10  }
0x2f3: {  	s5 =	sshrl.u32 @p2 s2, $0x4;
	[sflag:s4] =	ssyncset.done @!p5 $0x0  }
0x2f4: {  	s24 =	sadd.s32 $0x80, s24;
	s5 =	smulhi.u32 @p2 $0x97B425F, s5;
	[sflag:s4] =	ssyncadd.s32 @!p5 $0xFFFFFFF0  }
0x2f5: {  	s28 =	sadd.s32 $0x1, s28;
	v1 =	vld @p2 [tilespmem:s24+$0x0]  }
0x2f6: {  	p3 =	seq.s32 s28, $0x0;
	s5 =	smul.u32 @p2 $0x1B0, s5  }
.Ltmp23:
0x2f7: {  	_ = 	snop;
	(pc) =	sbr.rel @!p3 .LBB3_16-.Ltmp23, $4  }
0x2f8: {  	s2 =	ssub.s32 @p2 s2, s5  }
0x2f9: {  	s8 =	sadd.s32 @!p4 s8, s29;
	s5 =	sshll.u32 @p2 s2, $0x4  }
0x2fa: {  	s9 =	sadd.s32 @p2 $0x1, s25;
	s8 =	smov.u32 @p4 s29;
	[tilespmem:s5+$0x28] =	vst @p2 v1  }
0x2fb: {  	s25 =	smov.u32 @p2 s9;
	s21 =	smov.u32 @p2 s2;
	s29 =	smov.u32 @p2 s8;
	v1 =	vld @!p2 [tilespmem:s24+$0x0]  }
.LBB3_17:
.Ltmp24:
0x2fc: {  	_ = 	snop;
	(pc) =	sbr.rel .LBB3_19-.Ltmp24, $3  }
0x2fd: {  	s1 =	sld [smem:$0x7FD];
	_ =	sdelay $0x1  }
0x2fe: {  	s0 =	sshrl.u32 s29, $0x2;
	s28 =	smov.u32 s26  }
0x2ff: {  	s4 =	smov.u32 s6;
	s6 =	rddreg [dreg:$0x6];
	p4 =	seq.s32 s1, $0x1;
	[tilespmem:s30+$0x28] =	vst.add.f32.msk @!p2 $0xffff, v1  }
.LBB3_21:
0x300: {  	_ =	sfence.sel $0x180000  }
0x301: {  	s0 =	simm.s32 $0x9;
	[bflag:$0x0] =	sbarrier.arrive $0xFFFF  }
0x302: {  	s24 =	simm.s32 $0xA;
	[sflag:s0] =	ssyncpa.u1 $0x1  }
0x303: {  	s25 =	simm.s32 $0xB;
	[sflag:s24] =	ssyncpa.u1 $0x1  }
0x304: {  	s26 =	simm.s32 $0x2;
	[sflag:s25] =	ssyncpa.u1 $0x1  }
0x305: {  	[sflag:s26] =	ssyncpa.u1 $0x1  }
0x306: {  	v0 =	vld [tilespmem:$0x3648];
	_ =	sdelay $0x4  }
0x307: {  	(v2sf) =	vpush v0, $0x0  }
0x308: {  	(v2sf) =	vpush v0, $0x1;
	_ =	sdelay $0x1  }
0x309: {  	(v2sf) =	vpush v0, $0x2;
	_ =	sdelay $0xb  }
0x30a: {  	s0 =	spop (v2sf)  }
0x30b: {  	s1 =	spop (v2sf)  }
0x30c: {  	s2 =	smov.u32 s0;
	p0 =	sne.s32 s0, s1  }
0x30d: {  	s4 =	spop (v2sf);
	s2 =	simm.s32 @!p0 $0xFFFFFFFF  }
0x30e: {  	v2 =	vimm.s32 $0x1;
	v3 =	vlaneseq.u32;
	p0 =	seq.s32 s4, $0xFFFFFFFF;
	v1 =	vmov s2  }
0x30f: {  	s16 =	stileid.u32;
	v0 =	vperm.xlane v0, v2;
	p1 =	sne.s32 @!p0 s0, s1;
	v1 =	vperm.xlane v1, v3  }
0x310: {  	vm0 =	vcmask $0x3F04;
	s6 =	simm.s32 $0x3648;
	s0 =	simm.s32 @!p0 $0x1;
	p1 =	por !p1, p0  }
0x311: {  	s2 =	sshll.u32 s16, $0x1;
	s1 =	sshll.u32 @!p0 s4, $0x6;
	s0 =	simm.s32 @p1 $0x0;
	v0 =	vsel vm0, v1, v0  }
0x312: {  	s5 =	sor.u32 $0x200, s2;
	s1 =	sshra.s32 @!p0 s1, $0x2;
	s0 =	sor.u32 @!p0 s0, s2;
	[tilespmem:$0x3648] =	vst v0  }
0x313: {  	[spmem:s5] =	stream.linear.scatter [tilespmem:s6], [sflag:$0x1], $0x2, $0x38;
	[tilespmem:$0x1F0F8] =	vst v63  }
0x314: {  	s1 =	sadd.s32 @!p0 $0x28, s1;
	s0 =	sshll.u32 @!p0 s0, $0x4  }
0x315: {  	[spmem:s0] =	stream.linear.scatter @!p0 [tilespmem:s1], [sflag:$0x1], $0x10, $0x38;
	[tilespmem:$0x1F0F8] =	vst v63  }
0x316: {  	s0 =	simm.s32 @!p0 $0x12  }
0x317: {  	s28 =	simm.s32 $0x1;
	s0 =	simm.s32 @p0 $0x2  }
0x318: {  	_ =	swait.ge [sflag:s28], s0  }
0x319: {  	s0 =	ssub.s32 $0x0, s0;
	[sflag:s28] =	ssyncset.done $0x0  }
0x31a: {  	p0 =	sne.s32 s16, $0x0;
	[sflag:s28] =	ssyncadd.s32 s0  }
.Ltmp25:
0x31b: {  	_ =	sfence.stream.spmem;
	(pc) =	sbr.rel @p0 .LBB3_38-.Ltmp25, $4  }
0x31c: {  	s29 =	simm.s32 $0x3;
	[bflag:$0x0] =	sbarrier.arrive $0xFFFF  }
0x31d: {  	s30 =	simm.s32 $0x4;
	[sflag:s29] =	ssyncpa.u1 $0x1  }
0x31e: {  	s31 =	simm.s32 $0x3C;
	[sflag:s30] =	ssyncpa.u1 $0x1  }
0x31f: {  	s17 =	rddreg [dreg:$0x5];
	[sflag:s31] =	ssyncpa.u1 $0x1  }
0x320: {  	_ =	sfence.stream.spmem;
	s0 =	simm.s32 $0x5  }
0x321: {  	s1 =	simm.s32 $0x200;
	s2 =	simm.s32 $0x3658;
	[sflag:s0] =	ssyncpa.u1 $0x0  }
0x322: {  	[tilespmem:s2], [sflag:$0x5] =	stream.linear.gather [spmem:s1], $0x20, $0x38;
	[tilespmem:$0x1F0F8] =	vst v63  }
0x323: {  	s26 =	simm.s32 $0x0;
	s28 =	simm.s32 $0x3678  }
0x324: {  	[tilespmem:s28], [sflag:$0x5] =	stream.linear.gather [spmem:s26], $0x200, $0x38;
	[tilespmem:$0x1F0F8] =	vst v63  }
0x325: {  	_ =	swait.ge [sflag:s0], $0x220  }
0x326: {  	[sflag:s0] =	ssyncset.done $0x0  }
0x327: {  	s29 =	simm.s32 $0x0;
	[sflag:s0] =	ssyncadd.s32 $0xFFFFFDE0  }
0x328: {  	v0 =	vld.msk [tilespmem:s29+$0x3658], $0x1;
	_ =	sdelay $0x1  }
0x329: {  	s30 =	simm.s32 $0x1  }
0x32a: {  	v1 =	vld.msk [tilespmem:s30+$0x3658], $0x1;
	_ =	sdelay $0x1  }
0x32b: {  	(v2sf) =	vpush v0, $0x0;
	_ =	sdelay $0x2  }
0x32c: {  	(v2sf) =	vpush v1, $0x0;
	_ =	sdelay $0x2  }
0x32d: {  	s31 =	simm.s32 $0x2  }
0x32e: {  	v0 =	vld.msk [tilespmem:s31+$0x3658], $0x1;
	_ =	sdelay $0x2  }
0x32f: {  	s6 =	simm.s32 $0xFFFFFFFF;
	s1 =	simm.s32 $0xFFFFFFFF;
	s0 =	simm.s32 $0xC  }
.LBB3_23:
0x330: {  	s2 =	smov.u32 s6;
	s4 =	smov.u32 s1  }
0x331: {  	s1 =	sshra.s32 s0, $0x2;
	p1 =	sne.s32 s0, $0x7C;
	s0 =	sadd.s32 $0x4, s0;
	(v2sf) =	vpush v0, $0x0  }
0x332: {  	v0 =	vld.msk [tilespmem:s1+$0x3658], $0x1  }
.Ltmp26:
0x333: {  	(pc) =	sbr.rel @p1 .LBB3_23-.Ltmp26, $4  }
0x334: {  	s6 =	spop (v2sf)  }
0x335: {  	p2 =	sne.s32 s4, $0xFFFFFFFF;
	s1 =	smov.u32 s6  }
0x336: {  	p3 =	seq.s32 s6, $0xFFFFFFFF;
	s1 =	smov.u32 @p2 s4  }
0x337: {  	s6 =	smov.u32 @p3 s2;
	s1 =	smov.u32 @p3 s4  }
0x338: {  	(v2sf) =	vpush v0, $0x0;
	_ =	sdelay $0x8  }
0x339: {  	s0 =	spop (v2sf)  }
0x33a: {  	p1 =	sne.s32 s1, $0xFFFFFFFF;
	s2 =	smov.u32 s0  }
0x33b: {  	s9 =	simm.s32 $0x6;
	p2 =	seq.s32 s0, $0xFFFFFFFF;
	s2 =	smov.u32 @p1 s1  }
0x33c: {  	s10 =	simm.s32 $0x3638;
	s2 =	smov.u32 @p2 s1;
	s1 =	spop (v2sf)  }
0x33d: {  	s0 =	smov.u32 @p2 s6;
	p1 =	sne.s32 s2, $0xFFFFFFFF;
	s4 =	smov.u32 s1  }
.Ltmp27:
0x33e: {  	p2 =	seq.s32 s1, $0xFFFFFFFF;
	s4 =	smov.u32 @p1 s2;
	(pc) =	sbr.rel .LBB3_25-.Ltmp27, $4  }
0x33f: {  	s11 =	simm.s32 $0x0;
	s4 =	smov.u32 @p2 s2;
	s7 =	spop (v2sf)  }
0x340: {  	[sflag:s9] =	ssyncpa.u1 $0x0;
	p1 =	sne.s32 s4, $0xFFFFFFFF;
	s8 =	smov.u32 s7  }
0x341: {  	s1 =	smov.u32 @p2 s0;
	p2 =	seq.s32 s7, $0xFFFFFFFF;
	s8 =	smov.u32 @p1 s4  }
0x342: {  	s6 =	simm.s32 $0x0;
	s7 =	smov.u32 @p2 s1;
	s8 =	smov.u32 @p2 s4  }
.LBB3_30:
0x343: {  	p1 =	sgt.u32 s12, $0xC34FE  }
0x344: {  	p2 =	seq.s32 @!p1 s12, s8  }
0x345: {  	p1 =	por p1, p2  }
0x346: {  	p2 =	sne.s32 @!p1 s12, s7  }
0x347: {  	p1 =	por p1, !p2  }
0x348: {  	s0 =	sshll.u32 @p1 s11, $0x6  }
0x349: {  	s0 =	sand.u32 @!p1 $0xFFFF8, s12  }
0x34a: {  	s1 =	sand.u32 @!p1 $0x7, s12;
	s0 =	sadd.s32 @!p1 s3, s0  }
0x34b: {  	[tilespmem:s10], [sflag:$0x6] =	stream.linear.gather @!p1 [hbm4b:s0+s1], $0x10, $0x38;
	[tilespmem:$0x1F0F8] =	vst v63  }
0x34c: {  	_ =	swait.ge @!p1 [sflag:s9], $0x10  }
0x34d: {  	[sflag:s9] =	ssyncset.done @!p1 $0x0  }
0x34e: {  	[sflag:s9] =	ssyncadd.s32 @!p1 $0xFFFFFFF0  }
0x34f: {  	v1 =	vld @!p1 [tilespmem:$0x3638];
	_ =	sdelay $0x2  }
0x350: {  	s0 =	sshll.u32 @!p1 s11, $0x6  }
0x351: {  	s1 =	sshrl.u32 @!p1 s0, $0x2  }
0x352: {  	[tilespmem:s1+$0x3678] =	vst.add.f32.msk @!p1 $0xffff, v1  }
0x353: {  	s0 =	sshrl.u32 s0, $0x2;
	[tilespmem:s6+$0x3658] =	vst.msk $0x1, v0  }
0x354: {  	v0 =	vld [tilespmem:s0+$0x3678];
	_ =	sdelay $0x2  }
0x355: {  	s31 =	sshll.u32 s6, $0x6  }
0x356: {  	s0 =	sshra.s32 s31, $0x2  }
0x357: {  	s6 =	sadd.s32 $0x1, s6;
	[tilespmem:s0+$0x3678] =	vst v0  }
.LBB3_32:
0x358: {  	s11 =	sadd.s32 $0x1, s11  }
0x359: {  	p1 =	sne.s32 s11, $0x20  }
.Ltmp28:
0x35a: {  	_ = 	snop;
	(pc) =	sbr.rel @!p1 .LBB3_33-.Ltmp28, $1  }
0x35b: {  	_ =	sdelay $0x3  }
.LBB3_25:
0x35c: {  	v0 =	vld.msk [tilespmem:s11+$0x3658], $0x1;
	_ =	sdelay $0x4  }
0x35d: {  	(v2sf) =	vpush v0, $0x0;
	_ =	sdelay $0xe  }
0x35e: {  	s12 =	spop (v2sf)  }
0x35f: {  	p1 =	seq.s32 s12, $0xFFFFFFFF  }
.Ltmp29:
0x360: {  	_ = 	snop;
	(pc) =	sbr.rel @p1 .LBB3_32-.Ltmp29, $1  }
0x361: {  	_ =	sdelay $0x3  }
0x362: {  	p1 =	slt.s32 s6, $0x1  }
.Ltmp30:
0x363: {  	_ = 	snop;
	(pc) =	sbr.rel @p1 .LBB3_30-.Ltmp30, $1  }
0x364: {  	_ =	sdelay $0x3  }
0x365: {  	s13 =	simm.s32 $0x3658;
	p1 =	por $0x0, $0x0  }
0x366: {  	v1 =	vld.msk @!p1 [tilespmem:s13+$0x0], $0x1;
	_ =	sdelay $0x4  }
0x367: {  	(v2sf) =	vpush @!p1 v1, $0x0;
	_ =	sdelay $0xd  }
0x368: {  	p3 =	sne.s32 s6, $0x1  }
.Ltmp31:
0x369: {  	s0 =	spop @!p1 (v2sf);
	(pc) =	sbr.rel @!p3 .LBB3_29-.Ltmp31, $4  }
0x36a: {  	p2 =	seq.s32 @!p1 s12, s0  }
0x36b: {  	s14 =	simm.s32 $0x0;
	p2 =	por !p2, p1  }
0x36c: {  	s0 =	simm.s32 $0xFFFFFFFF;
	s14 =	simm.s32 @p2 $0xFFFFFFFF  }
0x36d: {  	s15 =	simm.s32 $0x1;
	s14 =	smov.u32 @p1 s0  }
.LBB3_28:
0x36e: {  	s0 =	smov.u32 s14;
	p1 =	sne.s32 s14, $0xFFFFFFFF  }
0x36f: {  	s13 =	sadd.s32 $0x1, s13;
	s14 =	smov.u32 s15;
	s15 =	sadd.s32 $0x1, s15  }
0x370: {  	p2 =	sne.s32 s6, s15;
	v1 =	vld.msk @!p1 [tilespmem:s13+$0x0], $0x1;
	_ =	sdelay $0x4  }
0x371: {  	(v2sf) =	vpush @!p1 v1, $0x0;
	_ =	sdelay $0xe  }
.Ltmp32:
0x372: {  	s1 =	spop @!p1 (v2sf);
	(pc) =	sbr.rel @p2 .LBB3_28-.Ltmp32, $4  }
0x373: {  	p3 =	seq.s32 @!p1 s12, s1  }
0x374: {  	p3 =	por !p3, p1  }
0x375: {  	s14 =	simm.s32 @p3 $0xFFFFFFFF  }
0x376: {  	s14 =	smov.u32 @p1 s0  }
.LBB3_29:
0x377: {  	p1 =	sne.s32 s14, $0xFFFFFFFF  }
.Ltmp33:
0x378: {  	_ = 	snop;
	(pc) =	sbr.rel @!p1 .LBB3_30-.Ltmp33, $1  }
0x379: {  	_ =	sdelay $0x3  }
0x37a: {  	s0 =	sshll.u32 s11, $0x4  }
0x37b: {  	s0 =	sand.u32 $0x3FFFFFF0, s0  }
0x37c: {  	v0 =	vld [tilespmem:s0+$0x3678]  }
.Ltmp34:
0x37d: {  	_ = 	snop;
	(pc) =	sbr.rel .LBB3_32-.Ltmp34, $4  }
0x37e: {  	_ = 	snop  }
0x37f: {  	s31 =	sshll.u32 s14, $0x6  }
0x380: {  	s0 =	sshra.s32 s31, $0x2  }
0x381: {  	[tilespmem:s0+$0x3678] =	vst.add.f32.msk $0xffff, v0  }
.LBB3_33:
0x382: {  	s0 =	simm.s32 $0x6;
	p1 =	seq.s32 s6, $0x0  }
0x383: {  	[sflag:s0] =	ssyncpa.u1 $0x1;
	v0 =	vimm.s32 @p1 $0xFFFFFFFF  }
0x384: {  	s9 =	sadd.s32 $0xFFFFFFFF, s6;
	[tilespmem:$0x3878] =	vst @p1 v0  }
0x385: {  	v0 =	vld.msk @!p1 [tilespmem:s9+$0x3658], $0x1;
	_ =	sdelay $0x1  }
0x386: {  	v1 =	vld.msk @!p1 [tilespmem:$0x3658], $0x1;
	_ =	sdelay $0x2  }
0x387: {  	p2 =	seq.s32 @!p1 s9, $0x0;
	v0 =	vbroadcast @!p1 v0, $0x0  }
0x388: {  	vm0 =	vmmov @!p1 $0x1;
	p2 =	por !p2, p1  }
0x389: {  	v1 =	vnsel @!p1 vm0, $0xFFFFFFFF, v1;
	vm0 =	vcmask @!p1 $0x308;
	v0 =	vpsel !p2, $0xFFFFFFFF, v0  }
0x38a: {  	p2 =	sne.s32 @!p1 s8, s7;
	v0 =	vsel @!p1 vm0, v1, v0  }
0x38b: {  	s0 =	simm.s32 @!p1 $0x3678;
	s1 =	simm.s32 @!p1 $0x0;
	p3 =	por !p2, p1;
	[tilespmem:$0x3878] =	vst @!p1 v0  }
0x38c: {  	[spmem:s1] =	stream.linear.scatter @!p1 [tilespmem:s0], [sflag:$0x1], $0x10, $0x38;
	[tilespmem:$0x1F0F8] =	vst v63  }
0x38d: {  	s0 =	sshll.u32 @!p3 s9, $0x6  }
0x38e: {  	s0 =	sshra.s32 @!p3 s0, $0x2  }
0x38f: {  	s1 =	simm.s32 @!p3 $0x10;
	s0 =	sadd.s32 @!p3 $0x3678, s0  }
0x390: {  	[spmem:s1] =	stream.linear.scatter @!p3 [tilespmem:s0], [sflag:$0x1], $0x10, $0x38;
	[tilespmem:$0x1F0F8] =	vst v63  }
0x391: {  	s0 =	simm.s32 @!p3 $0x1  }
0x392: {  	_ =	swait.ge @!p3 [sflag:s0], $0x20  }
0x393: {  	p1 =	por p2, p1;
	[sflag:s0] =	ssyncset.done @!p3 $0x0  }
0x394: {  	[sflag:s0] =	ssyncadd.s32 @!p3 $0xFFFFFFE0;
	s0 =	simm.s32 @!p1 $0x1  }
0x395: {  	_ =	swait.ge @!p1 [sflag:s0], $0x10  }
0x396: {  	s29 =	simm.s32 $0x3878;
	[sflag:s0] =	ssyncset.done @!p1 $0x0  }
0x397: {  	s30 =	simm.s32 $0x200;
	s31 =	simm.s32 $0x1;
	[sflag:s0] =	ssyncadd.s32 @!p1 $0xFFFFFFF0  }
0x398: {  	[spmem:s30] =	stream.linear.scatter [tilespmem:s29], [sflag:$0x1], $0x10, $0x38;
	[tilespmem:$0x1F0F8] =	vst v63  }
0x399: {  	_ =	swait.ge [sflag:s31], $0x10  }
0x39a: {  	[sflag:s31] =	ssyncset.done $0x0  }
0x39b: {  	p1 =	seq.s32 s17, $0x0;
	s8 =	rddreg [dreg:$0x1];
	[sflag:s31] =	ssyncadd.s32 $0xFFFFFFF0  }
0x39c: {  	s1 =	sshll.u32 @p1 s8, $0xE;
	s7 =	rddreg [dreg:$0x2]  }
0x39d: {  	s0 =	sadd.s32 @p1 $0x15C3C, s1;
	s1 =	sshll.u32 @p1 s7, $0x11  }
0x39e: {  	_ =	sfence.stream.spmem;
	s0 =	sor.u32 @p1 s1, s0  }
0x39f: {  	[sflag:s0] =	ssyncadd.remote.s32 @p1 $0x1;
	s0 =	simm.s32 @p1 $0x4  }
0x3a0: {  	s2 =	simm.s32 @!p1 $0x3C;
	s1 =	sand.u32 $0xFFFFFFFE, s8;
	_ =	swait.ge @p1 [sflag:s0], $0x6  }
0x3a1: {  	s4 =	simm.s32 @!p1 $0x0;
	s1 =	sadd.s32 @!p1 $0x4, s1;
	[sflag:s0] =	ssyncset.done @p1 $0x0  }
0x3a2: {  	s5 =	simm.s32 @!p1 $0x20;
	[sflag:s0] =	ssyncadd.s32 @p1 $0xFFFFFFFA;
	s0 =	sshll.u32 @!p1 s1, $0x1A  }
0x3a3: {  	s1 =	sshll.u32 @!p1 s1, $0xD;
	s0 =	sor.u32 @!p1 s0, s7;
	_ =	swait.eq @!p1 [sflag:s2], $0x1  }
0x3a4: {  	s1 =	sor.u32 @!p1 $0x1C04, s1;
	s2 =	simm.s32 @!p1 $0x1C03;
	s0 =	sor.u32 @!p1 $0x80004000, s0  }
0x3a5: {  	[spmem:s5], [sflag:s1] =	dma.general @!p1 [spmem:s4], [sflag:s2], length:$0x4, [dreg:$0x0], stride_count:$0x0, ici_dest:s0, dma_misc:DstOpCode:WRITE  }
0x3a6: {  	p2 =	slt.s32 s9, $0x2;
	s4 =	simm.s32 @!p1 $0x40;
	s5 =	simm.s32 @!p1 $0x42  }
0x3a7: {  	[spmem:s5], [sflag:s1] =	dma.general @!p1 [spmem:s4], [sflag:s2], length:$0x2, [dreg:$0x0], stride_count:$0x0, ici_dest:s0, dma_misc:DstOpCode:WRITE  }
.Ltmp35:
0x3a8: {  	s0 =	simm.s32 @!p1 $0x3;
	(pc) =	sbr.rel @p2 .LBB3_37-.Ltmp35, $4  }
0x3a9: {  	s1 =	sshll.u32 @!p1 s8, $0xE;
	_ =	swait.ge @!p1 [sflag:s0], $0x6  }
0x3aa: {  	s2 =	sshll.u32 @!p1 s7, $0x11;
	s1 =	sadd.s32 @!p1 $0x11C3C, s1;
	[sflag:s0] =	ssyncset.done @!p1 $0x0  }
0x3ab: {  	[sflag:s0] =	ssyncadd.s32 @!p1 $0xFFFFFFFA;
	s0 =	sor.u32 @!p1 s2, s1  }
0x3ac: {  	[sflag:s0] =	ssyncadd.remote.s32 @!p1 $0xFFFFFFFF;
	s0 =	simm.s32 $0x0  }
0x3ad: {  	s0 =	simm.s32 $0x3659  }
0x3ae: {  	v0 =	vld.msk [tilespmem:s0+$0x0], $0x1;
	_ =	sdelay $0x4  }
0x3af: {  	(v2sf) =	vpush v0, $0x0;
	_ =	sdelay $0xd  }
0x3b0: {  	s2 =	sadd.s32 $0xFFFFFFFE, s6  }
0x3b1: {  	s2 =	sadd.s32 $0xFFFFFFFF, s2;
	s0 =	spop (v2sf)  }
0x3b2: {  	p2 =	sne.s32 s2, $0x0;
	p1 =	sgt.u32 s0, $0xC34FE  }
.Ltmp36:
0x3b3: {  	s4 =	sand.u32 @!p1 $0xFFFF8, s0;
	(pc) =	sbr.rel @!p2 .LBB3_36-.Ltmp36, $4  }
0x3b4: {  	s1 =	simm.s32 $0x3688;
	s0 =	sand.u32 @!p1 $0x7, s0;
	s4 =	sadd.s32 @!p1 s3, s4  }
0x3b5: {  	[hbm4b:s4+s0] =	stream.linear.scatter @!p1 [tilespmem:s1], [sflag:$0x5], $0x10, $0x38;
	[tilespmem:$0x1F0F8] =	vst v63  }
0x3b6: {  	s0 =	simm.s32 $0x0  }
0x3b7: {  	s6 =	simm.s32 $0x0;
	s7 =	simm.s32 $0x365A;
	s0 =	simm.s32 @!p1 $0x40  }
.LBB3_35:
0x3b8: {  	v0 =	vld.msk [tilespmem:s7+$0x0], $0x1;
	s2 =	sadd.s32 $0xFFFFFFFF, s2;
	s6 =	sadd.s32 s6, s0  }
0x3b9: {  	p1 =	sne.s32 s2, $0x0;
	_ =	sdelay $0x3  }
0x3ba: {  	(v2sf) =	vpush v0, $0x0;
	_ =	sdelay $0xe  }
.Ltmp37:
0x3bb: {  	s4 =	spop (v2sf);
	(pc) =	sbr.rel @p1 .LBB3_35-.Ltmp37, $4  }
0x3bc: {  	s0 =	simm.s32 $0x0;
	p2 =	sgt.u32 s4, $0xC34FE  }
0x3bd: {  	s1 =	sadd.s32 $0x10, s1;
	s0 =	simm.s32 @!p2 $0x40;
	s5 =	sand.u32 @!p2 $0xFFFF8, s4  }
0x3be: {  	s7 =	sadd.s32 $0x1, s7;
	s4 =	sand.u32 @!p2 $0x7, s4;
	s5 =	sadd.s32 @!p2 s3, s5  }
0x3bf: {  	[hbm4b:s5+s4] =	stream.linear.scatter @!p2 [tilespmem:s1], [sflag:$0x5], $0x10, $0x38;
	[tilespmem:$0x1F0F8] =	vst v63  }
.LBB3_36:
0x3c0: {  	s0 =	sadd.s32 s6, s0  }
0x3c1: {  	s0 =	sshrl.u32 s0, $0x2  }
.LBB3_37:
0x3c2: {  	s1 =	simm.s32 $0x5  }
0x3c3: {  	_ =	swait.ge [sflag:s1], s0  }
0x3c4: {  	s31 =	ssub.s32 $0x0, s0;
	[sflag:s1] =	ssyncset.done $0x0  }
0x3c5: {  	[sflag:s1] =	ssyncadd.s32 s31  }
0x3c6: {  	[sflag:s1] =	ssyncpa.u1 $0x1  }
.LBB3_38:
0x3c7: {  	s0 =	sor.u32 s17, s16  }
0x3c8: {  	p1 =	sne.s32 s0, $0x0  }
.Ltmp38:
0x3c9: {  	_ = 	snop;
	(pc) =	sbr.rel @p1 .LBB3_53-.Ltmp38, $3  }
0x3ca: {  	_ =	sdelay $0x1  }
0x3cb: {  	[bflag:$0x0] =	sbarrier.arrive $0xFFFF  }
0x3cc: {  	_ =	sfence  }
0x3cd: {  	s0 =	simm.s32 $0x7  }
0x3ce: {  	s1 =	simm.s32 $0x200;
	s2 =	simm.s32 $0x3658;
	[sflag:s0] =	ssyncpa.u1 $0x0  }
0x3cf: {  	[tilespmem:s2], [sflag:$0x7] =	stream.linear.gather [spmem:s1], $0x20, $0x38;
	[tilespmem:$0x1F0F8] =	vst v63  }
0x3d0: {  	s30 =	simm.s32 $0x3678;
	s1 =	simm.s32 $0x0  }
0x3d1: {  	[tilespmem:s30], [sflag:$0x7] =	stream.linear.gather [spmem:s1], $0x200, $0x38;
	[tilespmem:$0x1F0F8] =	vst v63  }
.Ltmp39:
0x3d2: {  	_ = 	snop;
	(pc) =	sbr.rel .LBB3_40-.Ltmp39, $4  }
0x3d3: {  	_ =	swait.ge [sflag:s0], $0x220  }
0x3d4: {  	[sflag:s0] =	ssyncset.done $0x0  }
0x3d5: {  	s31 =	simm.s32 $0x8;
	[sflag:s0] =	ssyncadd.s32 $0xFFFFFDE0  }
0x3d6: {  	s2 =	simm.s32 $0x0;
	[sflag:s31] =	ssyncpa.u1 $0x0  }
.LBB3_45:
0x3d7: {  	p1 =	slt.u32 s4, $0xC34FF  }
0x3d8: {  	s0 =	sand.u32 @p1 $0xFFFF8, s4  }
0x3d9: {  	s4 =	sand.u32 @p1 $0x7, s4;
	s5 =	simm.s32 @p1 $0x3638;
	s0 =	sadd.s32 @p1 s3, s0  }
0x3da: {  	[tilespmem:s5], [sflag:$0x8] =	stream.linear.gather @p1 [hbm4b:s0+s4], $0x10, $0x38;
	[tilespmem:$0x1F0F8] =	vst v63  }
0x3db: {  	s0 =	simm.s32 @p1 $0x8  }
0x3dc: {  	_ =	swait.ge @p1 [sflag:s0], $0x10  }
0x3dd: {  	[sflag:s0] =	ssyncset.done @p1 $0x0  }
0x3de: {  	[sflag:s0] =	ssyncadd.s32 @p1 $0xFFFFFFF0  }
0x3df: {  	v1 =	vld @p1 [tilespmem:$0x3638];
	_ =	sdelay $0x2  }
0x3e0: {  	s0 =	sshll.u32 @p1 s2, $0x6  }
0x3e1: {  	s5 =	sshll.u32 @!p1 s2, $0x6;
	s4 =	sshrl.u32 @p1 s0, $0x2  }
0x3e2: {  	s5 =	smov.u32 @p1 s0;
	[tilespmem:s4+$0x3678] =	vst.add.f32.msk @p1 $0xffff, v1  }
0x3e3: {  	s0 =	sshrl.u32 s5, $0x2;
	[tilespmem:s1+$0x3658] =	vst.msk $0x1, v0  }
0x3e4: {  	v0 =	vld [tilespmem:s0+$0x3678];
	_ =	sdelay $0x2  }
0x3e5: {  	s31 =	sshll.u32 s1, $0x6  }
0x3e6: {  	s0 =	sshra.s32 s31, $0x2  }
0x3e7: {  	s1 =	sadd.s32 $0x1, s1;
	[tilespmem:s0+$0x3678] =	vst v0  }
.LBB3_47:
0x3e8: {  	s2 =	sadd.s32 $0x1, s2  }
0x3e9: {  	p1 =	sne.s32 s2, $0x20  }
.Ltmp40:
0x3ea: {  	_ = 	snop;
	(pc) =	sbr.rel @!p1 .LBB3_48-.Ltmp40, $1  }
0x3eb: {  	_ =	sdelay $0x3  }
.LBB3_40:
0x3ec: {  	v0 =	vld.msk [tilespmem:s2+$0x3658], $0x1;
	_ =	sdelay $0x4  }
0x3ed: {  	(v2sf) =	vpush v0, $0x0;
	_ =	sdelay $0xe  }
0x3ee: {  	s4 =	spop (v2sf)  }
0x3ef: {  	p1 =	seq.s32 s4, $0xFFFFFFFF  }
.Ltmp41:
0x3f0: {  	_ = 	snop;
	(pc) =	sbr.rel @p1 .LBB3_47-.Ltmp41, $1  }
0x3f1: {  	_ =	sdelay $0x3  }
0x3f2: {  	p1 =	slt.s32 s1, $0x1  }
.Ltmp42:
0x3f3: {  	_ = 	snop;
	(pc) =	sbr.rel @p1 .LBB3_45-.Ltmp42, $1  }
0x3f4: {  	_ =	sdelay $0x3  }
0x3f5: {  	s5 =	simm.s32 $0x3658;
	p1 =	por $0x0, $0x0  }
0x3f6: {  	v1 =	vld.msk @!p1 [tilespmem:s5+$0x0], $0x1;
	_ =	sdelay $0x4  }
0x3f7: {  	(v2sf) =	vpush @!p1 v1, $0x0;
	_ =	sdelay $0xd  }
0x3f8: {  	p3 =	sne.s32 s1, $0x1  }
.Ltmp43:
0x3f9: {  	s0 =	spop @!p1 (v2sf);
	(pc) =	sbr.rel @!p3 .LBB3_44-.Ltmp43, $4  }
0x3fa: {  	p2 =	seq.s32 @!p1 s4, s0  }
0x3fb: {  	s6 =	simm.s32 $0x0;
	p2 =	por !p2, p1  }
0x3fc: {  	s0 =	simm.s32 $0xFFFFFFFF;
	s6 =	simm.s32 @p2 $0xFFFFFFFF  }
0x3fd: {  	s7 =	simm.s32 $0x1;
	s6 =	smov.u32 @p1 s0  }
.LBB3_43:
0x3fe: {  	s0 =	smov.u32 s6;
	p1 =	sne.s32 s6, $0xFFFFFFFF  }
0x3ff: {  	s5 =	sadd.s32 $0x1, s5;
	s6 =	smov.u32 s7;
	s7 =	sadd.s32 $0x1, s7  }
0x400: {  	p2 =	sne.s32 s1, s7;
	v1 =	vld.msk @!p1 [tilespmem:s5+$0x0], $0x1;
	_ =	sdelay $0x4  }
0x401: {  	(v2sf) =	vpush @!p1 v1, $0x0;
	_ =	sdelay $0xe  }
.Ltmp44:
0x402: {  	s8 =	spop @!p1 (v2sf);
	(pc) =	sbr.rel @p2 .LBB3_43-.Ltmp44, $4  }
0x403: {  	p3 =	seq.s32 @!p1 s4, s8  }
0x404: {  	p3 =	por !p3, p1  }
0x405: {  	s6 =	simm.s32 @p3 $0xFFFFFFFF  }
0x406: {  	s6 =	smov.u32 @p1 s0  }
.LBB3_44:
0x407: {  	p1 =	sne.s32 s6, $0xFFFFFFFF  }
.Ltmp45:
0x408: {  	_ = 	snop;
	(pc) =	sbr.rel @!p1 .LBB3_45-.Ltmp45, $1  }
0x409: {  	_ =	sdelay $0x3  }
0x40a: {  	s0 =	sshll.u32 s2, $0x4  }
0x40b: {  	s0 =	sand.u32 $0x3FFFFFF0, s0  }
0x40c: {  	v0 =	vld [tilespmem:s0+$0x3678]  }
.Ltmp46:
0x40d: {  	_ = 	snop;
	(pc) =	sbr.rel .LBB3_47-.Ltmp46, $4  }
0x40e: {  	_ = 	snop  }
0x40f: {  	s31 =	sshll.u32 s6, $0x6  }
0x410: {  	s0 =	sshra.s32 s31, $0x2  }
0x411: {  	[tilespmem:s0+$0x3678] =	vst.add.f32.msk $0xffff, v0  }
.LBB3_48:
0x412: {  	p1 =	slt.s32 s1, $0x1  }
.Ltmp47:
0x413: {  	_ = 	snop;
	(pc) =	sbr.rel @p1 .LBB3_52-.Ltmp47, $3  }
0x414: {  	_ =	sdelay $0x1  }
0x415: {  	s0 =	simm.s32 $0x8  }
0x416: {  	s2 =	simm.s32 $0x0;
	[sflag:s0] =	ssyncpa.u1 $0x1  }
0x417: {  	s0 =	simm.s32 $0x3658  }
0x418: {  	v0 =	vld.msk [tilespmem:s0+$0x0], $0x1;
	_ =	sdelay $0x4  }
0x419: {  	(v2sf) =	vpush v0, $0x0;
	_ =	sdelay $0xe  }
0x41a: {  	s1 =	sadd.s32 $0xFFFFFFFF, s1;
	s0 =	spop (v2sf)  }
0x41b: {  	p2 =	sne.s32 s1, $0x0;
	p1 =	sgt.u32 s0, $0xC34FE  }
.Ltmp48:
0x41c: {  	s5 =	sand.u32 @!p1 $0xFFFF8, s0;
	(pc) =	sbr.rel @!p2 .LBB3_51-.Ltmp48, $4  }
0x41d: {  	s4 =	simm.s32 $0x3678;
	s0 =	sand.u32 @!p1 $0x7, s0;
	s5 =	sadd.s32 @!p1 s3, s5  }
0x41e: {  	[hbm4b:s5+s0] =	stream.linear.scatter @!p1 [tilespmem:s4], [sflag:$0x7], $0x10, $0x38;
	[tilespmem:$0x1F0F8] =	vst v63  }
0x41f: {  	s0 =	simm.s32 $0x0  }
0x420: {  	s5 =	simm.s32 $0x3659;
	s0 =	simm.s32 @!p1 $0x40  }
.LBB3_50:
0x421: {  	v0 =	vld.msk [tilespmem:s5+$0x0], $0x1;
	s1 =	sadd.s32 $0xFFFFFFFF, s1;
	s2 =	sadd.s32 s2, s0  }
0x422: {  	p1 =	sne.s32 s1, $0x0;
	_ =	sdelay $0x3  }
0x423: {  	(v2sf) =	vpush v0, $0x0;
	_ =	sdelay $0xe  }
.Ltmp49:
0x424: {  	s6 =	spop (v2sf);
	(pc) =	sbr.rel @p1 .LBB3_50-.Ltmp49, $4  }
0x425: {  	s0 =	simm.s32 $0x0;
	p2 =	sgt.u32 s6, $0xC34FE  }
0x426: {  	s4 =	sadd.s32 $0x10, s4;
	s0 =	simm.s32 @!p2 $0x40;
	s7 =	sand.u32 @!p2 $0xFFFF8, s6  }
0x427: {  	s5 =	sadd.s32 $0x1, s5;
	s6 =	sand.u32 @!p2 $0x7, s6;
	s7 =	sadd.s32 @!p2 s3, s7  }
0x428: {  	[hbm4b:s7+s6] =	stream.linear.scatter @!p2 [tilespmem:s4], [sflag:$0x7], $0x10, $0x38;
	[tilespmem:$0x1F0F8] =	vst v63  }
.LBB3_51:
0x429: {  	s0 =	sadd.s32 s2, s0  }
0x42a: {  	s2 =	sshrl.u32 s0, $0x2  }
.LBB3_52:
0x42b: {  	s0 =	simm.s32 $0x7  }
0x42c: {  	_ =	swait.ge [sflag:s0], s2  }
0x42d: {  	s1 =	ssub.s32 $0x0, s2;
	[sflag:s0] =	ssyncset.done $0x0  }
0x42e: {  	[sflag:s0] =	ssyncadd.s32 s1  }
0x42f: {  	[sflag:s0] =	ssyncpa.u1 $0x1  }
.LBB3_53:
0x430: {  	_ =	sfence;
	s0 =	simm.s32 $0x1  }
0x431: {  	[sflag:s0] =	ssyncpa.u1 $0x1  }
0x432: {  	_ =	strace $0x90000053  }
0x433: {  	[bflag:$0x2] =	sbarrier.arrive $0xFFFF  }
0x434: {  	s0 =	rddreg [dreg:$0x3]  }
0x435: {  	s0 =	sadd.s32 @!p0 $0x100000, s0  }
0x436: {  	[sflag:s0] =	ssyncadd.tile.s32 @!p0 $0x1;
	_ =	shalt  }
.Lfunc_end3:
_tile_overlayer_lowered:
.L_overlay_start_3:
0x437: {  	(tag) =	ssettag $0x3  }
0x438: {  	s0 =	rddreg [dreg:$0x0];
	s2 =	stileid.u32  }
0x439: {  	s1 =	rddreg [dreg:$0x1];
	p0 =	sne.s32 s2, $0x0  }
0x43a: {  	s3 =	rddreg [dreg:$0x2];
	[bflag:$0x3] =	sbarrier.arrive $0xFFFF;
	s2 =	simm.s32 @!p0 $0x1C01  }
0x43b: {  	[timem:s3], [sflag:s2] =	dma.local @!p0 [hbm:s0], s1  }
0x43c: {  	s0 =	simm.s32 @!p0 $0x1  }
0x43d: {  	_ =	swait.ge @!p0 [sflag:s0], s1  }
0x43e: {  	s1 =	ssub.s32 @!p0 $0x0, s1;
	[sflag:s0] =	ssyncset.done @!p0 $0x0  }
0x43f: {  	[sflag:s0] =	ssyncadd.s32 @!p0 s1  }
0x440: {  	[bflag:$0x3] =	sbarrier.arrive $0xFFFF  }
0x441: {  	_ =	shalt  }

// kernel: scatter_offload_async_start
scs
__scs_entry_jumppad:
0x0: {  	(pc) =	sbr.rel $0x88, $3  }
0x1: {  	(tag) =	ssettag $0x0;
	lr =	simm.s32 $0x1  }
0x2: {  	[smem:$0x3F9D] =	sst lr;
	_ =	strace $0xD0000000  }
0x3: {  	_ = 	snop  }
0x4: {  	_ = 	snop  }
0x5: {  	_ = 	snop  }
0x6: {  	_ = 	snop  }
0x7: {  	_ = 	snop  }
__scs_overlays_trampoline_lowered:
0x8: {  	[smem:$0x3FAC] =	sst s0  }
0x9: {  	[smem:$0x3FAD] =	sst s1  }
0xa: {  	[smem:$0x3FAE] =	sst s2  }
0xb: {  	[smem:$0x3FAF] =	sst s3  }
0xc: {  	[smem:$0x3FB0] =	sst s4  }
0xd: {  	[smem:$0x3FB1] =	sst s5  }
0xe: {  	[smem:$0x3FB2] =	sst s6  }
0xf: {  	[smem:$0x3FB3] =	sst s7  }
0x10: {  	[smem:$0x3FB4] =	sst s8  }
0x11: {  	[smem:$0x3FB5] =	sst s9;
	s0 =	simm.s32 @!p0 $0x0  }
0x12: {  	s1 =	sld [smem:$0x3F9B];
	s0 =	simm.s32 @p0 $0x1  }
0x13: {  	[smem:$0x3FB6] =	sst s0;
	s0 =	simm.s32 @!p1 $0x0  }
0x14: {  	s2 =	sld [smem:$0x3F9A];
	s0 =	simm.s32 @p1 $0x1  }
0x15: {  	[smem:$0x3FB7] =	sst s0;
	s0 =	simm.s32 @!p2 $0x0  }
0x16: {  	s3 =	sld [smem:$0x3FDB];
	s0 =	simm.s32 @p2 $0x1  }
0x17: {  	s4 =	simm.s32 $0x1BF5;
	[smem:$0x3FB9] =	sst s0  }
0x18: {  	s0 =	sld [smem:$0x3F9C];
	_ =	swait.ge [sflag:s4], $0x0  }
0x19: {  	s7 =	sld [smem:$0x3F9D]  }
0x1a: {  	s8 =	sadd.s32 $0xFFFFE003, lr  }
0x1b: {  	s9 =	sadd.s32 $0xFFFFFEF7, lr;
	s5 =	simm.s32 $0xFFFFFFFF;
	p2 =	slt.u32 s8, $0xFFFFF086  }
0x1c: {  	p1 =	slt.u32 s9, $0xF7A;
	s5 =	simm.s32 @!p2 $0x0  }
0x1d: {  	s5 =	simm.s32 @p1 $0x1;
	p0 =	seq.s32 s7, s2  }
0x1e: {  	s7 =	smul.u32 @!p0 $0xF7A, s2;
	p2 =	seq.s32 @!p0 s5, $0x0  }
0x1f: {  	s9 =	smul.u32 $0xF7A, s1;
	s8 =	simm.s32 @!p0 $0x1BF5;
	p2 =	por !p2, p0  }
0x20: {  	[sflag:s8] =	ssyncset.s32 @!p0 $0xFFFFF086;
	s6 =	sadd.s32 @!p0 s3, s7;
	s7 =	simm.s32 @!p0 $0x108  }
0x21: {  	s3 =	sadd.s32 s3, s9;
	s6 =	sadd.s32 @!p0 $0x88, s6;
	s7 =	simm.s32 @p2 $0x1082  }
0x22: {  	[simem:s7], [sflag:s8] =	dma.local @!p0 [hbm:s6], $0xF7A  }
0x23: {  	s9 =	sor.u32 $0xD0000000, s2;
	s6 =	simm.s32 $0x108;
	_ =	swait.ge @!p0 [sflag:s8], $0x0  }
0x24: {  	s3 =	sadd.s32 $0x88, s3;
	s6 =	simm.s32 @!p1 $0x1082;
	[sflag:s4] =	ssyncset.s32 $0xFFFFF086  }
0x25: {  	[simem:s6], [sflag:s4] =	dma.local [hbm:s3], $0xF7A  }
0x26: {  	[smem:$0x3F9D] =	sst s1;
	(tag) =	ssettag s2;
	_ =	strace s9  }
0x27: {  	s1 =	sld [smem:$0x3FAD]  }
0x28: {  	s2 =	sld [smem:$0x3FAE]  }
0x29: {  	s4 =	sld [smem:$0x3FB0]  }
0x2a: {  	p0 =	seq.s32 s5, $0x0;
	s5 =	sld [smem:$0x3FB1]  }
0x2b: {  	s6 =	sld [smem:$0x3FB2]  }
0x2c: {  	s7 =	sld [smem:$0x3FB3]  }
0x2d: {  	s3 =	simm.s32 $0x108;
	s8 =	sld [smem:$0x3FB4]  }
0x2e: {  	s3 =	simm.s32 @!p0 $0x1082;
	s9 =	sld [smem:$0x3FB5]  }
0x2f: {  	lr =	sadd.s32 s0, s3;
	s0 =	sld [smem:$0x3FAC]  }
0x30: {  	s3 =	sld [smem:$0x3FAF]  }
0x31: {  	[smem:$0x3FB8] =	sst s10  }
0x32: {  	s10 =	sld [smem:$0x3FB6];
	_ =	sdelay $0x3  }
0x33: {  	p0 =	seq.s32 s10, $0x1;
	s10 =	sld [smem:$0x3FB8];
	_ =	sdelay $0x3  }
0x34: {  	[smem:$0x3FB8] =	sst s10  }
0x35: {  	s10 =	sld [smem:$0x3FB7];
	_ =	sdelay $0x3  }
0x36: {  	p1 =	seq.s32 s10, $0x1;
	s10 =	sld [smem:$0x3FB8];
	_ =	sdelay $0x3  }
0x37: {  	[smem:$0x3FB8] =	sst s10  }
0x38: {  	s10 =	sld [smem:$0x3FB9]  }
0x39: {  	_ = 	snop;
	(pc) =	sbr.ind lr, $3  }
0x3a: {  	_ = 	snop  }
0x3b: {  	_ = 	snop  }
0x3c: {  	p2 =	seq.s32 s10, $0x1;
	s10 =	sld [smem:$0x3FB8]  }
0x3d: {  	_ =	shalt  }
0x3e: {  	_ =	shalt  }
0x3f: {  	_ =	shalt  }
0x40: {  	_ =	shalt  }
0x41: {  	_ =	shalt  }
0x42: {  	_ =	shalt  }
0x43: {  	_ =	shalt  }
0x44: {  	_ =	shalt  }
0x45: {  	_ =	shalt  }
0x46: {  	_ =	shalt  }
0x47: {  	_ =	shalt  }
0x48: {  	_ =	shalt  }
0x49: {  	_ =	shalt  }
0x4a: {  	_ =	shalt  }
0x4b: {  	_ =	shalt  }
0x4c: {  	_ =	shalt  }
0x4d: {  	_ =	shalt  }
0x4e: {  	_ =	shalt  }
0x4f: {  	_ =	shalt  }
0x50: {  	_ =	shalt  }
0x51: {  	_ =	shalt  }
0x52: {  	_ =	shalt  }
0x53: {  	_ =	shalt  }
0x54: {  	_ =	shalt  }
0x55: {  	_ =	shalt  }
0x56: {  	_ =	shalt  }
0x57: {  	_ =	shalt  }
0x58: {  	_ =	shalt  }
0x59: {  	_ =	shalt  }
0x5a: {  	_ =	shalt  }
0x5b: {  	_ =	shalt  }
0x5c: {  	_ =	shalt  }
0x5d: {  	_ =	shalt  }
0x5e: {  	_ =	shalt  }
0x5f: {  	_ =	shalt  }
0x60: {  	_ =	shalt  }
0x61: {  	_ =	shalt  }
0x62: {  	_ =	shalt  }
0x63: {  	_ =	shalt  }
0x64: {  	_ =	shalt  }
0x65: {  	_ =	shalt  }
0x66: {  	_ =	shalt  }
0x67: {  	_ =	shalt  }
0x68: {  	_ =	shalt  }
0x69: {  	_ =	shalt  }
0x6a: {  	_ =	shalt  }
0x6b: {  	_ =	shalt  }
0x6c: {  	_ =	shalt  }
0x6d: {  	_ =	shalt  }
0x6e: {  	_ =	shalt  }
0x6f: {  	_ =	shalt  }
0x70: {  	_ =	shalt  }
0x71: {  	_ =	shalt  }
0x72: {  	_ =	shalt  }
0x73: {  	_ =	shalt  }
0x74: {  	_ =	shalt  }
0x75: {  	_ =	shalt  }
0x76: {  	_ =	shalt  }
0x77: {  	_ =	shalt  }
0x78: {  	_ =	shalt  }
0x79: {  	_ =	shalt  }
0x7a: {  	_ =	shalt  }
0x7b: {  	_ =	shalt  }
0x7c: {  	_ =	shalt  }
0x7d: {  	_ =	shalt  }
0x7e: {  	_ =	shalt  }
0x7f: {  	_ =	shalt  }
0x80: {  	_ =	shalt  }
0x81: {  	_ =	shalt  }
0x82: {  	_ =	shalt  }
0x83: {  	_ =	shalt  }
0x84: {  	_ =	shalt  }
0x85: {  	_ =	shalt  }
0x86: {  	_ =	shalt  }
0x87: {  	_ =	shalt  }
.Lfunc_end0:
.L_simem_size_0:
called_computation_lowered:
.L_overlay_start_0:
0x88: {  	s2 =	sld [smem:$0x3FD9]  }
0x89: {  	s3 =	sld [smem:$0x3FFE];
	_ =	sdelay $0x1  }
0x8a: {  	s1 =	srdreg.scid  }
0x8b: {  	s0 =	sand.u32 $0x1, s1  }
0x8c: {  	s12 =	sshll.u32 s0, $0xA;
	s2 =	sadd.s32 s3, s2  }
0x8d: {  	s2 =	sadd.s32 s2, s12  }
0x8e: {  	[smem:$0x3FC4] =	sst s2  }
0x8f: {  	_ = 	snop  }
0x90: {  	(tm) =	ssettm $0x1  }
0x91: {  	s13 =	sld [smem:$0x3FFB];
	_ =	sdelay $0x3  }
0x92: {  	_ =	strace s13  }
0x93: {  	s2 =	sld [smem:$0x3FFC];
	_ =	sdelay $0x3  }
0x94: {  	_ =	strace s2  }
0x95: {  	s2 =	sld [smem:$0x3FFD];
	_ =	sdelay $0x3  }
0x96: {  	_ =	strace s2  }
0x97: {  	_ =	strace $0x8FFFFFFF  }
0x98: {  	s14 =	sld [smem:$0x3FDB];
	_ =	sdelay $0x1  }
0x99: {  	s15 =	simm.s32 $_scs_section_size  }
0x9a: {  	s4 =	simm.s32 $_size__tile_overlayer_lowered;
	s5 =	simm.s32 $_tile_overlayer_lowered  }
0x9b: {  	s19 =	simm.s32 $0x1BFF;
	s17 =	sshll.u32 s5, $0x1;
	s6 =	sadd.s32 s15, s14  }
0x9c: {  	s20 =	simm.s32 $0x0;
	s16 =	sshll.u32 s4, $0x1;
	s18 =	sadd.s32 s17, s6  }
0x9d: {  	[timem:s20], [sflag:s19] =	dma.local [hbm:s18], s16  }
0x9e: {  	_ =	swait.ge [sflag:s19], s16  }
0x9f: {  	s3 =	ssub.s32 $0x0, s16;
	[sflag:s19] =	ssyncset.done $0x0  }
0xa0: {  	[sflag:s19] =	ssyncadd.s32 s3;
	_ =	sdelay $0x1  }
0xa1: {  	s21 =	simm.s32 $0x1B8B  }
0xa2: {  	_ =	swait.ge [sflag:s21], $0x1  }
0xa3: {  	[sflag:s21] =	ssyncset.done $0x0  }
0xa4: {  	[sflag:s21] =	ssyncadd.s32 $0xFFFFFFFF  }
0xa5: {  	s3 =	sld [smem:$0x0]  }
0xa6: {  	s4 =	sand.u32 $0xFFFFFFFE, s1  }
0xa7: {  	p0 =	sne.s32 s1, s4  }
0xa8: {  	s4 =	sshll.u32 @p0 s4, $0xE  }
0xa9: {  	s5 =	sadd.s32 @p0 $0x11B8D, s4;
	s7 =	sshll.u32 @p0 s3, $0x11  }
0xaa: {  	s5 =	sor.u32 @p0 s7, s5  }
0xab: {  	[sflag:s5] =	ssyncadd.remote.s32 @p0 $0x1;
	_ =	sdelay $0x1  }
0xac: {  	s5 =	simm.s32 @p0 $0x1B8D  }
0xad: {  	_ =	swait.eq @p0 [sflag:s5], $0x1  }
0xae: {  	[sflag:s5] =	ssyncadd.s32 @p0 $0xFFFFFFFF  }
0xaf: {  	s7 =	sshll.u32 @!p0 s1, $0xE  }
0xb0: {  	s7 =	sor.u32 @!p0 $0x4000, s7;
	s5 =	simm.s32 @!p0 $0x1B8D  }
0xb1: {  	s9 =	sshll.u32 @!p0 s3, $0x11;
	s8 =	sadd.s32 @!p0 $0x11B8D, s7;
	_ =	swait.eq @!p0 [sflag:s5], $0x1  }
0xb2: {  	[sflag:s5] =	ssyncadd.s32 @!p0 $0xFFFFFFFF;
	s5 =	sor.u32 @!p0 s9, s8  }
0xb3: {  	s23 =	simm.s32 $0x1B8E;
	s22 =	sld [smem:$0x3FFE];
	[sflag:s5] =	ssyncadd.remote.s32 @!p0 $0x1  }
0xb4: {  	s24 =	simm.s32 $execute0_lowered;
	[smem:$0x3FD2] =	sst s23  }
0xb5: {  	s8 =	sshll.u32 s24, $0x1;
	_ =	strace $0x80000055;
	[dreg:$0x1] =	wrdreg $0xFFFFFFFF  }
0xb6: {  	s25 =	simm.s32 $_size_execute0_lowered;
	s8 =	sadd.s32 s6, s8;
	[dreg:$0x0] =	wrdreg $0x0  }
0xb7: {  	s9 =	sshll.u32 s25, $0x1;
	[dreg:$0x2] =	wrdreg s8  }
0xb8: {  	[dreg:$0x3] =	wrdreg s9  }
0xb9: {  	[dreg:$0x4] =	wrdreg $0xC0  }
0xba: {  	s26 =	simm.s32 $execute1_lowered;
	_ =	task [dreg:s20], $0x5FFFF  }
0xbb: {  	s8 =	sshll.u32 s26, $0x1;
	[dreg:$0x1] =	wrdreg $0xFFFFFFFF  }
0xbc: {  	s6 =	sadd.s32 s6, s8;
	[dreg:$0x0] =	wrdreg $0x60  }
0xbd: {  	[dreg:$0x2] =	wrdreg s6  }
0xbe: {  	[dreg:$0x3] =	wrdreg s22  }
0xbf: {  	[dreg:$0x4] =	wrdreg $0xC  }
0xc0: {  	_ =	task.clear_ibuf [dreg:s20], $0x5FFFF;
	_ =	strace $0x90000055  }
0xc1: {  	s28 =	simm.s32 $0xC;
	_ =	strace $0x80000057  }
0xc2: {  	_ =	swait.ge [sflag:s28], $0x1  }
0xc3: {  	[sflag:s28] =	ssyncadd.s32 $0xFFFFFFFF  }
0xc4: {  	_ =	strace $0x90000057  }
0xc5: {  	s6 =	sld [smem:$0x0];
	_ =	sdelay $0x3  }
0xc6: {  	s4 =	sadd.s32 @p0 $0x11BF3, s4;
	s8 =	sshll.u32 @p0 s6, $0x11  }
0xc7: {  	s4 =	sor.u32 @p0 s8, s4  }
0xc8: {  	[sflag:s4] =	ssyncadd.remote.s32 @p0 $0x1;
	_ =	sdelay $0x1  }
0xc9: {  	s4 =	simm.s32 @p0 $0x1BF3  }
0xca: {  	_ =	swait.eq @p0 [sflag:s4], $0x1  }
0xcb: {  	[sflag:s4] =	ssyncadd.s32 @p0 $0xFFFFFFFF;
	_ =	sdelay $0x1  }
0xcc: {  	s4 =	simm.s32 @!p0 $0x1BF3  }
0xcd: {  	s7 =	sadd.s32 @!p0 $0x11BF3, s7;
	s6 =	sshll.u32 @!p0 s6, $0x11;
	_ =	swait.eq @!p0 [sflag:s4], $0x1  }
0xce: {  	[sflag:s4] =	ssyncadd.s32 @!p0 $0xFFFFFFFF;
	s4 =	sor.u32 @!p0 s6, s7  }
0xcf: {  	[sflag:s4] =	ssyncadd.remote.s32 @!p0 $0x1  }
0xd0: {  	_ =	strace $0x80000058;
	[dreg:$0x1] =	wrdreg $0xFFFFFFFF  }
0xd1: {  	[dreg:$0x0] =	wrdreg $0x2030  }
0xd2: {  	[dreg:$0x2] =	wrdreg s22  }
0xd3: {  	[dreg:$0x3] =	wrdreg s1  }
0xd4: {  	[dreg:$0x4] =	wrdreg s3  }
0xd5: {  	[dreg:$0x5] =	wrdreg $0xD  }
0xd6: {  	_ =	task.clear_ibuf [dreg:s20], $0x6FFFF;
	_ =	strace $0x90000058  }
0xd7: {  	s29 =	simm.s32 $0xD;
	_ =	strace $0x8000005A  }
0xd8: {  	_ =	swait.ge [sflag:s29], $0x1  }
0xd9: {  	[sflag:s29] =	ssyncadd.s32 $0xFFFFFFFF  }
0xda: {  	_ =	strace $0x9000005A  }
0xdb: {  	_ =	sfence  }
0xdc: {  	s30 =	sld [smem:$0x0];
	_ =	sdelay $0x2  }
0xdd: {  	s31 =	sshll.u32 s1, $0xD;
	s1 =	sshrl.u32 s1, $0x2  }
0xde: {  	s4 =	sand.u32 $0x4000, s31;
	s1 =	sadd.s32 s1, s30  }
0xdf: {  	s0 =	sor.u32 s4, s0;
	s1 =	sshll.u32 s1, $0x11  }
0xe0: {  	s0 =	sor.u32 s1, s0  }
0xe1: {  	s0 =	sadd.s32 $0x8F2B, s0  }
0xe2: {  	[sflag:s0] =	ssyncadd.remote.s32 $0x1  }
0xe3: {  	_ =	sfence.sel $0xFFFF  }
0xe4: {  	[dreg:$0x0] =	wrdreg $0xFFFFFFFF;
	(pc) =	sbr.abs _section_cstart, $3  }
0xe5: {  	[dreg:$0x1] =	wrdreg $0xFFFFFFFF  }
0xe6: {  	_ =	task.clear_ibuf [dreg:s20], $0x2FFFF;
	_ =	strace $0x9FFFFFFF  }
0xe7: {  	(tm) =	ssettm $0x7FFFFFFF  }
tec
execute0_lowered:
.L_overlay_start_1:
0x0: {  	(tag) =	ssettag $0x1  }
0x1: {  	s2 =	rddreg [dreg:$0x0]  }
0x2: {  	s5 =	rddreg [dreg:$0x1]  }
0x3: {  	s0 =	rddreg [dreg:$0x2];
	s3 =	stileid.u32;
	[bflag:$0x3] =	sbarrier.arrive $0xFFFF  }
0x4: {  	s1 =	simm.s32 $_size_execute1_lowered;
	s29 =	srdreg.scid;
	s31 =	simm.s32 $0x2  }
0x5: {  	s13 =	simm.s32 $0x0;
	s8 =	simm.s32 $0x20;
	p0 =	sne.s32 s3, $0x0  }
0x6: {  	s1 =	sshll.u32 s1, $0x1;
	s4 =	simm.s32 @!p0 $0x1C3F;
	s6 =	simm.s32 @!p0 $0x4060  }
0x7: {  	[timem:s6], [sflag:s4] =	dma.local @!p0 [hbm:s2], s1  }
0x8: {  	s9 =	simm.s32 $0x80;
	s11 =	simm.s32 $0x0;
	s2 =	sshll.u32 s29, $0x9  }
.Ltmp0:
0x9: {  	s3 =	sshll.u32 s3, $0xA;
	s30 =	sand.u32 $0x200, s2;
	(pc) =	sbr.rel .LBB2_1-.Ltmp0, $4  }
0xa: {  	s12 =	simm.s32 $0x0;
	_ =	strace $0x80000056;
	s3 =	sor.u32 s3, s30  }
0xb: {  	s4 =	simm.s32 $0x1;
	s2 =	sadd.s32 $0x27F6800, s5;
	s7 =	ssub.s32 $0xC200, s3  }
0xc: {  	s5 =	sadd.s32 $0xC00, s5;
	[sflag:s4] =	ssyncpa.u1 $0x0;
	s6 =	sshrl.u32 s7, $0xE  }
0xd: {  	[sflag:s31] =	ssyncpa.u1 $0x0;
	s10 =	smov.u32 s3;
	s7 =	sadd.s32 $0x2, s6  }
.LBB2_5:
0xe: {  	_ =	sdelay $0x3  }
0xf: {  	[tilespmem:v1+s16+$0x0 ss:$0x1] =	vst.idx.msk $0xffff, v2  }
.LBB2_6:
0x10: {  	s16 =	sand.u32 $0x1FFFFFF, s11  }
0x11: {  	s17 =	smulhi.u32 $0x14F8B59, s16;
	_ =	sdelay $0x1  }
0x12: {  	s17 =	sshrl.u32 s17, $0x8  }
0x13: {  	s17 =	smul.u32 $0xC350, s17;
	_ =	sdelay $0x1  }
0x14: {  	s16 =	ssub.s32 s16, s17  }
0x15: {  	s16 =	sshll.u32 s16, $0x4  }
0x16: {  	s16 =	sadd.s32 s5, s16  }
0x17: {  	[hbm4b:s16+s8] =	stream.strided.scatter [tilespmem:s15], [sflag:$0x2], s14, s9, s8, $0x38;
	[tilespmem:$0x10000] =	vst v63  }
.LBB2_7:
0x18: {  	p1 =	slt.u32 s12, $0x2  }
0x19: {  	p2 =	sgt.s32 @!p1 s13, $0xC150  }
0x1a: {  	s14 =	smov.u32 s13;
	s15 =	sshra.s32 @!p1 s13, $0x1F;
	p2 =	por !p2, p1  }
0x1b: {  	s13 =	sand.u32 @!p1 s15, s13;
	s14 =	simm.s32 @p2 $0xC150  }
0x1c: {  	s13 =	ssub.s32 @!p1 s14, s13  }
0x1d: {  	s13 =	sadd.s32 @!p1 $0xFFFF3EB0, s13  }
0x1e: {  	s14 =	sshll.u32 @!p1 s13, $0x7  }
0x1f: {  	p2 =	sgt.s32 @!p1 s13, $0x1FF;
	s13 =	ssub.s32 @!p1 $0x10000, s14  }
0x20: {  	s15 =	sadd.s32 $0x4000, s10;
	p2 =	por !p2, p1;
	s13 =	sshrl.u32 @!p1 s13, $0x2  }
0x21: {  	s13 =	simm.s32 @!p2 $0x0;
	p2 =	sgt.s32 s15, $0xC34F  }
0x22: {  	s15 =	smov.u32 @p2 s3;
	p2 =	sne.s32 s12, s7  }
.Ltmp1:
0x23: {  	_ = 	snop;
	(pc) =	sbr.rel @!p2 .LBB2_8-.Ltmp1, $4  }
0x24: {  	s14 =	simm.s32 @!p1 $0x2  }
0x25: {  	_ =	swait.ge @!p1 [sflag:s14], s13;
	s16 =	ssub.s32 @!p1 $0x0, s13  }
0x26: {  	s13 =	smov.u32 s11;
	s12 =	sadd.s32 $0x1, s12;
	[sflag:s14] =	ssyncset.done @!p1 $0x0  }
0x27: {  	s11 =	smov.u32 s10;
	s10 =	smov.u32 s15;
	[sflag:s14] =	ssyncadd.s32 @!p1 s16  }
.LBB2_1:
0x28: {  	p1 =	sgt.u32 s12, s6  }
0x29: {  	s15 =	smov.u32 s10;
	p2 =	sgt.s32 @!p1 s10, $0xC150  }
0x2a: {  	s14 =	sand.u32 @!p1 $0x1FFFFFF, s10;
	s16 =	sshra.s32 @!p1 s10, $0x1F;
	p2 =	por !p2, p1  }
0x2b: {  	s17 =	smulhi.u32 @!p1 $0x14F8B59, s14;
	s16 =	sand.u32 @!p1 s16, s10;
	s15 =	simm.s32 @p2 $0xC150  }
0x2c: {  	s15 =	ssub.s32 @!p1 s15, s16  }
0x2d: {  	s16 =	sshrl.u32 @!p1 s17, $0x8;
	s15 =	sadd.s32 @!p1 $0xFFFF3EB0, s15  }
0x2e: {  	s17 =	sxor.u32 @!p1 $0xFFFFFFFF, s12;
	s16 =	smul.u32 @!p1 $0xC350, s16;
	s18 =	sshll.u32 @!p1 s15, $0x7  }
0x2f: {  	s17 =	sshll.u32 @!p1 s17, $0xE;
	p2 =	sgt.s32 @!p1 s15, $0x1FF;
	s15 =	ssub.s32 @!p1 $0x10000, s18  }
0x30: {  	s14 =	ssub.s32 @!p1 s14, s16;
	p2 =	por !p2, p1;
	s16 =	sand.u32 @!p1 $0x4000, s17  }
0x31: {  	s17 =	simm.s32 @!p1 $0x20;
	s15 =	sshrl.u32 @!p1 s15, $0x2;
	s14 =	sshll.u32 @!p1 s14, $0x4  }
0x32: {  	s18 =	simm.s32 @!p1 $0x80;
	s15 =	simm.s32 @!p2 $0x0;
	s14 =	sadd.s32 @!p1 s2, s14  }
0x33: {  	[tilespmem:s16], [sflag:$0x1] =	stream.strided.gather @!p1 [hbm4b:s14+s17], s15, s18, s17, $0x38;
	[tilespmem:$0x10000] =	vst v63  }
0x34: {  	p1 =	seq.s32 s12, $0x0  }
0x35: {  	p2 =	sge.u32 @!p1 s12, s7  }
0x36: {  	p1 =	por p1, p2  }
.Ltmp2:
0x37: {  	_ = 	snop;
	(pc) =	sbr.rel @p1 .LBB2_7-.Ltmp2, $1  }
0x38: {  	_ =	sdelay $0x3  }
0x39: {  	p1 =	sgt.s32 s11, $0xC150;
	s14 =	smov.u32 s11;
	s15 =	sshra.s32 s11, $0x1F  }
0x3a: {  	s14 =	simm.s32 @!p1 $0xC150;
	s15 =	sand.u32 s15, s11  }
0x3b: {  	s14 =	ssub.s32 s14, s15  }
0x3c: {  	s14 =	sadd.s32 $0xFFFF3EB0, s14  }
0x3d: {  	s31 =	sshll.u32 s14, $0x7  }
0x3e: {  	s15 =	ssub.s32 $0x10000, s31  }
0x3f: {  	p1 =	sgt.s32 s14, $0x1FF;
	s14 =	sshrl.u32 s15, $0x2;
	s15 =	sadd.s32 $0x200, s11  }
0x40: {  	s14 =	simm.s32 @p1 $0x0;
	p1 =	slt.s32 s15, $0xC350  }
0x41: {  	s15 =	simm.s32 @!p1 $0xC350  }
0x42: {  	s17 =	ssub.s32 s15, s11  }
0x43: {  	p1 =	slt.s32 s17, $0x1  }
.Ltmp3:
0x44: {  	_ = 	snop;
	(pc) =	sbr.rel @p1 .LBB2_6-.Ltmp3, $4  }
0x45: {  	_ = 	snop  }
0x46: {  	s16 =	sshll.u32 s12, $0xE;
	_ =	swait.ge [sflag:s4], s14  }
0x47: {  	s16 =	sand.u32 $0x4000, s16;
	s18 =	ssub.s32 $0x0, s14;
	[sflag:s4] =	ssyncset.done $0x0  }
0x48: {  	s15 =	sor.u32 $0x8000, s16;
	[sflag:s4] =	ssyncadd.s32 s18  }
0x49: {  	v0 =	vmov s16;
	_ =	sdelay $0x2  }
0x4a: {  	s31 =	simm.s32 $0x0;
	p1 =	sne.s32 s17, $0x1  }
.Ltmp4:
0x4b: {  	s16 =	sand.u32 $0x3FE0, s31;
	(pc) =	sbr.rel @!p1 .LBB2_5-.Ltmp4, $2  }
0x4c: {  	v1 =	vmov s15;
	v2 =	vld.idx.msk [tilespmem:v0+s16+$0x0 ss:$0x1], $0xffff;
	_ =	sdelay $0x2  }
0x4d: {  	s17 =	sadd.s32 $0xFFFFFFFF, s17;
	s18 =	simm.s32 $0x20  }
.LBB2_4:
0x4e: {  	s19 =	sand.u32 $0x3FE0, s18;
	p1 =	sne.s32 s17, $0x1;
	s17 =	sadd.s32 $0xFFFFFFFF, s17  }
.Ltmp5:
0x4f: {  	[tilespmem:v1+s16+$0x0 ss:$0x1] =	vst.idx.msk $0xffff, v2;
	v2 =	vld.idx.msk [tilespmem:v0+s19+$0x0 ss:$0x1], $0xffff;
	s16 =	smov.u32 s19;
	(pc) =	sbr.rel @p1 .LBB2_4-.Ltmp5, $2  }
0x50: {  	_ =	sdelay $0x2  }
0x51: {  	s18 =	sadd.s32 $0x20, s18  }
.Ltmp6:
0x52: {  	_ = 	snop;
	(pc) =	sbr.rel .LBB2_5-.Ltmp6, $1  }
0x53: {  	_ =	sdelay $0x3  }
.LBB2_8:
0x54: {  	_ =	sfence.sel $0x180000  }
0x55: {  	s2 =	simm.s32 $0x1;
	[bflag:$0x0] =	sbarrier.arrive $0xFFFF  }
0x56: {  	s31 =	simm.s32 $0x2;
	[sflag:s2] =	ssyncpa.u1 $0x1  }
0x57: {  	[sflag:s31] =	ssyncpa.u1 $0x1  }
0x58: {  	_ =	strace $0x90000056  }
0x59: {  	s0 =	sadd.s32 @!p0 $0x100000, s0;
	[bflag:$0x2] =	sbarrier.arrive $0xFFFF  }
0x5a: {  	[sflag:s0] =	ssyncadd.tile.s32 @!p0 $0x1;
	s0 =	simm.s32 @!p0 $0x3F  }
0x5b: {  	_ =	swait.ge @!p0 [sflag:s0], s1  }
0x5c: {  	s1 =	ssub.s32 @!p0 $0x0, s1;
	[sflag:s0] =	ssyncset.done @!p0 $0x0  }
0x5d: {  	[sflag:s0] =	ssyncadd.s32 @!p0 s1  }
0x5e: {  	[bflag:$0x3] =	sbarrier.arrive $0xFFFF  }
0x5f: {  	_ =	shalt  }
.Lfunc_end2:
execute1_lowered:
.L_overlay_start_2:
0x60: {  	(tag) =	ssettag $0x2  }
0x61: {  	s11 =	rddreg [dreg:$0x0]  }
0x62: {  	s2 =	rddreg [dreg:$0x1];
	_ =	strace $0x80000059;
	s12 =	simm.s32 $0x1  }
0x63: {  	v0 =	vimm.s32 $0x0;
	[sflag:s12] =	ssyncpa.u1 $0x0  }
0x64: {  	[tilespmem:$0x28] =	vst v0  }
0x65: {  	[tilespmem:$0x38] =	vst v0  }
0x66: {  	[tilespmem:$0x48] =	vst v0  }
0x67: {  	[tilespmem:$0x58] =	vst v0  }
0x68: {  	[tilespmem:$0x68] =	vst v0  }
0x69: {  	[tilespmem:$0x78] =	vst v0  }
0x6a: {  	[tilespmem:$0x88] =	vst v0  }
0x6b: {  	[tilespmem:$0x98] =	vst v0  }
0x6c: {  	[tilespmem:$0xA8] =	vst v0  }
0x6d: {  	[tilespmem:$0xB8] =	vst v0  }
0x6e: {  	[tilespmem:$0xC8] =	vst v0  }
0x6f: {  	[tilespmem:$0xD8] =	vst v0  }
0x70: {  	[tilespmem:$0xE8] =	vst v0  }
0x71: {  	[tilespmem:$0xF8] =	vst v0  }
0x72: {  	[tilespmem:$0x108] =	vst v0  }
0x73: {  	[tilespmem:$0x118] =	vst v0  }
0x74: {  	[tilespmem:$0x128] =	vst v0  }
0x75: {  	[tilespmem:$0x138] =	vst v0  }
0x76: {  	[tilespmem:$0x148] =	vst v0  }
0x77: {  	[tilespmem:$0x158] =	vst v0  }
0x78: {  	[tilespmem:$0x168] =	vst v0  }
0x79: {  	[tilespmem:$0x178] =	vst v0  }
0x7a: {  	[tilespmem:$0x188] =	vst v0  }
0x7b: {  	[tilespmem:$0x198] =	vst v0  }
0x7c: {  	[tilespmem:$0x1A8] =	vst v0  }
0x7d: {  	[tilespmem:$0x1B8] =	vst v0  }
0x7e: {  	[tilespmem:$0x1C8] =	vst v0  }
0x7f: {  	[tilespmem:$0x1D8] =	vst v0  }
0x80: {  	[tilespmem:$0x1E8] =	vst v0  }
0x81: {  	[tilespmem:$0x1F8] =	vst v0  }
0x82: {  	[tilespmem:$0x208] =	vst v0  }
0x83: {  	[tilespmem:$0x218] =	vst v0  }
0x84: {  	[tilespmem:$0x228] =	vst v0  }
0x85: {  	[tilespmem:$0x238] =	vst v0  }
0x86: {  	[tilespmem:$0x248] =	vst v0  }
0x87: {  	[tilespmem:$0x258] =	vst v0  }
0x88: {  	[tilespmem:$0x268] =	vst v0  }
0x89: {  	[tilespmem:$0x278] =	vst v0  }
0x8a: {  	[tilespmem:$0x288] =	vst v0  }
0x8b: {  	[tilespmem:$0x298] =	vst v0  }
0x8c: {  	[tilespmem:$0x2A8] =	vst v0  }
0x8d: {  	[tilespmem:$0x2B8] =	vst v0  }
0x8e: {  	[tilespmem:$0x2C8] =	vst v0  }
0x8f: {  	[tilespmem:$0x2D8] =	vst v0  }
0x90: {  	[tilespmem:$0x2E8] =	vst v0  }
0x91: {  	[tilespmem:$0x2F8] =	vst v0  }
0x92: {  	[tilespmem:$0x308] =	vst v0  }
0x93: {  	[tilespmem:$0x318] =	vst v0  }
0x94: {  	[tilespmem:$0x328] =	vst v0  }
0x95: {  	[tilespmem:$0x338] =	vst v0  }
0x96: {  	[tilespmem:$0x348] =	vst v0  }
0x97: {  	[tilespmem:$0x358] =	vst v0  }
0x98: {  	[tilespmem:$0x368] =	vst v0  }
0x99: {  	[tilespmem:$0x378] =	vst v0  }
0x9a: {  	[tilespmem:$0x388] =	vst v0  }
0x9b: {  	[tilespmem:$0x398] =	vst v0  }
0x9c: {  	[tilespmem:$0x3A8] =	vst v0  }
0x9d: {  	[tilespmem:$0x3B8] =	vst v0  }
0x9e: {  	[tilespmem:$0x3C8] =	vst v0  }
0x9f: {  	[tilespmem:$0x3D8] =	vst v0  }
0xa0: {  	[tilespmem:$0x3E8] =	vst v0  }
0xa1: {  	[tilespmem:$0x3F8] =	vst v0  }
0xa2: {  	[tilespmem:$0x408] =	vst v0  }
0xa3: {  	[tilespmem:$0x418] =	vst v0  }
0xa4: {  	[tilespmem:$0x428] =	vst v0  }
0xa5: {  	[tilespmem:$0x438] =	vst v0  }
0xa6: {  	[tilespmem:$0x448] =	vst v0  }
0xa7: {  	[tilespmem:$0x458] =	vst v0  }
0xa8: {  	[tilespmem:$0x468] =	vst v0  }
0xa9: {  	[tilespmem:$0x478] =	vst v0  }
0xaa: {  	[tilespmem:$0x488] =	vst v0  }
0xab: {  	[tilespmem:$0x498] =	vst v0  }
0xac: {  	[tilespmem:$0x4A8] =	vst v0  }
0xad: {  	[tilespmem:$0x4B8] =	vst v0  }
0xae: {  	[tilespmem:$0x4C8] =	vst v0  }
0xaf: {  	[tilespmem:$0x4D8] =	vst v0  }
0xb0: {  	[tilespmem:$0x4E8] =	vst v0  }
0xb1: {  	[tilespmem:$0x4F8] =	vst v0  }
0xb2: {  	[tilespmem:$0x508] =	vst v0  }
0xb3: {  	[tilespmem:$0x518] =	vst v0  }
0xb4: {  	[tilespmem:$0x528] =	vst v0  }
0xb5: {  	[tilespmem:$0x538] =	vst v0  }
0xb6: {  	[tilespmem:$0x548] =	vst v0  }
0xb7: {  	[tilespmem:$0x558] =	vst v0  }
0xb8: {  	[tilespmem:$0x568] =	vst v0  }
0xb9: {  	[tilespmem:$0x578] =	vst v0  }
0xba: {  	[tilespmem:$0x588] =	vst v0  }
0xbb: {  	[tilespmem:$0x598] =	vst v0  }
0xbc: {  	[tilespmem:$0x5A8] =	vst v0  }
0xbd: {  	[tilespmem:$0x5B8] =	vst v0  }
0xbe: {  	[tilespmem:$0x5C8] =	vst v0  }
0xbf: {  	[tilespmem:$0x5D8] =	vst v0  }
0xc0: {  	[tilespmem:$0x5E8] =	vst v0  }
0xc1: {  	[tilespmem:$0x5F8] =	vst v0  }
0xc2: {  	[tilespmem:$0x608] =	vst v0  }
0xc3: {  	[tilespmem:$0x618] =	vst v0  }
0xc4: {  	[tilespmem:$0x628] =	vst v0  }
0xc5: {  	[tilespmem:$0x638] =	vst v0  }
0xc6: {  	[tilespmem:$0x648] =	vst v0  }
0xc7: {  	[tilespmem:$0x658] =	vst v0  }
0xc8: {  	[tilespmem:$0x668] =	vst v0  }
0xc9: {  	[tilespmem:$0x678] =	vst v0  }
0xca: {  	[tilespmem:$0x688] =	vst v0  }
0xcb: {  	[tilespmem:$0x698] =	vst v0  }
0xcc: {  	[tilespmem:$0x6A8] =	vst v0  }
0xcd: {  	[tilespmem:$0x6B8] =	vst v0  }
0xce: {  	[tilespmem:$0x6C8] =	vst v0  }
0xcf: {  	[tilespmem:$0x6D8] =	vst v0  }
0xd0: {  	[tilespmem:$0x6E8] =	vst v0  }
0xd1: {  	[tilespmem:$0x6F8] =	vst v0  }
0xd2: {  	[tilespmem:$0x708] =	vst v0  }
0xd3: {  	[tilespmem:$0x718] =	vst v0  }
0xd4: {  	[tilespmem:$0x728] =	vst v0  }
0xd5: {  	[tilespmem:$0x738] =	vst v0  }
0xd6: {  	[tilespmem:$0x748] =	vst v0  }
0xd7: {  	[tilespmem:$0x758] =	vst v0  }
0xd8: {  	[tilespmem:$0x768] =	vst v0  }
0xd9: {  	[tilespmem:$0x778] =	vst v0  }
0xda: {  	[tilespmem:$0x788] =	vst v0  }
0xdb: {  	[tilespmem:$0x798] =	vst v0  }
0xdc: {  	[tilespmem:$0x7A8] =	vst v0  }
0xdd: {  	[tilespmem:$0x7B8] =	vst v0  }
0xde: {  	[tilespmem:$0x7C8] =	vst v0  }
0xdf: {  	[tilespmem:$0x7D8] =	vst v0  }
0xe0: {  	[tilespmem:$0x7E8] =	vst v0  }
0xe1: {  	[tilespmem:$0x7F8] =	vst v0  }
0xe2: {  	[tilespmem:$0x808] =	vst v0  }
0xe3: {  	[tilespmem:$0x818] =	vst v0  }
0xe4: {  	[tilespmem:$0x828] =	vst v0  }
0xe5: {  	[tilespmem:$0x838] =	vst v0  }
0xe6: {  	[tilespmem:$0x848] =	vst v0  }
0xe7: {  	[tilespmem:$0x858] =	vst v0  }
0xe8: {  	[tilespmem:$0x868] =	vst v0  }
0xe9: {  	[tilespmem:$0x878] =	vst v0  }
0xea: {  	[tilespmem:$0x888] =	vst v0  }
0xeb: {  	[tilespmem:$0x898] =	vst v0  }
0xec: {  	[tilespmem:$0x8A8] =	vst v0  }
0xed: {  	[tilespmem:$0x8B8] =	vst v0  }
0xee: {  	[tilespmem:$0x8C8] =	vst v0  }
0xef: {  	[tilespmem:$0x8D8] =	vst v0  }
0xf0: {  	[tilespmem:$0x8E8] =	vst v0  }
0xf1: {  	[tilespmem:$0x8F8] =	vst v0  }
0xf2: {  	[tilespmem:$0x908] =	vst v0  }
0xf3: {  	[tilespmem:$0x918] =	vst v0  }
0xf4: {  	[tilespmem:$0x928] =	vst v0  }
0xf5: {  	[tilespmem:$0x938] =	vst v0  }
0xf6: {  	[tilespmem:$0x948] =	vst v0  }
0xf7: {  	[tilespmem:$0x958] =	vst v0  }
0xf8: {  	[tilespmem:$0x968] =	vst v0  }
0xf9: {  	[tilespmem:$0x978] =	vst v0  }
0xfa: {  	[tilespmem:$0x988] =	vst v0  }
0xfb: {  	[tilespmem:$0x998] =	vst v0  }
0xfc: {  	[tilespmem:$0x9A8] =	vst v0  }
0xfd: {  	[tilespmem:$0x9B8] =	vst v0  }
0xfe: {  	[tilespmem:$0x9C8] =	vst v0  }
0xff: {  	[tilespmem:$0x9D8] =	vst v0  }
0x100: {  	[tilespmem:$0x9E8] =	vst v0  }
0x101: {  	[tilespmem:$0x9F8] =	vst v0  }
0x102: {  	[tilespmem:$0xA08] =	vst v0  }
0x103: {  	[tilespmem:$0xA18] =	vst v0  }
0x104: {  	[tilespmem:$0xA28] =	vst v0  }
0x105: {  	[tilespmem:$0xA38] =	vst v0  }
0x106: {  	[tilespmem:$0xA48] =	vst v0  }
0x107: {  	[tilespmem:$0xA58] =	vst v0  }
0x108: {  	[tilespmem:$0xA68] =	vst v0  }
0x109: {  	[tilespmem:$0xA78] =	vst v0  }
0x10a: {  	[tilespmem:$0xA88] =	vst v0  }
0x10b: {  	[tilespmem:$0xA98] =	vst v0  }
0x10c: {  	[tilespmem:$0xAA8] =	vst v0  }
0x10d: {  	[tilespmem:$0xAB8] =	vst v0  }
0x10e: {  	[tilespmem:$0xAC8] =	vst v0  }
0x10f: {  	[tilespmem:$0xAD8] =	vst v0  }
0x110: {  	[tilespmem:$0xAE8] =	vst v0  }
0x111: {  	[tilespmem:$0xAF8] =	vst v0  }
0x112: {  	[tilespmem:$0xB08] =	vst v0  }
0x113: {  	[tilespmem:$0xB18] =	vst v0  }
0x114: {  	[tilespmem:$0xB28] =	vst v0  }
0x115: {  	[tilespmem:$0xB38] =	vst v0  }
0x116: {  	[tilespmem:$0xB48] =	vst v0  }
0x117: {  	[tilespmem:$0xB58] =	vst v0  }
0x118: {  	[tilespmem:$0xB68] =	vst v0  }
0x119: {  	[tilespmem:$0xB78] =	vst v0  }
0x11a: {  	[tilespmem:$0xB88] =	vst v0  }
0x11b: {  	[tilespmem:$0xB98] =	vst v0  }
0x11c: {  	[tilespmem:$0xBA8] =	vst v0  }
0x11d: {  	[tilespmem:$0xBB8] =	vst v0  }
0x11e: {  	[tilespmem:$0xBC8] =	vst v0  }
0x11f: {  	[tilespmem:$0xBD8] =	vst v0  }
0x120: {  	[tilespmem:$0xBE8] =	vst v0  }
0x121: {  	[tilespmem:$0xBF8] =	vst v0  }
0x122: {  	[tilespmem:$0xC08] =	vst v0  }
0x123: {  	[tilespmem:$0xC18] =	vst v0  }
0x124: {  	[tilespmem:$0xC28] =	vst v0  }
0x125: {  	[tilespmem:$0xC38] =	vst v0  }
0x126: {  	[tilespmem:$0xC48] =	vst v0  }
0x127: {  	[tilespmem:$0xC58] =	vst v0  }
0x128: {  	[tilespmem:$0xC68] =	vst v0  }
0x129: {  	[tilespmem:$0xC78] =	vst v0  }
0x12a: {  	[tilespmem:$0xC88] =	vst v0  }
0x12b: {  	[tilespmem:$0xC98] =	vst v0  }
0x12c: {  	[tilespmem:$0xCA8] =	vst v0  }
0x12d: {  	[tilespmem:$0xCB8] =	vst v0  }
0x12e: {  	[tilespmem:$0xCC8] =	vst v0  }
0x12f: {  	[tilespmem:$0xCD8] =	vst v0  }
0x130: {  	[tilespmem:$0xCE8] =	vst v0  }
0x131: {  	[tilespmem:$0xCF8] =	vst v0  }
0x132: {  	[tilespmem:$0xD08] =	vst v0  }
0x133: {  	[tilespmem:$0xD18] =	vst v0  }
0x134: {  	[tilespmem:$0xD28] =	vst v0  }
0x135: {  	[tilespmem:$0xD38] =	vst v0  }
0x136: {  	[tilespmem:$0xD48] =	vst v0  }
0x137: {  	[tilespmem:$0xD58] =	vst v0  }
0x138: {  	[tilespmem:$0xD68] =	vst v0  }
0x139: {  	[tilespmem:$0xD78] =	vst v0  }
0x13a: {  	[tilespmem:$0xD88] =	vst v0  }
0x13b: {  	[tilespmem:$0xD98] =	vst v0  }
0x13c: {  	[tilespmem:$0xDA8] =	vst v0  }
0x13d: {  	[tilespmem:$0xDB8] =	vst v0  }
0x13e: {  	[tilespmem:$0xDC8] =	vst v0  }
0x13f: {  	[tilespmem:$0xDD8] =	vst v0  }
0x140: {  	[tilespmem:$0xDE8] =	vst v0  }
0x141: {  	[tilespmem:$0xDF8] =	vst v0  }
0x142: {  	[tilespmem:$0xE08] =	vst v0  }
0x143: {  	[tilespmem:$0xE18] =	vst v0  }
0x144: {  	[tilespmem:$0xE28] =	vst v0  }
0x145: {  	[tilespmem:$0xE38] =	vst v0  }
0x146: {  	[tilespmem:$0xE48] =	vst v0  }
0x147: {  	[tilespmem:$0xE58] =	vst v0  }
0x148: {  	[tilespmem:$0xE68] =	vst v0  }
0x149: {  	[tilespmem:$0xE78] =	vst v0  }
0x14a: {  	[tilespmem:$0xE88] =	vst v0  }
0x14b: {  	[tilespmem:$0xE98] =	vst v0  }
0x14c: {  	[tilespmem:$0xEA8] =	vst v0  }
0x14d: {  	[tilespmem:$0xEB8] =	vst v0  }
0x14e: {  	[tilespmem:$0xEC8] =	vst v0  }
0x14f: {  	[tilespmem:$0xED8] =	vst v0  }
0x150: {  	[tilespmem:$0xEE8] =	vst v0  }
0x151: {  	[tilespmem:$0xEF8] =	vst v0  }
0x152: {  	[tilespmem:$0xF08] =	vst v0  }
0x153: {  	[tilespmem:$0xF18] =	vst v0  }
0x154: {  	[tilespmem:$0xF28] =	vst v0  }
0x155: {  	[tilespmem:$0xF38] =	vst v0  }
0x156: {  	[tilespmem:$0xF48] =	vst v0  }
0x157: {  	[tilespmem:$0xF58] =	vst v0  }
0x158: {  	[tilespmem:$0xF68] =	vst v0  }
0x159: {  	[tilespmem:$0xF78] =	vst v0  }
0x15a: {  	[tilespmem:$0xF88] =	vst v0  }
0x15b: {  	[tilespmem:$0xF98] =	vst v0  }
0x15c: {  	[tilespmem:$0xFA8] =	vst v0  }
0x15d: {  	[tilespmem:$0xFB8] =	vst v0  }
0x15e: {  	[tilespmem:$0xFC8] =	vst v0  }
0x15f: {  	[tilespmem:$0xFD8] =	vst v0  }
0x160: {  	[tilespmem:$0xFE8] =	vst v0  }
0x161: {  	[tilespmem:$0xFF8] =	vst v0  }
0x162: {  	[tilespmem:$0x1028] =	vst v0  }
0x163: {  	[tilespmem:$0x10E8] =	vst v0  }
0x164: {  	[tilespmem:$0x1068] =	vst v0  }
0x165: {  	[tilespmem:$0x1B28] =	vst v0  }
0x166: {  	[tilespmem:$0x1B18] =	vst v0  }
0x167: {  	[tilespmem:$0x1B08] =	vst v0  }
0x168: {  	[tilespmem:$0x1AF8] =	vst v0  }
0x169: {  	[tilespmem:$0x1AE8] =	vst v0  }
0x16a: {  	[tilespmem:$0x1AD8] =	vst v0  }
0x16b: {  	[tilespmem:$0x1AC8] =	vst v0  }
0x16c: {  	[tilespmem:$0x1AB8] =	vst v0  }
0x16d: {  	[tilespmem:$0x1AA8] =	vst v0  }
0x16e: {  	[tilespmem:$0x1A98] =	vst v0  }
0x16f: {  	[tilespmem:$0x1A88] =	vst v0  }
0x170: {  	[tilespmem:$0x1A78] =	vst v0  }
0x171: {  	[tilespmem:$0x1A68] =	vst v0  }
0x172: {  	[tilespmem:$0x1A58] =	vst v0  }
0x173: {  	[tilespmem:$0x1A48] =	vst v0  }
0x174: {  	[tilespmem:$0x1A38] =	vst v0  }
0x175: {  	[tilespmem:$0x1A28] =	vst v0  }
0x176: {  	[tilespmem:$0x1A18] =	vst v0  }
0x177: {  	[tilespmem:$0x1A08] =	vst v0  }
0x178: {  	[tilespmem:$0x19F8] =	vst v0  }
0x179: {  	[tilespmem:$0x19E8] =	vst v0  }
0x17a: {  	[tilespmem:$0x19D8] =	vst v0  }
0x17b: {  	[tilespmem:$0x19C8] =	vst v0  }
0x17c: {  	[tilespmem:$0x19B8] =	vst v0  }
0x17d: {  	[tilespmem:$0x19A8] =	vst v0  }
0x17e: {  	[tilespmem:$0x1998] =	vst v0  }
0x17f: {  	[tilespmem:$0x1988] =	vst v0  }
0x180: {  	[tilespmem:$0x1978] =	vst v0  }
0x181: {  	[tilespmem:$0x1968] =	vst v0  }
0x182: {  	[tilespmem:$0x1958] =	vst v0  }
0x183: {  	[tilespmem:$0x1948] =	vst v0  }
0x184: {  	[tilespmem:$0x1938] =	vst v0  }
0x185: {  	[tilespmem:$0x1928] =	vst v0  }
0x186: {  	[tilespmem:$0x1918] =	vst v0  }
0x187: {  	[tilespmem:$0x1908] =	vst v0  }
0x188: {  	[tilespmem:$0x18F8] =	vst v0  }
0x189: {  	[tilespmem:$0x18E8] =	vst v0  }
0x18a: {  	[tilespmem:$0x18D8] =	vst v0  }
0x18b: {  	[tilespmem:$0x18C8] =	vst v0  }
0x18c: {  	[tilespmem:$0x18B8] =	vst v0  }
0x18d: {  	[tilespmem:$0x18A8] =	vst v0  }
0x18e: {  	[tilespmem:$0x1898] =	vst v0  }
0x18f: {  	[tilespmem:$0x1888] =	vst v0  }
0x190: {  	[tilespmem:$0x1878] =	vst v0  }
0x191: {  	[tilespmem:$0x1868] =	vst v0  }
0x192: {  	[tilespmem:$0x1858] =	vst v0  }
0x193: {  	[tilespmem:$0x1848] =	vst v0  }
0x194: {  	[tilespmem:$0x1838] =	vst v0  }
0x195: {  	[tilespmem:$0x1828] =	vst v0  }
0x196: {  	[tilespmem:$0x1818] =	vst v0  }
0x197: {  	[tilespmem:$0x1808] =	vst v0  }
0x198: {  	[tilespmem:$0x17F8] =	vst v0  }
0x199: {  	[tilespmem:$0x17E8] =	vst v0  }
0x19a: {  	[tilespmem:$0x17D8] =	vst v0  }
0x19b: {  	[tilespmem:$0x17C8] =	vst v0  }
0x19c: {  	[tilespmem:$0x17B8] =	vst v0  }
0x19d: {  	[tilespmem:$0x17A8] =	vst v0  }
0x19e: {  	[tilespmem:$0x1798] =	vst v0  }
0x19f: {  	[tilespmem:$0x1788] =	vst v0  }
0x1a0: {  	[tilespmem:$0x1778] =	vst v0  }
0x1a1: {  	[tilespmem:$0x1768] =	vst v0  }
0x1a2: {  	[tilespmem:$0x1758] =	vst v0  }
0x1a3: {  	[tilespmem:$0x1748] =	vst v0  }
0x1a4: {  	[tilespmem:$0x1738] =	vst v0  }
0x1a5: {  	[tilespmem:$0x1728] =	vst v0  }
0x1a6: {  	[tilespmem:$0x1718] =	vst v0  }
0x1a7: {  	[tilespmem:$0x1708] =	vst v0  }
0x1a8: {  	[tilespmem:$0x16F8] =	vst v0  }
0x1a9: {  	[tilespmem:$0x16E8] =	vst v0  }
0x1aa: {  	[tilespmem:$0x16D8] =	vst v0  }
0x1ab: {  	[tilespmem:$0x16C8] =	vst v0  }
0x1ac: {  	[tilespmem:$0x16B8] =	vst v0  }
0x1ad: {  	[tilespmem:$0x16A8] =	vst v0  }
0x1ae: {  	[tilespmem:$0x1698] =	vst v0  }
0x1af: {  	[tilespmem:$0x1688] =	vst v0  }
0x1b0: {  	[tilespmem:$0x1678] =	vst v0  }
0x1b1: {  	[tilespmem:$0x1668] =	vst v0  }
0x1b2: {  	[tilespmem:$0x1658] =	vst v0  }
0x1b3: {  	[tilespmem:$0x1648] =	vst v0  }
0x1b4: {  	[tilespmem:$0x1638] =	vst v0  }
0x1b5: {  	[tilespmem:$0x1628] =	vst v0  }
0x1b6: {  	[tilespmem:$0x1618] =	vst v0  }
0x1b7: {  	[tilespmem:$0x1608] =	vst v0  }
0x1b8: {  	[tilespmem:$0x15F8] =	vst v0  }
0x1b9: {  	[tilespmem:$0x15E8] =	vst v0  }
0x1ba: {  	[tilespmem:$0x15D8] =	vst v0  }
0x1bb: {  	[tilespmem:$0x15C8] =	vst v0  }
0x1bc: {  	[tilespmem:$0x15B8] =	vst v0  }
0x1bd: {  	[tilespmem:$0x15A8] =	vst v0  }
0x1be: {  	[tilespmem:$0x1598] =	vst v0  }
0x1bf: {  	[tilespmem:$0x1588] =	vst v0  }
0x1c0: {  	[tilespmem:$0x1578] =	vst v0  }
0x1c1: {  	[tilespmem:$0x1568] =	vst v0  }
0x1c2: {  	[tilespmem:$0x1558] =	vst v0  }
0x1c3: {  	[tilespmem:$0x1548] =	vst v0  }
0x1c4: {  	[tilespmem:$0x1538] =	vst v0  }
0x1c5: {  	[tilespmem:$0x1528] =	vst v0  }
0x1c6: {  	[tilespmem:$0x1518] =	vst v0  }
0x1c7: {  	[tilespmem:$0x1508] =	vst v0  }
0x1c8: {  	[tilespmem:$0x14F8] =	vst v0  }
0x1c9: {  	[tilespmem:$0x14E8] =	vst v0  }
0x1ca: {  	[tilespmem:$0x14D8] =	vst v0  }
0x1cb: {  	[tilespmem:$0x14C8] =	vst v0  }
0x1cc: {  	[tilespmem:$0x14B8] =	vst v0  }
0x1cd: {  	[tilespmem:$0x14A8] =	vst v0  }
0x1ce: {  	[tilespmem:$0x1498] =	vst v0  }
0x1cf: {  	[tilespmem:$0x1488] =	vst v0  }
0x1d0: {  	[tilespmem:$0x1478] =	vst v0  }
0x1d1: {  	[tilespmem:$0x1468] =	vst v0  }
0x1d2: {  	[tilespmem:$0x1458] =	vst v0  }
0x1d3: {  	[tilespmem:$0x1448] =	vst v0  }
0x1d4: {  	[tilespmem:$0x1438] =	vst v0  }
0x1d5: {  	[tilespmem:$0x1428] =	vst v0  }
0x1d6: {  	[tilespmem:$0x1418] =	vst v0  }
0x1d7: {  	[tilespmem:$0x1408] =	vst v0  }
0x1d8: {  	[tilespmem:$0x13F8] =	vst v0  }
0x1d9: {  	[tilespmem:$0x13E8] =	vst v0  }
0x1da: {  	[tilespmem:$0x13D8] =	vst v0  }
0x1db: {  	[tilespmem:$0x13C8] =	vst v0  }
0x1dc: {  	[tilespmem:$0x13B8] =	vst v0  }
0x1dd: {  	[tilespmem:$0x13A8] =	vst v0  }
0x1de: {  	[tilespmem:$0x1398] =	vst v0  }
0x1df: {  	[tilespmem:$0x1388] =	vst v0  }
0x1e0: {  	[tilespmem:$0x1378] =	vst v0  }
0x1e1: {  	[tilespmem:$0x1368] =	vst v0  }
0x1e2: {  	[tilespmem:$0x1358] =	vst v0  }
0x1e3: {  	[tilespmem:$0x1348] =	vst v0  }
0x1e4: {  	[tilespmem:$0x1338] =	vst v0  }
0x1e5: {  	[tilespmem:$0x1328] =	vst v0  }
0x1e6: {  	[tilespmem:$0x1318] =	vst v0  }
0x1e7: {  	[tilespmem:$0x1308] =	vst v0  }
0x1e8: {  	[tilespmem:$0x12F8] =	vst v0  }
0x1e9: {  	[tilespmem:$0x12E8] =	vst v0  }
0x1ea: {  	[tilespmem:$0x12D8] =	vst v0  }
0x1eb: {  	[tilespmem:$0x12C8] =	vst v0  }
0x1ec: {  	[tilespmem:$0x12B8] =	vst v0  }
0x1ed: {  	[tilespmem:$0x12A8] =	vst v0  }
0x1ee: {  	[tilespmem:$0x1298] =	vst v0  }
0x1ef: {  	[tilespmem:$0x1288] =	vst v0  }
0x1f0: {  	[tilespmem:$0x1278] =	vst v0  }
0x1f1: {  	[tilespmem:$0x1268] =	vst v0  }
0x1f2: {  	[tilespmem:$0x1258] =	vst v0  }
0x1f3: {  	[tilespmem:$0x1248] =	vst v0  }
0x1f4: {  	[tilespmem:$0x1238] =	vst v0  }
0x1f5: {  	[tilespmem:$0x1228] =	vst v0  }
0x1f6: {  	[tilespmem:$0x1218] =	vst v0  }
0x1f7: {  	[tilespmem:$0x1208] =	vst v0  }
0x1f8: {  	[tilespmem:$0x11F8] =	vst v0  }
0x1f9: {  	[tilespmem:$0x11E8] =	vst v0  }
0x1fa: {  	[tilespmem:$0x11D8] =	vst v0  }
0x1fb: {  	[tilespmem:$0x11C8] =	vst v0  }
0x1fc: {  	[tilespmem:$0x11B8] =	vst v0  }
0x1fd: {  	[tilespmem:$0x11A8] =	vst v0  }
0x1fe: {  	[tilespmem:$0x1198] =	vst v0  }
0x1ff: {  	[tilespmem:$0x1188] =	vst v0  }
0x200: {  	[tilespmem:$0x1178] =	vst v0  }
0x201: {  	[tilespmem:$0x1168] =	vst v0  }
0x202: {  	[tilespmem:$0x1158] =	vst v0  }
0x203: {  	[tilespmem:$0x1148] =	vst v0  }
0x204: {  	[tilespmem:$0x1138] =	vst v0  }
0x205: {  	[tilespmem:$0x1128] =	vst v0  }
0x206: {  	[tilespmem:$0x1118] =	vst v0  }
0x207: {  	s4 =	stileid.u32;
	[tilespmem:$0x1108] =	vst v0  }
0x208: {  	s0 =	smul.u32 $0x39, s4;
	[tilespmem:$0x10F8] =	vst v0  }
0x209: {  	s1 =	smin.u32 s4, $0xE;
	[tilespmem:$0x10C8] =	vst v0  }
0x20a: {  	[tilespmem:$0x10D8] =	vst v0;
	s0 =	sadd.s32 s1, s0  }
0x20b: {  	p0 =	slt.u32 s4, $0xE;
	[tilespmem:$0x10B8] =	vst v0;
	s1 =	simm.s32 $0x61E0;
	s6 =	smul.u32 $0x1B0, s0  }
0x20c: {  	s1 =	simm.s32 @!p0 $0x6030;
	[tilespmem:$0x1038] =	vst v0  }
0x20d: {  	[tilespmem:$0x10A8] =	vst v0;
	s0 =	sadd.s32 s1, s6  }
0x20e: {  	s3 =	simm.s32 $0x2;
	s8 =	simm.s32 $0x9;
	[tilespmem:$0x1098] =	vst v0;
	s7 =	smin.u32 s0, $0x61A80  }
0x20f: {  	s10 =	simm.s32 $0xA;
	s30 =	simm.s32 $0xB;
	[tilespmem:$0x1088] =	vst v0;
	s0 =	ssub.s32 s7, s6  }
0x210: {  	s16 =	simm.s32 $0x0;
	p4 =	por $0x0, $0x0;
	[tilespmem:$0x1078] =	vst v0;
	p0 =	sgt.s32 s0, $0x0  }
0x211: {  	s17 =	simm.s32 $0xC;
	s21 =	simm.s32 $0x0;
	[tilespmem:$0x1058] =	vst v0;
	s0 =	simm.s32 @!p0 $0x0  }
0x212: {  	s18 =	simm.s32 $0x0;
	s2 =	sand.u32 $0x1, s2;
	[tilespmem:$0x1048] =	vst v0;
	s29 =	smulhi.u32 $0x4BDA12F7, s0  }
0x213: {  	s20 =	simm.s32 $0x0;
	s31 =	sshll.u32 s4, $0x5;
	[tilespmem:$0x1018] =	vst v0;
	[dreg:$0x5] =	wrdreg s2  }
0x214: {  	s2 =	smul.u32 $0xC350, s2;
	[tilespmem:$0x1008] =	vst v0;
	[sflag:s3] =	ssyncpa.u1 $0x0;
	s1 =	sshrl.u32 s29, $0x7  }
0x215: {  	v0 =	vimm.s32 $0xFFFFFFFF;
	s3 =	sadd.s32 $0xC00, s11;
	[dreg:$0x4] =	wrdreg s31;
	s5 =	smul.u32 $0x1B0, s1  }
.Ltmp7:
0x216: {  	[tilespmem:$0x3648] =	vst v0;
	[sflag:s8] =	ssyncpa.u1 $0x0;
	s2 =	sadd.s32 s2, s11;
	(pc) =	sbr.rel .LBB3_1-.Ltmp7, $4  }
0x217: {  	[sflag:s10] =	ssyncpa.u1 $0x0;
	s11 =	sadd.s32 $0xF43000, s11;
	p0 =	sne.s32 s0, s5  }
0x218: {  	[sflag:s30] =	ssyncpa.u1 $0x0;
	s14 =	sadd.s32 $0x28BA200, s2;
	s12 =	simm.s32 @!p0 $0x0  }
0x219: {  	s15 =	sadd.s32 $0x27AD000, s2;
	s19 =	smov.u32 s6;
	s12 =	sadd.s32 s12, s1  }
0x21a: {  	v0 =	vlaneseq.u32;
	[dreg:$0x6] =	wrdreg s6;
	p0 =	por $0x1, $0x1;
	s4 =	sadd.s32 $0x1, s12  }
.LBB3_18:
0x21b: {  	s0 =	simm.s32 $0x2  }
0x21c: {  	_ =	swait.ge [sflag:s0], $0x0  }
0x21d: {  	[sflag:s0] =	ssyncset.done $0x0;
	s0 =	simm.s32 $0x0  }
.LBB3_19:
0x21e: {  	_ =	swait.ge [sflag:s17], s0  }
0x21f: {  	s31 =	ssub.s32 $0x0, s0;
	v1 =	vmov s23;
	vm0 =	veq.s32 v0, $0x0;
	[sflag:s17] =	ssyncset.done $0x0  }
0x220: {  	vm15 =	veq.s32 v0, $0x2;
	v1 =	vsel vm0, s28, v1;
	[sflag:s17] =	ssyncadd.s32 s31  }
0x221: {  	v1 =	vsel vm15, s21, v1;
	[sflag:s17] =	ssyncpa.u1 $0x1  }
0x222: {  	[tilespmem:$0x3648] =	vst v1  }
.LBB3_20:
0x223: {  	s0 =	sadd.s32 $0x1B0, s19  }
0x224: {  	s1 =	smov.u32 s6;
	p1 =	slt.s32 s0, s7  }
0x225: {  	s1 =	smov.u32 @p1 s0;
	p1 =	sne.s32 s20, s4  }
.Ltmp8:
0x226: {  	_ = 	snop;
	(pc) =	sbr.rel @!p1 .LBB3_21-.Ltmp8, $4  }
0x227: {  	_ = 	snop  }
0x228: {  	s21 =	smov.u32 s18  }
0x229: {  	s31 =	sadd.s32 $0x1, s20;
	s18 =	smov.u32 s19;
	p0 =	por !p0, !p0  }
0x22a: {  	p4 =	por !p4, !p4;
	s20 =	smov.u32 s31;
	s19 =	smov.u32 s1  }
.LBB3_1:
0x22b: {  	p2 =	sge.u32 s20, s12  }
0x22c: {  	s0 =	smulhi.u32 @!p2 $0xAAAAAAAB, s20  }
0x22d: {  	s1 =	smov.u32 s19;
	p3 =	sgt.s32 @!p2 s19, $0x618D0  }
0x22e: {  	s2 =	sshra.s32 @!p2 s19, $0x1F;
	p3 =	por !p3, p2;
	s0 =	sshrl.u32 @!p2 s0, $0x1  }
0x22f: {  	s2 =	sand.u32 @!p2 s2, s19;
	s1 =	simm.s32 @p3 $0x618D0;
	s0 =	smul.u32 @!p2 $0x3, s0  }
0x230: {  	s1 =	ssub.s32 @!p2 s1, s2  }
0x231: {  	s23 =	sadd.s32 $0xFFFFFFFF, s20;
	s1 =	sadd.s32 @!p2 $0xFFF9E730, s1;
	s0 =	ssub.s32 @!p2 s20, s0  }
0x232: {  	s2 =	sshll.u32 @!p2 s1, $0x2;
	p3 =	sgt.s32 @!p2 s1, $0x1AF;
	s0 =	smul.u32 @!p2 $0x6C0, s0  }
0x233: {  	s5 =	sand.u32 @!p2 $0x7, s19;
	s1 =	ssub.s32 @!p2 $0x6C0, s2;
	p3 =	por !p3, p2  }
0x234: {  	s2 =	sshrl.u32 @!p2 s19, $0x3;
	s1 =	sshrl.u32 @!p2 s1, $0x2;
	s0 =	sshrl.u32 @!p2 s0, $0x2  }
0x235: {  	s2 =	sadd.s32 @!p2 s2, s14;
	s1 =	simm.s32 @!p3 $0x0;
	s0 =	sadd.s32 @!p2 $0x3888, s0  }
0x236: {  	[tilespmem:s0], [sflag:$0xA] =	stream.linear.gather @!p2 [hbm4b:s2+s5], s1, $0x38;
	[tilespmem:$0x1F0F8] =	vst v63  }
0x237: {  	p2 =	sge.u32 s23, s12  }
0x238: {  	p3 =	sgt.s32 @!p2 s18, $0x618D0  }
0x239: {  	s0 =	smov.u32 s18;
	s1 =	sshra.s32 @!p2 s18, $0x1F;
	p3 =	por !p3, p2  }
0x23a: {  	s1 =	sand.u32 @!p2 s1, s18;
	s0 =	simm.s32 @p3 $0x618D0  }
0x23b: {  	s0 =	ssub.s32 @!p2 s0, s1  }
0x23c: {  	s0 =	sadd.s32 @!p2 $0xFFF9E730, s0  }
0x23d: {  	s1 =	sshll.u32 @!p2 s0, $0x2  }
0x23e: {  	p3 =	sgt.s32 @!p2 s0, $0x1AF;
	s0 =	ssub.s32 @!p2 $0x6C0, s1  }
0x23f: {  	s22 =	ssub.s32 @!p2 $0x61A80, s18;
	p3 =	por !p3, p2;
	s0 =	sshrl.u32 @!p2 s0, $0x2  }
0x240: {  	s1 =	sand.u32 @!p2 $0x1, s23;
	s0 =	simm.s32 @!p3 $0x0;
	p3 =	slt.s32 @!p2 s22, $0x1  }
0x241: {  	s2 =	simm.s32 @!p2 $0xA;
	s1 =	smul.u32 @!p2 $0x6C0, s1;
	p3 =	por p2, p3  }
.Ltmp9:
0x242: {  	_ =	swait.ge @!p2 [sflag:s2], s0;
	(pc) =	sbr.rel @p3 .LBB3_7-.Ltmp9, $4  }
0x243: {  	s5 =	ssub.s32 @!p2 $0x0, s0;
	[sflag:s2] =	ssyncset.done @!p2 $0x0  }
0x244: {  	s1 =	sshrl.u32 @!p2 s1, $0x2;
	[sflag:s2] =	ssyncadd.s32 @!p2 s5;
	s2 =	sshrl.u32 @!p2 s18, $0x3  }
0x245: {  	s1 =	sadd.s32 @!p2 $0x3D98, s1;
	s5 =	sand.u32 @!p2 $0x7, s18;
	s2 =	sadd.s32 @!p2 s2, s15  }
0x246: {  	[tilespmem:s1], [sflag:$0xB] =	stream.linear.gather @!p2 [hbm4b:s2+s5], s0, $0x38;
	[tilespmem:$0x1F0F8] =	vst v63  }
0x247: {  	s0 =	smulhi.u32 $0xAAAAAAAB, s23;
	_ =	sdelay $0x1  }
0x248: {  	s0 =	sshrl.u32 s0, $0x1  }
0x249: {  	s0 =	smul.u32 $0x3, s0;
	_ =	sdelay $0x1  }
0x24a: {  	s0 =	ssub.s32 s23, s0  }
0x24b: {  	s1 =	simm.s32 $0x1;
	s0 =	smul.u32 $0x6C0, s0  }
.Ltmp10:
0x24c: {  	s1 =	simm.s32 @!p0 $0x0;
	(pc) =	sbr.rel .LBB3_4-.Ltmp10, $4  }
0x24d: {  	s1 =	smul.u32 $0x36000, s1  }
0x24e: {  	p3 =	slt.s32 @!p2 s22, $0x1B0;
	s0 =	sshrl.u32 s0, $0x2  }
0x24f: {  	p2 =	por !p3, p2;
	s1 =	sshrl.u32 s1, $0x2;
	s0 =	sadd.s32 $0x3888, s0  }
0x250: {  	s24 =	simm.s32 $0x0;
	s22 =	simm.s32 @p2 $0x1B0;
	s23 =	sadd.s32 $0x40F8, s1;
	v1 =	vmov s0  }
.LBB3_3:
0x251: {  	p2 =	sge.s32 s24, s22  }
.Ltmp11:
0x252: {  	_ = 	snop;
	(pc) =	sbr.rel @p2 .LBB3_7-.Ltmp11, $2  }
0x253: {  	_ =	sdelay $0x2  }
0x254: {  	s23 =	sadd.s32 $0x800, s23  }
.LBB3_4:
0x255: {  	p2 =	sle.s32 s22, s24  }
.Ltmp12:
0x256: {  	_ = 	snop;
	(pc) =	sbr.rel @p2 .LBB3_3-.Ltmp12, $2  }
0x257: {  	_ =	sdelay $0x2  }
0x258: {  	s0 =	smov.u32 s24;
	s24 =	sadd.s32 $0x10, s24  }
0x259: {  	s1 =	ssub.s32 s22, s0  }
0x25a: {  	p2 =	slt.s32 s1, $0x10  }
0x25b: {  	s1 =	simm.s32 @!p2 $0x10  }
0x25c: {  	v2 =	vmov s1  }
0x25d: {  	vm0 =	vgt.s32 v2, v0;
	_ =	sdelay $0x5  }
0x25e: {  	v2 =	vld.idx.msk [tilespmem:v1+s0+$0x0 ss:$0x1], vm0;
	_ =	sdelay $0x2  }
0x25f: {  	p2 =	slt.s32 s24, s22;
	s1 =	smov.u32 s22  }
0x260: {  	s2 =	smov.u32 s23;
	s25 =	simm.s32 $0x0;
	s1 =	smov.u32 @p2 s24  }
.LBB3_6:
0x261: {  	(v2sf) =	vpush v2, s25;
	_ =	sdelay $0xc  }
0x262: {  	s25 =	sadd.s32 $0x1, s25  }
0x263: {  	s31 =	sadd.s32 s25, s0  }
0x264: {  	p2 =	slt.s32 s31, s1;
	s5 =	spop (v2sf)  }
.Ltmp13:
0x265: {  	s5 =	sshll.u32 s5, $0x4;
	(pc) =	sbr.rel @p2 .LBB3_6-.Ltmp13, $4  }
0x266: {  	s5 =	sand.u32 $0x1FFFFFF0, s5  }
0x267: {  	s5 =	sadd.s32 s11, s5  }
0x268: {  	[tilespmem:s2], [sflag:$0x9] =	stream.linear.gather [hbm4b:s5+s16], $0x10, $0x38;
	[tilespmem:$0x1F0F8] =	vst v63  }
0x269: {  	s2 =	sadd.s32 $0x80, s2  }
.Ltmp14:
0x26a: {  	_ = 	snop;
	(pc) =	sbr.rel .LBB3_3-.Ltmp14, $1  }
0x26b: {  	_ =	sdelay $0x3  }
.LBB3_7:
0x26c: {  	p2 =	slt.u32 s20, $0x2  }
.Ltmp15:
0x26d: {  	_ = 	snop;
	(pc) =	sbr.rel @p2 .LBB3_20-.Ltmp15, $1  }
0x26e: {  	_ =	sdelay $0x3  }
0x26f: {  	p2 =	sgt.s32 s21, $0x618D0  }
0x270: {  	s0 =	smov.u32 s21;
	s1 =	sshra.s32 s21, $0x1F;
	s2 =	ssub.s32 $0x61A80, s21  }
0x271: {  	s0 =	simm.s32 @!p2 $0x618D0;
	s1 =	sand.u32 s1, s21;
	p2 =	slt.s32 s2, $0x1B0  }
0x272: {  	s0 =	ssub.s32 s0, s1;
	s2 =	simm.s32 @!p2 $0x1B0  }
0x273: {  	s0 =	sadd.s32 $0xFFF9E730, s0;
	s24 =	sshll.u32 s2, $0x4  }
0x274: {  	s28 =	simm.s32 $0x9;
	s25 =	sshll.u32 s0, $0x2;
	s1 =	sand.u32 $0x3FFFFFF0, s24  }
0x275: {  	p2 =	sgt.s32 s0, $0x1AF;
	s26 =	ssub.s32 $0x6C0, s25;
	_ =	swait.ge [sflag:s28], s1  }
0x276: {  	s1 =	ssub.s32 $0x0, s1;
	[sflag:s28] =	ssyncset.done $0x0;
	s0 =	sshrl.u32 s26, $0x2  }
0x277: {  	s30 =	simm.s32 $0xB;
	[sflag:s28] =	ssyncadd.s32 s1;
	s0 =	simm.s32 @p2 $0x0  }
0x278: {  	_ =	swait.ge [sflag:s30], s0  }
0x279: {  	s0 =	ssub.s32 $0x0, s0;
	[sflag:s30] =	ssyncset.done $0x0  }
0x27a: {  	[sflag:s30] =	ssyncadd.s32 s0  }
0x27b: {  	v1 =	vld [tilespmem:$0x3648];
	_ =	sdelay $0x4  }
0x27c: {  	(v2sf) =	vpush v1, $0x0  }
0x27d: {  	(v2sf) =	vpush v1, $0x1  }
0x27e: {  	(v2sf) =	vpush v1, $0x2;
	_ =	sdelay $0x3  }
0x27f: {  	s0 =	sadd.s32 $0x1B0, s21  }
0x280: {  	s1 =	ssub.s32 $0xC3500, s21;
	p2 =	slt.s32 s7, s0  }
0x281: {  	s0 =	smov.u32 @p2 s7;
	p2 =	sgt.s32 s1, $0x0  }
0x282: {  	s25 =	ssub.s32 s0, s21;
	s1 =	simm.s32 @!p2 $0x0  }
0x283: {  	p2 =	slt.s32 s1, s25  }
0x284: {  	s25 =	smov.u32 @p2 s1  }
0x285: {  	s24 =	simm.s32 $0x1;
	p2 =	slt.s32 s25, $0x1  }
.Ltmp16:
0x286: {  	s24 =	simm.s32 @!p4 $0x0;
	(pc) =	sbr.rel @p2 .LBB3_12-.Ltmp16, $4  }
0x287: {  	s31 =	smul.u32 $0x6C0, s24  }
0x288: {  	s26 =	spop (v2sf)  }
0x289: {  	s0 =	sshrl.u32 s31, $0x2;
	s29 =	spop (v2sf)  }
0x28a: {  	s22 =	sadd.s32 $0x3D98, s0;
	s21 =	spop (v2sf)  }
0x28b: {  	s0 =	smin.u32 s25, $0x10  }
0x28c: {  	v1 =	vmov s0  }
0x28d: {  	p3 =	sgt.s32 s25, $0x10;
	vm1 =	vgt.u32 v1, v0  }
.Ltmp17:
0x28e: {  	_ = 	snop;
	(pc) =	sbr.rel @!p3 .LBB3_11-.Ltmp17, $2  }
0x28f: {  	_ =	sdelay $0x2  }
0x290: {  	s23 =	simm.s32 $0x10;
	s28 =	sadd.s32 $0xFFFFFFF0, s25;
	s0 =	smov.u32 s22;
	vm0 =	vmmov vm1  }
.LBB3_10:
0x291: {  	s1 =	smin.u32 s28, $0x10;
	s23 =	sadd.s32 $0x10, s23;
	v1 =	vld.msk [tilespmem:s0+$0x0 ss:$0x1], vm1  }
0x292: {  	v2 =	vmov s1;
	p3 =	slt.s32 s23, s25  }
0x293: {  	vm1 =	vgt.u32 v2, v0  }
.Ltmp18:
0x294: {  	(pc) =	sbr.rel @p3 .LBB3_10-.Ltmp18, $3  }
0x295: {  	_ =	sdelay $0x1  }
0x296: {  	v1 =	vshll.u32 v1, $0x4  }
0x297: {  	s28 =	sadd.s32 $0xFFFFFFF0, s28;
	[tilespmem:s0+$0x0] =	vst.msk vm0, v1;
	s0 =	sadd.s32 $0x10, s0;
	vm0 =	vmmov vm1  }
.LBB3_11:
0x298: {  	_ =	sdelay $0x4  }
0x299: {  	v1 =	vld.msk [tilespmem:s0+$0x0 ss:$0x1], vm1;
	_ =	sdelay $0x4  }
0x29a: {  	v1 =	vshll.u32 v1, $0x4  }
0x29b: {  	[tilespmem:s0+$0x0] =	vst.msk vm0, v1  }
.LBB3_12:
0x29c: {  	s0 =	sand.u32 $0x1, s20  }
0x29d: {  	s0 =	smul.u32 $0x1B0, s0  }
0x29e: {  	p3 =	sne.s32 s29, $0xFFFFFFFF  }
0x29f: {  	v1 =	vld.msk @!p3 [tilespmem:s0+$0x3D98], $0x1;
	_ =	sdelay $0x4  }
0x2a0: {  	(v2sf) =	vpush @!p3 v1, $0x0;
	_ =	sdelay $0xc  }
.Ltmp19:
0x2a1: {  	_ = 	snop;
	(pc) =	sbr.rel @p2 .LBB3_18-.Ltmp19, $4  }
0x2a2: {  	_ = 	snop  }
0x2a3: {  	s28 =	spop @!p3 (v2sf)  }
0x2a4: {  	s21 =	simm.s32 @!p3 $0x0;
	s23 =	smov.u32 s28  }
0x2a5: {  	[sflag:s17] =	ssyncpa.u1 $0x0;
	s28 =	smov.u32 @p3 s26;
	s23 =	smov.u32 @p3 s29  }
0x2a6: {  	v1 =	vld.msk [tilespmem:s22+$0x0], $0x1;
	_ =	sdelay $0x4  }
0x2a7: {  	(v2sf) =	vpush v1, $0x0;
	_ =	sdelay $0xe  }
0x2a8: {  	s0 =	simm.s32 @!p4 $0x0;
	s26 =	smul.u32 $0x36000, s24;
	s31 =	spop (v2sf)  }
0x2a9: {  	s29 =	ssub.s32 $0x0, s25;
	s0 =	simm.s32 @p4 $0x1;
	p2 =	seq.s32 s28, s31  }
0x2aa: {  	s1 =	smov.u32 s28;
	[smem:$0x7FD] =	sst s0;
	p3 =	sgt.s32 @!p2 s28, $0x0  }
0x2ab: {  	s0 =	sshrl.u32 s26, $0x2;
	s26 =	sadd.s32 $0x1, s29;
	p3 =	por !p3, p2  }
0x2ac: {  	s1 =	simm.s32 @p3 $0x0;
	p3 =	seq.s32 s26, $0x0  }
.Ltmp20:
0x2ad: {  	_ = 	snop;
	(pc) =	sbr.rel @p3 .LBB3_15-.Ltmp20, $4  }
0x2ae: {  	s6 =	smov.u32 s4;
	s25 =	simm.s32 $0x0  }
0x2af: {  	s24 =	sadd.s32 $0x40F8, s0;
	s0 =	simm.s32 @!p2 $0x1;
	s2 =	smin.u32 @!p2 s1, $0xC34FE  }
0x2b0: {  	s30 =	sadd.s32 $0x1, s22;
	s0 =	smov.u32 @p2 s25;
	s5 =	sand.u32 @!p2 $0xFFFF8, s2  }
0x2b1: {  	s1 =	simm.s32 @!p2 $0x1B38;
	s2 =	sand.u32 @!p2 $0x7, s2;
	s5 =	sadd.s32 @!p2 s3, s5  }
.LBB3_14:
0x2b2: {  	s4 =	smov.u32 s0  }
0x2b3: {  	[tilespmem:s1], [sflag:$0x2] =	stream.linear.gather @!p2 [hbm4b:s5+s2], $0x10, $0x38;
	[tilespmem:$0x1F0F8] =	vst v63  }
0x2b4: {  	s26 =	sadd.s32 $0x1, s26;
	s2 =	smov.u32 s31;
	v1 =	vld.msk [tilespmem:s30+$0x0], $0x1  }
0x2b5: {  	p3 =	seq.s32 s26, $0x0;
	_ =	sdelay $0x3  }
0x2b6: {  	(v2sf) =	vpush v1, $0x0;
	_ =	sdelay $0xe  }
0x2b7: {  	s31 =	spop (v2sf)  }
0x2b8: {  	p2 =	seq.s32 s2, s31  }
0x2b9: {  	p4 =	sgt.s32 @!p2 s2, $0x0;
	s1 =	sshll.u32 @!p2 s0, $0x6;
	s0 =	sadd.s32 @!p2 $0x1, s0  }
.Ltmp21:
0x2ba: {  	p4 =	por !p4, p2;
	s1 =	sshra.s32 @!p2 s1, $0x2;
	(pc) =	sbr.rel @!p3 .LBB3_14-.Ltmp21, $4  }
0x2bb: {  	s0 =	smov.u32 @p2 s4;
	s2 =	simm.s32 @p4 $0x0;
	s1 =	sadd.s32 @!p2 $0x1B38, s1  }
0x2bc: {  	s2 =	smin.u32 @!p2 s2, $0xC34FE  }
0x2bd: {  	s4 =	sand.u32 @!p2 $0xFFFF8, s2;
	s2 =	sand.u32 @!p2 $0x7, s2  }
0x2be: {  	s30 =	sadd.s32 $0x1, s30;
	s5 =	sadd.s32 @!p2 s3, s4  }
.LBB3_15:
0x2bf: {  	[tilespmem:s1], [sflag:$0x2] =	stream.linear.gather @!p2 [hbm4b:s5+s2], $0x10, $0x38;
	[tilespmem:$0x1F0F8] =	vst v63  }
0x2c0: {  	s0 =	sshll.u32 s0, $0x4  }
0x2c1: {  	s31 =	simm.s32 $0x2;
	s0 =	sand.u32 $0x3FFFFFF0, s0  }
0x2c2: {  	_ =	swait.ge [sflag:s31], s0  }
0x2c3: {  	s0 =	ssub.s32 $0x0, s0;
	[sflag:s31] =	ssyncset.done $0x0  }
0x2c4: {  	[sflag:s31] =	ssyncadd.s32 s0  }
0x2c5: {  	v1 =	vld.msk [tilespmem:s22+$0x0], $0x1;
	_ =	sdelay $0x4  }
0x2c6: {  	(v2sf) =	vpush v1, $0x0;
	_ =	sdelay $0xe  }
0x2c7: {  	s26 =	spop (v2sf)  }
0x2c8: {  	p2 =	sne.s32 s28, s26  }
0x2c9: {  	p4 =	sne.s32 @p2 s28, s23  }
0x2ca: {  	p3 =	por !p4, !p2  }
0x2cb: {  	s0 =	simm.s32 @!p3 $0x0  }
0x2cc: {  	v1 =	vld @!p3 [tilespmem:s0+$0x1B38]  }
0x2cd: {  	p5 =	sgt.u32 @!p3 s28, $0xC34FE  }
0x2ce: {  	s1 =	sshll.u32 @!p3 s21, $0x6;
	p6 =	por @p2 p5, !p4  }
0x2cf: {  	s1 =	sshra.s32 @!p3 s1, $0x2;
	p1 =	por p6, !p2;
	p6 =	por p4, !p2  }
0x2d0: {  	s2 =	sadd.s32 @!p3 $0x28, s1;
	s4 =	sand.u32 @!p1 $0xFFFF8, s28;
	s5 =	sshll.u32 @!p6 s21, $0x6  }
0x2d1: {  	s28 =	sand.u32 @!p1 $0x7, s28;
	[tilespmem:s1+$0x28] =	vst.add.f32.msk @!p3 $0xffff, v1;
	s1 =	sadd.s32 @!p1 s3, s4;
	s4 =	sshra.s32 @!p6 s5, $0x2  }
0x2d2: {  	[hbm4b:s1+s28] =	stream.linear.scatter @!p1 [tilespmem:s2], [sflag:$0xC], $0x10, $0x38;
	[tilespmem:$0x1F0F8] =	vst v63  }
0x2d3: {  	s0 =	rddreg [dreg:$0x4];
	s1 =	sadd.s32 @!p6 $0x28, s4;
	s2 =	simm.s32 @!p6 $0x1  }
0x2d4: {  	[spmem:s0] =	stream.linear.scatter @!p6 [tilespmem:s1], [sflag:$0x1], $0x10, $0x38;
	[tilespmem:$0x1F0F8] =	vst v63  }
0x2d5: {  	s0 =	sadd.s32 @p2 $0x1, s21;
	_ =	swait.ge @!p6 [sflag:s2], $0x10  }
0x2d6: {  	s1 =	sshrl.u32 @p2 s0, $0x4;
	[sflag:s2] =	ssyncset.done @!p6 $0x0  }
0x2d7: {  	s1 =	smulhi.u32 @p2 $0x97B425F, s1;
	[sflag:s2] =	ssyncadd.s32 @!p6 $0xFFFFFFF0  }
0x2d8: {  	s28 =	sadd.s32 $0x1, s29;
	v1 =	vld @p2 [tilespmem:s24+$0x0]  }
0x2d9: {  	p1 =	por @p2 !p5, !p4;
	p4 =	seq.s32 s28, $0x0;
	s1 =	smul.u32 @p2 $0x1B0, s1  }
.Ltmp22:
0x2da: {  	p1 =	por !p1, !p2;
	s2 =	simm.s32 @!p3 $0x0;
	(pc) =	sbr.rel @p4 .LBB3_17-.Ltmp22, $4  }
0x2db: {  	s4 =	sshll.u32 @!p2 s21, $0x6;
	s2 =	simm.s32 @!p1 $0x40;
	s0 =	ssub.s32 @p2 s0, s1  }
0x2dc: {  	s29 =	simm.s32 $0x0;
	s2 =	sadd.s32 @!p3 $0x0, s2;
	s5 =	sshll.u32 @p2 s0, $0x4  }
0x2dd: {  	s30 =	sshra.s32 @!p2 s4, $0x2;
	s1 =	simm.s32 @p2 $0x1;
	s2 =	smov.u32 @p3 s25;
	[tilespmem:s5+$0x28] =	vst @p2 v1  }
0x2de: {  	s21 =	smov.u32 @p2 s0;
	s29 =	smov.u32 @p2 s2;
	s25 =	smov.u32 @p2 s1;
	v1 =	vld @!p2 [tilespmem:s24+$0x0]  }
.LBB3_16:
0x2df: {  	_ =	sdelay $0x3  }
0x2e0: {  	s22 =	sadd.s32 $0x1, s22;
	[tilespmem:s30+$0x28] =	vst.add.f32.msk @!p2 $0xffff, v1  }
0x2e1: {  	v1 =	vld.msk [tilespmem:s22+$0x0], $0x1;
	_ =	sdelay $0x4  }
0x2e2: {  	(v2sf) =	vpush v1, $0x0;
	_ =	sdelay $0xe  }
0x2e3: {  	s0 =	smov.u32 s26;
	s26 =	spop (v2sf)  }
0x2e4: {  	p2 =	sne.s32 s0, s26  }
0x2e5: {  	p5 =	sne.s32 @p2 s0, s23  }
0x2e6: {  	s4 =	sshll.u32 @!p2 s21, $0x6;
	p4 =	por !p5, !p2  }
0x2e7: {  	s30 =	sshra.s32 @!p2 s4, $0x2;
	s4 =	sshll.u32 @!p4 s25, $0x6  }
0x2e8: {  	s4 =	sshra.s32 @!p4 s4, $0x2  }
0x2e9: {  	p1 =	sgt.u32 @!p4 s0, $0xC34FE;
	v1 =	vld @!p4 [tilespmem:s4+$0x1B38]  }
0x2ea: {  	s31 =	sshll.u32 @!p4 s21, $0x6;
	p6 =	por @p2 p1, !p5;
	p1 =	por @p2 !p1, !p5  }
0x2eb: {  	s8 =	simm.s32 @!p4 $0x0;
	s31 =	sshra.s32 @!p4 s31, $0x2;
	p1 =	por !p1, !p2  }
0x2ec: {  	p5 =	por p5, !p2;
	s8 =	simm.s32 @!p1 $0x40;
	p1 =	por p6, !p2  }
0x2ed: {  	s4 =	sadd.s32 @!p4 $0x28, s31;
	s13 =	sshll.u32 @!p5 s21, $0x6;
	s10 =	sand.u32 @!p1 $0xFFFF8, s0  }
0x2ee: {  	s13 =	sshra.s32 @!p5 s13, $0x2;
	s0 =	sand.u32 @!p1 $0x7, s0;
	s10 =	sadd.s32 @!p1 s3, s10;
	[tilespmem:s31+$0x28] =	vst.add.f32.msk @!p4 $0xffff, v1  }
0x2ef: {  	[hbm4b:s10+s0] =	stream.linear.scatter @!p1 [tilespmem:s4], [sflag:$0xC], $0x10, $0x38;
	[tilespmem:$0x1F0F8] =	vst v63  }
0x2f0: {  	s1 =	rddreg [dreg:$0x4];
	s0 =	sadd.s32 @!p5 $0x28, s13;
	s4 =	simm.s32 @!p5 $0x1  }
0x2f1: {  	[spmem:s1] =	stream.linear.scatter @!p5 [tilespmem:s0], [sflag:$0x1], $0x10, $0x38;
	[tilespmem:$0x1F0F8] =	vst v63  }
0x2f2: {  	s2 =	sadd.s32 @p2 $0x1, s21;
	_ =	swait.ge @!p5 [sflag:s4], $0x10  }
0x2f3: {  	s5 =	sshrl.u32 @p2 s2, $0x4;
	[sflag:s4] =	ssyncset.done @!p5 $0x0  }
0x2f4: {  	s24 =	sadd.s32 $0x80, s24;
	s5 =	smulhi.u32 @p2 $0x97B425F, s5;
	[sflag:s4] =	ssyncadd.s32 @!p5 $0xFFFFFFF0  }
0x2f5: {  	s28 =	sadd.s32 $0x1, s28;
	v1 =	vld @p2 [tilespmem:s24+$0x0]  }
0x2f6: {  	p3 =	seq.s32 s28, $0x0;
	s5 =	smul.u32 @p2 $0x1B0, s5  }
.Ltmp23:
0x2f7: {  	_ = 	snop;
	(pc) =	sbr.rel @!p3 .LBB3_16-.Ltmp23, $4  }
0x2f8: {  	s2 =	ssub.s32 @p2 s2, s5  }
0x2f9: {  	s8 =	sadd.s32 @!p4 s8, s29;
	s5 =	sshll.u32 @p2 s2, $0x4  }
0x2fa: {  	s9 =	sadd.s32 @p2 $0x1, s25;
	s8 =	smov.u32 @p4 s29;
	[tilespmem:s5+$0x28] =	vst @p2 v1  }
0x2fb: {  	s25 =	smov.u32 @p2 s9;
	s21 =	smov.u32 @p2 s2;
	s29 =	smov.u32 @p2 s8;
	v1 =	vld @!p2 [tilespmem:s24+$0x0]  }
.LBB3_17:
.Ltmp24:
0x2fc: {  	_ = 	snop;
	(pc) =	sbr.rel .LBB3_19-.Ltmp24, $3  }
0x2fd: {  	s1 =	sld [smem:$0x7FD];
	_ =	sdelay $0x1  }
0x2fe: {  	s0 =	sshrl.u32 s29, $0x2;
	s28 =	smov.u32 s26  }
0x2ff: {  	s4 =	smov.u32 s6;
	s6 =	rddreg [dreg:$0x6];
	p4 =	seq.s32 s1, $0x1;
	[tilespmem:s30+$0x28] =	vst.add.f32.msk @!p2 $0xffff, v1  }
.LBB3_21:
0x300: {  	_ =	sfence.sel $0x180000  }
0x301: {  	s0 =	simm.s32 $0x9;
	[bflag:$0x0] =	sbarrier.arrive $0xFFFF  }
0x302: {  	s24 =	simm.s32 $0xA;
	[sflag:s0] =	ssyncpa.u1 $0x1  }
0x303: {  	s25 =	simm.s32 $0xB;
	[sflag:s24] =	ssyncpa.u1 $0x1  }
0x304: {  	s26 =	simm.s32 $0x2;
	[sflag:s25] =	ssyncpa.u1 $0x1  }
0x305: {  	[sflag:s26] =	ssyncpa.u1 $0x1  }
0x306: {  	v0 =	vld [tilespmem:$0x3648];
	_ =	sdelay $0x4  }
0x307: {  	(v2sf) =	vpush v0, $0x0  }
0x308: {  	(v2sf) =	vpush v0, $0x1;
	_ =	sdelay $0x1  }
0x309: {  	(v2sf) =	vpush v0, $0x2;
	_ =	sdelay $0xb  }
0x30a: {  	s0 =	spop (v2sf)  }
0x30b: {  	s1 =	spop (v2sf)  }
0x30c: {  	s2 =	smov.u32 s0;
	p0 =	sne.s32 s0, s1  }
0x30d: {  	s4 =	spop (v2sf);
	s2 =	simm.s32 @!p0 $0xFFFFFFFF  }
0x30e: {  	v2 =	vimm.s32 $0x1;
	v3 =	vlaneseq.u32;
	p0 =	seq.s32 s4, $0xFFFFFFFF;
	v1 =	vmov s2  }
0x30f: {  	s16 =	stileid.u32;
	v0 =	vperm.xlane v0, v2;
	p1 =	sne.s32 @!p0 s0, s1;
	v1 =	vperm.xlane v1, v3  }
0x310: {  	vm0 =	vcmask $0x3F04;
	s6 =	simm.s32 $0x3648;
	s0 =	simm.s32 @!p0 $0x1;
	p1 =	por !p1, p0  }
0x311: {  	s2 =	sshll.u32 s16, $0x1;
	s1 =	sshll.u32 @!p0 s4, $0x6;
	s0 =	simm.s32 @p1 $0x0;
	v0 =	vsel vm0, v1, v0  }
0x312: {  	s5 =	sor.u32 $0x200, s2;
	s1 =	sshra.s32 @!p0 s1, $0x2;
	s0 =	sor.u32 @!p0 s0, s2;
	[tilespmem:$0x3648] =	vst v0  }
0x313: {  	[spmem:s5] =	stream.linear.scatter [tilespmem:s6], [sflag:$0x1], $0x2, $0x38;
	[tilespmem:$0x1F0F8] =	vst v63  }
0x314: {  	s1 =	sadd.s32 @!p0 $0x28, s1;
	s0 =	sshll.u32 @!p0 s0, $0x4  }
0x315: {  	[spmem:s0] =	stream.linear.scatter @!p0 [tilespmem:s1], [sflag:$0x1], $0x10, $0x38;
	[tilespmem:$0x1F0F8] =	vst v63  }
0x316: {  	s0 =	simm.s32 @!p0 $0x12  }
0x317: {  	s28 =	simm.s32 $0x1;
	s0 =	simm.s32 @p0 $0x2  }
0x318: {  	_ =	swait.ge [sflag:s28], s0  }
0x319: {  	s0 =	ssub.s32 $0x0, s0;
	[sflag:s28] =	ssyncset.done $0x0  }
0x31a: {  	p0 =	sne.s32 s16, $0x0;
	[sflag:s28] =	ssyncadd.s32 s0  }
.Ltmp25:
0x31b: {  	_ =	sfence.stream.spmem;
	(pc) =	sbr.rel @p0 .LBB3_38-.Ltmp25, $4  }
0x31c: {  	s29 =	simm.s32 $0x3;
	[bflag:$0x0] =	sbarrier.arrive $0xFFFF  }
0x31d: {  	s30 =	simm.s32 $0x4;
	[sflag:s29] =	ssyncpa.u1 $0x1  }
0x31e: {  	s31 =	simm.s32 $0x3C;
	[sflag:s30] =	ssyncpa.u1 $0x1  }
0x31f: {  	s17 =	rddreg [dreg:$0x5];
	[sflag:s31] =	ssyncpa.u1 $0x1  }
0x320: {  	_ =	sfence.stream.spmem;
	s0 =	simm.s32 $0x5  }
0x321: {  	s1 =	simm.s32 $0x200;
	s2 =	simm.s32 $0x3658;
	[sflag:s0] =	ssyncpa.u1 $0x0  }
0x322: {  	[tilespmem:s2], [sflag:$0x5] =	stream.linear.gather [spmem:s1], $0x20, $0x38;
	[tilespmem:$0x1F0F8] =	vst v63  }
0x323: {  	s26 =	simm.s32 $0x0;
	s28 =	simm.s32 $0x3678  }
0x324: {  	[tilespmem:s28], [sflag:$0x5] =	stream.linear.gather [spmem:s26], $0x200, $0x38;
	[tilespmem:$0x1F0F8] =	vst v63  }
0x325: {  	_ =	swait.ge [sflag:s0], $0x220  }
0x326: {  	[sflag:s0] =	ssyncset.done $0x0  }
0x327: {  	s29 =	simm.s32 $0x0;
	[sflag:s0] =	ssyncadd.s32 $0xFFFFFDE0  }
0x328: {  	v0 =	vld.msk [tilespmem:s29+$0x3658], $0x1;
	_ =	sdelay $0x1  }
0x329: {  	s30 =	simm.s32 $0x1  }
0x32a: {  	v1 =	vld.msk [tilespmem:s30+$0x3658], $0x1;
	_ =	sdelay $0x1  }
0x32b: {  	(v2sf) =	vpush v0, $0x0;
	_ =	sdelay $0x2  }
0x32c: {  	(v2sf) =	vpush v1, $0x0;
	_ =	sdelay $0x2  }
0x32d: {  	s31 =	simm.s32 $0x2  }
0x32e: {  	v0 =	vld.msk [tilespmem:s31+$0x3658], $0x1;
	_ =	sdelay $0x2  }
0x32f: {  	s6 =	simm.s32 $0xFFFFFFFF;
	s1 =	simm.s32 $0xFFFFFFFF;
	s0 =	simm.s32 $0xC  }
.LBB3_23:
0x330: {  	s2 =	smov.u32 s6;
	s4 =	smov.u32 s1  }
0x331: {  	s1 =	sshra.s32 s0, $0x2;
	p1 =	sne.s32 s0, $0x7C;
	s0 =	sadd.s32 $0x4, s0;
	(v2sf) =	vpush v0, $0x0  }
0x332: {  	v0 =	vld.msk [tilespmem:s1+$0x3658], $0x1  }
.Ltmp26:
0x333: {  	(pc) =	sbr.rel @p1 .LBB3_23-.Ltmp26, $4  }
0x334: {  	s6 =	spop (v2sf)  }
0x335: {  	p2 =	sne.s32 s4, $0xFFFFFFFF;
	s1 =	smov.u32 s6  }
0x336: {  	p3 =	seq.s32 s6, $0xFFFFFFFF;
	s1 =	smov.u32 @p2 s4  }
0x337: {  	s6 =	smov.u32 @p3 s2;
	s1 =	smov.u32 @p3 s4  }
0x338: {  	(v2sf) =	vpush v0, $0x0;
	_ =	sdelay $0x8  }
0x339: {  	s0 =	spop (v2sf)  }
0x33a: {  	p1 =	sne.s32 s1, $0xFFFFFFFF;
	s2 =	smov.u32 s0  }
0x33b: {  	s9 =	simm.s32 $0x6;
	p2 =	seq.s32 s0, $0xFFFFFFFF;
	s2 =	smov.u32 @p1 s1  }
0x33c: {  	s10 =	simm.s32 $0x3638;
	s2 =	smov.u32 @p2 s1;
	s1 =	spop (v2sf)  }
0x33d: {  	s0 =	smov.u32 @p2 s6;
	p1 =	sne.s32 s2, $0xFFFFFFFF;
	s4 =	smov.u32 s1  }
.Ltmp27:
0x33e: {  	p2 =	seq.s32 s1, $0xFFFFFFFF;
	s4 =	smov.u32 @p1 s2;
	(pc) =	sbr.rel .LBB3_25-.Ltmp27, $4  }
0x33f: {  	s11 =	simm.s32 $0x0;
	s4 =	smov.u32 @p2 s2;
	s7 =	spop (v2sf)  }
0x340: {  	[sflag:s9] =	ssyncpa.u1 $0x0;
	p1 =	sne.s32 s4, $0xFFFFFFFF;
	s8 =	smov.u32 s7  }
0x341: {  	s1 =	smov.u32 @p2 s0;
	p2 =	seq.s32 s7, $0xFFFFFFFF;
	s8 =	smov.u32 @p1 s4  }
0x342: {  	s6 =	simm.s32 $0x0;
	s7 =	smov.u32 @p2 s1;
	s8 =	smov.u32 @p2 s4  }
.LBB3_30:
0x343: {  	p1 =	sgt.u32 s12, $0xC34FE  }
0x344: {  	p2 =	seq.s32 @!p1 s12, s8  }
0x345: {  	p1 =	por p1, p2  }
0x346: {  	p2 =	sne.s32 @!p1 s12, s7  }
0x347: {  	p1 =	por p1, !p2  }
0x348: {  	s0 =	sshll.u32 @p1 s11, $0x6  }
0x349: {  	s0 =	sand.u32 @!p1 $0xFFFF8, s12  }
0x34a: {  	s1 =	sand.u32 @!p1 $0x7, s12;
	s0 =	sadd.s32 @!p1 s3, s0  }
0x34b: {  	[tilespmem:s10], [sflag:$0x6] =	stream.linear.gather @!p1 [hbm4b:s0+s1], $0x10, $0x38;
	[tilespmem:$0x1F0F8] =	vst v63  }
0x34c: {  	_ =	swait.ge @!p1 [sflag:s9], $0x10  }
0x34d: {  	[sflag:s9] =	ssyncset.done @!p1 $0x0  }
0x34e: {  	[sflag:s9] =	ssyncadd.s32 @!p1 $0xFFFFFFF0  }
0x34f: {  	v1 =	vld @!p1 [tilespmem:$0x3638];
	_ =	sdelay $0x2  }
0x350: {  	s0 =	sshll.u32 @!p1 s11, $0x6  }
0x351: {  	s1 =	sshrl.u32 @!p1 s0, $0x2  }
0x352: {  	[tilespmem:s1+$0x3678] =	vst.add.f32.msk @!p1 $0xffff, v1  }
0x353: {  	s0 =	sshrl.u32 s0, $0x2;
	[tilespmem:s6+$0x3658] =	vst.msk $0x1, v0  }
0x354: {  	v0 =	vld [tilespmem:s0+$0x3678];
	_ =	sdelay $0x2  }
0x355: {  	s31 =	sshll.u32 s6, $0x6  }
0x356: {  	s0 =	sshra.s32 s31, $0x2  }
0x357: {  	s6 =	sadd.s32 $0x1, s6;
	[tilespmem:s0+$0x3678] =	vst v0  }
.LBB3_32:
0x358: {  	s11 =	sadd.s32 $0x1, s11  }
0x359: {  	p1 =	sne.s32 s11, $0x20  }
.Ltmp28:
0x35a: {  	_ = 	snop;
	(pc) =	sbr.rel @!p1 .LBB3_33-.Ltmp28, $1  }
0x35b: {  	_ =	sdelay $0x3  }
.LBB3_25:
0x35c: {  	v0 =	vld.msk [tilespmem:s11+$0x3658], $0x1;
	_ =	sdelay $0x4  }
0x35d: {  	(v2sf) =	vpush v0, $0x0;
	_ =	sdelay $0xe  }
0x35e: {  	s12 =	spop (v2sf)  }
0x35f: {  	p1 =	seq.s32 s12, $0xFFFFFFFF  }
.Ltmp29:
0x360: {  	_ = 	snop;
	(pc) =	sbr.rel @p1 .LBB3_32-.Ltmp29, $1  }
0x361: {  	_ =	sdelay $0x3  }
0x362: {  	p1 =	slt.s32 s6, $0x1  }
.Ltmp30:
0x363: {  	_ = 	snop;
	(pc) =	sbr.rel @p1 .LBB3_30-.Ltmp30, $1  }
0x364: {  	_ =	sdelay $0x3  }
0x365: {  	s13 =	simm.s32 $0x3658;
	p1 =	por $0x0, $0x0  }
0x366: {  	v1 =	vld.msk @!p1 [tilespmem:s13+$0x0], $0x1;
	_ =	sdelay $0x4  }
0x367: {  	(v2sf) =	vpush @!p1 v1, $0x0;
	_ =	sdelay $0xd  }
0x368: {  	p3 =	sne.s32 s6, $0x1  }
.Ltmp31:
0x369: {  	s0 =	spop @!p1 (v2sf);
	(pc) =	sbr.rel @!p3 .LBB3_29-.Ltmp31, $4  }
0x36a: {  	p2 =	seq.s32 @!p1 s12, s0  }
0x36b: {  	s14 =	simm.s32 $0x0;
	p2 =	por !p2, p1  }
0x36c: {  	s0 =	simm.s32 $0xFFFFFFFF;
	s14 =	simm.s32 @p2 $0xFFFFFFFF  }
0x36d: {  	s15 =	simm.s32 $0x1;
	s14 =	smov.u32 @p1 s0  }
.LBB3_28:
0x36e: {  	s0 =	smov.u32 s14;
	p1 =	sne.s32 s14, $0xFFFFFFFF  }
0x36f: {  	s13 =	sadd.s32 $0x1, s13;
	s14 =	smov.u32 s15;
	s15 =	sadd.s32 $0x1, s15  }
0x370: {  	p2 =	sne.s32 s6, s15;
	v1 =	vld.msk @!p1 [tilespmem:s13+$0x0], $0x1;
	_ =	sdelay $0x4  }
0x371: {  	(v2sf) =	vpush @!p1 v1, $0x0;
	_ =	sdelay $0xe  }
.Ltmp32:
0x372: {  	s1 =	spop @!p1 (v2sf);
	(pc) =	sbr.rel @p2 .LBB3_28-.Ltmp32, $4  }
0x373: {  	p3 =	seq.s32 @!p1 s12, s1  }
0x374: {  	p3 =	por !p3, p1  }
0x375: {  	s14 =	simm.s32 @p3 $0xFFFFFFFF  }
0x376: {  	s14 =	smov.u32 @p1 s0  }
.LBB3_29:
0x377: {  	p1 =	sne.s32 s14, $0xFFFFFFFF  }
.Ltmp33:
0x378: {  	_ = 	snop;
	(pc) =	sbr.rel @!p1 .LBB3_30-.Ltmp33, $1  }
0x379: {  	_ =	sdelay $0x3  }
0x37a: {  	s0 =	sshll.u32 s11, $0x4  }
0x37b: {  	s0 =	sand.u32 $0x3FFFFFF0, s0  }
0x37c: {  	v0 =	vld [tilespmem:s0+$0x3678]  }
.Ltmp34:
0x37d: {  	_ = 	snop;
	(pc) =	sbr.rel .LBB3_32-.Ltmp34, $4  }
0x37e: {  	_ = 	snop  }
0x37f: {  	s31 =	sshll.u32 s14, $0x6  }
0x380: {  	s0 =	sshra.s32 s31, $0x2  }
0x381: {  	[tilespmem:s0+$0x3678] =	vst.add.f32.msk $0xffff, v0  }
.LBB3_33:
0x382: {  	s0 =	simm.s32 $0x6;
	p1 =	seq.s32 s6, $0x0  }
0x383: {  	[sflag:s0] =	ssyncpa.u1 $0x1;
	v0 =	vimm.s32 @p1 $0xFFFFFFFF  }
0x384: {  	s9 =	sadd.s32 $0xFFFFFFFF, s6;
	[tilespmem:$0x3878] =	vst @p1 v0  }
0x385: {  	v0 =	vld.msk @!p1 [tilespmem:s9+$0x3658], $0x1;
	_ =	sdelay $0x1  }
0x386: {  	v1 =	vld.msk @!p1 [tilespmem:$0x3658], $0x1;
	_ =	sdelay $0x2  }
0x387: {  	p2 =	seq.s32 @!p1 s9, $0x0;
	v0 =	vbroadcast @!p1 v0, $0x0  }
0x388: {  	vm0 =	vmmov @!p1 $0x1;
	p2 =	por !p2, p1  }
0x389: {  	v1 =	vnsel @!p1 vm0, $0xFFFFFFFF, v1;
	vm0 =	vcmask @!p1 $0x308;
	v0 =	vpsel !p2, $0xFFFFFFFF, v0  }
0x38a: {  	p2 =	sne.s32 @!p1 s8, s7;
	v0 =	vsel @!p1 vm0, v1, v0  }
0x38b: {  	s0 =	simm.s32 @!p1 $0x3678;
	s1 =	simm.s32 @!p1 $0x0;
	p3 =	por !p2, p1;
	[tilespmem:$0x3878] =	vst @!p1 v0  }
0x38c: {  	[spmem:s1] =	stream.linear.scatter @!p1 [tilespmem:s0], [sflag:$0x1], $0x10, $0x38;
	[tilespmem:$0x1F0F8] =	vst v63  }
0x38d: {  	s0 =	sshll.u32 @!p3 s9, $0x6  }
0x38e: {  	s0 =	sshra.s32 @!p3 s0, $0x2  }
0x38f: {  	s1 =	simm.s32 @!p3 $0x10;
	s0 =	sadd.s32 @!p3 $0x3678, s0  }
0x390: {  	[spmem:s1] =	stream.linear.scatter @!p3 [tilespmem:s0], [sflag:$0x1], $0x10, $0x38;
	[tilespmem:$0x1F0F8] =	vst v63  }
0x391: {  	s0 =	simm.s32 @!p3 $0x1  }
0x392: {  	_ =	swait.ge @!p3 [sflag:s0], $0x20  }
0x393: {  	p1 =	por p2, p1;
	[sflag:s0] =	ssyncset.done @!p3 $0x0  }
0x394: {  	[sflag:s0] =	ssyncadd.s32 @!p3 $0xFFFFFFE0;
	s0 =	simm.s32 @!p1 $0x1  }
0x395: {  	_ =	swait.ge @!p1 [sflag:s0], $0x10  }
0x396: {  	s29 =	simm.s32 $0x3878;
	[sflag:s0] =	ssyncset.done @!p1 $0x0  }
0x397: {  	s30 =	simm.s32 $0x200;
	s31 =	simm.s32 $0x1;
	[sflag:s0] =	ssyncadd.s32 @!p1 $0xFFFFFFF0  }
0x398: {  	[spmem:s30] =	stream.linear.scatter [tilespmem:s29], [sflag:$0x1], $0x10, $0x38;
	[tilespmem:$0x1F0F8] =	vst v63  }
0x399: {  	_ =	swait.ge [sflag:s31], $0x10  }
0x39a: {  	[sflag:s31] =	ssyncset.done $0x0  }
0x39b: {  	p1 =	seq.s32 s17, $0x0;
	s8 =	rddreg [dreg:$0x1];
	[sflag:s31] =	ssyncadd.s32 $0xFFFFFFF0  }
0x39c: {  	s1 =	sshll.u32 @p1 s8, $0xE;
	s7 =	rddreg [dreg:$0x2]  }
0x39d: {  	s0 =	sadd.s32 @p1 $0x15C3C, s1;
	s1 =	sshll.u32 @p1 s7, $0x11  }
0x39e: {  	_ =	sfence.stream.spmem;
	s0 =	sor.u32 @p1 s1, s0  }
0x39f: {  	[sflag:s0] =	ssyncadd.remote.s32 @p1 $0x1;
	s0 =	simm.s32 @p1 $0x4  }
0x3a0: {  	s2 =	simm.s32 @!p1 $0x3C;
	s1 =	sand.u32 $0xFFFFFFFE, s8;
	_ =	swait.ge @p1 [sflag:s0], $0x6  }
0x3a1: {  	s4 =	simm.s32 @!p1 $0x0;
	s1 =	sadd.s32 @!p1 $0x4, s1;
	[sflag:s0] =	ssyncset.done @p1 $0x0  }
0x3a2: {  	s5 =	simm.s32 @!p1 $0x20;
	[sflag:s0] =	ssyncadd.s32 @p1 $0xFFFFFFFA;
	s0 =	sshll.u32 @!p1 s1, $0x1A  }
0x3a3: {  	s1 =	sshll.u32 @!p1 s1, $0xD;
	s0 =	sor.u32 @!p1 s0, s7;
	_ =	swait.eq @!p1 [sflag:s2], $0x1  }
0x3a4: {  	s1 =	sor.u32 @!p1 $0x1C04, s1;
	s2 =	simm.s32 @!p1 $0x1C03;
	s0 =	sor.u32 @!p1 $0x80004000, s0  }
0x3a5: {  	[spmem:s5], [sflag:s1] =	dma.general @!p1 [spmem:s4], [sflag:s2], length:$0x4, [dreg:$0x0], stride_count:$0x0, ici_dest:s0, dma_misc:DstOpCode:WRITE  }
0x3a6: {  	p2 =	slt.s32 s9, $0x2;
	s4 =	simm.s32 @!p1 $0x40;
	s5 =	simm.s32 @!p1 $0x42  }
0x3a7: {  	[spmem:s5], [sflag:s1] =	dma.general @!p1 [spmem:s4], [sflag:s2], length:$0x2, [dreg:$0x0], stride_count:$0x0, ici_dest:s0, dma_misc:DstOpCode:WRITE  }
.Ltmp35:
0x3a8: {  	s0 =	simm.s32 @!p1 $0x3;
	(pc) =	sbr.rel @p2 .LBB3_37-.Ltmp35, $4  }
0x3a9: {  	s1 =	sshll.u32 @!p1 s8, $0xE;
	_ =	swait.ge @!p1 [sflag:s0], $0x6  }
0x3aa: {  	s2 =	sshll.u32 @!p1 s7, $0x11;
	s1 =	sadd.s32 @!p1 $0x11C3C, s1;
	[sflag:s0] =	ssyncset.done @!p1 $0x0  }
0x3ab: {  	[sflag:s0] =	ssyncadd.s32 @!p1 $0xFFFFFFFA;
	s0 =	sor.u32 @!p1 s2, s1  }
0x3ac: {  	[sflag:s0] =	ssyncadd.remote.s32 @!p1 $0xFFFFFFFF;
	s0 =	simm.s32 $0x0  }
0x3ad: {  	s0 =	simm.s32 $0x3659  }
0x3ae: {  	v0 =	vld.msk [tilespmem:s0+$0x0], $0x1;
	_ =	sdelay $0x4  }
0x3af: {  	(v2sf) =	vpush v0, $0x0;
	_ =	sdelay $0xd  }
0x3b0: {  	s2 =	sadd.s32 $0xFFFFFFFE, s6  }
0x3b1: {  	s2 =	sadd.s32 $0xFFFFFFFF, s2;
	s0 =	spop (v2sf)  }
0x3b2: {  	p2 =	sne.s32 s2, $0x0;
	p1 =	sgt.u32 s0, $0xC34FE  }
.Ltmp36:
0x3b3: {  	s4 =	sand.u32 @!p1 $0xFFFF8, s0;
	(pc) =	sbr.rel @!p2 .LBB3_36-.Ltmp36, $4  }
0x3b4: {  	s1 =	simm.s32 $0x3688;
	s0 =	sand.u32 @!p1 $0x7, s0;
	s4 =	sadd.s32 @!p1 s3, s4  }
0x3b5: {  	[hbm4b:s4+s0] =	stream.linear.scatter @!p1 [tilespmem:s1], [sflag:$0x5], $0x10, $0x38;
	[tilespmem:$0x1F0F8] =	vst v63  }
0x3b6: {  	s0 =	simm.s32 $0x0  }
0x3b7: {  	s6 =	simm.s32 $0x0;
	s7 =	simm.s32 $0x365A;
	s0 =	simm.s32 @!p1 $0x40  }
.LBB3_35:
0x3b8: {  	v0 =	vld.msk [tilespmem:s7+$0x0], $0x1;
	s2 =	sadd.s32 $0xFFFFFFFF, s2;
	s6 =	sadd.s32 s6, s0  }
0x3b9: {  	p1 =	sne.s32 s2, $0x0;
	_ =	sdelay $0x3  }
0x3ba: {  	(v2sf) =	vpush v0, $0x0;
	_ =	sdelay $0xe  }
.Ltmp37:
0x3bb: {  	s4 =	spop (v2sf);
	(pc) =	sbr.rel @p1 .LBB3_35-.Ltmp37, $4  }
0x3bc: {  	s0 =	simm.s32 $0x0;
	p2 =	sgt.u32 s4, $0xC34FE  }
0x3bd: {  	s1 =	sadd.s32 $0x10, s1;
	s0 =	simm.s32 @!p2 $0x40;
	s5 =	sand.u32 @!p2 $0xFFFF8, s4  }
0x3be: {  	s7 =	sadd.s32 $0x1, s7;
	s4 =	sand.u32 @!p2 $0x7, s4;
	s5 =	sadd.s32 @!p2 s3, s5  }
0x3bf: {  	[hbm4b:s5+s4] =	stream.linear.scatter @!p2 [tilespmem:s1], [sflag:$0x5], $0x10, $0x38;
	[tilespmem:$0x1F0F8] =	vst v63  }
.LBB3_36:
0x3c0: {  	s0 =	sadd.s32 s6, s0  }
0x3c1: {  	s0 =	sshrl.u32 s0, $0x2  }
.LBB3_37:
0x3c2: {  	s1 =	simm.s32 $0x5  }
0x3c3: {  	_ =	swait.ge [sflag:s1], s0  }
0x3c4: {  	s31 =	ssub.s32 $0x0, s0;
	[sflag:s1] =	ssyncset.done $0x0  }
0x3c5: {  	[sflag:s1] =	ssyncadd.s32 s31  }
0x3c6: {  	[sflag:s1] =	ssyncpa.u1 $0x1  }
.LBB3_38:
0x3c7: {  	s0 =	sor.u32 s17, s16  }
0x3c8: {  	p1 =	sne.s32 s0, $0x0  }
.Ltmp38:
0x3c9: {  	_ = 	snop;
	(pc) =	sbr.rel @p1 .LBB3_53-.Ltmp38, $3  }
0x3ca: {  	_ =	sdelay $0x1  }
0x3cb: {  	[bflag:$0x0] =	sbarrier.arrive $0xFFFF  }
0x3cc: {  	_ =	sfence  }
0x3cd: {  	s0 =	simm.s32 $0x7  }
0x3ce: {  	s1 =	simm.s32 $0x200;
	s2 =	simm.s32 $0x3658;
	[sflag:s0] =	ssyncpa.u1 $0x0  }
0x3cf: {  	[tilespmem:s2], [sflag:$0x7] =	stream.linear.gather [spmem:s1], $0x20, $0x38;
	[tilespmem:$0x1F0F8] =	vst v63  }
0x3d0: {  	s30 =	simm.s32 $0x3678;
	s1 =	simm.s32 $0x0  }
0x3d1: {  	[tilespmem:s30], [sflag:$0x7] =	stream.linear.gather [spmem:s1], $0x200, $0x38;
	[tilespmem:$0x1F0F8] =	vst v63  }
.Ltmp39:
0x3d2: {  	_ = 	snop;
	(pc) =	sbr.rel .LBB3_40-.Ltmp39, $4  }
0x3d3: {  	_ =	swait.ge [sflag:s0], $0x220  }
0x3d4: {  	[sflag:s0] =	ssyncset.done $0x0  }
0x3d5: {  	s31 =	simm.s32 $0x8;
	[sflag:s0] =	ssyncadd.s32 $0xFFFFFDE0  }
0x3d6: {  	s2 =	simm.s32 $0x0;
	[sflag:s31] =	ssyncpa.u1 $0x0  }
.LBB3_45:
0x3d7: {  	p1 =	slt.u32 s4, $0xC34FF  }
0x3d8: {  	s0 =	sand.u32 @p1 $0xFFFF8, s4  }
0x3d9: {  	s4 =	sand.u32 @p1 $0x7, s4;
	s5 =	simm.s32 @p1 $0x3638;
	s0 =	sadd.s32 @p1 s3, s0  }
0x3da: {  	[tilespmem:s5], [sflag:$0x8] =	stream.linear.gather @p1 [hbm4b:s0+s4], $0x10, $0x38;
	[tilespmem:$0x1F0F8] =	vst v63  }
0x3db: {  	s0 =	simm.s32 @p1 $0x8  }
0x3dc: {  	_ =	swait.ge @p1 [sflag:s0], $0x10  }
0x3dd: {  	[sflag:s0] =	ssyncset.done @p1 $0x0  }
0x3de: {  	[sflag:s0] =	ssyncadd.s32 @p1 $0xFFFFFFF0  }
0x3df: {  	v1 =	vld @p1 [tilespmem:$0x3638];
	_ =	sdelay $0x2  }
0x3e0: {  	s0 =	sshll.u32 @p1 s2, $0x6  }
0x3e1: {  	s5 =	sshll.u32 @!p1 s2, $0x6;
	s4 =	sshrl.u32 @p1 s0, $0x2  }
0x3e2: {  	s5 =	smov.u32 @p1 s0;
	[tilespmem:s4+$0x3678] =	vst.add.f32.msk @p1 $0xffff, v1  }
0x3e3: {  	s0 =	sshrl.u32 s5, $0x2;
	[tilespmem:s1+$0x3658] =	vst.msk $0x1, v0  }
0x3e4: {  	v0 =	vld [tilespmem:s0+$0x3678];
	_ =	sdelay $0x2  }
0x3e5: {  	s31 =	sshll.u32 s1, $0x6  }
0x3e6: {  	s0 =	sshra.s32 s31, $0x2  }
0x3e7: {  	s1 =	sadd.s32 $0x1, s1;
	[tilespmem:s0+$0x3678] =	vst v0  }
.LBB3_47:
0x3e8: {  	s2 =	sadd.s32 $0x1, s2  }
0x3e9: {  	p1 =	sne.s32 s2, $0x20  }
.Ltmp40:
0x3ea: {  	_ = 	snop;
	(pc) =	sbr.rel @!p1 .LBB3_48-.Ltmp40, $1  }
0x3eb: {  	_ =	sdelay $0x3  }
.LBB3_40:
0x3ec: {  	v0 =	vld.msk [tilespmem:s2+$0x3658], $0x1;
	_ =	sdelay $0x4  }
0x3ed: {  	(v2sf) =	vpush v0, $0x0;
	_ =	sdelay $0xe  }
0x3ee: {  	s4 =	spop (v2sf)  }
0x3ef: {  	p1 =	seq.s32 s4, $0xFFFFFFFF  }
.Ltmp41:
0x3f0: {  	_ = 	snop;
	(pc) =	sbr.rel @p1 .LBB3_47-.Ltmp41, $1  }
0x3f1: {  	_ =	sdelay $0x3  }
0x3f2: {  	p1 =	slt.s32 s1, $0x1  }
.Ltmp42:
0x3f3: {  	_ = 	snop;
	(pc) =	sbr.rel @p1 .LBB3_45-.Ltmp42, $1  }
0x3f4: {  	_ =	sdelay $0x3  }
0x3f5: {  	s5 =	simm.s32 $0x3658;
	p1 =	por $0x0, $0x0  }
0x3f6: {  	v1 =	vld.msk @!p1 [tilespmem:s5+$0x0], $0x1;
	_ =	sdelay $0x4  }
0x3f7: {  	(v2sf) =	vpush @!p1 v1, $0x0;
	_ =	sdelay $0xd  }
0x3f8: {  	p3 =	sne.s32 s1, $0x1  }
.Ltmp43:
0x3f9: {  	s0 =	spop @!p1 (v2sf);
	(pc) =	sbr.rel @!p3 .LBB3_44-.Ltmp43, $4  }
0x3fa: {  	p2 =	seq.s32 @!p1 s4, s0  }
0x3fb: {  	s6 =	simm.s32 $0x0;
	p2 =	por !p2, p1  }
0x3fc: {  	s0 =	simm.s32 $0xFFFFFFFF;
	s6 =	simm.s32 @p2 $0xFFFFFFFF  }
0x3fd: {  	s7 =	simm.s32 $0x1;
	s6 =	smov.u32 @p1 s0  }
.LBB3_43:
0x3fe: {  	s0 =	smov.u32 s6;
	p1 =	sne.s32 s6, $0xFFFFFFFF  }
0x3ff: {  	s5 =	sadd.s32 $0x1, s5;
	s6 =	smov.u32 s7;
	s7 =	sadd.s32 $0x1, s7  }
0x400: {  	p2 =	sne.s32 s1, s7;
	v1 =	vld.msk @!p1 [tilespmem:s5+$0x0], $0x1;
	_ =	sdelay $0x4  }
0x401: {  	(v2sf) =	vpush @!p1 v1, $0x0;
	_ =	sdelay $0xe  }
.Ltmp44:
0x402: {  	s8 =	spop @!p1 (v2sf);
	(pc) =	sbr.rel @p2 .LBB3_43-.Ltmp44, $4  }
0x403: {  	p3 =	seq.s32 @!p1 s4, s8  }
0x404: {  	p3 =	por !p3, p1  }
0x405: {  	s6 =	simm.s32 @p3 $0xFFFFFFFF  }
0x406: {  	s6 =	smov.u32 @p1 s0  }
.LBB3_44:
0x407: {  	p1 =	sne.s32 s6, $0xFFFFFFFF  }
.Ltmp45:
0x408: {  	_ = 	snop;
	(pc) =	sbr.rel @!p1 .LBB3_45-.Ltmp45, $1  }
0x409: {  	_ =	sdelay $0x3  }
0x40a: {  	s0 =	sshll.u32 s2, $0x4  }
0x40b: {  	s0 =	sand.u32 $0x3FFFFFF0, s0  }
0x40c: {  	v0 =	vld [tilespmem:s0+$0x3678]  }
.Ltmp46:
0x40d: {  	_ = 	snop;
	(pc) =	sbr.rel .LBB3_47-.Ltmp46, $4  }
0x40e: {  	_ = 	snop  }
0x40f: {  	s31 =	sshll.u32 s6, $0x6  }
0x410: {  	s0 =	sshra.s32 s31, $0x2  }
0x411: {  	[tilespmem:s0+$0x3678] =	vst.add.f32.msk $0xffff, v0  }
.LBB3_48:
0x412: {  	p1 =	slt.s32 s1, $0x1  }
.Ltmp47:
0x413: {  	_ = 	snop;
	(pc) =	sbr.rel @p1 .LBB3_52-.Ltmp47, $3  }
0x414: {  	_ =	sdelay $0x1  }
0x415: {  	s0 =	simm.s32 $0x8  }
0x416: {  	s2 =	simm.s32 $0x0;
	[sflag:s0] =	ssyncpa.u1 $0x1  }
0x417: {  	s0 =	simm.s32 $0x3658  }
0x418: {  	v0 =	vld.msk [tilespmem:s0+$0x0], $0x1;
	_ =	sdelay $0x4  }
0x419: {  	(v2sf) =	vpush v0, $0x0;
	_ =	sdelay $0xe  }
0x41a: {  	s1 =	sadd.s32 $0xFFFFFFFF, s1;
	s0 =	spop (v2sf)  }
0x41b: {  	p2 =	sne.s32 s1, $0x0;
	p1 =	sgt.u32 s0, $0xC34FE  }
.Ltmp48:
0x41c: {  	s5 =	sand.u32 @!p1 $0xFFFF8, s0;
	(pc) =	sbr.rel @!p2 .LBB3_51-.Ltmp48, $4  }
0x41d: {  	s4 =	simm.s32 $0x3678;
	s0 =	sand.u32 @!p1 $0x7, s0;
	s5 =	sadd.s32 @!p1 s3, s5  }
0x41e: {  	[hbm4b:s5+s0] =	stream.linear.scatter @!p1 [tilespmem:s4], [sflag:$0x7], $0x10, $0x38;
	[tilespmem:$0x1F0F8] =	vst v63  }
0x41f: {  	s0 =	simm.s32 $0x0  }
0x420: {  	s5 =	simm.s32 $0x3659;
	s0 =	simm.s32 @!p1 $0x40  }
.LBB3_50:
0x421: {  	v0 =	vld.msk [tilespmem:s5+$0x0], $0x1;
	s1 =	sadd.s32 $0xFFFFFFFF, s1;
	s2 =	sadd.s32 s2, s0  }
0x422: {  	p1 =	sne.s32 s1, $0x0;
	_ =	sdelay $0x3  }
0x423: {  	(v2sf) =	vpush v0, $0x0;
	_ =	sdelay $0xe  }
.Ltmp49:
0x424: {  	s6 =	spop (v2sf);
	(pc) =	sbr.rel @p1 .LBB3_50-.Ltmp49, $4  }
0x425: {  	s0 =	simm.s32 $0x0;
	p2 =	sgt.u32 s6, $0xC34FE  }
0x426: {  	s4 =	sadd.s32 $0x10, s4;
	s0 =	simm.s32 @!p2 $0x40;
	s7 =	sand.u32 @!p2 $0xFFFF8, s6  }
0x427: {  	s5 =	sadd.s32 $0x1, s5;
	s6 =	sand.u32 @!p2 $0x7, s6;
	s7 =	sadd.s32 @!p2 s3, s7  }
0x428: {  	[hbm4b:s7+s6] =	stream.linear.scatter @!p2 [tilespmem:s4], [sflag:$0x7], $0x10, $0x38;
	[tilespmem:$0x1F0F8] =	vst v63  }
.LBB3_51:
0x429: {  	s0 =	sadd.s32 s2, s0  }
0x42a: {  	s2 =	sshrl.u32 s0, $0x2  }
.LBB3_52:
0x42b: {  	s0 =	simm.s32 $0x7  }
0x42c: {  	_ =	swait.ge [sflag:s0], s2  }
0x42d: {  	s1 =	ssub.s32 $0x0, s2;
	[sflag:s0] =	ssyncset.done $0x0  }
0x42e: {  	[sflag:s0] =	ssyncadd.s32 s1  }
0x42f: {  	[sflag:s0] =	ssyncpa.u1 $0x1  }
.LBB3_53:
0x430: {  	_ =	sfence;
	s0 =	simm.s32 $0x1  }
0x431: {  	[sflag:s0] =	ssyncpa.u1 $0x1  }
0x432: {  	_ =	strace $0x90000059  }
0x433: {  	[bflag:$0x2] =	sbarrier.arrive $0xFFFF  }
0x434: {  	s0 =	rddreg [dreg:$0x3]  }
0x435: {  	s0 =	sadd.s32 @!p0 $0x100000, s0  }
0x436: {  	[sflag:s0] =	ssyncadd.tile.s32 @!p0 $0x1;
	_ =	shalt  }
.Lfunc_end3:
_tile_overlayer_lowered:
.L_overlay_start_3:
0x437: {  	(tag) =	ssettag $0x3  }
0x438: {  	s0 =	rddreg [dreg:$0x0];
	s2 =	stileid.u32  }
0x439: {  	s1 =	rddreg [dreg:$0x1];
	p0 =	sne.s32 s2, $0x0  }
0x43a: {  	s3 =	rddreg [dreg:$0x2];
	[bflag:$0x3] =	sbarrier.arrive $0xFFFF;
	s2 =	simm.s32 @!p0 $0x1C01  }
0x43b: {  	[timem:s3], [sflag:s2] =	dma.local @!p0 [hbm:s0], s1  }
0x43c: {  	s0 =	simm.s32 @!p0 $0x1  }
0x43d: {  	_ =	swait.ge @!p0 [sflag:s0], s1  }
0x43e: {  	s1 =	ssub.s32 @!p0 $0x0, s1;
	[sflag:s0] =	ssyncset.done @!p0 $0x0  }
0x43f: {  	[sflag:s0] =	ssyncadd.s32 @!p0 s1  }
0x440: {  	[bflag:$0x3] =	sbarrier.arrive $0xFFFF  }
0x441: {  	_ =	shalt  }

// kernel: sparse-core-data-format-call.1.cloned.1.call-start
scs
called_computation.3_lowered:
.L_overlay_start_0:
0x0: {  	s2 =	sld [smem:$0x3FD9]  }
0x1: {  	s3 =	sld [smem:$0x3FFE];
	_ =	sdelay $0x1  }
0x2: {  	s1 =	srdreg.scid  }
0x3: {  	s0 =	sand.u32 $0x1, s1  }
0x4: {  	s15 =	sshll.u32 s0, $0xA;
	s2 =	sadd.s32 s3, s2  }
0x5: {  	s2 =	sadd.s32 s2, s15  }
0x6: {  	[smem:$0x3FC4] =	sst s2  }
0x7: {  	_ = 	snop  }
0x8: {  	s2 =	sld [smem:$0x3FD0];
	_ =	sdelay $0x2  }
0x9: {  	s16 =	simm.s32 $0xE;
	s4 =	simm.s32 $0x10  }
0xa: {  	[smem:s4], [sflag:s16] =	dma.local [hbm:s2], $0x1  }
0xb: {  	_ =	swait.eq [sflag:s16], $0x1  }
0xc: {  	[sflag:s16] =	ssyncset.done $0x0  }
0xd: {  	[sflag:s16] =	ssyncadd.s32 $0xFFFFFFFF  }
0xe: {  	s17 =	sld [smem:$0x12];
	(tm) =	ssettm $0x1  }
0xf: {  	s18 =	sld [smem:$0x3FFB];
	_ =	sdelay $0x3  }
0x10: {  	_ =	strace s18  }
0x11: {  	s3 =	sld [smem:$0x3FFC];
	_ =	sdelay $0x3  }
0x12: {  	_ =	strace s3  }
0x13: {  	s3 =	sld [smem:$0x3FFD];
	_ =	sdelay $0x3  }
0x14: {  	_ =	strace s3  }
0x15: {  	_ =	strace $0x8FFFFFFF  }
0x16: {  	s19 =	sld [smem:$0x3FDB];
	_ =	sdelay $0x1  }
0x17: {  	s20 =	simm.s32 $_scs_section_size  }
0x18: {  	s5 =	simm.s32 $_size__tile_overlayer_lowered;
	s6 =	simm.s32 $_tile_overlayer_lowered  }
0x19: {  	s23 =	simm.s32 $0x1BFF;
	s22 =	sshll.u32 s6, $0x1;
	s3 =	sadd.s32 s20, s19  }
0x1a: {  	s7 =	simm.s32 $0x0;
	s21 =	sshll.u32 s5, $0x1;
	s5 =	sadd.s32 s22, s3  }
0x1b: {  	[timem:s7], [sflag:s23] =	dma.local [hbm:s5], s21  }
0x1c: {  	_ =	swait.ge [sflag:s23], s21  }
0x1d: {  	s4 =	ssub.s32 $0x0, s21;
	[sflag:s23] =	ssyncset.done $0x0  }
0x1e: {  	[sflag:s23] =	ssyncadd.s32 s4;
	_ =	sdelay $0x1  }
0x1f: {  	s24 =	simm.s32 $0x1B8B  }
0x20: {  	_ =	swait.ge [sflag:s24], $0x1  }
0x21: {  	[sflag:s24] =	ssyncset.done $0x0  }
0x22: {  	s26 =	simm.s32 $0x1B8E;
	s25 =	sld [smem:$0x3FFE];
	[sflag:s24] =	ssyncadd.s32 $0xFFFFFFFF  }
0x23: {  	s27 =	simm.s32 $execute0_lowered;
	[smem:$0x3FD2] =	sst s26  }
0x24: {  	s5 =	sshll.u32 s27, $0x1;
	_ =	strace $0x80000046;
	[dreg:$0x1] =	wrdreg $0xFFFFFFFF  }
0x25: {  	s28 =	simm.s32 $_size_execute0_lowered;
	s3 =	sadd.s32 s3, s5;
	[dreg:$0x0] =	wrdreg $0x0  }
0x26: {  	s5 =	sshll.u32 s28, $0x1;
	[dreg:$0x2] =	wrdreg s3  }
0x27: {  	[dreg:$0x3] =	wrdreg s5  }
0x28: {  	[dreg:$0x4] =	wrdreg $0xC0  }
0x29: {  	_ =	task [dreg:s7], $0x5FFFF  }
0x2a: {  	[dreg:$0x1] =	wrdreg $0xFFFFFFFF  }
0x2b: {  	[dreg:$0x0] =	wrdreg $0x60  }
0x2c: {  	[dreg:$0x2] =	wrdreg s17  }
0x2d: {  	[dreg:$0x3] =	wrdreg s25  }
0x2e: {  	[dreg:$0x4] =	wrdreg $0xA  }
0x2f: {  	_ =	task.clear_ibuf [dreg:s7], $0x5FFFF;
	_ =	strace $0x90000046  }
0x30: {  	s29 =	simm.s32 $0xA;
	_ =	strace $0x80000048  }
0x31: {  	_ =	swait.ge [sflag:s29], $0x1  }
0x32: {  	[sflag:s29] =	ssyncadd.s32 $0xFFFFFFFF  }
0x33: {  	_ =	strace $0x90000048  }
0x34: {  	_ =	sfence  }
0x35: {  	s30 =	sld [smem:$0x0];
	_ =	sdelay $0x2  }
0x36: {  	s31 =	sshll.u32 s1, $0xD;
	s1 =	sshrl.u32 s1, $0x2  }
0x37: {  	s3 =	sand.u32 $0x4000, s31;
	s1 =	sadd.s32 s1, s30  }
0x38: {  	s0 =	sor.u32 s3, s0;
	s1 =	sshll.u32 s1, $0x11  }
0x39: {  	s0 =	sor.u32 s1, s0  }
0x3a: {  	s0 =	sadd.s32 $0x8F2B, s0  }
0x3b: {  	[sflag:s0] =	ssyncadd.remote.s32 $0x1  }
0x3c: {  	_ =	sfence.sel $0xFFFF  }
0x3d: {  	[dreg:$0x0] =	wrdreg $0xFFFFFFFF;
	(pc) =	sbr.abs _section_cstart, $3  }
0x3e: {  	[dreg:$0x1] =	wrdreg $0xFFFFFFFF  }
0x3f: {  	_ =	task.clear_ibuf [dreg:s7], $0x2FFFF;
	_ =	strace $0x9FFFFFFF  }
0x40: {  	(tm) =	ssettm $0x7FFFFFFF  }
0x41: {  	_ =	shalt  }
tec
execute0_lowered:
.L_overlay_start_1:
0x0: {  	(tag) =	ssettag $0x1  }
0x1: {  	s0 =	srdreg.scid;
	s2 =	rddreg [dreg:$0x0]  }
0x2: {  	s6 =	rddreg [dreg:$0x1];
	s1 =	sshll.u32 s0, $0x4  }
0x3: {  	s7 =	simm.s32 $0x1;
	s0 =	stileid.u32;
	s1 =	sand.u32 $0x10, s1  }
0x4: {  	s8 =	simm.s32 $0x2;
	s13 =	simm.s32 $0x0;
	s1 =	sor.u32 s0, s1  }
0x5: {  	s12 =	simm.s32 $0x0;
	s10 =	simm.s32 $0x0;
	s3 =	sshll.u32 s1, $0x8  }
0x6: {  	s11 =	simm.s32 $0x0;
	s6 =	sadd.s32 $0x30E000, s6;
	s5 =	ssub.s32 $0xC3500, s3  }
.Ltmp0:
0x7: {  	s1 =	rddreg [dreg:$0x2];
	s4 =	sand.u32 $0x1F00, s5;
	(pc) =	sbr.rel .LBB1_1-.Ltmp0, $4  }
0x8: {  	_ =	strace $0x80000047;
	s9 =	smov.u32 s3;
	p0 =	sne.s32 s4, $0x0  }
0x9: {  	s5 =	sshrl.u32 s5, $0xD;
	s4 =	simm.s32 $0x1;
	s7 =	simm.s32 @!p0 $0x0  }
0xa: {  	[sflag:s4] =	ssyncpa.u1 $0x0;
	p0 =	por $0x0, $0x0;
	s5 =	sadd.s32 s7, s5  }
0xb: {  	[sflag:s8] =	ssyncpa.u1 $0x0;
	s8 =	simm.s32 $0x80;
	s7 =	sadd.s32 $0x1, s5  }
.LBB1_4:
0xc: {  	_ =	sdelay $0x3  }
0xd: {  	s21 =	sor.u32 s24, s23;
	v47 =	vld.idx.msk [tilespmem:v0+s16+$0x470 ss:$0x1], $0xffff  }
0xe: {  	v57 =	vld.idx.msk [tilespmem:v0+s21+$0x410 ss:$0x1], $0xffff  }
0xf: {  	v58 =	vld.idx.msk [tilespmem:v0+s21+$0x420 ss:$0x1], $0xffff  }
0x10: {  	[tilespmem:s18+$0x660 ss:$0x11] =	vst.msk $0xffff, v8;
	v59 =	vld.idx.msk [tilespmem:v0+s21+$0x430 ss:$0x1], $0xffff  }
0x11: {  	[tilespmem:s18+$0x770 ss:$0x11] =	vst.msk $0xffff, v7;
	v60 =	vld.idx.msk [tilespmem:v0+s21+$0x440 ss:$0x1], $0xffff  }
0x12: {  	[tilespmem:s18+$0x990 ss:$0x11] =	vst.msk $0xffff, v1;
	s22 =	sand.u32 $0xB00, s21;
	v61 =	vld.idx.msk [tilespmem:v0+s21+$0x450 ss:$0x1], $0xffff  }
0x13: {  	s20 =	sand.u32 $0x80, s20;
	[tilespmem:s18+$0xAA0 ss:$0x11] =	vst.msk $0xffff, v2;
	v62 =	vld.idx.msk [tilespmem:v0+s21+$0x460 ss:$0x1], $0xffff;
	s15 =	sadd.s32 s22, s15  }
0x14: {  	[tilespmem:s18+$0xBB0 ss:$0x11] =	vst.msk $0xffff, v3;
	v63 =	vld.idx.msk [tilespmem:v0+s21+$0x470 ss:$0x1], $0xffff;
	s15 =	sadd.s32 s20, s15  }
0x15: {  	[tilespmem:s18+$0xCC0 ss:$0x11] =	vst.msk $0xffff, v4;
	v48 =	vld [tilespmem:s15+$0x400]  }
0x16: {  	[tilespmem:s18+$0xDD0 ss:$0x11] =	vst.msk $0xffff, v5;
	v49 =	vld [tilespmem:s15+$0x0]  }
0x17: {  	s25 =	sshra.s32 s19, $0x2;
	[tilespmem:s18+$0xEE0 ss:$0x11] =	vst.msk $0xffff, v6;
	v50 =	vld [tilespmem:s15+$0x10]  }
0x18: {  	s16 =	sadd.s32 s25, s17;
	v51 =	vld [tilespmem:s15+$0x20];
	[tilespmem:s18+$0xFF0 ss:$0x11] =	vst.msk $0xffff, v47  }
0x19: {  	v52 =	vld [tilespmem:s15+$0x30];
	[tilespmem:s16+$0x990 ss:$0x11] =	vst.msk $0xffff, v57  }
0x1a: {  	v53 =	vld [tilespmem:s15+$0x40];
	[tilespmem:s16+$0xAA0 ss:$0x11] =	vst.msk $0xffff, v58  }
0x1b: {  	v54 =	vld [tilespmem:s15+$0x50];
	[tilespmem:s16+$0xBB0 ss:$0x11] =	vst.msk $0xffff, v59  }
0x1c: {  	s13 =	sshll.u32 s13, $0x7;
	s26 =	sshll.u32 s12, $0x3;
	v55 =	vld [tilespmem:s15+$0x60];
	[tilespmem:s16+$0xCC0 ss:$0x11] =	vst.msk $0xffff, v60  }
0x1d: {  	s27 =	sand.u32 $0xFFFFFC00, s13;
	v56 =	vld [tilespmem:s15+$0x70];
	s15 =	sand.u32 $0xFFFFFC00, s26;
	[tilespmem:s16+$0xDD0 ss:$0x11] =	vst.msk $0xffff, v61  }
0x1e: {  	s13 =	sand.u32 $0x380, s13;
	s15 =	sadd.s32 s15, s27;
	[tilespmem:s16+$0xEE0 ss:$0x11] =	vst.msk $0xffff, v62  }
0x1f: {  	s13 =	sor.u32 s13, s15;
	[tilespmem:s16+$0xFF0 ss:$0x11] =	vst.msk $0xffff, v63  }
0x20: {  	s13 =	sshrl.u32 s13, $0x7;
	[tilespmem:s16+$0x880 ss:$0x11] =	vst.msk $0xffff, v48  }
0x21: {  	s28 =	smulhi.u32 $0x14F8B59, s13;
	[tilespmem:s16+$0x0 ss:$0x11] =	vst.msk $0xffff, v49  }
0x22: {  	[tilespmem:s16+$0x110 ss:$0x11] =	vst.msk $0xffff, v50  }
0x23: {  	[tilespmem:s16+$0x220 ss:$0x11] =	vst.msk $0xffff, v51;
	s15 =	sshrl.u32 s28, $0xC  }
0x24: {  	[tilespmem:s16+$0x330 ss:$0x11] =	vst.msk $0xffff, v52;
	s15 =	smul.u32 $0xC3500, s15  }
0x25: {  	s29 =	sshrl.u32 s12, $0x3;
	[tilespmem:s16+$0x440 ss:$0x11] =	vst.msk $0xffff, v53  }
0x26: {  	s31 =	sand.u32 $0x7, s12;
	s30 =	sand.u32 $0xF, s29;
	[tilespmem:s16+$0x550 ss:$0x11] =	vst.msk $0xffff, v54;
	s13 =	ssub.s32 s13, s15  }
0x27: {  	s12 =	sshll.u32 s31, $0x12;
	[tilespmem:s16+$0x660 ss:$0x11] =	vst.msk $0xffff, v55;
	s15 =	sadd.s32 s6, s30;
	s13 =	sshll.u32 s13, $0x4  }
0x28: {  	s12 =	sor.u32 $0x10, s12;
	[tilespmem:s16+$0x770 ss:$0x11] =	vst.msk $0xffff, v56;
	s13 =	sadd.s32 s13, s15  }
0x29: {  	[hbm4b:s13+s12] =	stream.strided.scatter [tilespmem:s14], [sflag:$0x2], $0x1000, s8, s12, $0x8;
	[tilespmem:$0x4200] =	vst v63  }
.LBB1_5:
0x2a: {  	s14 =	sadd.s32 $0x2000, s9  }
0x2b: {  	s12 =	sadd.s32 $0x10, s10;
	s16 =	smov.u32 s10;
	p2 =	sgt.s32 s14, $0xC34FF  }
0x2c: {  	s16 =	smov.u32 @p2 s12  }
0x2d: {  	s14 =	smov.u32 @p2 s3;
	p2 =	sgt.s32 s16, $0xF  }
0x2e: {  	s16 =	simm.s32 @p2 $0x0;
	p2 =	sne.s32 s11, s7  }
.Ltmp1:
0x2f: {  	p1 =	slt.u32 s11, $0x2;
	(pc) =	sbr.rel @!p2 .LBB1_6-.Ltmp1, $4  }
0x30: {  	s15 =	simm.s32 @!p1 $0x2  }
0x31: {  	s13 =	smov.u32 s9;
	p0 =	por !p0, !p0;
	_ =	swait.ge @!p1 [sflag:s15], $0x1000  }
0x32: {  	s12 =	smov.u32 s10;
	[sflag:s15] =	ssyncset.done @!p1 $0x0;
	s9 =	smov.u32 s14  }
0x33: {  	s11 =	sadd.s32 $0x1, s11;
	[sflag:s15] =	ssyncadd.s32 @!p1 $0xFFFFF000;
	s10 =	smov.u32 s16  }
.LBB1_1:
0x34: {  	p1 =	sge.u32 s11, s5  }
0x35: {  	s14 =	sshrl.u32 @!p1 s10, $0x3  }
0x36: {  	s15 =	sshll.u32 @!p1 s9, $0x3;
	s14 =	smul.u32 @!p1 $0x61A800, s14  }
0x37: {  	s16 =	sshll.u32 @!p1 s10, $0x7;
	s15 =	sand.u32 @!p1 $0xFFFFFC00, s15  }
0x38: {  	s14 =	sadd.s32 @!p1 s14, s15;
	s15 =	sand.u32 @!p1 $0x380, s16  }
0x39: {  	s14 =	sor.u32 @!p1 s15, s14  }
0x3a: {  	s15 =	sshrl.u32 @!p1 s14, $0x8  }
0x3b: {  	s15 =	smulhi.u32 @!p1 $0x14F8B59, s15;
	_ =	sdelay $0x1  }
0x3c: {  	s15 =	sshrl.u32 @!p1 s15, $0x4  }
0x3d: {  	s16 =	sand.u32 @!p1 $0x7F, s9;
	s17 =	smul.u32 @!p1 $0xC3500, s15  }
0x3e: {  	s31 =	sadd.s32 $0xFFFFFFFF, s11;
	s14 =	sor.u32 @!p1 s16, s14;
	s16 =	sxor.u32 @!p1 $0xFFFFFFFF, s11  }
0x3f: {  	s16 =	sshll.u32 @!p1 s16, $0xC;
	s15 =	sand.u32 @!p1 $0xF, s15;
	s14 =	ssub.s32 @!p1 s14, s17  }
0x40: {  	s15 =	smul.u32 @!p1 $0x186A0, s15;
	s17 =	sshrl.u32 @!p1 s14, $0x3;
	s14 =	sand.u32 @!p1 $0x7, s14  }
0x41: {  	s16 =	sand.u32 @!p1 $0x1000, s16;
	s17 =	sadd.s32 @!p1 s2, s17;
	s14 =	sshll.u32 @!p1 s14, $0x12  }
0x42: {  	s15 =	sadd.s32 @!p1 s15, s17;
	s14 =	sor.u32 @!p1 $0x800, s14;
	s17 =	simm.s32 @!p1 $0x61A800  }
0x43: {  	[tilespmem:s16], [sflag:$0x1] =	stream.strided.gather @!p1 [hbm4b:s15+s14], $0x1000, s17, s14, $0x38;
	[tilespmem:$0x4200] =	vst v63  }
0x44: {  	p1 =	sge.u32 s31, s5  }
.Ltmp2:
0x45: {  	_ = 	snop;
	(pc) =	sbr.rel @p1 .LBB1_5-.Ltmp2, $1  }
0x46: {  	_ =	sdelay $0x3  }
0x47: {  	s17 =	simm.s32 $0x0  }
0x48: {  	s16 =	sand.u32 $0x800, s17;
	s18 =	sand.u32 $0x380, s17  }
0x49: {  	s14 =	sand.u32 $0x1, s11;
	s16 =	sor.u32 s18, s16  }
0x4a: {  	_ =	swait.ge [sflag:s4], $0x1000;
	s15 =	sshll.u32 s14, $0xC;
	s18 =	sand.u32 $0xB00, s16  }
0x4b: {  	[sflag:s4] =	ssyncset.done $0x0;
	s17 =	sand.u32 $0x80, s17;
	s18 =	sadd.s32 s18, s15  }
0x4c: {  	[sflag:s4] =	ssyncadd.s32 $0xFFFFF000;
	s20 =	sadd.s32 s17, s18  }
0x4d: {  	v4 =	vld [tilespmem:s20+$0x400]  }
0x4e: {  	s19 =	simm.s32 $0x1;
	v5 =	vld [tilespmem:s20+$0x0]  }
0x4f: {  	s19 =	simm.s32 @!p0 $0x0;
	v6 =	vld [tilespmem:s20+$0x10]  }
0x50: {  	v0 =	vmov s15;
	s31 =	smul.u32 $0x4400, s19;
	v7 =	vld [tilespmem:s20+$0x20]  }
0x51: {  	v9 =	vld [tilespmem:s20+$0x30]  }
0x52: {  	s17 =	sshrl.u32 s31, $0x2;
	v10 =	vld [tilespmem:s20+$0x40]  }
0x53: {  	s17 =	sor.u32 $0x2000, s17;
	v11 =	vld [tilespmem:s20+$0x50]  }
0x54: {  	v8 =	vld [tilespmem:s20+$0x60];
	s18 =	sadd.s32 $0x0, s17  }
0x55: {  	v1 =	vld.idx.msk [tilespmem:v0+s16+$0x410 ss:$0x1], $0xffff;
	[tilespmem:s18+$0x880 ss:$0x11] =	vst.msk $0xffff, v4  }
0x56: {  	v2 =	vld.idx.msk [tilespmem:v0+s16+$0x420 ss:$0x1], $0xffff;
	[tilespmem:s18+$0x0 ss:$0x11] =	vst.msk $0xffff, v5  }
0x57: {  	v3 =	vld.idx.msk [tilespmem:v0+s16+$0x430 ss:$0x1], $0xffff;
	[tilespmem:s18+$0x110 ss:$0x11] =	vst.msk $0xffff, v6  }
0x58: {  	s14 =	smul.u32 $0x4400, s14;
	[tilespmem:s18+$0x220 ss:$0x11] =	vst.msk $0xffff, v7;
	v7 =	vld [tilespmem:s20+$0x70]  }
0x59: {  	s21 =	simm.s32 $0x100;
	s22 =	simm.s32 $0x8;
	[tilespmem:s18+$0x330 ss:$0x11] =	vst.msk $0xffff, v9;
	v4 =	vld.idx.msk [tilespmem:v0+s16+$0x440 ss:$0x1], $0xffff  }
0x5a: {  	s23 =	sand.u32 $0x800, s21;
	s14 =	sshrl.u32 s14, $0x2;
	[tilespmem:s18+$0x440 ss:$0x11] =	vst.msk $0xffff, v10;
	v5 =	vld.idx.msk [tilespmem:v0+s16+$0x450 ss:$0x1], $0xffff;
	s20 =	simm.s32 $0x80  }
0x5b: {  	s19 =	simm.s32 $0x4;
	s14 =	sor.u32 $0x2000, s14;
	[tilespmem:s18+$0x550 ss:$0x11] =	vst.msk $0xffff, v11;
	v6 =	vld.idx.msk [tilespmem:v0+s16+$0x460 ss:$0x1], $0xffff;
	s24 =	sand.u32 $0x380, s20  }
.LBB1_3:
0x5c: {  	p1 =	sne.s32 s22, $0x3C;
	[tilespmem:s18+$0x660 ss:$0x11] =	vst.msk $0xffff, v8;
	v8 =	vld.idx.msk [tilespmem:v0+s16+$0x470 ss:$0x1], $0xffff;
	s16 =	sor.u32 s24, s23  }
0x5d: {  	s23 =	sand.u32 $0xB00, s16;
	v9 =	vld.idx.msk [tilespmem:v0+s16+$0x410 ss:$0x1], $0xffff;
	[tilespmem:s18+$0x770 ss:$0x11] =	vst.msk $0xffff, v7  }
0x5e: {  	s24 =	sand.u32 $0x80, s20;
	s23 =	sadd.s32 s23, s15;
	v7 =	vld.idx.msk [tilespmem:v0+s16+$0x420 ss:$0x1], $0xffff;
	[tilespmem:s18+$0x990 ss:$0x11] =	vst.msk $0xffff, v1  }
0x5f: {  	s23 =	sadd.s32 s24, s23;
	v10 =	vld.idx.msk [tilespmem:v0+s16+$0x430 ss:$0x1], $0xffff;
	[tilespmem:s18+$0xAA0 ss:$0x11] =	vst.msk $0xffff, v2  }
0x60: {  	v11 =	vld [tilespmem:s23+$0x400];
	[tilespmem:s18+$0xBB0 ss:$0x11] =	vst.msk $0xffff, v3  }
0x61: {  	v12 =	vld [tilespmem:s23+$0x0];
	[tilespmem:s18+$0xCC0 ss:$0x11] =	vst.msk $0xffff, v4  }
0x62: {  	v4 =	vld [tilespmem:s23+$0x10];
	[tilespmem:s18+$0xDD0 ss:$0x11] =	vst.msk $0xffff, v5  }
0x63: {  	s24 =	sshra.s32 s19, $0x2;
	s19 =	smov.u32 s22;
	v1 =	vmov v9;
	v5 =	vld [tilespmem:s23+$0x20];
	[tilespmem:s18+$0xEE0 ss:$0x11] =	vst.msk $0xffff, v6  }
0x64: {  	v2 =	vmov v7;
	v6 =	vld [tilespmem:s23+$0x30];
	[tilespmem:s18+$0xFF0 ss:$0x11] =	vst.msk $0xffff, v8;
	s18 =	sadd.s32 s24, s17  }
0x65: {  	v3 =	vmov v10;
	v9 =	vld [tilespmem:s23+$0x40];
	[tilespmem:s18+$0x880 ss:$0x11] =	vst.msk $0xffff, v11  }
0x66: {  	[tilespmem:s18+$0x0 ss:$0x11] =	vst.msk $0xffff, v12;
	v10 =	vld [tilespmem:s23+$0x50]  }
.Ltmp3:
0x67: {  	[tilespmem:s18+$0x110 ss:$0x11] =	vst.msk $0xffff, v4;
	v8 =	vld [tilespmem:s23+$0x60];
	(pc) =	sbr.rel @p1 .LBB1_3-.Ltmp3, $4  }
0x68: {  	[tilespmem:s18+$0x220 ss:$0x11] =	vst.msk $0xffff, v5;
	v7 =	vld [tilespmem:s23+$0x70]  }
0x69: {  	[tilespmem:s18+$0x330 ss:$0x11] =	vst.msk $0xffff, v6;
	v4 =	vld.idx.msk [tilespmem:v0+s16+$0x440 ss:$0x1], $0xffff  }
0x6a: {  	s20 =	sadd.s32 $0x80, s20;
	s21 =	sadd.s32 $0x100, s21;
	[tilespmem:s18+$0x440 ss:$0x11] =	vst.msk $0xffff, v9;
	v5 =	vld.idx.msk [tilespmem:v0+s16+$0x450 ss:$0x1], $0xffff  }
0x6b: {  	s22 =	sadd.s32 $0x4, s22;
	s24 =	sand.u32 $0x380, s20;
	s23 =	sand.u32 $0x800, s21;
	[tilespmem:s18+$0x550 ss:$0x11] =	vst.msk $0xffff, v10;
	v6 =	vld.idx.msk [tilespmem:v0+s16+$0x460 ss:$0x1], $0xffff  }
.Ltmp4:
0x6c: {  	_ = 	snop;
	(pc) =	sbr.rel .LBB1_4-.Ltmp4, $1  }
0x6d: {  	_ =	sdelay $0x3  }
.LBB1_6:
0x6e: {  	_ =	sfence.sel $0x180000  }
0x6f: {  	s2 =	simm.s32 $0x1;
	[bflag:$0x0] =	sbarrier.arrive $0xFFFF  }
0x70: {  	s31 =	simm.s32 $0x2;
	[sflag:s2] =	ssyncpa.u1 $0x1  }
0x71: {  	[sflag:s31] =	ssyncpa.u1 $0x1  }
0x72: {  	p0 =	sne.s32 s0, $0x0;
	_ =	strace $0x90000047  }
0x73: {  	s0 =	sadd.s32 @!p0 $0x100000, s1;
	[bflag:$0x2] =	sbarrier.arrive $0xFFFF  }
0x74: {  	[sflag:s0] =	ssyncadd.tile.s32 @!p0 $0x1;
	_ =	shalt  }
.Lfunc_end1:
_tile_overlayer_lowered:
.L_overlay_start_2:
0x75: {  	(tag) =	ssettag $0x2  }
0x76: {  	s0 =	rddreg [dreg:$0x0];
	s2 =	stileid.u32  }
0x77: {  	s1 =	rddreg [dreg:$0x1];
	p0 =	sne.s32 s2, $0x0  }
0x78: {  	s3 =	rddreg [dreg:$0x2];
	[bflag:$0x3] =	sbarrier.arrive $0xFFFF;
	s2 =	simm.s32 @!p0 $0x1C01  }
0x79: {  	[timem:s3], [sflag:s2] =	dma.local @!p0 [hbm:s0], s1  }
0x7a: {  	s0 =	simm.s32 @!p0 $0x1  }
0x7b: {  	_ =	swait.ge @!p0 [sflag:s0], s1  }
0x7c: {  	s1 =	ssub.s32 @!p0 $0x0, s1;
	[sflag:s0] =	ssyncset.done @!p0 $0x0  }
0x7d: {  	[sflag:s0] =	ssyncadd.s32 @!p0 s1  }
0x7e: {  	[bflag:$0x3] =	sbarrier.arrive $0xFFFF  }
0x7f: {  	_ =	shalt  }

// kernel: sparse-core-data-format-call.2.cloned.1.call-start
scs
called_computation.4_lowered:
.L_overlay_start_0:
0x0: {  	s2 =	sld [smem:$0x3FD9]  }
0x1: {  	s3 =	sld [smem:$0x3FFE];
	_ =	sdelay $0x1  }
0x2: {  	s1 =	srdreg.scid  }
0x3: {  	s0 =	sand.u32 $0x1, s1  }
0x4: {  	s18 =	sshll.u32 s0, $0xA;
	s2 =	sadd.s32 s3, s2  }
0x5: {  	s2 =	sadd.s32 s2, s18  }
0x6: {  	[smem:$0x3FC4] =	sst s2  }
0x7: {  	_ = 	snop  }
0x8: {  	(tm) =	ssettm $0x1  }
0x9: {  	s19 =	sld [smem:$0x3FFB];
	_ =	sdelay $0x3  }
0xa: {  	_ =	strace s19  }
0xb: {  	s2 =	sld [smem:$0x3FFC];
	_ =	sdelay $0x3  }
0xc: {  	_ =	strace s2  }
0xd: {  	s2 =	sld [smem:$0x3FFD];
	_ =	sdelay $0x3  }
0xe: {  	_ =	strace s2  }
0xf: {  	_ =	strace $0x8FFFFFFF  }
0x10: {  	s20 =	sld [smem:$0x3FDB];
	_ =	sdelay $0x1  }
0x11: {  	s21 =	simm.s32 $_scs_section_size  }
0x12: {  	s4 =	simm.s32 $_size__tile_overlayer_lowered;
	s5 =	simm.s32 $_tile_overlayer_lowered  }
0x13: {  	s6 =	simm.s32 $0x1BFF;
	s22 =	sshll.u32 s5, $0x1;
	s3 =	sadd.s32 s21, s20  }
0x14: {  	s23 =	simm.s32 $0x0;
	s4 =	sshll.u32 s4, $0x1;
	s5 =	sadd.s32 s22, s3  }
0x15: {  	[timem:s23], [sflag:s6] =	dma.local [hbm:s5], s4  }
0x16: {  	_ =	swait.ge [sflag:s6], s4  }
0x17: {  	s4 =	ssub.s32 $0x0, s4;
	[sflag:s6] =	ssyncset.done $0x0  }
0x18: {  	[sflag:s6] =	ssyncadd.s32 s4;
	_ =	sdelay $0x1  }
0x19: {  	s24 =	simm.s32 $0x1B8B  }
0x1a: {  	_ =	swait.ge [sflag:s24], $0x1  }
0x1b: {  	[sflag:s24] =	ssyncset.done $0x0  }
0x1c: {  	[sflag:s24] =	ssyncadd.s32 $0xFFFFFFFF  }
0x1d: {  	s4 =	sld [smem:$0x0]  }
0x1e: {  	s5 =	sand.u32 $0xFFFFFFFE, s1  }
0x1f: {  	p0 =	sne.s32 s1, s5  }
0x20: {  	s5 =	sshll.u32 @p0 s5, $0xE  }
0x21: {  	s5 =	sadd.s32 @p0 $0x11B8D, s5;
	s6 =	sshll.u32 @p0 s4, $0x11  }
0x22: {  	s5 =	sor.u32 @p0 s6, s5  }
0x23: {  	[sflag:s5] =	ssyncadd.remote.s32 @p0 $0x1;
	_ =	sdelay $0x1  }
0x24: {  	s5 =	simm.s32 @p0 $0x1B8D  }
0x25: {  	_ =	swait.eq @p0 [sflag:s5], $0x1  }
0x26: {  	[sflag:s5] =	ssyncadd.s32 @p0 $0xFFFFFFFF  }
0x27: {  	s6 =	sshll.u32 @!p0 s1, $0xE  }
0x28: {  	s6 =	sor.u32 @!p0 $0x4000, s6;
	s5 =	simm.s32 @!p0 $0x1B8D  }
0x29: {  	s4 =	sshll.u32 @!p0 s4, $0x11;
	s6 =	sadd.s32 @!p0 $0x11B8D, s6;
	_ =	swait.eq @!p0 [sflag:s5], $0x1  }
0x2a: {  	s4 =	sor.u32 @!p0 s4, s6;
	[sflag:s5] =	ssyncadd.s32 @!p0 $0xFFFFFFFF  }
0x2b: {  	s26 =	simm.s32 $0x1B8E;
	s25 =	sld [smem:$0x3FFE];
	[sflag:s4] =	ssyncadd.remote.s32 @!p0 $0x1  }
0x2c: {  	s27 =	simm.s32 $execute0_lowered;
	[smem:$0x3FD2] =	sst s26  }
0x2d: {  	s5 =	sshll.u32 s27, $0x1;
	_ =	strace $0x80000049;
	[dreg:$0x1] =	wrdreg $0xFFFFFFFF  }
0x2e: {  	s28 =	simm.s32 $_size_execute0_lowered;
	s3 =	sadd.s32 s3, s5;
	[dreg:$0x0] =	wrdreg $0x0  }
0x2f: {  	s5 =	sshll.u32 s28, $0x1;
	[dreg:$0x2] =	wrdreg s3  }
0x30: {  	[dreg:$0x3] =	wrdreg s5  }
0x31: {  	[dreg:$0x4] =	wrdreg $0xC0  }
0x32: {  	_ =	task [dreg:s23], $0x5FFFF  }
0x33: {  	[dreg:$0x1] =	wrdreg $0xFFFFFFFF  }
0x34: {  	[dreg:$0x0] =	wrdreg $0x60  }
0x35: {  	[dreg:$0x2] =	wrdreg s25  }
0x36: {  	[dreg:$0x3] =	wrdreg $0xC  }
0x37: {  	_ =	task.clear_ibuf [dreg:s23], $0x4FFFF;
	_ =	strace $0x90000049  }
0x38: {  	s29 =	simm.s32 $0xC;
	_ =	strace $0x8000004B  }
0x39: {  	_ =	swait.ge [sflag:s29], $0x1  }
0x3a: {  	[sflag:s29] =	ssyncadd.s32 $0xFFFFFFFF  }
0x3b: {  	_ =	strace $0x9000004B  }
0x3c: {  	_ =	sfence  }
0x3d: {  	s30 =	sld [smem:$0x0];
	_ =	sdelay $0x2  }
0x3e: {  	s31 =	sshll.u32 s1, $0xD;
	s1 =	sshrl.u32 s1, $0x2  }
0x3f: {  	s4 =	sand.u32 $0x4000, s31;
	s1 =	sadd.s32 s1, s30  }
0x40: {  	s0 =	sor.u32 s4, s0;
	s1 =	sshll.u32 s1, $0x11  }
0x41: {  	s0 =	sor.u32 s1, s0  }
0x42: {  	s0 =	sadd.s32 $0x8F2B, s0  }
0x43: {  	[sflag:s0] =	ssyncadd.remote.s32 $0x1  }
0x44: {  	_ =	sfence.sel $0xFFFF  }
0x45: {  	[dreg:$0x0] =	wrdreg $0xFFFFFFFF;
	(pc) =	sbr.abs _section_cstart, $3  }
0x46: {  	[dreg:$0x1] =	wrdreg $0xFFFFFFFF  }
0x47: {  	_ =	task.clear_ibuf [dreg:s23], $0x2FFFF;
	_ =	strace $0x9FFFFFFF  }
0x48: {  	(tm) =	ssettm $0x7FFFFFFF  }
0x49: {  	_ =	shalt  }
tec
execute0_lowered:
.L_overlay_start_1:
0x0: {  	(tag) =	ssettag $0x1  }
0x1: {  	s0 =	srdreg.scid  }
0x2: {  	s6 =	rddreg [dreg:$0x0];
	s7 =	simm.s32 $0x1;
	s1 =	sshll.u32 s0, $0x4  }
0x3: {  	s8 =	simm.s32 $0x2;
	s0 =	stileid.u32;
	s1 =	sand.u32 $0x10, s1  }
0x4: {  	s13 =	simm.s32 $0x0;
	s12 =	simm.s32 $0x0;
	s1 =	sor.u32 s0, s1  }
0x5: {  	s10 =	simm.s32 $0x0;
	s11 =	simm.s32 $0x0;
	s2 =	sshll.u32 s1, $0x8  }
0x6: {  	s3 =	sadd.s32 $0xC00, s6;
	s6 =	sadd.s32 $0xF43000, s6;
	s5 =	ssub.s32 $0xC3500, s2  }
.Ltmp0:
0x7: {  	s1 =	rddreg [dreg:$0x1];
	s4 =	sand.u32 $0x1F00, s5;
	(pc) =	sbr.rel .LBB1_1-.Ltmp0, $4  }
0x8: {  	_ =	strace $0x8000004A;
	s9 =	smov.u32 s2;
	p0 =	sne.s32 s4, $0x0  }
0x9: {  	s5 =	sshrl.u32 s5, $0xD;
	s4 =	simm.s32 $0x1;
	s7 =	simm.s32 @!p0 $0x0  }
0xa: {  	[sflag:s4] =	ssyncpa.u1 $0x0;
	p0 =	por $0x0, $0x0;
	s5 =	sadd.s32 s7, s5  }
0xb: {  	[sflag:s8] =	ssyncpa.u1 $0x0;
	s8 =	simm.s32 $0x80;
	s7 =	sadd.s32 $0x1, s5  }
.LBB1_4:
0xc: {  	_ =	sdelay $0x3  }
0xd: {  	s21 =	sor.u32 s24, s23;
	v47 =	vld.idx.msk [tilespmem:v0+s16+$0x470 ss:$0x1], $0xffff  }
0xe: {  	v57 =	vld.idx.msk [tilespmem:v0+s21+$0x410 ss:$0x1], $0xffff  }
0xf: {  	v58 =	vld.idx.msk [tilespmem:v0+s21+$0x420 ss:$0x1], $0xffff  }
0x10: {  	[tilespmem:s18+$0x660 ss:$0x11] =	vst.msk $0xffff, v8;
	v59 =	vld.idx.msk [tilespmem:v0+s21+$0x430 ss:$0x1], $0xffff  }
0x11: {  	[tilespmem:s18+$0x770 ss:$0x11] =	vst.msk $0xffff, v7;
	v60 =	vld.idx.msk [tilespmem:v0+s21+$0x440 ss:$0x1], $0xffff  }
0x12: {  	[tilespmem:s18+$0x990 ss:$0x11] =	vst.msk $0xffff, v1;
	s22 =	sand.u32 $0xB00, s21;
	v61 =	vld.idx.msk [tilespmem:v0+s21+$0x450 ss:$0x1], $0xffff  }
0x13: {  	s20 =	sand.u32 $0x80, s20;
	[tilespmem:s18+$0xAA0 ss:$0x11] =	vst.msk $0xffff, v2;
	v62 =	vld.idx.msk [tilespmem:v0+s21+$0x460 ss:$0x1], $0xffff;
	s15 =	sadd.s32 s22, s15  }
0x14: {  	[tilespmem:s18+$0xBB0 ss:$0x11] =	vst.msk $0xffff, v3;
	v63 =	vld.idx.msk [tilespmem:v0+s21+$0x470 ss:$0x1], $0xffff;
	s15 =	sadd.s32 s20, s15  }
0x15: {  	[tilespmem:s18+$0xCC0 ss:$0x11] =	vst.msk $0xffff, v4;
	v48 =	vld [tilespmem:s15+$0x400]  }
0x16: {  	[tilespmem:s18+$0xDD0 ss:$0x11] =	vst.msk $0xffff, v5;
	v49 =	vld [tilespmem:s15+$0x0]  }
0x17: {  	s25 =	sshra.s32 s19, $0x2;
	[tilespmem:s18+$0xEE0 ss:$0x11] =	vst.msk $0xffff, v6;
	v50 =	vld [tilespmem:s15+$0x10]  }
0x18: {  	s16 =	sadd.s32 s25, s17;
	v51 =	vld [tilespmem:s15+$0x20];
	[tilespmem:s18+$0xFF0 ss:$0x11] =	vst.msk $0xffff, v47  }
0x19: {  	v52 =	vld [tilespmem:s15+$0x30];
	[tilespmem:s16+$0x990 ss:$0x11] =	vst.msk $0xffff, v57  }
0x1a: {  	v53 =	vld [tilespmem:s15+$0x40];
	[tilespmem:s16+$0xAA0 ss:$0x11] =	vst.msk $0xffff, v58  }
0x1b: {  	v54 =	vld [tilespmem:s15+$0x50];
	[tilespmem:s16+$0xBB0 ss:$0x11] =	vst.msk $0xffff, v59  }
0x1c: {  	s13 =	sshll.u32 s13, $0x7;
	s26 =	sshll.u32 s12, $0x3;
	v55 =	vld [tilespmem:s15+$0x60];
	[tilespmem:s16+$0xCC0 ss:$0x11] =	vst.msk $0xffff, v60  }
0x1d: {  	s27 =	sand.u32 $0xFFFFFC00, s13;
	v56 =	vld [tilespmem:s15+$0x70];
	s15 =	sand.u32 $0xFFFFFC00, s26;
	[tilespmem:s16+$0xDD0 ss:$0x11] =	vst.msk $0xffff, v61  }
0x1e: {  	s13 =	sand.u32 $0x380, s13;
	s15 =	sadd.s32 s15, s27;
	[tilespmem:s16+$0xEE0 ss:$0x11] =	vst.msk $0xffff, v62  }
0x1f: {  	s13 =	sor.u32 s13, s15;
	[tilespmem:s16+$0xFF0 ss:$0x11] =	vst.msk $0xffff, v63  }
0x20: {  	s13 =	sshrl.u32 s13, $0x7;
	[tilespmem:s16+$0x880 ss:$0x11] =	vst.msk $0xffff, v48  }
0x21: {  	s28 =	smulhi.u32 $0x14F8B59, s13;
	[tilespmem:s16+$0x0 ss:$0x11] =	vst.msk $0xffff, v49  }
0x22: {  	[tilespmem:s16+$0x110 ss:$0x11] =	vst.msk $0xffff, v50  }
0x23: {  	[tilespmem:s16+$0x220 ss:$0x11] =	vst.msk $0xffff, v51;
	s15 =	sshrl.u32 s28, $0xC  }
0x24: {  	[tilespmem:s16+$0x330 ss:$0x11] =	vst.msk $0xffff, v52;
	s15 =	smul.u32 $0xC3500, s15  }
0x25: {  	s29 =	sshrl.u32 s12, $0x3;
	[tilespmem:s16+$0x440 ss:$0x11] =	vst.msk $0xffff, v53  }
0x26: {  	s31 =	sand.u32 $0x7, s12;
	s30 =	sand.u32 $0xF, s29;
	[tilespmem:s16+$0x550 ss:$0x11] =	vst.msk $0xffff, v54;
	s13 =	ssub.s32 s13, s15  }
0x27: {  	s12 =	sshll.u32 s31, $0x12;
	[tilespmem:s16+$0x660 ss:$0x11] =	vst.msk $0xffff, v55;
	s15 =	sadd.s32 s6, s30;
	s13 =	sshll.u32 s13, $0x4  }
0x28: {  	s12 =	sor.u32 $0x10, s12;
	[tilespmem:s16+$0x770 ss:$0x11] =	vst.msk $0xffff, v56;
	s13 =	sadd.s32 s13, s15  }
0x29: {  	[hbm4b:s13+s12] =	stream.strided.scatter [tilespmem:s14], [sflag:$0x2], $0x1000, s8, s12, $0x8;
	[tilespmem:$0x4200] =	vst v63  }
.LBB1_5:
0x2a: {  	s14 =	sadd.s32 $0x2000, s9  }
0x2b: {  	s12 =	sadd.s32 $0x10, s10;
	s16 =	smov.u32 s10;
	p2 =	sgt.s32 s14, $0xC34FF  }
0x2c: {  	s16 =	smov.u32 @p2 s12  }
0x2d: {  	s14 =	smov.u32 @p2 s2;
	p2 =	sgt.s32 s16, $0xF  }
0x2e: {  	s16 =	simm.s32 @p2 $0x0;
	p2 =	sne.s32 s11, s7  }
.Ltmp1:
0x2f: {  	p1 =	slt.u32 s11, $0x2;
	(pc) =	sbr.rel @!p2 .LBB1_6-.Ltmp1, $4  }
0x30: {  	s15 =	simm.s32 @!p1 $0x2  }
0x31: {  	s13 =	smov.u32 s9;
	p0 =	por !p0, !p0;
	_ =	swait.ge @!p1 [sflag:s15], $0x1000  }
0x32: {  	s12 =	smov.u32 s10;
	[sflag:s15] =	ssyncset.done @!p1 $0x0;
	s9 =	smov.u32 s14  }
0x33: {  	s11 =	sadd.s32 $0x1, s11;
	[sflag:s15] =	ssyncadd.s32 @!p1 $0xFFFFF000;
	s10 =	smov.u32 s16  }
.LBB1_1:
0x34: {  	p1 =	sge.u32 s11, s5  }
0x35: {  	s14 =	sshrl.u32 @!p1 s10, $0x3  }
0x36: {  	s15 =	sshll.u32 @!p1 s9, $0x3;
	s14 =	smul.u32 @!p1 $0x61A800, s14  }
0x37: {  	s16 =	sshll.u32 @!p1 s10, $0x7;
	s15 =	sand.u32 @!p1 $0xFFFFFC00, s15  }
0x38: {  	s14 =	sadd.s32 @!p1 s14, s15;
	s15 =	sand.u32 @!p1 $0x380, s16  }
0x39: {  	s14 =	sor.u32 @!p1 s15, s14  }
0x3a: {  	s15 =	sshrl.u32 @!p1 s14, $0x8  }
0x3b: {  	s15 =	smulhi.u32 @!p1 $0x14F8B59, s15;
	_ =	sdelay $0x1  }
0x3c: {  	s15 =	sshrl.u32 @!p1 s15, $0x4  }
0x3d: {  	s16 =	sand.u32 @!p1 $0x7F, s9;
	s17 =	smul.u32 @!p1 $0xC3500, s15  }
0x3e: {  	s31 =	sadd.s32 $0xFFFFFFFF, s11;
	s14 =	sor.u32 @!p1 s16, s14;
	s16 =	sxor.u32 @!p1 $0xFFFFFFFF, s11  }
0x3f: {  	s16 =	sshll.u32 @!p1 s16, $0xC;
	s15 =	sand.u32 @!p1 $0xF, s15;
	s14 =	ssub.s32 @!p1 s14, s17  }
0x40: {  	s15 =	smul.u32 @!p1 $0x186A0, s15;
	s17 =	sshrl.u32 @!p1 s14, $0x3;
	s14 =	sand.u32 @!p1 $0x7, s14  }
0x41: {  	s16 =	sand.u32 @!p1 $0x1000, s16;
	s17 =	sadd.s32 @!p1 s3, s17;
	s14 =	sshll.u32 @!p1 s14, $0x12  }
0x42: {  	s15 =	sadd.s32 @!p1 s15, s17;
	s14 =	sor.u32 @!p1 $0x800, s14;
	s17 =	simm.s32 @!p1 $0x61A800  }
0x43: {  	[tilespmem:s16], [sflag:$0x1] =	stream.strided.gather @!p1 [hbm4b:s15+s14], $0x1000, s17, s14, $0x38;
	[tilespmem:$0x4200] =	vst v63  }
0x44: {  	p1 =	sge.u32 s31, s5  }
.Ltmp2:
0x45: {  	_ = 	snop;
	(pc) =	sbr.rel @p1 .LBB1_5-.Ltmp2, $1  }
0x46: {  	_ =	sdelay $0x3  }
0x47: {  	s17 =	simm.s32 $0x0  }
0x48: {  	s16 =	sand.u32 $0x800, s17;
	s18 =	sand.u32 $0x380, s17  }
0x49: {  	s14 =	sand.u32 $0x1, s11;
	s16 =	sor.u32 s18, s16  }
0x4a: {  	_ =	swait.ge [sflag:s4], $0x1000;
	s15 =	sshll.u32 s14, $0xC;
	s18 =	sand.u32 $0xB00, s16  }
0x4b: {  	[sflag:s4] =	ssyncset.done $0x0;
	s17 =	sand.u32 $0x80, s17;
	s18 =	sadd.s32 s18, s15  }
0x4c: {  	[sflag:s4] =	ssyncadd.s32 $0xFFFFF000;
	s20 =	sadd.s32 s17, s18  }
0x4d: {  	v4 =	vld [tilespmem:s20+$0x400]  }
0x4e: {  	s19 =	simm.s32 $0x1;
	v5 =	vld [tilespmem:s20+$0x0]  }
0x4f: {  	s19 =	simm.s32 @!p0 $0x0;
	v6 =	vld [tilespmem:s20+$0x10]  }
0x50: {  	v0 =	vmov s15;
	s31 =	smul.u32 $0x4400, s19;
	v7 =	vld [tilespmem:s20+$0x20]  }
0x51: {  	v9 =	vld [tilespmem:s20+$0x30]  }
0x52: {  	s17 =	sshrl.u32 s31, $0x2;
	v10 =	vld [tilespmem:s20+$0x40]  }
0x53: {  	s17 =	sor.u32 $0x2000, s17;
	v11 =	vld [tilespmem:s20+$0x50]  }
0x54: {  	v8 =	vld [tilespmem:s20+$0x60];
	s18 =	sadd.s32 $0x0, s17  }
0x55: {  	v1 =	vld.idx.msk [tilespmem:v0+s16+$0x410 ss:$0x1], $0xffff;
	[tilespmem:s18+$0x880 ss:$0x11] =	vst.msk $0xffff, v4  }
0x56: {  	v2 =	vld.idx.msk [tilespmem:v0+s16+$0x420 ss:$0x1], $0xffff;
	[tilespmem:s18+$0x0 ss:$0x11] =	vst.msk $0xffff, v5  }
0x57: {  	v3 =	vld.idx.msk [tilespmem:v0+s16+$0x430 ss:$0x1], $0xffff;
	[tilespmem:s18+$0x110 ss:$0x11] =	vst.msk $0xffff, v6  }
0x58: {  	s14 =	smul.u32 $0x4400, s14;
	[tilespmem:s18+$0x220 ss:$0x11] =	vst.msk $0xffff, v7;
	v7 =	vld [tilespmem:s20+$0x70]  }
0x59: {  	s21 =	simm.s32 $0x100;
	s22 =	simm.s32 $0x8;
	[tilespmem:s18+$0x330 ss:$0x11] =	vst.msk $0xffff, v9;
	v4 =	vld.idx.msk [tilespmem:v0+s16+$0x440 ss:$0x1], $0xffff  }
0x5a: {  	s23 =	sand.u32 $0x800, s21;
	s14 =	sshrl.u32 s14, $0x2;
	[tilespmem:s18+$0x440 ss:$0x11] =	vst.msk $0xffff, v10;
	v5 =	vld.idx.msk [tilespmem:v0+s16+$0x450 ss:$0x1], $0xffff;
	s20 =	simm.s32 $0x80  }
0x5b: {  	s19 =	simm.s32 $0x4;
	s14 =	sor.u32 $0x2000, s14;
	[tilespmem:s18+$0x550 ss:$0x11] =	vst.msk $0xffff, v11;
	v6 =	vld.idx.msk [tilespmem:v0+s16+$0x460 ss:$0x1], $0xffff;
	s24 =	sand.u32 $0x380, s20  }
.LBB1_3:
0x5c: {  	p1 =	sne.s32 s22, $0x3C;
	[tilespmem:s18+$0x660 ss:$0x11] =	vst.msk $0xffff, v8;
	v8 =	vld.idx.msk [tilespmem:v0+s16+$0x470 ss:$0x1], $0xffff;
	s16 =	sor.u32 s24, s23  }
0x5d: {  	s23 =	sand.u32 $0xB00, s16;
	v9 =	vld.idx.msk [tilespmem:v0+s16+$0x410 ss:$0x1], $0xffff;
	[tilespmem:s18+$0x770 ss:$0x11] =	vst.msk $0xffff, v7  }
0x5e: {  	s24 =	sand.u32 $0x80, s20;
	s23 =	sadd.s32 s23, s15;
	v7 =	vld.idx.msk [tilespmem:v0+s16+$0x420 ss:$0x1], $0xffff;
	[tilespmem:s18+$0x990 ss:$0x11] =	vst.msk $0xffff, v1  }
0x5f: {  	s23 =	sadd.s32 s24, s23;
	v10 =	vld.idx.msk [tilespmem:v0+s16+$0x430 ss:$0x1], $0xffff;
	[tilespmem:s18+$0xAA0 ss:$0x11] =	vst.msk $0xffff, v2  }
0x60: {  	v11 =	vld [tilespmem:s23+$0x400];
	[tilespmem:s18+$0xBB0 ss:$0x11] =	vst.msk $0xffff, v3  }
0x61: {  	v12 =	vld [tilespmem:s23+$0x0];
	[tilespmem:s18+$0xCC0 ss:$0x11] =	vst.msk $0xffff, v4  }
0x62: {  	v4 =	vld [tilespmem:s23+$0x10];
	[tilespmem:s18+$0xDD0 ss:$0x11] =	vst.msk $0xffff, v5  }
0x63: {  	s24 =	sshra.s32 s19, $0x2;
	s19 =	smov.u32 s22;
	v1 =	vmov v9;
	v5 =	vld [tilespmem:s23+$0x20];
	[tilespmem:s18+$0xEE0 ss:$0x11] =	vst.msk $0xffff, v6  }
0x64: {  	v2 =	vmov v7;
	v6 =	vld [tilespmem:s23+$0x30];
	[tilespmem:s18+$0xFF0 ss:$0x11] =	vst.msk $0xffff, v8;
	s18 =	sadd.s32 s24, s17  }
0x65: {  	v3 =	vmov v10;
	v9 =	vld [tilespmem:s23+$0x40];
	[tilespmem:s18+$0x880 ss:$0x11] =	vst.msk $0xffff, v11  }
0x66: {  	[tilespmem:s18+$0x0 ss:$0x11] =	vst.msk $0xffff, v12;
	v10 =	vld [tilespmem:s23+$0x50]  }
.Ltmp3:
0x67: {  	[tilespmem:s18+$0x110 ss:$0x11] =	vst.msk $0xffff, v4;
	v8 =	vld [tilespmem:s23+$0x60];
	(pc) =	sbr.rel @p1 .LBB1_3-.Ltmp3, $4  }
0x68: {  	[tilespmem:s18+$0x220 ss:$0x11] =	vst.msk $0xffff, v5;
	v7 =	vld [tilespmem:s23+$0x70]  }
0x69: {  	[tilespmem:s18+$0x330 ss:$0x11] =	vst.msk $0xffff, v6;
	v4 =	vld.idx.msk [tilespmem:v0+s16+$0x440 ss:$0x1], $0xffff  }
0x6a: {  	s20 =	sadd.s32 $0x80, s20;
	s21 =	sadd.s32 $0x100, s21;
	[tilespmem:s18+$0x440 ss:$0x11] =	vst.msk $0xffff, v9;
	v5 =	vld.idx.msk [tilespmem:v0+s16+$0x450 ss:$0x1], $0xffff  }
0x6b: {  	s22 =	sadd.s32 $0x4, s22;
	s24 =	sand.u32 $0x380, s20;
	s23 =	sand.u32 $0x800, s21;
	[tilespmem:s18+$0x550 ss:$0x11] =	vst.msk $0xffff, v10;
	v6 =	vld.idx.msk [tilespmem:v0+s16+$0x460 ss:$0x1], $0xffff  }
.Ltmp4:
0x6c: {  	_ = 	snop;
	(pc) =	sbr.rel .LBB1_4-.Ltmp4, $1  }
0x6d: {  	_ =	sdelay $0x3  }
.LBB1_6:
0x6e: {  	_ =	sfence.sel $0x180000  }
0x6f: {  	s2 =	simm.s32 $0x1;
	[bflag:$0x0] =	sbarrier.arrive $0xFFFF  }
0x70: {  	s31 =	simm.s32 $0x2;
	[sflag:s2] =	ssyncpa.u1 $0x1  }
0x71: {  	[sflag:s31] =	ssyncpa.u1 $0x1  }
0x72: {  	p0 =	sne.s32 s0, $0x0;
	_ =	strace $0x9000004A  }
0x73: {  	s0 =	sadd.s32 @!p0 $0x100000, s1;
	[bflag:$0x2] =	sbarrier.arrive $0xFFFF  }
0x74: {  	[sflag:s0] =	ssyncadd.tile.s32 @!p0 $0x1;
	_ =	shalt  }
.Lfunc_end1:
_tile_overlayer_lowered:
.L_overlay_start_2:
0x75: {  	(tag) =	ssettag $0x2  }
0x76: {  	s0 =	rddreg [dreg:$0x0];
	s2 =	stileid.u32  }
0x77: {  	s1 =	rddreg [dreg:$0x1];
	p0 =	sne.s32 s2, $0x0  }
0x78: {  	s3 =	rddreg [dreg:$0x2];
	[bflag:$0x3] =	sbarrier.arrive $0xFFFF;
	s2 =	simm.s32 @!p0 $0x1C01  }
0x79: {  	[timem:s3], [sflag:s2] =	dma.local @!p0 [hbm:s0], s1  }
0x7a: {  	s0 =	simm.s32 @!p0 $0x1  }
0x7b: {  	_ =	swait.ge @!p0 [sflag:s0], s1  }
0x7c: {  	s1 =	ssub.s32 @!p0 $0x0, s1;
	[sflag:s0] =	ssyncset.done @!p0 $0x0  }
0x7d: {  	[sflag:s0] =	ssyncadd.s32 @!p0 s1  }
0x7e: {  	[bflag:$0x3] =	sbarrier.arrive $0xFFFF  }
0x7f: {  	_ =	shalt  }

// kernel: sparse-core-data-format-call.cloned.1.call-start
scs
called_computation.2_lowered:
.L_overlay_start_0:
0x0: {  	s2 =	sld [smem:$0x3FD9]  }
0x1: {  	s3 =	sld [smem:$0x3FFE];
	_ =	sdelay $0x1  }
0x2: {  	s1 =	srdreg.scid  }
0x3: {  	s0 =	sand.u32 $0x1, s1  }
0x4: {  	s18 =	sshll.u32 s0, $0xA;
	s2 =	sadd.s32 s3, s2  }
0x5: {  	s2 =	sadd.s32 s2, s18  }
0x6: {  	[smem:$0x3FC4] =	sst s2  }
0x7: {  	_ = 	snop  }
0x8: {  	(tm) =	ssettm $0x1  }
0x9: {  	s19 =	sld [smem:$0x3FFB];
	_ =	sdelay $0x3  }
0xa: {  	_ =	strace s19  }
0xb: {  	s2 =	sld [smem:$0x3FFC];
	_ =	sdelay $0x3  }
0xc: {  	_ =	strace s2  }
0xd: {  	s2 =	sld [smem:$0x3FFD];
	_ =	sdelay $0x3  }
0xe: {  	_ =	strace s2  }
0xf: {  	_ =	strace $0x8FFFFFFF  }
0x10: {  	s20 =	sld [smem:$0x3FDB];
	_ =	sdelay $0x1  }
0x11: {  	s21 =	simm.s32 $_scs_section_size  }
0x12: {  	s4 =	simm.s32 $_size__tile_overlayer_lowered;
	s5 =	simm.s32 $_tile_overlayer_lowered  }
0x13: {  	s6 =	simm.s32 $0x1BFF;
	s22 =	sshll.u32 s5, $0x1;
	s3 =	sadd.s32 s21, s20  }
0x14: {  	s23 =	simm.s32 $0x0;
	s4 =	sshll.u32 s4, $0x1;
	s5 =	sadd.s32 s22, s3  }
0x15: {  	[timem:s23], [sflag:s6] =	dma.local [hbm:s5], s4  }
0x16: {  	_ =	swait.ge [sflag:s6], s4  }
0x17: {  	s4 =	ssub.s32 $0x0, s4;
	[sflag:s6] =	ssyncset.done $0x0  }
0x18: {  	[sflag:s6] =	ssyncadd.s32 s4;
	_ =	sdelay $0x1  }
0x19: {  	s24 =	simm.s32 $0x1B8B  }
0x1a: {  	_ =	swait.ge [sflag:s24], $0x1  }
0x1b: {  	[sflag:s24] =	ssyncset.done $0x0  }
0x1c: {  	[sflag:s24] =	ssyncadd.s32 $0xFFFFFFFF  }
0x1d: {  	s4 =	sld [smem:$0x0]  }
0x1e: {  	s5 =	sand.u32 $0xFFFFFFFE, s1  }
0x1f: {  	p0 =	sne.s32 s1, s5  }
0x20: {  	s5 =	sshll.u32 @p0 s5, $0xE  }
0x21: {  	s5 =	sadd.s32 @p0 $0x11B8D, s5;
	s6 =	sshll.u32 @p0 s4, $0x11  }
0x22: {  	s5 =	sor.u32 @p0 s6, s5  }
0x23: {  	[sflag:s5] =	ssyncadd.remote.s32 @p0 $0x1;
	_ =	sdelay $0x1  }
0x24: {  	s5 =	simm.s32 @p0 $0x1B8D  }
0x25: {  	_ =	swait.eq @p0 [sflag:s5], $0x1  }
0x26: {  	[sflag:s5] =	ssyncadd.s32 @p0 $0xFFFFFFFF  }
0x27: {  	s6 =	sshll.u32 @!p0 s1, $0xE  }
0x28: {  	s6 =	sor.u32 @!p0 $0x4000, s6;
	s5 =	simm.s32 @!p0 $0x1B8D  }
0x29: {  	s4 =	sshll.u32 @!p0 s4, $0x11;
	s6 =	sadd.s32 @!p0 $0x11B8D, s6;
	_ =	swait.eq @!p0 [sflag:s5], $0x1  }
0x2a: {  	s4 =	sor.u32 @!p0 s4, s6;
	[sflag:s5] =	ssyncadd.s32 @!p0 $0xFFFFFFFF  }
0x2b: {  	s26 =	simm.s32 $0x1B8E;
	s25 =	sld [smem:$0x3FFE];
	[sflag:s4] =	ssyncadd.remote.s32 @!p0 $0x1  }
0x2c: {  	s27 =	simm.s32 $execute0_lowered;
	[smem:$0x3FD2] =	sst s26  }
0x2d: {  	s5 =	sshll.u32 s27, $0x1;
	_ =	strace $0x8000004C;
	[dreg:$0x1] =	wrdreg $0xFFFFFFFF  }
0x2e: {  	s28 =	simm.s32 $_size_execute0_lowered;
	s3 =	sadd.s32 s3, s5;
	[dreg:$0x0] =	wrdreg $0x0  }
0x2f: {  	s5 =	sshll.u32 s28, $0x1;
	[dreg:$0x2] =	wrdreg s3  }
0x30: {  	[dreg:$0x3] =	wrdreg s5  }
0x31: {  	[dreg:$0x4] =	wrdreg $0xC0  }
0x32: {  	_ =	task [dreg:s23], $0x5FFFF  }
0x33: {  	[dreg:$0x1] =	wrdreg $0xFFFFFFFF  }
0x34: {  	[dreg:$0x0] =	wrdreg $0x60  }
0x35: {  	[dreg:$0x2] =	wrdreg s25  }
0x36: {  	[dreg:$0x3] =	wrdreg $0x9  }
0x37: {  	_ =	task.clear_ibuf [dreg:s23], $0x4FFFF;
	_ =	strace $0x9000004C  }
0x38: {  	s29 =	simm.s32 $0x9;
	_ =	strace $0x8000004E  }
0x39: {  	_ =	swait.ge [sflag:s29], $0x1  }
0x3a: {  	[sflag:s29] =	ssyncadd.s32 $0xFFFFFFFF  }
0x3b: {  	_ =	strace $0x9000004E  }
0x3c: {  	_ =	sfence  }
0x3d: {  	s30 =	sld [smem:$0x0];
	_ =	sdelay $0x2  }
0x3e: {  	s31 =	sshll.u32 s1, $0xD;
	s1 =	sshrl.u32 s1, $0x2  }
0x3f: {  	s4 =	sand.u32 $0x4000, s31;
	s1 =	sadd.s32 s1, s30  }
0x40: {  	s0 =	sor.u32 s4, s0;
	s1 =	sshll.u32 s1, $0x11  }
0x41: {  	s0 =	sor.u32 s1, s0  }
0x42: {  	s0 =	sadd.s32 $0x8F2B, s0  }
0x43: {  	[sflag:s0] =	ssyncadd.remote.s32 $0x1  }
0x44: {  	_ =	sfence.sel $0xFFFF  }
0x45: {  	[dreg:$0x0] =	wrdreg $0xFFFFFFFF;
	(pc) =	sbr.abs _section_cstart, $3  }
0x46: {  	[dreg:$0x1] =	wrdreg $0xFFFFFFFF  }
0x47: {  	_ =	task.clear_ibuf [dreg:s23], $0x2FFFF;
	_ =	strace $0x9FFFFFFF  }
0x48: {  	(tm) =	ssettm $0x7FFFFFFF  }
0x49: {  	_ =	shalt  }
tec
execute0_lowered:
.L_overlay_start_1:
0x0: {  	(tag) =	ssettag $0x1  }
0x1: {  	s0 =	srdreg.scid  }
0x2: {  	s6 =	rddreg [dreg:$0x0];
	s7 =	simm.s32 $0x1;
	s1 =	sshll.u32 s0, $0x4  }
0x3: {  	s8 =	simm.s32 $0x2;
	s0 =	stileid.u32;
	s1 =	sand.u32 $0x10, s1  }
0x4: {  	s13 =	simm.s32 $0x0;
	s12 =	simm.s32 $0x0;
	s1 =	sor.u32 s0, s1  }
0x5: {  	s10 =	simm.s32 $0x0;
	s11 =	simm.s32 $0x0;
	s2 =	sshll.u32 s1, $0x8  }
0x6: {  	s3 =	sadd.s32 $0x187600, s6;
	s6 =	sadd.s32 $0x1B78000, s6;
	s5 =	ssub.s32 $0xC3500, s2  }
.Ltmp0:
0x7: {  	s1 =	rddreg [dreg:$0x1];
	s4 =	sand.u32 $0x1F00, s5;
	(pc) =	sbr.rel .LBB1_1-.Ltmp0, $4  }
0x8: {  	_ =	strace $0x8000004D;
	s9 =	smov.u32 s2;
	p0 =	sne.s32 s4, $0x0  }
0x9: {  	s5 =	sshrl.u32 s5, $0xD;
	s4 =	simm.s32 $0x1;
	s7 =	simm.s32 @!p0 $0x0  }
0xa: {  	[sflag:s4] =	ssyncpa.u1 $0x0;
	p0 =	por $0x0, $0x0;
	s5 =	sadd.s32 s7, s5  }
0xb: {  	[sflag:s8] =	ssyncpa.u1 $0x0;
	s8 =	simm.s32 $0x80;
	s7 =	sadd.s32 $0x1, s5  }
.LBB1_4:
0xc: {  	_ =	sdelay $0x3  }
0xd: {  	s21 =	sor.u32 s24, s23;
	v47 =	vld.idx.msk [tilespmem:v0+s16+$0x470 ss:$0x1], $0xffff  }
0xe: {  	v57 =	vld.idx.msk [tilespmem:v0+s21+$0x410 ss:$0x1], $0xffff  }
0xf: {  	v58 =	vld.idx.msk [tilespmem:v0+s21+$0x420 ss:$0x1], $0xffff  }
0x10: {  	[tilespmem:s18+$0x660 ss:$0x11] =	vst.msk $0xffff, v8;
	v59 =	vld.idx.msk [tilespmem:v0+s21+$0x430 ss:$0x1], $0xffff  }
0x11: {  	[tilespmem:s18+$0x770 ss:$0x11] =	vst.msk $0xffff, v7;
	v60 =	vld.idx.msk [tilespmem:v0+s21+$0x440 ss:$0x1], $0xffff  }
0x12: {  	[tilespmem:s18+$0x990 ss:$0x11] =	vst.msk $0xffff, v1;
	s22 =	sand.u32 $0xB00, s21;
	v61 =	vld.idx.msk [tilespmem:v0+s21+$0x450 ss:$0x1], $0xffff  }
0x13: {  	s20 =	sand.u32 $0x80, s20;
	[tilespmem:s18+$0xAA0 ss:$0x11] =	vst.msk $0xffff, v2;
	v62 =	vld.idx.msk [tilespmem:v0+s21+$0x460 ss:$0x1], $0xffff;
	s15 =	sadd.s32 s22, s15  }
0x14: {  	[tilespmem:s18+$0xBB0 ss:$0x11] =	vst.msk $0xffff, v3;
	v63 =	vld.idx.msk [tilespmem:v0+s21+$0x470 ss:$0x1], $0xffff;
	s15 =	sadd.s32 s20, s15  }
0x15: {  	[tilespmem:s18+$0xCC0 ss:$0x11] =	vst.msk $0xffff, v4;
	v48 =	vld [tilespmem:s15+$0x400]  }
0x16: {  	[tilespmem:s18+$0xDD0 ss:$0x11] =	vst.msk $0xffff, v5;
	v49 =	vld [tilespmem:s15+$0x0]  }
0x17: {  	s25 =	sshra.s32 s19, $0x2;
	[tilespmem:s18+$0xEE0 ss:$0x11] =	vst.msk $0xffff, v6;
	v50 =	vld [tilespmem:s15+$0x10]  }
0x18: {  	s16 =	sadd.s32 s25, s17;
	v51 =	vld [tilespmem:s15+$0x20];
	[tilespmem:s18+$0xFF0 ss:$0x11] =	vst.msk $0xffff, v47  }
0x19: {  	v52 =	vld [tilespmem:s15+$0x30];
	[tilespmem:s16+$0x990 ss:$0x11] =	vst.msk $0xffff, v57  }
0x1a: {  	v53 =	vld [tilespmem:s15+$0x40];
	[tilespmem:s16+$0xAA0 ss:$0x11] =	vst.msk $0xffff, v58  }
0x1b: {  	v54 =	vld [tilespmem:s15+$0x50];
	[tilespmem:s16+$0xBB0 ss:$0x11] =	vst.msk $0xffff, v59  }
0x1c: {  	s13 =	sshll.u32 s13, $0x7;
	s26 =	sshll.u32 s12, $0x3;
	v55 =	vld [tilespmem:s15+$0x60];
	[tilespmem:s16+$0xCC0 ss:$0x11] =	vst.msk $0xffff, v60  }
0x1d: {  	s27 =	sand.u32 $0xFFFFFC00, s13;
	v56 =	vld [tilespmem:s15+$0x70];
	s15 =	sand.u32 $0xFFFFFC00, s26;
	[tilespmem:s16+$0xDD0 ss:$0x11] =	vst.msk $0xffff, v61  }
0x1e: {  	s13 =	sand.u32 $0x380, s13;
	s15 =	sadd.s32 s15, s27;
	[tilespmem:s16+$0xEE0 ss:$0x11] =	vst.msk $0xffff, v62  }
0x1f: {  	s13 =	sor.u32 s13, s15;
	[tilespmem:s16+$0xFF0 ss:$0x11] =	vst.msk $0xffff, v63  }
0x20: {  	s13 =	sshrl.u32 s13, $0x7;
	[tilespmem:s16+$0x880 ss:$0x11] =	vst.msk $0xffff, v48  }
0x21: {  	s28 =	smulhi.u32 $0x14F8B59, s13;
	[tilespmem:s16+$0x0 ss:$0x11] =	vst.msk $0xffff, v49  }
0x22: {  	[tilespmem:s16+$0x110 ss:$0x11] =	vst.msk $0xffff, v50  }
0x23: {  	[tilespmem:s16+$0x220 ss:$0x11] =	vst.msk $0xffff, v51;
	s15 =	sshrl.u32 s28, $0xC  }
0x24: {  	[tilespmem:s16+$0x330 ss:$0x11] =	vst.msk $0xffff, v52;
	s15 =	smul.u32 $0xC3500, s15  }
0x25: {  	s29 =	sshrl.u32 s12, $0x3;
	[tilespmem:s16+$0x440 ss:$0x11] =	vst.msk $0xffff, v53  }
0x26: {  	s31 =	sand.u32 $0x7, s12;
	s30 =	sand.u32 $0xF, s29;
	[tilespmem:s16+$0x550 ss:$0x11] =	vst.msk $0xffff, v54;
	s13 =	ssub.s32 s13, s15  }
0x27: {  	s12 =	sshll.u32 s31, $0x12;
	[tilespmem:s16+$0x660 ss:$0x11] =	vst.msk $0xffff, v55;
	s15 =	sadd.s32 s6, s30;
	s13 =	sshll.u32 s13, $0x4  }
0x28: {  	s12 =	sor.u32 $0x10, s12;
	[tilespmem:s16+$0x770 ss:$0x11] =	vst.msk $0xffff, v56;
	s13 =	sadd.s32 s13, s15  }
0x29: {  	[hbm4b:s13+s12] =	stream.strided.scatter [tilespmem:s14], [sflag:$0x2], $0x1000, s8, s12, $0x8;
	[tilespmem:$0x4200] =	vst v63  }
.LBB1_5:
0x2a: {  	s14 =	sadd.s32 $0x2000, s9  }
0x2b: {  	s12 =	sadd.s32 $0x10, s10;
	s16 =	smov.u32 s10;
	p2 =	sgt.s32 s14, $0xC34FF  }
0x2c: {  	s16 =	smov.u32 @p2 s12  }
0x2d: {  	s14 =	smov.u32 @p2 s2;
	p2 =	sgt.s32 s16, $0xF  }
0x2e: {  	s16 =	simm.s32 @p2 $0x0;
	p2 =	sne.s32 s11, s7  }
.Ltmp1:
0x2f: {  	p1 =	slt.u32 s11, $0x2;
	(pc) =	sbr.rel @!p2 .LBB1_6-.Ltmp1, $4  }
0x30: {  	s15 =	simm.s32 @!p1 $0x2  }
0x31: {  	s13 =	smov.u32 s9;
	p0 =	por !p0, !p0;
	_ =	swait.ge @!p1 [sflag:s15], $0x1000  }
0x32: {  	s12 =	smov.u32 s10;
	[sflag:s15] =	ssyncset.done @!p1 $0x0;
	s9 =	smov.u32 s14  }
0x33: {  	s11 =	sadd.s32 $0x1, s11;
	[sflag:s15] =	ssyncadd.s32 @!p1 $0xFFFFF000;
	s10 =	smov.u32 s16  }
.LBB1_1:
0x34: {  	p1 =	sge.u32 s11, s5  }
0x35: {  	s14 =	sshrl.u32 @!p1 s10, $0x3  }
0x36: {  	s15 =	sshll.u32 @!p1 s9, $0x3;
	s14 =	smul.u32 @!p1 $0x61A800, s14  }
0x37: {  	s16 =	sshll.u32 @!p1 s10, $0x7;
	s15 =	sand.u32 @!p1 $0xFFFFFC00, s15  }
0x38: {  	s14 =	sadd.s32 @!p1 s14, s15;
	s15 =	sand.u32 @!p1 $0x380, s16  }
0x39: {  	s14 =	sor.u32 @!p1 s15, s14  }
0x3a: {  	s15 =	sshrl.u32 @!p1 s14, $0x8  }
0x3b: {  	s15 =	smulhi.u32 @!p1 $0x14F8B59, s15;
	_ =	sdelay $0x1  }
0x3c: {  	s15 =	sshrl.u32 @!p1 s15, $0x4  }
0x3d: {  	s16 =	sand.u32 @!p1 $0x7F, s9;
	s17 =	smul.u32 @!p1 $0xC3500, s15  }
0x3e: {  	s31 =	sadd.s32 $0xFFFFFFFF, s11;
	s14 =	sor.u32 @!p1 s16, s14;
	s16 =	sxor.u32 @!p1 $0xFFFFFFFF, s11  }
0x3f: {  	s16 =	sshll.u32 @!p1 s16, $0xC;
	s15 =	sand.u32 @!p1 $0xF, s15;
	s14 =	ssub.s32 @!p1 s14, s17  }
0x40: {  	s15 =	smul.u32 @!p1 $0x186A0, s15;
	s17 =	sshrl.u32 @!p1 s14, $0x3;
	s14 =	sand.u32 @!p1 $0x7, s14  }
0x41: {  	s16 =	sand.u32 @!p1 $0x1000, s16;
	s17 =	sadd.s32 @!p1 s3, s17;
	s14 =	sshll.u32 @!p1 s14, $0x12  }
0x42: {  	s15 =	sadd.s32 @!p1 s15, s17;
	s14 =	sor.u32 @!p1 $0x800, s14;
	s17 =	simm.s32 @!p1 $0x61A800  }
0x43: {  	[tilespmem:s16], [sflag:$0x1] =	stream.strided.gather @!p1 [hbm4b:s15+s14], $0x1000, s17, s14, $0x38;
	[tilespmem:$0x4200] =	vst v63  }
0x44: {  	p1 =	sge.u32 s31, s5  }
.Ltmp2:
0x45: {  	_ = 	snop;
	(pc) =	sbr.rel @p1 .LBB1_5-.Ltmp2, $1  }
0x46: {  	_ =	sdelay $0x3  }
0x47: {  	s17 =	simm.s32 $0x0  }
0x48: {  	s16 =	sand.u32 $0x800, s17;
	s18 =	sand.u32 $0x380, s17  }
0x49: {  	s14 =	sand.u32 $0x1, s11;
	s16 =	sor.u32 s18, s16  }
0x4a: {  	_ =	swait.ge [sflag:s4], $0x1000;
	s15 =	sshll.u32 s14, $0xC;
	s18 =	sand.u32 $0xB00, s16  }
0x4b: {  	[sflag:s4] =	ssyncset.done $0x0;
	s17 =	sand.u32 $0x80, s17;
	s18 =	sadd.s32 s18, s15  }
0x4c: {  	[sflag:s4] =	ssyncadd.s32 $0xFFFFF000;
	s20 =	sadd.s32 s17, s18  }
0x4d: {  	v4 =	vld [tilespmem:s20+$0x400]  }
0x4e: {  	s19 =	simm.s32 $0x1;
	v5 =	vld [tilespmem:s20+$0x0]  }
0x4f: {  	s19 =	simm.s32 @!p0 $0x0;
	v6 =	vld [tilespmem:s20+$0x10]  }
0x50: {  	v0 =	vmov s15;
	s31 =	smul.u32 $0x4400, s19;
	v7 =	vld [tilespmem:s20+$0x20]  }
0x51: {  	v9 =	vld [tilespmem:s20+$0x30]  }
0x52: {  	s17 =	sshrl.u32 s31, $0x2;
	v10 =	vld [tilespmem:s20+$0x40]  }
0x53: {  	s17 =	sor.u32 $0x2000, s17;
	v11 =	vld [tilespmem:s20+$0x50]  }
0x54: {  	v8 =	vld [tilespmem:s20+$0x60];
	s18 =	sadd.s32 $0x0, s17  }
0x55: {  	v1 =	vld.idx.msk [tilespmem:v0+s16+$0x410 ss:$0x1], $0xffff;
	[tilespmem:s18+$0x880 ss:$0x11] =	vst.msk $0xffff, v4  }
0x56: {  	v2 =	vld.idx.msk [tilespmem:v0+s16+$0x420 ss:$0x1], $0xffff;
	[tilespmem:s18+$0x0 ss:$0x11] =	vst.msk $0xffff, v5  }
0x57: {  	v3 =	vld.idx.msk [tilespmem:v0+s16+$0x430 ss:$0x1], $0xffff;
	[tilespmem:s18+$0x110 ss:$0x11] =	vst.msk $0xffff, v6  }
0x58: {  	s14 =	smul.u32 $0x4400, s14;
	[tilespmem:s18+$0x220 ss:$0x11] =	vst.msk $0xffff, v7;
	v7 =	vld [tilespmem:s20+$0x70]  }
0x59: {  	s21 =	simm.s32 $0x100;
	s22 =	simm.s32 $0x8;
	[tilespmem:s18+$0x330 ss:$0x11] =	vst.msk $0xffff, v9;
	v4 =	vld.idx.msk [tilespmem:v0+s16+$0x440 ss:$0x1], $0xffff  }
0x5a: {  	s23 =	sand.u32 $0x800, s21;
	s14 =	sshrl.u32 s14, $0x2;
	[tilespmem:s18+$0x440 ss:$0x11] =	vst.msk $0xffff, v10;
	v5 =	vld.idx.msk [tilespmem:v0+s16+$0x450 ss:$0x1], $0xffff;
	s20 =	simm.s32 $0x80  }
0x5b: {  	s19 =	simm.s32 $0x4;
	s14 =	sor.u32 $0x2000, s14;
	[tilespmem:s18+$0x550 ss:$0x11] =	vst.msk $0xffff, v11;
	v6 =	vld.idx.msk [tilespmem:v0+s16+$0x460 ss:$0x1], $0xffff;
	s24 =	sand.u32 $0x380, s20  }
.LBB1_3:
0x5c: {  	p1 =	sne.s32 s22, $0x3C;
	[tilespmem:s18+$0x660 ss:$0x11] =	vst.msk $0xffff, v8;
	v8 =	vld.idx.msk [tilespmem:v0+s16+$0x470 ss:$0x1], $0xffff;
	s16 =	sor.u32 s24, s23  }
0x5d: {  	s23 =	sand.u32 $0xB00, s16;
	v9 =	vld.idx.msk [tilespmem:v0+s16+$0x410 ss:$0x1], $0xffff;
	[tilespmem:s18+$0x770 ss:$0x11] =	vst.msk $0xffff, v7  }
0x5e: {  	s24 =	sand.u32 $0x80, s20;
	s23 =	sadd.s32 s23, s15;
	v7 =	vld.idx.msk [tilespmem:v0+s16+$0x420 ss:$0x1], $0xffff;
	[tilespmem:s18+$0x990 ss:$0x11] =	vst.msk $0xffff, v1  }
0x5f: {  	s23 =	sadd.s32 s24, s23;
	v10 =	vld.idx.msk [tilespmem:v0+s16+$0x430 ss:$0x1], $0xffff;
	[tilespmem:s18+$0xAA0 ss:$0x11] =	vst.msk $0xffff, v2  }
0x60: {  	v11 =	vld [tilespmem:s23+$0x400];
	[tilespmem:s18+$0xBB0 ss:$0x11] =	vst.msk $0xffff, v3  }
0x61: {  	v12 =	vld [tilespmem:s23+$0x0];
	[tilespmem:s18+$0xCC0 ss:$0x11] =	vst.msk $0xffff, v4  }
0x62: {  	v4 =	vld [tilespmem:s23+$0x10];
	[tilespmem:s18+$0xDD0 ss:$0x11] =	vst.msk $0xffff, v5  }
0x63: {  	s24 =	sshra.s32 s19, $0x2;
	s19 =	smov.u32 s22;
	v1 =	vmov v9;
	v5 =	vld [tilespmem:s23+$0x20];
	[tilespmem:s18+$0xEE0 ss:$0x11] =	vst.msk $0xffff, v6  }
0x64: {  	v2 =	vmov v7;
	v6 =	vld [tilespmem:s23+$0x30];
	[tilespmem:s18+$0xFF0 ss:$0x11] =	vst.msk $0xffff, v8;
	s18 =	sadd.s32 s24, s17  }
0x65: {  	v3 =	vmov v10;
	v9 =	vld [tilespmem:s23+$0x40];
	[tilespmem:s18+$0x880 ss:$0x11] =	vst.msk $0xffff, v11  }
0x66: {  	[tilespmem:s18+$0x0 ss:$0x11] =	vst.msk $0xffff, v12;
	v10 =	vld [tilespmem:s23+$0x50]  }
.Ltmp3:
0x67: {  	[tilespmem:s18+$0x110 ss:$0x11] =	vst.msk $0xffff, v4;
	v8 =	vld [tilespmem:s23+$0x60];
	(pc) =	sbr.rel @p1 .LBB1_3-.Ltmp3, $4  }
0x68: {  	[tilespmem:s18+$0x220 ss:$0x11] =	vst.msk $0xffff, v5;
	v7 =	vld [tilespmem:s23+$0x70]  }
0x69: {  	[tilespmem:s18+$0x330 ss:$0x11] =	vst.msk $0xffff, v6;
	v4 =	vld.idx.msk [tilespmem:v0+s16+$0x440 ss:$0x1], $0xffff  }
0x6a: {  	s20 =	sadd.s32 $0x80, s20;
	s21 =	sadd.s32 $0x100, s21;
	[tilespmem:s18+$0x440 ss:$0x11] =	vst.msk $0xffff, v9;
	v5 =	vld.idx.msk [tilespmem:v0+s16+$0x450 ss:$0x1], $0xffff  }
0x6b: {  	s22 =	sadd.s32 $0x4, s22;
	s24 =	sand.u32 $0x380, s20;
	s23 =	sand.u32 $0x800, s21;
	[tilespmem:s18+$0x550 ss:$0x11] =	vst.msk $0xffff, v10;
	v6 =	vld.idx.msk [tilespmem:v0+s16+$0x460 ss:$0x1], $0xffff  }
.Ltmp4:
0x6c: {  	_ = 	snop;
	(pc) =	sbr.rel .LBB1_4-.Ltmp4, $1  }
0x6d: {  	_ =	sdelay $0x3  }
.LBB1_6:
0x6e: {  	_ =	sfence.sel $0x180000  }
0x6f: {  	s2 =	simm.s32 $0x1;
	[bflag:$0x0] =	sbarrier.arrive $0xFFFF  }
0x70: {  	s31 =	simm.s32 $0x2;
	[sflag:s2] =	ssyncpa.u1 $0x1  }
0x71: {  	[sflag:s31] =	ssyncpa.u1 $0x1  }
0x72: {  	p0 =	sne.s32 s0, $0x0;
	_ =	strace $0x9000004D  }
0x73: {  	s0 =	sadd.s32 @!p0 $0x100000, s1;
	[bflag:$0x2] =	sbarrier.arrive $0xFFFF  }
0x74: {  	[sflag:s0] =	ssyncadd.tile.s32 @!p0 $0x1;
	_ =	shalt  }
.Lfunc_end1:
_tile_overlayer_lowered:
.L_overlay_start_2:
0x75: {  	(tag) =	ssettag $0x2  }
0x76: {  	s0 =	rddreg [dreg:$0x0];
	s2 =	stileid.u32  }
0x77: {  	s1 =	rddreg [dreg:$0x1];
	p0 =	sne.s32 s2, $0x0  }
0x78: {  	s3 =	rddreg [dreg:$0x2];
	[bflag:$0x3] =	sbarrier.arrive $0xFFFF;
	s2 =	simm.s32 @!p0 $0x1C01  }
0x79: {  	[timem:s3], [sflag:s2] =	dma.local @!p0 [hbm:s0], s1  }
0x7a: {  	s0 =	simm.s32 @!p0 $0x1  }
0x7b: {  	_ =	swait.ge @!p0 [sflag:s0], s1  }
0x7c: {  	s1 =	ssub.s32 @!p0 $0x0, s1;
	[sflag:s0] =	ssyncset.done @!p0 $0x0  }
0x7d: {  	[sflag:s0] =	ssyncadd.s32 @!p0 s1  }
0x7e: {  	[bflag:$0x3] =	sbarrier.arrive $0xFFFF  }
0x7f: {  	_ =	shalt  }

</sc_bundles>
